<compile_context>
chip_gen: v7x
topology: tpu7x:2x2x1
jax: 0.10.2.dev20260603
libtpu: 0.0.44.dev20260713+nightly
codegen_flags: <defaults>
</compile_context>

<pallas_src>
import functools

import numpy as np

import jax
import jax.numpy as jnp
from jax import lax
from jax.experimental import pallas as pl
from jax.experimental.pallas import tpu as pltpu
from jax.experimental.pallas import tpu_sc as plsc

N = 10000
NPAD = 10240
E = 320000
EPAD = 327680
D = 128
NC, NS = 2, 16
EPT = EPAD // (NC * NS)
CH = 128
NCHUNK = EPT // CH
RPT = NPAD // NS
HALF = NCHUNK // 2
NCH0, NCH1 = 120, 40
NPHASE = (max(NCH0, NCH1) + HALF - 1) // HALF

BN = 400
NBLK = N // BN

_mesh = plsc.VectorSubcoreMesh(core_axis_name="c", subcore_axis_name="s")


def _zero_acc(acc, rows, s):
    def body(k, _):
        pltpu.sync_copy(rows, acc.at[pl.ds(s * RPT + k * CH, CH)])
        return _

    lax.fori_loop(jnp.int32(0), jnp.int32(RPT // CH), body, None)


def _writeback(acc, rows, out_hbm, c, s):
    def body(k, _):
        r = s * RPT + k * CH
        pltpu.sync_copy(acc.at[pl.ds(r, CH)], rows)
        pltpu.sync_copy(rows, out_hbm.at[c, pl.ds(r, CH)])
        return _

    lax.fori_loop(jnp.int32(0), jnp.int32(RPT // CH), body, None)


def _deg_body(dst_hbm, one_hbm, zer_hbm, out_hbm, acc, dstbuf, zrows, orows):
    c = lax.axis_index("c")
    s = lax.axis_index("s")
    g = c * NS + s
    pltpu.sync_copy(zer_hbm, zrows)
    pltpu.sync_copy(one_hbm, orows)
    _zero_acc(acc, zrows, s)
    plsc.subcore_barrier()

    def chunk(i, _):
        pltpu.sync_copy(orows, acc.at[dstbuf.at[i]], add=True)
        return _

    for p in range(2):
        pltpu.sync_copy(dst_hbm.at[pl.ds(g * NCHUNK + p * HALF, HALF)], dstbuf)
        lax.fori_loop(jnp.int32(0), jnp.int32(HALF), chunk, None)
    plsc.subcore_barrier()
    _writeback(acc, zrows, out_hbm, c, s)


_deg_kernel = functools.partial(
    pl.kernel,
    out_type=jax.ShapeDtypeStruct((NC, NPAD, D), jnp.float32),
    mesh=_mesh,
    scratch_types=[
        pltpu.VMEM_SHARED((NPAD, D), jnp.float32),
        pltpu.VMEM((HALF, CH), jnp.int32),
        pltpu.VMEM((CH, D), jnp.float32),
        pltpu.VMEM((CH, D), jnp.float32),
    ],
)(_deg_body)


def _agg_body(h_hbm, src_hbm, dst_hbm, zer_hbm, out_hbm, acc,
              srcbuf, dstbuf, rows0, rows1, sem0, sem1):
    c = lax.axis_index("c")
    s = lax.axis_index("s")
    nch = jnp.where(c == 0, np.int32(NCH0), np.int32(NCH1))
    base_chunk = jnp.where(c == 0, s * np.int32(NCH0), np.int32(NS * NCH0) + s * np.int32(NCH1))
    pltpu.sync_copy(zer_hbm, rows0)
    _zero_acc(acc, rows0, s)
    plsc.subcore_barrier()

    def start_gather(i, rows, sem):
        pltpu.async_copy(h_hbm.at[srcbuf.at[i]], rows, sem)

    def wait_scatter(i, rows, sem):
        pltpu.make_async_copy(h_hbm.at[srcbuf.at[i]], rows, sem).wait()
        pltpu.sync_copy(rows, acc.at[dstbuf.at[i]], add=True)

    def body(j, _):
        i0 = 2 * j
        start_gather(i0 + 1, rows1, sem1)
        wait_scatter(i0, rows0, sem0)

        @pl.when(j < HALF // 2 - 1)
        def _():
            start_gather(i0 + 2, rows0, sem0)

        wait_scatter(i0 + 1, rows1, sem1)
        return _

    for p in range(NPHASE):
        @pl.when(jnp.int32(p * HALF) < nch)
        def _(p=p):
            b = base_chunk + p * HALF
            pltpu.sync_copy(src_hbm.at[pl.ds(b, HALF)], srcbuf)
            pltpu.sync_copy(dst_hbm.at[pl.ds(b, HALF)], dstbuf)
            start_gather(jnp.int32(0), rows0, sem0)
            lax.fori_loop(jnp.int32(0), jnp.int32(HALF // 2), body, None)
    plsc.subcore_barrier()
    _writeback(acc, rows0, out_hbm, c, s)


_agg_kernel = functools.partial(
    pl.kernel,
    out_type=jax.ShapeDtypeStruct((NC, NPAD, D), jnp.float32),
    mesh=_mesh,
    scratch_types=[
        pltpu.VMEM_SHARED((NPAD, D), jnp.float32),
        pltpu.VMEM((HALF, CH), jnp.int32),
        pltpu.VMEM((HALF, CH), jnp.int32),
        pltpu.VMEM((CH, D), jnp.float32),
        pltpu.VMEM((CH, D), jnp.float32),
        pltpu.SemaphoreType.DMA,
        pltpu.SemaphoreType.DMA,
    ],
)(_agg_body)



_I0 = np.int32(0)


def _row_spec(w):
    return pl.BlockSpec((BN, w), lambda i: (i, _I0))


def _full_spec(shape):
    nd = len(shape)
    return pl.BlockSpec(shape, lambda i: (_I0,) * nd)


def _part_spec(w):
    return pl.BlockSpec((2, BN, w), lambda i: (_I0, i, _I0))


def _k1_body(deg_ref, x_ref, w1_ref, u1_ref, dis_ref):
    deg = deg_ref[0, :, 0:1] + deg_ref[1, :, 0:1] + 1.0
    dis = lax.rsqrt(deg)
    m = lax.dot_general(x_ref[...], w1_ref[...], (((1,), (1,)), ((), ())),
                        preferred_element_type=jnp.float32)
    u1_ref[...] = dis * m
    dis_ref[...] = dis


def _k1(degp, x, W1):
    return pl.pallas_call(
        _k1_body,
        grid=(NBLK,),
        in_specs=[
            _part_spec(D),
            _row_spec(D),
            _full_spec((128, 128)),
        ],
        out_specs=[_row_spec(D), _row_spec(1)],
        out_shape=[
            jax.ShapeDtypeStruct((N, D), jnp.float32),
            jax.ShapeDtypeStruct((N, 1), jnp.float32),
        ],
    )(degp, x, W1)


def _k2_body(p_ref, u1_ref, dis_ref, b1_ref, u2_ref):
    dis = dis_ref[...]
    agg = p_ref[0] + p_ref[1] + u1_ref[...]
    h1 = jnp.maximum(dis * agg + b1_ref[...], 0.0)
    u2_ref[...] = dis * h1


def _k2(P1, u1, dis, b1):
    return pl.pallas_call(
        _k2_body,
        grid=(NBLK,),
        in_specs=[_part_spec(D), _row_spec(D), _row_spec(1), _full_spec((1, 128))],
        out_specs=_row_spec(D),
        out_shape=jax.ShapeDtypeStruct((N, D), jnp.float32),
    )(P1, u1, dis, b1)


def _k3_body(p_ref, u2_ref, dis_ref, b2_ref, w2_ref, w3_ref, u3_ref):
    dis = dis_ref[...]
    v = dis * (p_ref[0] + p_ref[1] + u2_ref[...])
    h2 = lax.dot_general(v, w2_ref[...], (((1,), (1,)), ((), ())),
                         preferred_element_type=jnp.float32)
    h2 = jnp.maximum(h2 + b2_ref[...], 0.0)
    m3 = lax.dot_general(h2, w3_ref[...], (((1,), (1,)), ((), ())),
                         preferred_element_type=jnp.float32)
    u3_ref[...] = dis * m3


def _k3(P2, u2, dis, b2, W2, W3):
    return pl.pallas_call(
        _k3_body,
        grid=(NBLK,),
        in_specs=[
            _part_spec(D), _row_spec(D), _row_spec(1),
            _full_spec((1, 256)), _full_spec((256, 128)), _full_spec((128, 256)),
        ],
        out_specs=_row_spec(D),
        out_shape=jax.ShapeDtypeStruct((N, D), jnp.float32),
    )(P2, u2, dis, b2, W2, W3)


def _k4_body(p_ref, u3_ref, dis_ref, b3_ref, wp_ref, bp_ref, out_ref, acc_ref):
    i = pl.program_id(0)
    dis = dis_ref[...]
    h3 = jnp.maximum(dis * (p_ref[0] + p_ref[1] + u3_ref[...]) + b3_ref[...], 0.0)
    csum = jnp.sum(h3, axis=0, keepdims=True)

    @pl.when(i == 0)
    def _():
        acc_ref[...] = csum

    @pl.when(i > 0)
    def _():
        acc_ref[...] = acc_ref[...] + csum

    @pl.when(i == NBLK - 1)
    def _():
        g = acc_ref[...] * (1.0 / N)
        out_ref[...] = lax.dot_general(
            g, wp_ref[...], (((1,), (1,)), ((), ())),
            preferred_element_type=jnp.float32) + bp_ref[...]


def _k4(P3, u3, dis, b3, Wp, bp):
    return pl.pallas_call(
        _k4_body,
        grid=(NBLK,),
        in_specs=[
            _part_spec(D), _row_spec(D), _row_spec(1),
            _full_spec((1, 128)), _full_spec((64, 128)), _full_spec((1, 64)),
        ],
        out_specs=_full_spec((1, 64)),
        out_shape=jax.ShapeDtypeStruct((1, 64), jnp.float32),
        scratch_shapes=[pltpu.VMEM((1, 128), jnp.float32)],
    )(P3, u3, dis, b3, Wp, bp)


def kernel(x, edge_index, W1, b1, W2, b2, W3, b3, Wp, bp):
    out_dtype = jnp.result_type(x.dtype, W1.dtype)
    f32 = jnp.float32
    x = x.astype(f32)
    W1, b1, W2, b2 = W1.astype(f32), b1.astype(f32), W2.astype(f32), b2.astype(f32)
    W3, b3, Wp, bp = W3.astype(f32), b3.astype(f32), Wp.astype(f32), bp.astype(f32)
    ei = edge_index.astype(jnp.int32)
    pad = EPAD - E
    src = jnp.concatenate([ei[0], jnp.zeros((pad,), jnp.int32)]).reshape(EPAD // CH, CH)
    dst = jnp.concatenate([ei[1], jnp.full((pad,), N, jnp.int32)]).reshape(EPAD // CH, CH)

    zerD = jnp.zeros((CH, D), f32)
    oneD = jnp.ones((CH, D), f32)

    degp = _deg_kernel(dst, oneD, zerD)
    u1, dis = _k1(degp, x, W1)
    P1 = _agg_kernel(u1, src, dst, zerD)
    u2 = _k2(P1, u1, dis, b1.reshape(1, -1))
    P2 = _agg_kernel(u2, src, dst, zerD)
    u3 = _k3(P2, u2, dis, b2.reshape(1, -1), W2, W3)
    P3 = _agg_kernel(u3, src, dst, zerD)
    out = _k4(P3, u3, dis, b3.reshape(1, -1), Wp, bp.reshape(1, -1))
    return out[0].astype(out_dtype)

# --- scband reference (transcript-rebuilt; emitter-appended) ---
"""Pipeline reference for scband-gcnmemory-11484742549587 (READ-ONLY COPY).

The authoritative reference and input builder live on the scoring server;
editing this copy changes nothing except your own understanding.
"""

import jax, jax.numpy as jnp
import numpy as np
jax.config.update("jax_enable_x64", True)

N = 10000
E = 320000
D_IN = 128
HID = [128, 256, 128]
D_OUT = 64


def setup_inputs(seed: int = 0) -> dict:
    key = jax.random.key(seed)
    ks = jax.random.split(key, 12)
    x = jax.random.normal(ks[0], (N, D_IN), dtype=jnp.float32)
    edge_index = jax.random.randint(ks[1], (2, E), 0, N, dtype=jnp.int64)
    def lin(k, fan_in, fan_out):
        kw, kb = jax.random.split(k)
        W = jax.random.normal(kw, (fan_out, fan_in), dtype=jnp.float32) * (1.0 / np.sqrt(fan_in))
        b = jax.random.normal(kb, (fan_out,), dtype=jnp.float32) * 0.01
        return W, b
    W1, b1 = lin(ks[2], D_IN, HID[0])
    W2, b2 = lin(ks[3], HID[0], HID[1])
    W3, b3 = lin(ks[4], HID[1], HID[2])
    Wp, bp = lin(ks[5], HID[2], D_OUT)
    return {"x": x, "edge_index": edge_index, "W1": W1, "b1": b1, "W2": W2, "b2": b2, "W3": W3, "b3": b3, "Wp": Wp, "bp": bp}


def _gcn_conv(x, edge_index, W, b):
    # Faithful PyG GCNConv: add self-loops, symmetric deg^-1/2 normalization,
    # linear transform, scatter-add aggregation to dst, then bias.
    n = x.shape[0]
    loop = jnp.arange(n, dtype=edge_index.dtype)
    src = jnp.concatenate([edge_index[0], loop])
    dst = jnp.concatenate([edge_index[1], loop])
    h = x @ W.T
    ones = jnp.ones(src.shape[0], dtype=h.dtype)
    deg = jax.ops.segment_sum(ones, dst, num_segments=n)
    dis = jnp.where(deg > 0, jax.lax.rsqrt(jnp.maximum(deg, 1e-12)), 0.0)
    norm = dis[src] * dis[dst]
    msg = norm[:, None] * jnp.take(h, src, axis=0)
    out = jax.ops.segment_sum(msg, dst, num_segments=n)
    return out + b


def reference(x, edge_index, W1, b1, W2, b2, W3, b3, Wp, bp):
    # eval mode: dropout is identity
    h = jax.nn.relu(_gcn_conv(x, edge_index, W1, b1))
    h = jax.nn.relu(_gcn_conv(h, edge_index, W2, b2))
    h = jax.nn.relu(_gcn_conv(h, edge_index, W3, b3))
    g = jnp.mean(h, axis=0, keepdims=True)  # batch is None -> global mean over nodes
    out = g @ Wp.T + bp
    return out[0]  # squeeze(0) -> [output_dim]

if __name__ == "__main__":
    import jax
    _d = setup_inputs()
    print(jax.jit(kernel)(*tuple(_d.values())))

</pallas_src>

<mosaic_0001>
#map = affine_map<(d0, d1) -> (0, 0)>
#map1 = affine_map<(d0, d1) -> (0, 0, 0)>
module attributes {stable_mosaic.version = 14 : i64} {
  func.func @_deg_body(%arg0: i32, %arg1: i32, %arg2: memref<2560x128xi32, #tpu.memory_space<hbm>>, %arg3: memref<128x128xf32, #tpu.memory_space<hbm>>, %arg4: memref<128x128xf32, #tpu.memory_space<hbm>>, %arg5: memref<2x10240x128xf32, #tpu.memory_space<hbm>>, %arg6: memref<10240x128xf32, #tpu.memory_space<vmem_shared>>, %arg7: memref<40x128xi32, #tpu.memory_space<vmem>>, %arg8: memref<128x128xf32, #tpu.memory_space<vmem>>, %arg9: memref<128x128xf32, #tpu.memory_space<vmem>>) attributes {dimension_semantics = [#tpu.dimension_semantics<core_parallel>, #tpu.dimension_semantics<subcore_parallel>], iteration_bounds = array<i64: 2, 16>, scalar_prefetch = 0 : i64, scratch_operands = 4 : i64, tpu.core_type = #tpu.core_type<sc_vector_subcore>, window_params = [{transform_indices = #map}, {transform_indices = #map}, {transform_indices = #map}, {transform_indices = #map1}]} {
    %mul3A = arith.constant 16 : i32
    %mul3A_0 = arith.muli %arg0, %mul3A : i32
    %add3A = arith.addi %mul3A_0, %arg1 : i32
    "tpu.region"() ({
      %run_scoped3A = tpu.sem_alloc : memref<!tpu.dma_semaphore, #tpu.memory_space<semaphore_mem>>
      tpu.enqueue_dma source(%arg4 : memref<128x128xf32, #tpu.memory_space<hbm>>) target(%arg8 : memref<128x128xf32, #tpu.memory_space<vmem>>) target_semaphore(%run_scoped3A : memref<!tpu.dma_semaphore, #tpu.memory_space<semaphore_mem>>)
      tpu.wait_dma2 semaphore(%run_scoped3A : memref<!tpu.dma_semaphore, #tpu.memory_space<semaphore_mem>>) src(%arg4 : memref<128x128xf32, #tpu.memory_space<hbm>>) dst(%arg8 : memref<128x128xf32, #tpu.memory_space<vmem>>)
      tpu.yield
    }) : () -> ()
    "tpu.region"() ({
      %run_scoped3A = tpu.sem_alloc : memref<!tpu.dma_semaphore, #tpu.memory_space<semaphore_mem>>
      tpu.enqueue_dma source(%arg3 : memref<128x128xf32, #tpu.memory_space<hbm>>) target(%arg9 : memref<128x128xf32, #tpu.memory_space<vmem>>) target_semaphore(%run_scoped3A : memref<!tpu.dma_semaphore, #tpu.memory_space<semaphore_mem>>)
      tpu.wait_dma2 semaphore(%run_scoped3A : memref<!tpu.dma_semaphore, #tpu.memory_space<semaphore_mem>>) src(%arg3 : memref<128x128xf32, #tpu.memory_space<hbm>>) dst(%arg9 : memref<128x128xf32, #tpu.memory_space<vmem>>)
      tpu.yield
    }) : () -> ()
    %while3A = arith.constant 0 : i32
    %while3A_1 = arith.constant 5 : i32
    %while3A_2 = arith.subi %while3A_1, %while3A : i32
    %while3A_3 = arith.addi %while3A, %while3A_2 : i32
    %while3A_4 = arith.constant 1 : i32
    %while3A_5 = arith.divsi %while3A_2, %while3A_4 : i32
    %while3A_6 = arith.muli %while3A_5, %while3A_4 : i32
    %while3A_7 = arith.addi %while3A, %while3A_6 : i32
    %while3A_8 = arith.constant 1 : i32
    scf.for %while3A_49 = %while3A to %while3A_7 step %while3A_8  : i32 {
      %mul3A_50 = arith.constant 640 : i32
      %mul3A_51 = arith.muli %arg1, %mul3A_50 : i32
      %mul3A_52 = arith.constant 128 : i32
      %mul3A_53 = arith.muli %while3A_49, %mul3A_52 : i32
      %add3A_54 = arith.addi %mul3A_51, %mul3A_53 : i32
      "tpu.region"() ({
        %run_scoped3A = tpu.sem_alloc : memref<!tpu.dma_semaphore, #tpu.memory_space<semaphore_mem>>
        %dma_start3A = arith.constant 0 : i32
        %dma_start3A_55 = tpu.memref_slice %arg6[%add3A_54, %dma_start3A] : memref<10240x128xf32, #tpu.memory_space<vmem_shared>> -> memref<128x128xf32, #tpu.memory_space<vmem_shared>>
        %dma_start3A_56 = arith.constant 0 : i32
        %dma_start3A_57 = tpu.memref_slice %arg6[%add3A_54, %dma_start3A_56] : memref<10240x128xf32, #tpu.memory_space<vmem_shared>> -> memref<128x128xf32, #tpu.memory_space<vmem_shared>>
        tpu.enqueue_dma source(%arg8 : memref<128x128xf32, #tpu.memory_space<vmem>>) target(%dma_start3A_57 : memref<128x128xf32, #tpu.memory_space<vmem_shared>>) target_semaphore(%run_scoped3A : memref<!tpu.dma_semaphore, #tpu.memory_space<semaphore_mem>>)
        %dma_wait3A = arith.constant 0 : i32
        %dma_wait3A_58 = tpu.memref_slice %arg6[%add3A_54, %dma_wait3A] : memref<10240x128xf32, #tpu.memory_space<vmem_shared>> -> memref<128x128xf32, #tpu.memory_space<vmem_shared>>
        %dma_wait3A_59 = arith.constant 0 : i32
        %dma_wait3A_60 = tpu.memref_slice %arg6[%add3A_54, %dma_wait3A_59] : memref<10240x128xf32, #tpu.memory_space<vmem_shared>> -> memref<128x128xf32, #tpu.memory_space<vmem_shared>>
        tpu.wait_dma2 semaphore(%run_scoped3A : memref<!tpu.dma_semaphore, #tpu.memory_space<semaphore_mem>>) src(%arg8 : memref<128x128xf32, #tpu.memory_space<vmem>>) dst(%dma_wait3A_60 : memref<128x128xf32, #tpu.memory_space<vmem_shared>>)
        tpu.yield
      }) : () -> ()
    }
    %while3A_9 = arith.constant 1 : i32
    scf.for %while3A_49 = %while3A_7 to %while3A_3 step %while3A_9  : i32 {
      %mul3A_50 = arith.constant 640 : i32
      %mul3A_51 = arith.muli %arg1, %mul3A_50 : i32
      %mul3A_52 = arith.constant 128 : i32
      %mul3A_53 = arith.muli %while3A_49, %mul3A_52 : i32
      %add3A_54 = arith.addi %mul3A_51, %mul3A_53 : i32
      "tpu.region"() ({
        %run_scoped3A = tpu.sem_alloc : memref<!tpu.dma_semaphore, #tpu.memory_space<semaphore_mem>>
        %dma_start3A = arith.constant 0 : i32
        %dma_start3A_55 = tpu.memref_slice %arg6[%add3A_54, %dma_start3A] : memref<10240x128xf32, #tpu.memory_space<vmem_shared>> -> memref<128x128xf32, #tpu.memory_space<vmem_shared>>
        %dma_start3A_56 = arith.constant 0 : i32
        %dma_start3A_57 = tpu.memref_slice %arg6[%add3A_54, %dma_start3A_56] : memref<10240x128xf32, #tpu.memory_space<vmem_shared>> -> memref<128x128xf32, #tpu.memory_space<vmem_shared>>
        tpu.enqueue_dma source(%arg8 : memref<128x128xf32, #tpu.memory_space<vmem>>) target(%dma_start3A_57 : memref<128x128xf32, #tpu.memory_space<vmem_shared>>) target_semaphore(%run_scoped3A : memref<!tpu.dma_semaphore, #tpu.memory_space<semaphore_mem>>)
        %dma_wait3A = arith.constant 0 : i32
        %dma_wait3A_58 = tpu.memref_slice %arg6[%add3A_54, %dma_wait3A] : memref<10240x128xf32, #tpu.memory_space<vmem_shared>> -> memref<128x128xf32, #tpu.memory_space<vmem_shared>>
        %dma_wait3A_59 = arith.constant 0 : i32
        %dma_wait3A_60 = tpu.memref_slice %arg6[%add3A_54, %dma_wait3A_59] : memref<10240x128xf32, #tpu.memory_space<vmem_shared>> -> memref<128x128xf32, #tpu.memory_space<vmem_shared>>
        tpu.wait_dma2 semaphore(%run_scoped3A : memref<!tpu.dma_semaphore, #tpu.memory_space<semaphore_mem>>) src(%arg8 : memref<128x128xf32, #tpu.memory_space<vmem>>) dst(%dma_wait3A_60 : memref<128x128xf32, #tpu.memory_space<vmem_shared>>)
        tpu.yield
      }) : () -> ()
    }
    %barrier3A = arith.constant 0 : index
    tpu.barrier barrier_id(%barrier3A)
    %mul3A_10 = arith.constant 80 : i32
    %mul3A_11 = arith.muli %add3A, %mul3A_10 : i32
    %add3A_12 = arith.constant 0 : i32
    %add3A_13 = arith.addi %mul3A_11, %add3A_12 : i32
    "tpu.region"() ({
      %run_scoped3A = tpu.sem_alloc : memref<!tpu.dma_semaphore, #tpu.memory_space<semaphore_mem>>
      %dma_start3A = arith.constant 0 : i32
      %dma_start3A_49 = tpu.memref_slice %arg2[%add3A_13, %dma_start3A] : memref<2560x128xi32, #tpu.memory_space<hbm>> -> memref<40x128xi32, #tpu.memory_space<hbm>>
      %dma_start3A_50 = arith.constant 0 : i32
      %dma_start3A_51 = tpu.memref_slice %arg2[%add3A_13, %dma_start3A_50] : memref<2560x128xi32, #tpu.memory_space<hbm>> -> memref<40x128xi32, #tpu.memory_space<hbm>>
      tpu.enqueue_dma source(%dma_start3A_51 : memref<40x128xi32, #tpu.memory_space<hbm>>) target(%arg7 : memref<40x128xi32, #tpu.memory_space<vmem>>) target_semaphore(%run_scoped3A : memref<!tpu.dma_semaphore, #tpu.memory_space<semaphore_mem>>)
      %dma_wait3A = arith.constant 0 : i32
      %dma_wait3A_52 = tpu.memref_slice %arg2[%add3A_13, %dma_wait3A] : memref<2560x128xi32, #tpu.memory_space<hbm>> -> memref<40x128xi32, #tpu.memory_space<hbm>>
      %dma_wait3A_53 = arith.constant 0 : i32
      %dma_wait3A_54 = tpu.memref_slice %arg2[%add3A_13, %dma_wait3A_53] : memref<2560x128xi32, #tpu.memory_space<hbm>> -> memref<40x128xi32, #tpu.memory_space<hbm>>
      tpu.wait_dma2 semaphore(%run_scoped3A : memref<!tpu.dma_semaphore, #tpu.memory_space<semaphore_mem>>) src(%dma_wait3A_54 : memref<40x128xi32, #tpu.memory_space<hbm>>) dst(%arg7 : memref<40x128xi32, #tpu.memory_space<vmem>>)
      tpu.yield
    }) : () -> ()
    %while3A_14 = arith.constant 0 : i32
    %while3A_15 = arith.constant 40 : i32
    %while3A_16 = arith.subi %while3A_15, %while3A_14 : i32
    %while3A_17 = arith.addi %while3A_14, %while3A_16 : i32
    %while3A_18 = arith.constant 1 : i32
    %while3A_19 = arith.divsi %while3A_16, %while3A_18 : i32
    %while3A_20 = arith.muli %while3A_19, %while3A_18 : i32
    %while3A_21 = arith.addi %while3A_14, %while3A_20 : i32
    %while3A_22 = arith.constant 1 : i32
    scf.for %while3A_49 = %while3A_14 to %while3A_21 step %while3A_22  : i32 {
      "tpu.region"() ({
        %run_scoped3A = tpu.sem_alloc : memref<!tpu.dma_semaphore, #tpu.memory_space<semaphore_mem>>
        %dma_start3A = arith.constant 0 : i32
        %dma_start3A_50 = tpu.memref_slice %arg7[%while3A_49, %dma_start3A] : memref<40x128xi32, #tpu.memory_space<vmem>> -> memref<1x128xi32, #tpu.memory_space<vmem>>
        %dma_start3A_51 = tpu.memref_squeeze %dma_start3A_50 : memref<1x128xi32, #tpu.memory_space<vmem>> -> memref<128xi32, #tpu.memory_space<vmem>>
        %dma_start3A_52 = arith.constant 0 : i32
        %dma_start3A_53 = arith.constant 0 : i32
        %dma_start3A_54 = tpu.memref_slice %arg6[%dma_start3A_52, %dma_start3A_53] : memref<10240x128xf32, #tpu.memory_space<vmem_shared>> -> memref<10240x128xf32, #tpu.memory_space<vmem_shared>>
        tpu.enqueue_indirect_dma source(%arg9 : memref<128x128xf32, #tpu.memory_space<vmem>>) target(%dma_start3A_54 : memref<10240x128xf32, #tpu.memory_space<vmem_shared>>) offsets(%dma_start3A_51 : memref<128xi32, #tpu.memory_space<vmem>>) semaphore(%run_scoped3A : memref<!tpu.dma_semaphore, #tpu.memory_space<semaphore_mem>>) {add = true}
        %dma_wait3A = arith.constant 0 : i32
        %dma_wait3A_55 = tpu.memref_slice %arg7[%while3A_49, %dma_wait3A] : memref<40x128xi32, #tpu.memory_space<vmem>> -> memref<1x128xi32, #tpu.memory_space<vmem>>
        %dma_wait3A_56 = tpu.memref_squeeze %dma_wait3A_55 : memref<1x128xi32, #tpu.memory_space<vmem>> -> memref<128xi32, #tpu.memory_space<vmem>>
        %dma_wait3A_57 = arith.constant 0 : i32
        %dma_wait3A_58 = arith.constant 0 : i32
        %dma_wait3A_59 = tpu.memref_slice %arg6[%dma_wait3A_57, %dma_wait3A_58] : memref<10240x128xf32, #tpu.memory_space<vmem_shared>> -> memref<10240x128xf32, #tpu.memory_space<vmem_shared>>
        tpu.wait_indirect_dma semaphore(%run_scoped3A : memref<!tpu.dma_semaphore, #tpu.memory_space<semaphore_mem>>) src(%arg9 : memref<128x128xf32, #tpu.memory_space<vmem>>) dst(%dma_wait3A_59 : memref<10240x128xf32, #tpu.memory_space<vmem_shared>>)
        tpu.yield
      }) : () -> ()
    }
    %while3A_23 = arith.constant 1 : i32
    scf.for %while3A_49 = %while3A_21 to %while3A_17 step %while3A_23  : i32 {
      "tpu.region"() ({
        %run_scoped3A = tpu.sem_alloc : memref<!tpu.dma_semaphore, #tpu.memory_space<semaphore_mem>>
        %dma_start3A = arith.constant 0 : i32
        %dma_start3A_50 = tpu.memref_slice %arg7[%while3A_49, %dma_start3A] : memref<40x128xi32, #tpu.memory_space<vmem>> -> memref<1x128xi32, #tpu.memory_space<vmem>>
        %dma_start3A_51 = tpu.memref_squeeze %dma_start3A_50 : memref<1x128xi32, #tpu.memory_space<vmem>> -> memref<128xi32, #tpu.memory_space<vmem>>
        %dma_start3A_52 = arith.constant 0 : i32
        %dma_start3A_53 = arith.constant 0 : i32
        %dma_start3A_54 = tpu.memref_slice %arg6[%dma_start3A_52, %dma_start3A_53] : memref<10240x128xf32, #tpu.memory_space<vmem_shared>> -> memref<10240x128xf32, #tpu.memory_space<vmem_shared>>
        tpu.enqueue_indirect_dma source(%arg9 : memref<128x128xf32, #tpu.memory_space<vmem>>) target(%dma_start3A_54 : memref<10240x128xf32, #tpu.memory_space<vmem_shared>>) offsets(%dma_start3A_51 : memref<128xi32, #tpu.memory_space<vmem>>) semaphore(%run_scoped3A : memref<!tpu.dma_semaphore, #tpu.memory_space<semaphore_mem>>) {add = true}
        %dma_wait3A = arith.constant 0 : i32
        %dma_wait3A_55 = tpu.memref_slice %arg7[%while3A_49, %dma_wait3A] : memref<40x128xi32, #tpu.memory_space<vmem>> -> memref<1x128xi32, #tpu.memory_space<vmem>>
        %dma_wait3A_56 = tpu.memref_squeeze %dma_wait3A_55 : memref<1x128xi32, #tpu.memory_space<vmem>> -> memref<128xi32, #tpu.memory_space<vmem>>
        %dma_wait3A_57 = arith.constant 0 : i32
        %dma_wait3A_58 = arith.constant 0 : i32
        %dma_wait3A_59 = tpu.memref_slice %arg6[%dma_wait3A_57, %dma_wait3A_58] : memref<10240x128xf32, #tpu.memory_space<vmem_shared>> -> memref<10240x128xf32, #tpu.memory_space<vmem_shared>>
        tpu.wait_indirect_dma semaphore(%run_scoped3A : memref<!tpu.dma_semaphore, #tpu.memory_space<semaphore_mem>>) src(%arg9 : memref<128x128xf32, #tpu.memory_space<vmem>>) dst(%dma_wait3A_59 : memref<10240x128xf32, #tpu.memory_space<vmem_shared>>)
        tpu.yield
      }) : () -> ()
    }
    %mul3A_24 = arith.constant 80 : i32
    %mul3A_25 = arith.muli %add3A, %mul3A_24 : i32
    %add3A_26 = arith.constant 40 : i32
    %add3A_27 = arith.addi %mul3A_25, %add3A_26 : i32
    "tpu.region"() ({
      %run_scoped3A = tpu.sem_alloc : memref<!tpu.dma_semaphore, #tpu.memory_space<semaphore_mem>>
      %dma_start3A = arith.constant 0 : i32
      %dma_start3A_49 = tpu.memref_slice %arg2[%add3A_27, %dma_start3A] : memref<2560x128xi32, #tpu.memory_space<hbm>> -> memref<40x128xi32, #tpu.memory_space<hbm>>
      %dma_start3A_50 = arith.constant 0 : i32
      %dma_start3A_51 = tpu.memref_slice %arg2[%add3A_27, %dma_start3A_50] : memref<2560x128xi32, #tpu.memory_space<hbm>> -> memref<40x128xi32, #tpu.memory_space<hbm>>
      tpu.enqueue_dma source(%dma_start3A_51 : memref<40x128xi32, #tpu.memory_space<hbm>>) target(%arg7 : memref<40x128xi32, #tpu.memory_space<vmem>>) target_semaphore(%run_scoped3A : memref<!tpu.dma_semaphore, #tpu.memory_space<semaphore_mem>>)
      %dma_wait3A = arith.constant 0 : i32
      %dma_wait3A_52 = tpu.memref_slice %arg2[%add3A_27, %dma_wait3A] : memref<2560x128xi32, #tpu.memory_space<hbm>> -> memref<40x128xi32, #tpu.memory_space<hbm>>
      %dma_wait3A_53 = arith.constant 0 : i32
      %dma_wait3A_54 = tpu.memref_slice %arg2[%add3A_27, %dma_wait3A_53] : memref<2560x128xi32, #tpu.memory_space<hbm>> -> memref<40x128xi32, #tpu.memory_space<hbm>>
      tpu.wait_dma2 semaphore(%run_scoped3A : memref<!tpu.dma_semaphore, #tpu.memory_space<semaphore_mem>>) src(%dma_wait3A_54 : memref<40x128xi32, #tpu.memory_space<hbm>>) dst(%arg7 : memref<40x128xi32, #tpu.memory_space<vmem>>)
      tpu.yield
    }) : () -> ()
    %while3A_28 = arith.constant 0 : i32
    %while3A_29 = arith.constant 40 : i32
    %while3A_30 = arith.subi %while3A_29, %while3A_28 : i32
    %while3A_31 = arith.addi %while3A_28, %while3A_30 : i32
    %while3A_32 = arith.constant 1 : i32
    %while3A_33 = arith.divsi %while3A_30, %while3A_32 : i32
    %while3A_34 = arith.muli %while3A_33, %while3A_32 : i32
    %while3A_35 = arith.addi %while3A_28, %while3A_34 : i32
    %while3A_36 = arith.constant 1 : i32
    scf.for %while3A_49 = %while3A_28 to %while3A_35 step %while3A_36  : i32 {
      "tpu.region"() ({
        %run_scoped3A = tpu.sem_alloc : memref<!tpu.dma_semaphore, #tpu.memory_space<semaphore_mem>>
        %dma_start3A = arith.constant 0 : i32
        %dma_start3A_50 = tpu.memref_slice %arg7[%while3A_49, %dma_start3A] : memref<40x128xi32, #tpu.memory_space<vmem>> -> memref<1x128xi32, #tpu.memory_space<vmem>>
        %dma_start3A_51 = tpu.memref_squeeze %dma_start3A_50 : memref<1x128xi32, #tpu.memory_space<vmem>> -> memref<128xi32, #tpu.memory_space<vmem>>
        %dma_start3A_52 = arith.constant 0 : i32
        %dma_start3A_53 = arith.constant 0 : i32
        %dma_start3A_54 = tpu.memref_slice %arg6[%dma_start3A_52, %dma_start3A_53] : memref<10240x128xf32, #tpu.memory_space<vmem_shared>> -> memref<10240x128xf32, #tpu.memory_space<vmem_shared>>
        tpu.enqueue_indirect_dma source(%arg9 : memref<128x128xf32, #tpu.memory_space<vmem>>) target(%dma_start3A_54 : memref<10240x128xf32, #tpu.memory_space<vmem_shared>>) offsets(%dma_start3A_51 : memref<128xi32, #tpu.memory_space<vmem>>) semaphore(%run_scoped3A : memref<!tpu.dma_semaphore, #tpu.memory_space<semaphore_mem>>) {add = true}
        %dma_wait3A = arith.constant 0 : i32
        %dma_wait3A_55 = tpu.memref_slice %arg7[%while3A_49, %dma_wait3A] : memref<40x128xi32, #tpu.memory_space<vmem>> -> memref<1x128xi32, #tpu.memory_space<vmem>>
        %dma_wait3A_56 = tpu.memref_squeeze %dma_wait3A_55 : memref<1x128xi32, #tpu.memory_space<vmem>> -> memref<128xi32, #tpu.memory_space<vmem>>
        %dma_wait3A_57 = arith.constant 0 : i32
        %dma_wait3A_58 = arith.constant 0 : i32
        %dma_wait3A_59 = tpu.memref_slice %arg6[%dma_wait3A_57, %dma_wait3A_58] : memref<10240x128xf32, #tpu.memory_space<vmem_shared>> -> memref<10240x128xf32, #tpu.memory_space<vmem_shared>>
        tpu.wait_indirect_dma semaphore(%run_scoped3A : memref<!tpu.dma_semaphore, #tpu.memory_space<semaphore_mem>>) src(%arg9 : memref<128x128xf32, #tpu.memory_space<vmem>>) dst(%dma_wait3A_59 : memref<10240x128xf32, #tpu.memory_space<vmem_shared>>)
        tpu.yield
      }) : () -> ()
    }
    %while3A_37 = arith.constant 1 : i32
    scf.for %while3A_49 = %while3A_35 to %while3A_31 step %while3A_37  : i32 {
      "tpu.region"() ({
        %run_scoped3A = tpu.sem_alloc : memref<!tpu.dma_semaphore, #tpu.memory_space<semaphore_mem>>
        %dma_start3A = arith.constant 0 : i32
        %dma_start3A_50 = tpu.memref_slice %arg7[%while3A_49, %dma_start3A] : memref<40x128xi32, #tpu.memory_space<vmem>> -> memref<1x128xi32, #tpu.memory_space<vmem>>
        %dma_start3A_51 = tpu.memref_squeeze %dma_start3A_50 : memref<1x128xi32, #tpu.memory_space<vmem>> -> memref<128xi32, #tpu.memory_space<vmem>>
        %dma_start3A_52 = arith.constant 0 : i32
        %dma_start3A_53 = arith.constant 0 : i32
        %dma_start3A_54 = tpu.memref_slice %arg6[%dma_start3A_52, %dma_start3A_53] : memref<10240x128xf32, #tpu.memory_space<vmem_shared>> -> memref<10240x128xf32, #tpu.memory_space<vmem_shared>>
        tpu.enqueue_indirect_dma source(%arg9 : memref<128x128xf32, #tpu.memory_space<vmem>>) target(%dma_start3A_54 : memref<10240x128xf32, #tpu.memory_space<vmem_shared>>) offsets(%dma_start3A_51 : memref<128xi32, #tpu.memory_space<vmem>>) semaphore(%run_scoped3A : memref<!tpu.dma_semaphore, #tpu.memory_space<semaphore_mem>>) {add = true}
        %dma_wait3A = arith.constant 0 : i32
        %dma_wait3A_55 = tpu.memref_slice %arg7[%while3A_49, %dma_wait3A] : memref<40x128xi32, #tpu.memory_space<vmem>> -> memref<1x128xi32, #tpu.memory_space<vmem>>
        %dma_wait3A_56 = tpu.memref_squeeze %dma_wait3A_55 : memref<1x128xi32, #tpu.memory_space<vmem>> -> memref<128xi32, #tpu.memory_space<vmem>>
        %dma_wait3A_57 = arith.constant 0 : i32
        %dma_wait3A_58 = arith.constant 0 : i32
        %dma_wait3A_59 = tpu.memref_slice %arg6[%dma_wait3A_57, %dma_wait3A_58] : memref<10240x128xf32, #tpu.memory_space<vmem_shared>> -> memref<10240x128xf32, #tpu.memory_space<vmem_shared>>
        tpu.wait_indirect_dma semaphore(%run_scoped3A : memref<!tpu.dma_semaphore, #tpu.memory_space<semaphore_mem>>) src(%arg9 : memref<128x128xf32, #tpu.memory_space<vmem>>) dst(%dma_wait3A_59 : memref<10240x128xf32, #tpu.memory_space<vmem_shared>>)
        tpu.yield
      }) : () -> ()
    }
    %barrier3A_38 = arith.constant 0 : index
    tpu.barrier barrier_id(%barrier3A_38)
    %while3A_39 = arith.constant 0 : i32
    %while3A_40 = arith.constant 5 : i32
    %while3A_41 = arith.subi %while3A_40, %while3A_39 : i32
    %while3A_42 = arith.addi %while3A_39, %while3A_41 : i32
    %while3A_43 = arith.constant 1 : i32
    %while3A_44 = arith.divsi %while3A_41, %while3A_43 : i32
    %while3A_45 = arith.muli %while3A_44, %while3A_43 : i32
    %while3A_46 = arith.addi %while3A_39, %while3A_45 : i32
    %while3A_47 = arith.constant 1 : i32
    scf.for %while3A_49 = %while3A_39 to %while3A_46 step %while3A_47  : i32 {
      %mul3A_50 = arith.constant 640 : i32
      %mul3A_51 = arith.muli %arg1, %mul3A_50 : i32
      %mul3A_52 = arith.constant 128 : i32
      %mul3A_53 = arith.muli %while3A_49, %mul3A_52 : i32
      %add3A_54 = arith.addi %mul3A_51, %mul3A_53 : i32
      "tpu.region"() ({
        %run_scoped3A = tpu.sem_alloc : memref<!tpu.dma_semaphore, #tpu.memory_space<semaphore_mem>>
        %dma_start3A = arith.constant 0 : i32
        %dma_start3A_55 = tpu.memref_slice %arg6[%add3A_54, %dma_start3A] : memref<10240x128xf32, #tpu.memory_space<vmem_shared>> -> memref<128x128xf32, #tpu.memory_space<vmem_shared>>
        %dma_start3A_56 = arith.constant 0 : i32
        %dma_start3A_57 = tpu.memref_slice %arg6[%add3A_54, %dma_start3A_56] : memref<10240x128xf32, #tpu.memory_space<vmem_shared>> -> memref<128x128xf32, #tpu.memory_space<vmem_shared>>
        tpu.enqueue_dma source(%dma_start3A_57 : memref<128x128xf32, #tpu.memory_space<vmem_shared>>) target(%arg8 : memref<128x128xf32, #tpu.memory_space<vmem>>) target_semaphore(%run_scoped3A : memref<!tpu.dma_semaphore, #tpu.memory_space<semaphore_mem>>)
        %dma_wait3A = arith.constant 0 : i32
        %dma_wait3A_58 = tpu.memref_slice %arg6[%add3A_54, %dma_wait3A] : memref<10240x128xf32, #tpu.memory_space<vmem_shared>> -> memref<128x128xf32, #tpu.memory_space<vmem_shared>>
        %dma_wait3A_59 = arith.constant 0 : i32
        %dma_wait3A_60 = tpu.memref_slice %arg6[%add3A_54, %dma_wait3A_59] : memref<10240x128xf32, #tpu.memory_space<vmem_shared>> -> memref<128x128xf32, #tpu.memory_space<vmem_shared>>
        tpu.wait_dma2 semaphore(%run_scoped3A : memref<!tpu.dma_semaphore, #tpu.memory_space<semaphore_mem>>) src(%dma_wait3A_60 : memref<128x128xf32, #tpu.memory_space<vmem_shared>>) dst(%arg8 : memref<128x128xf32, #tpu.memory_space<vmem>>)
        tpu.yield
      }) : () -> ()
      "tpu.region"() ({
        %run_scoped3A = tpu.sem_alloc : memref<!tpu.dma_semaphore, #tpu.memory_space<semaphore_mem>>
        %dma_start3A = arith.constant 0 : i32
        %dma_start3A_55 = tpu.memref_slice %arg5[%arg0, %add3A_54, %dma_start3A] : memref<2x10240x128xf32, #tpu.memory_space<hbm>> -> memref<1x128x128xf32, #tpu.memory_space<hbm>>
        %dma_start3A_56 = tpu.memref_squeeze %dma_start3A_55 : memref<1x128x128xf32, #tpu.memory_space<hbm>> -> memref<128x128xf32, #tpu.memory_space<hbm>>
        %dma_start3A_57 = arith.constant 0 : i32
        %dma_start3A_58 = tpu.memref_slice %arg5[%arg0, %add3A_54, %dma_start3A_57] : memref<2x10240x128xf32, #tpu.memory_space<hbm>> -> memref<1x128x128xf32, #tpu.memory_space<hbm>>
        %dma_start3A_59 = tpu.memref_squeeze %dma_start3A_58 : memref<1x128x128xf32, #tpu.memory_space<hbm>> -> memref<128x128xf32, #tpu.memory_space<hbm>>
        tpu.enqueue_dma source(%arg8 : memref<128x128xf32, #tpu.memory_space<vmem>>) target(%dma_start3A_59 : memref<128x128xf32, #tpu.memory_space<hbm>>) target_semaphore(%run_scoped3A : memref<!tpu.dma_semaphore, #tpu.memory_space<semaphore_mem>>)
        %dma_wait3A = arith.constant 0 : i32
        %dma_wait3A_60 = tpu.memref_slice %arg5[%arg0, %add3A_54, %dma_wait3A] : memref<2x10240x128xf32, #tpu.memory_space<hbm>> -> memref<1x128x128xf32, #tpu.memory_space<hbm>>
        %dma_wait3A_61 = tpu.memref_squeeze %dma_wait3A_60 : memref<1x128x128xf32, #tpu.memory_space<hbm>> -> memref<128x128xf32, #tpu.memory_space<hbm>>
        %dma_wait3A_62 = arith.constant 0 : i32
        %dma_wait3A_63 = tpu.memref_slice %arg5[%arg0, %add3A_54, %dma_wait3A_62] : memref<2x10240x128xf32, #tpu.memory_space<hbm>> -> memref<1x128x128xf32, #tpu.memory_space<hbm>>
        %dma_wait3A_64 = tpu.memref_squeeze %dma_wait3A_63 : memref<1x128x128xf32, #tpu.memory_space<hbm>> -> memref<128x128xf32, #tpu.memory_space<hbm>>
        tpu.wait_dma2 semaphore(%run_scoped3A : memref<!tpu.dma_semaphore, #tpu.memory_space<semaphore_mem>>) src(%arg8 : memref<128x128xf32, #tpu.memory_space<vmem>>) dst(%dma_wait3A_64 : memref<128x128xf32, #tpu.memory_space<hbm>>)
        tpu.yield
      }) : () -> ()
    }
    %while3A_48 = arith.constant 1 : i32
    scf.for %while3A_49 = %while3A_46 to %while3A_42 step %while3A_48  : i32 {
      %mul3A_50 = arith.constant 640 : i32
      %mul3A_51 = arith.muli %arg1, %mul3A_50 : i32
      %mul3A_52 = arith.constant 128 : i32
      %mul3A_53 = arith.muli %while3A_49, %mul3A_52 : i32
      %add3A_54 = arith.addi %mul3A_51, %mul3A_53 : i32
      "tpu.region"() ({
        %run_scoped3A = tpu.sem_alloc : memref<!tpu.dma_semaphore, #tpu.memory_space<semaphore_mem>>
        %dma_start3A = arith.constant 0 : i32
        %dma_start3A_55 = tpu.memref_slice %arg6[%add3A_54, %dma_start3A] : memref<10240x128xf32, #tpu.memory_space<vmem_shared>> -> memref<128x128xf32, #tpu.memory_space<vmem_shared>>
        %dma_start3A_56 = arith.constant 0 : i32
        %dma_start3A_57 = tpu.memref_slice %arg6[%add3A_54, %dma_start3A_56] : memref<10240x128xf32, #tpu.memory_space<vmem_shared>> -> memref<128x128xf32, #tpu.memory_space<vmem_shared>>
        tpu.enqueue_dma source(%dma_start3A_57 : memref<128x128xf32, #tpu.memory_space<vmem_shared>>) target(%arg8 : memref<128x128xf32, #tpu.memory_space<vmem>>) target_semaphore(%run_scoped3A : memref<!tpu.dma_semaphore, #tpu.memory_space<semaphore_mem>>)
        %dma_wait3A = arith.constant 0 : i32
        %dma_wait3A_58 = tpu.memref_slice %arg6[%add3A_54, %dma_wait3A] : memref<10240x128xf32, #tpu.memory_space<vmem_shared>> -> memref<128x128xf32, #tpu.memory_space<vmem_shared>>
        %dma_wait3A_59 = arith.constant 0 : i32
        %dma_wait3A_60 = tpu.memref_slice %arg6[%add3A_54, %dma_wait3A_59] : memref<10240x128xf32, #tpu.memory_space<vmem_shared>> -> memref<128x128xf32, #tpu.memory_space<vmem_shared>>
        tpu.wait_dma2 semaphore(%run_scoped3A : memref<!tpu.dma_semaphore, #tpu.memory_space<semaphore_mem>>) src(%dma_wait3A_60 : memref<128x128xf32, #tpu.memory_space<vmem_shared>>) dst(%arg8 : memref<128x128xf32, #tpu.memory_space<vmem>>)
        tpu.yield
      }) : () -> ()
      "tpu.region"() ({
        %run_scoped3A = tpu.sem_alloc : memref<!tpu.dma_semaphore, #tpu.memory_space<semaphore_mem>>
        %dma_start3A = arith.constant 0 : i32
        %dma_start3A_55 = tpu.memref_slice %arg5[%arg0, %add3A_54, %dma_start3A] : memref<2x10240x128xf32, #tpu.memory_space<hbm>> -> memref<1x128x128xf32, #tpu.memory_space<hbm>>
        %dma_start3A_56 = tpu.memref_squeeze %dma_start3A_55 : memref<1x128x128xf32, #tpu.memory_space<hbm>> -> memref<128x128xf32, #tpu.memory_space<hbm>>
        %dma_start3A_57 = arith.constant 0 : i32
        %dma_start3A_58 = tpu.memref_slice %arg5[%arg0, %add3A_54, %dma_start3A_57] : memref<2x10240x128xf32, #tpu.memory_space<hbm>> -> memref<1x128x128xf32, #tpu.memory_space<hbm>>
        %dma_start3A_59 = tpu.memref_squeeze %dma_start3A_58 : memref<1x128x128xf32, #tpu.memory_space<hbm>> -> memref<128x128xf32, #tpu.memory_space<hbm>>
        tpu.enqueue_dma source(%arg8 : memref<128x128xf32, #tpu.memory_space<vmem>>) target(%dma_start3A_59 : memref<128x128xf32, #tpu.memory_space<hbm>>) target_semaphore(%run_scoped3A : memref<!tpu.dma_semaphore, #tpu.memory_space<semaphore_mem>>)
        %dma_wait3A = arith.constant 0 : i32
        %dma_wait3A_60 = tpu.memref_slice %arg5[%arg0, %add3A_54, %dma_wait3A] : memref<2x10240x128xf32, #tpu.memory_space<hbm>> -> memref<1x128x128xf32, #tpu.memory_space<hbm>>
        %dma_wait3A_61 = tpu.memref_squeeze %dma_wait3A_60 : memref<1x128x128xf32, #tpu.memory_space<hbm>> -> memref<128x128xf32, #tpu.memory_space<hbm>>
        %dma_wait3A_62 = arith.constant 0 : i32
        %dma_wait3A_63 = tpu.memref_slice %arg5[%arg0, %add3A_54, %dma_wait3A_62] : memref<2x10240x128xf32, #tpu.memory_space<hbm>> -> memref<1x128x128xf32, #tpu.memory_space<hbm>>
        %dma_wait3A_64 = tpu.memref_squeeze %dma_wait3A_63 : memref<1x128x128xf32, #tpu.memory_space<hbm>> -> memref<128x128xf32, #tpu.memory_space<hbm>>
        tpu.wait_dma2 semaphore(%run_scoped3A : memref<!tpu.dma_semaphore, #tpu.memory_space<semaphore_mem>>) src(%arg8 : memref<128x128xf32, #tpu.memory_space<vmem>>) dst(%dma_wait3A_64 : memref<128x128xf32, #tpu.memory_space<hbm>>)
        tpu.yield
      }) : () -> ()
    }
    return
  }
}

#map = affine_map<(d0, d1) -> (0, 0)>
#map1 = affine_map<(d0, d1) -> (0, 0, 0)>
module attributes {stable_mosaic.version = 14 : i64} {
  func.func @_agg_body(%arg0: i32, %arg1: i32, %arg2: memref<10000x128xf32, #tpu.memory_space<hbm>>, %arg3: memref<2560x128xi32, #tpu.memory_space<hbm>>, %arg4: memref<2560x128xi32, #tpu.memory_space<hbm>>, %arg5: memref<128x128xf32, #tpu.memory_space<hbm>>, %arg6: memref<2x10240x128xf32, #tpu.memory_space<hbm>>, %arg7: memref<10240x128xf32, #tpu.memory_space<vmem_shared>>, %arg8: memref<40x128xi32, #tpu.memory_space<vmem>>, %arg9: memref<40x128xi32, #tpu.memory_space<vmem>>, %arg10: memref<128x128xf32, #tpu.memory_space<vmem>>, %arg11: memref<128x128xf32, #tpu.memory_space<vmem>>, %arg12: memref<!tpu.dma_semaphore, #tpu.memory_space<semaphore_mem>>, %arg13: memref<!tpu.dma_semaphore, #tpu.memory_space<semaphore_mem>>) attributes {dimension_semantics = [#tpu.dimension_semantics<core_parallel>, #tpu.dimension_semantics<subcore_parallel>], iteration_bounds = array<i64: 2, 16>, scalar_prefetch = 0 : i64, scratch_operands = 7 : i64, tpu.core_type = #tpu.core_type<sc_vector_subcore>, window_params = [{transform_indices = #map}, {transform_indices = #map}, {transform_indices = #map}, {transform_indices = #map}, {transform_indices = #map1}]} {
    %eq3A = arith.constant 0 : i32
    %eq3A_0 = arith.cmpi eq, %arg0, %eq3A : i32
    %jit3A = arith.constant 120 : i32
    %jit3A_1 = arith.constant 40 : i32
    %select_n3A = arith.select %eq3A_0, %jit3A, %jit3A_1 : i32
    %eq3A_2 = arith.constant 0 : i32
    %eq3A_3 = arith.cmpi eq, %arg0, %eq3A_2 : i32
    %mul3A = arith.constant 120 : i32
    %mul3A_4 = arith.muli %arg1, %mul3A : i32
    %mul3A_5 = arith.constant 40 : i32
    %mul3A_6 = arith.muli %arg1, %mul3A_5 : i32
    %add3A = arith.constant 1920 : i32
    %add3A_7 = arith.addi %add3A, %mul3A_6 : i32
    %select_n3A_8 = arith.select %eq3A_3, %mul3A_4, %add3A_7 : i32
    "tpu.region"() ({
      %run_scoped3A = tpu.sem_alloc : memref<!tpu.dma_semaphore, #tpu.memory_space<semaphore_mem>>
      tpu.enqueue_dma source(%arg5 : memref<128x128xf32, #tpu.memory_space<hbm>>) target(%arg10 : memref<128x128xf32, #tpu.memory_space<vmem>>) target_semaphore(%run_scoped3A : memref<!tpu.dma_semaphore, #tpu.memory_space<semaphore_mem>>)
      tpu.wait_dma2 semaphore(%run_scoped3A : memref<!tpu.dma_semaphore, #tpu.memory_space<semaphore_mem>>) src(%arg5 : memref<128x128xf32, #tpu.memory_space<hbm>>) dst(%arg10 : memref<128x128xf32, #tpu.memory_space<vmem>>)
      tpu.yield
    }) : () -> ()
    %while3A = arith.constant 0 : i32
    %while3A_9 = arith.constant 5 : i32
    %while3A_10 = arith.subi %while3A_9, %while3A : i32
    %while3A_11 = arith.addi %while3A, %while3A_10 : i32
    %while3A_12 = arith.constant 1 : i32
    %while3A_13 = arith.divsi %while3A_10, %while3A_12 : i32
    %while3A_14 = arith.muli %while3A_13, %while3A_12 : i32
    %while3A_15 = arith.addi %while3A, %while3A_14 : i32
    %while3A_16 = arith.constant 1 : i32
    scf.for %while3A_41 = %while3A to %while3A_15 step %while3A_16  : i32 {
      %mul3A_42 = arith.constant 640 : i32
      %mul3A_43 = arith.muli %arg1, %mul3A_42 : i32
      %mul3A_44 = arith.constant 128 : i32
      %mul3A_45 = arith.muli %while3A_41, %mul3A_44 : i32
      %add3A_46 = arith.addi %mul3A_43, %mul3A_45 : i32
      "tpu.region"() ({
        %run_scoped3A = tpu.sem_alloc : memref<!tpu.dma_semaphore, #tpu.memory_space<semaphore_mem>>
        %dma_start3A = arith.constant 0 : i32
        %dma_start3A_47 = tpu.memref_slice %arg7[%add3A_46, %dma_start3A] : memref<10240x128xf32, #tpu.memory_space<vmem_shared>> -> memref<128x128xf32, #tpu.memory_space<vmem_shared>>
        %dma_start3A_48 = arith.constant 0 : i32
        %dma_start3A_49 = tpu.memref_slice %arg7[%add3A_46, %dma_start3A_48] : memref<10240x128xf32, #tpu.memory_space<vmem_shared>> -> memref<128x128xf32, #tpu.memory_space<vmem_shared>>
        tpu.enqueue_dma source(%arg10 : memref<128x128xf32, #tpu.memory_space<vmem>>) target(%dma_start3A_49 : memref<128x128xf32, #tpu.memory_space<vmem_shared>>) target_semaphore(%run_scoped3A : memref<!tpu.dma_semaphore, #tpu.memory_space<semaphore_mem>>)
        %dma_wait3A = arith.constant 0 : i32
        %dma_wait3A_50 = tpu.memref_slice %arg7[%add3A_46, %dma_wait3A] : memref<10240x128xf32, #tpu.memory_space<vmem_shared>> -> memref<128x128xf32, #tpu.memory_space<vmem_shared>>
        %dma_wait3A_51 = arith.constant 0 : i32
        %dma_wait3A_52 = tpu.memref_slice %arg7[%add3A_46, %dma_wait3A_51] : memref<10240x128xf32, #tpu.memory_space<vmem_shared>> -> memref<128x128xf32, #tpu.memory_space<vmem_shared>>
        tpu.wait_dma2 semaphore(%run_scoped3A : memref<!tpu.dma_semaphore, #tpu.memory_space<semaphore_mem>>) src(%arg10 : memref<128x128xf32, #tpu.memory_space<vmem>>) dst(%dma_wait3A_52 : memref<128x128xf32, #tpu.memory_space<vmem_shared>>)
        tpu.yield
      }) : () -> ()
    }
    %while3A_17 = arith.constant 1 : i32
    scf.for %while3A_41 = %while3A_15 to %while3A_11 step %while3A_17  : i32 {
      %mul3A_42 = arith.constant 640 : i32
      %mul3A_43 = arith.muli %arg1, %mul3A_42 : i32
      %mul3A_44 = arith.constant 128 : i32
      %mul3A_45 = arith.muli %while3A_41, %mul3A_44 : i32
      %add3A_46 = arith.addi %mul3A_43, %mul3A_45 : i32
      "tpu.region"() ({
        %run_scoped3A = tpu.sem_alloc : memref<!tpu.dma_semaphore, #tpu.memory_space<semaphore_mem>>
        %dma_start3A = arith.constant 0 : i32
        %dma_start3A_47 = tpu.memref_slice %arg7[%add3A_46, %dma_start3A] : memref<10240x128xf32, #tpu.memory_space<vmem_shared>> -> memref<128x128xf32, #tpu.memory_space<vmem_shared>>
        %dma_start3A_48 = arith.constant 0 : i32
        %dma_start3A_49 = tpu.memref_slice %arg7[%add3A_46, %dma_start3A_48] : memref<10240x128xf32, #tpu.memory_space<vmem_shared>> -> memref<128x128xf32, #tpu.memory_space<vmem_shared>>
        tpu.enqueue_dma source(%arg10 : memref<128x128xf32, #tpu.memory_space<vmem>>) target(%dma_start3A_49 : memref<128x128xf32, #tpu.memory_space<vmem_shared>>) target_semaphore(%run_scoped3A : memref<!tpu.dma_semaphore, #tpu.memory_space<semaphore_mem>>)
        %dma_wait3A = arith.constant 0 : i32
        %dma_wait3A_50 = tpu.memref_slice %arg7[%add3A_46, %dma_wait3A] : memref<10240x128xf32, #tpu.memory_space<vmem_shared>> -> memref<128x128xf32, #tpu.memory_space<vmem_shared>>
        %dma_wait3A_51 = arith.constant 0 : i32
        %dma_wait3A_52 = tpu.memref_slice %arg7[%add3A_46, %dma_wait3A_51] : memref<10240x128xf32, #tpu.memory_space<vmem_shared>> -> memref<128x128xf32, #tpu.memory_space<vmem_shared>>
        tpu.wait_dma2 semaphore(%run_scoped3A : memref<!tpu.dma_semaphore, #tpu.memory_space<semaphore_mem>>) src(%arg10 : memref<128x128xf32, #tpu.memory_space<vmem>>) dst(%dma_wait3A_52 : memref<128x128xf32, #tpu.memory_space<vmem_shared>>)
        tpu.yield
      }) : () -> ()
    }
    %barrier3A = arith.constant 0 : index
    tpu.barrier barrier_id(%barrier3A)
    %lt3A = arith.constant 0 : i32
    %lt3A_18 = arith.cmpi slt, %lt3A, %select_n3A : i32
    %convert_element_type3A = arith.extui %lt3A_18 : i1 to i32
    %cond3A = arith.constant 0 : i32
    %cond3A_19 = arith.cmpi ne, %convert_element_type3A, %cond3A : i32
    scf.if %cond3A_19 {
      %add3A_41 = arith.constant 0 : i32
      %add3A_42 = arith.addi %select_n3A_8, %add3A_41 : i32
      "tpu.region"() ({
        %run_scoped3A = tpu.sem_alloc : memref<!tpu.dma_semaphore, #tpu.memory_space<semaphore_mem>>
        %dma_start3A_59 = arith.constant 0 : i32
        %dma_start3A_60 = tpu.memref_slice %arg3[%add3A_42, %dma_start3A_59] : memref<2560x128xi32, #tpu.memory_space<hbm>> -> memref<40x128xi32, #tpu.memory_space<hbm>>
        %dma_start3A_61 = arith.constant 0 : i32
        %dma_start3A_62 = tpu.memref_slice %arg3[%add3A_42, %dma_start3A_61] : memref<2560x128xi32, #tpu.memory_space<hbm>> -> memref<40x128xi32, #tpu.memory_space<hbm>>
        tpu.enqueue_dma source(%dma_start3A_62 : memref<40x128xi32, #tpu.memory_space<hbm>>) target(%arg8 : memref<40x128xi32, #tpu.memory_space<vmem>>) target_semaphore(%run_scoped3A : memref<!tpu.dma_semaphore, #tpu.memory_space<semaphore_mem>>)
        %dma_wait3A = arith.constant 0 : i32
        %dma_wait3A_63 = tpu.memref_slice %arg3[%add3A_42, %dma_wait3A] : memref<2560x128xi32, #tpu.memory_space<hbm>> -> memref<40x128xi32, #tpu.memory_space<hbm>>
        %dma_wait3A_64 = arith.constant 0 : i32
        %dma_wait3A_65 = tpu.memref_slice %arg3[%add3A_42, %dma_wait3A_64] : memref<2560x128xi32, #tpu.memory_space<hbm>> -> memref<40x128xi32, #tpu.memory_space<hbm>>
        tpu.wait_dma2 semaphore(%run_scoped3A : memref<!tpu.dma_semaphore, #tpu.memory_space<semaphore_mem>>) src(%dma_wait3A_65 : memref<40x128xi32, #tpu.memory_space<hbm>>) dst(%arg8 : memref<40x128xi32, #tpu.memory_space<vmem>>)
        tpu.yield
      }) : () -> ()
      "tpu.region"() ({
        %run_scoped3A = tpu.sem_alloc : memref<!tpu.dma_semaphore, #tpu.memory_space<semaphore_mem>>
        %dma_start3A_59 = arith.constant 0 : i32
        %dma_start3A_60 = tpu.memref_slice %arg4[%add3A_42, %dma_start3A_59] : memref<2560x128xi32, #tpu.memory_space<hbm>> -> memref<40x128xi32, #tpu.memory_space<hbm>>
        %dma_start3A_61 = arith.constant 0 : i32
        %dma_start3A_62 = tpu.memref_slice %arg4[%add3A_42, %dma_start3A_61] : memref<2560x128xi32, #tpu.memory_space<hbm>> -> memref<40x128xi32, #tpu.memory_space<hbm>>
        tpu.enqueue_dma source(%dma_start3A_62 : memref<40x128xi32, #tpu.memory_space<hbm>>) target(%arg9 : memref<40x128xi32, #tpu.memory_space<vmem>>) target_semaphore(%run_scoped3A : memref<!tpu.dma_semaphore, #tpu.memory_space<semaphore_mem>>)
        %dma_wait3A = arith.constant 0 : i32
        %dma_wait3A_63 = tpu.memref_slice %arg4[%add3A_42, %dma_wait3A] : memref<2560x128xi32, #tpu.memory_space<hbm>> -> memref<40x128xi32, #tpu.memory_space<hbm>>
        %dma_wait3A_64 = arith.constant 0 : i32
        %dma_wait3A_65 = tpu.memref_slice %arg4[%add3A_42, %dma_wait3A_64] : memref<2560x128xi32, #tpu.memory_space<hbm>> -> memref<40x128xi32, #tpu.memory_space<hbm>>
        tpu.wait_dma2 semaphore(%run_scoped3A : memref<!tpu.dma_semaphore, #tpu.memory_space<semaphore_mem>>) src(%dma_wait3A_65 : memref<40x128xi32, #tpu.memory_space<hbm>>) dst(%arg9 : memref<40x128xi32, #tpu.memory_space<vmem>>)
        tpu.yield
      }) : () -> ()
      %dma_start3A = arith.constant 0 : i32
      %dma_start3A_43 = arith.constant 0 : i32
      %dma_start3A_44 = tpu.memref_slice %arg8[%dma_start3A, %dma_start3A_43] : memref<40x128xi32, #tpu.memory_space<vmem>> -> memref<1x128xi32, #tpu.memory_space<vmem>>
      %dma_start3A_45 = tpu.memref_squeeze %dma_start3A_44 : memref<1x128xi32, #tpu.memory_space<vmem>> -> memref<128xi32, #tpu.memory_space<vmem>>
      %dma_start3A_46 = arith.constant 0 : i32
      %dma_start3A_47 = arith.constant 0 : i32
      %dma_start3A_48 = tpu.memref_slice %arg2[%dma_start3A_46, %dma_start3A_47] : memref<10000x128xf32, #tpu.memory_space<hbm>> -> memref<10000x128xf32, #tpu.memory_space<hbm>>
      tpu.enqueue_indirect_dma source(%dma_start3A_48 : memref<10000x128xf32, #tpu.memory_space<hbm>>) target(%arg10 : memref<128x128xf32, #tpu.memory_space<vmem>>) offsets(%dma_start3A_45 : memref<128xi32, #tpu.memory_space<vmem>>) semaphore(%arg12 : memref<!tpu.dma_semaphore, #tpu.memory_space<semaphore_mem>>)
      %while3A_49 = arith.constant 0 : i32
      %while3A_50 = arith.constant 20 : i32
      %while3A_51 = arith.subi %while3A_50, %while3A_49 : i32
      %while3A_52 = arith.addi %while3A_49, %while3A_51 : i32
      %while3A_53 = arith.constant 1 : i32
      %while3A_54 = arith.divsi %while3A_51, %while3A_53 : i32
      %while3A_55 = arith.muli %while3A_54, %while3A_53 : i32
      %while3A_56 = arith.addi %while3A_49, %while3A_55 : i32
      %while3A_57 = arith.constant 1 : i32
      scf.for %while3A_59 = %while3A_49 to %while3A_56 step %while3A_57  : i32 {
        %mul3A_60 = arith.constant 2 : i32
        %mul3A_61 = arith.muli %mul3A_60, %while3A_59 : i32
        %add3A_62 = arith.constant 1 : i32
        %add3A_63 = arith.addi %mul3A_61, %add3A_62 : i32
        %dma_start3A_64 = arith.constant 0 : i32
        %dma_start3A_65 = tpu.memref_slice %arg8[%add3A_63, %dma_start3A_64] : memref<40x128xi32, #tpu.memory_space<vmem>> -> memref<1x128xi32, #tpu.memory_space<vmem>>
        %dma_start3A_66 = tpu.memref_squeeze %dma_start3A_65 : memref<1x128xi32, #tpu.memory_space<vmem>> -> memref<128xi32, #tpu.memory_space<vmem>>
        %dma_start3A_67 = arith.constant 0 : i32
        %dma_start3A_68 = arith.constant 0 : i32
        %dma_start3A_69 = tpu.memref_slice %arg2[%dma_start3A_67, %dma_start3A_68] : memref<10000x128xf32, #tpu.memory_space<hbm>> -> memref<10000x128xf32, #tpu.memory_space<hbm>>
        tpu.enqueue_indirect_dma source(%dma_start3A_69 : memref<10000x128xf32, #tpu.memory_space<hbm>>) target(%arg11 : memref<128x128xf32, #tpu.memory_space<vmem>>) offsets(%dma_start3A_66 : memref<128xi32, #tpu.memory_space<vmem>>) semaphore(%arg13 : memref<!tpu.dma_semaphore, #tpu.memory_space<semaphore_mem>>)
        %dma_wait3A = arith.constant 0 : i32
        %dma_wait3A_70 = tpu.memref_slice %arg8[%mul3A_61, %dma_wait3A] : memref<40x128xi32, #tpu.memory_space<vmem>> -> memref<1x128xi32, #tpu.memory_space<vmem>>
        %dma_wait3A_71 = tpu.memref_squeeze %dma_wait3A_70 : memref<1x128xi32, #tpu.memory_space<vmem>> -> memref<128xi32, #tpu.memory_space<vmem>>
        %dma_wait3A_72 = arith.constant 0 : i32
        %dma_wait3A_73 = arith.constant 0 : i32
        %dma_wait3A_74 = tpu.memref_slice %arg2[%dma_wait3A_72, %dma_wait3A_73] : memref<10000x128xf32, #tpu.memory_space<hbm>> -> memref<10000x128xf32, #tpu.memory_space<hbm>>
        tpu.wait_indirect_dma semaphore(%arg12 : memref<!tpu.dma_semaphore, #tpu.memory_space<semaphore_mem>>) src(%dma_wait3A_74 : memref<10000x128xf32, #tpu.memory_space<hbm>>) dst(%arg10 : memref<128x128xf32, #tpu.memory_space<vmem>>)
        "tpu.region"() ({
          %run_scoped3A = tpu.sem_alloc : memref<!tpu.dma_semaphore, #tpu.memory_space<semaphore_mem>>
          %dma_start3A_88 = arith.constant 0 : i32
          %dma_start3A_89 = tpu.memref_slice %arg9[%mul3A_61, %dma_start3A_88] : memref<40x128xi32, #tpu.memory_space<vmem>> -> memref<1x128xi32, #tpu.memory_space<vmem>>
          %dma_start3A_90 = tpu.memref_squeeze %dma_start3A_89 : memref<1x128xi32, #tpu.memory_space<vmem>> -> memref<128xi32, #tpu.memory_space<vmem>>
          %dma_start3A_91 = arith.constant 0 : i32
          %dma_start3A_92 = arith.constant 0 : i32
          %dma_start3A_93 = tpu.memref_slice %arg7[%dma_start3A_91, %dma_start3A_92] : memref<10240x128xf32, #tpu.memory_space<vmem_shared>> -> memref<10240x128xf32, #tpu.memory_space<vmem_shared>>
          tpu.enqueue_indirect_dma source(%arg10 : memref<128x128xf32, #tpu.memory_space<vmem>>) target(%dma_start3A_93 : memref<10240x128xf32, #tpu.memory_space<vmem_shared>>) offsets(%dma_start3A_90 : memref<128xi32, #tpu.memory_space<vmem>>) semaphore(%run_scoped3A : memref<!tpu.dma_semaphore, #tpu.memory_space<semaphore_mem>>) {add = true}
          %dma_wait3A_94 = arith.constant 0 : i32
          %dma_wait3A_95 = tpu.memref_slice %arg9[%mul3A_61, %dma_wait3A_94] : memref<40x128xi32, #tpu.memory_space<vmem>> -> memref<1x128xi32, #tpu.memory_space<vmem>>
          %dma_wait3A_96 = tpu.memref_squeeze %dma_wait3A_95 : memref<1x128xi32, #tpu.memory_space<vmem>> -> memref<128xi32, #tpu.memory_space<vmem>>
          %dma_wait3A_97 = arith.constant 0 : i32
          %dma_wait3A_98 = arith.constant 0 : i32
          %dma_wait3A_99 = tpu.memref_slice %arg7[%dma_wait3A_97, %dma_wait3A_98] : memref<10240x128xf32, #tpu.memory_space<vmem_shared>> -> memref<10240x128xf32, #tpu.memory_space<vmem_shared>>
          tpu.wait_indirect_dma semaphore(%run_scoped3A : memref<!tpu.dma_semaphore, #tpu.memory_space<semaphore_mem>>) src(%arg10 : memref<128x128xf32, #tpu.memory_space<vmem>>) dst(%dma_wait3A_99 : memref<10240x128xf32, #tpu.memory_space<vmem_shared>>)
          tpu.yield
        }) : () -> ()
        %lt3A_75 = arith.constant 19 : i32
        %lt3A_76 = arith.cmpi slt, %while3A_59, %lt3A_75 : i32
        %convert_element_type3A_77 = arith.extui %lt3A_76 : i1 to i32
        %cond3A_78 = arith.constant 0 : i32
        %cond3A_79 = arith.cmpi ne, %convert_element_type3A_77, %cond3A_78 : i32
        scf.if %cond3A_79 {
          %add3A_88 = arith.constant 2 : i32
          %add3A_89 = arith.addi %mul3A_61, %add3A_88 : i32
          %dma_start3A_90 = arith.constant 0 : i32
          %dma_start3A_91 = tpu.memref_slice %arg8[%add3A_89, %dma_start3A_90] : memref<40x128xi32, #tpu.memory_space<vmem>> -> memref<1x128xi32, #tpu.memory_space<vmem>>
          %dma_start3A_92 = tpu.memref_squeeze %dma_start3A_91 : memref<1x128xi32, #tpu.memory_space<vmem>> -> memref<128xi32, #tpu.memory_space<vmem>>
          %dma_start3A_93 = arith.constant 0 : i32
          %dma_start3A_94 = arith.constant 0 : i32
          %dma_start3A_95 = tpu.memref_slice %arg2[%dma_start3A_93, %dma_start3A_94] : memref<10000x128xf32, #tpu.memory_space<hbm>> -> memref<10000x128xf32, #tpu.memory_space<hbm>>
          tpu.enqueue_indirect_dma source(%dma_start3A_95 : memref<10000x128xf32, #tpu.memory_space<hbm>>) target(%arg10 : memref<128x128xf32, #tpu.memory_space<vmem>>) offsets(%dma_start3A_92 : memref<128xi32, #tpu.memory_space<vmem>>) semaphore(%arg12 : memref<!tpu.dma_semaphore, #tpu.memory_space<semaphore_mem>>)
        } else {
        }
        %add3A_80 = arith.constant 1 : i32
        %add3A_81 = arith.addi %mul3A_61, %add3A_80 : i32
        %dma_wait3A_82 = arith.constant 0 : i32
        %dma_wait3A_83 = tpu.memref_slice %arg8[%add3A_81, %dma_wait3A_82] : memref<40x128xi32, #tpu.memory_space<vmem>> -> memref<1x128xi32, #tpu.memory_space<vmem>>
        %dma_wait3A_84 = tpu.memref_squeeze %dma_wait3A_83 : memref<1x128xi32, #tpu.memory_space<vmem>> -> memref<128xi32, #tpu.memory_space<vmem>>
        %dma_wait3A_85 = arith.constant 0 : i32
        %dma_wait3A_86 = arith.constant 0 : i32
        %dma_wait3A_87 = tpu.memref_slice %arg2[%dma_wait3A_85, %dma_wait3A_86] : memref<10000x128xf32, #tpu.memory_space<hbm>> -> memref<10000x128xf32, #tpu.memory_space<hbm>>
        tpu.wait_indirect_dma semaphore(%arg13 : memref<!tpu.dma_semaphore, #tpu.memory_space<semaphore_mem>>) src(%dma_wait3A_87 : memref<10000x128xf32, #tpu.memory_space<hbm>>) dst(%arg11 : memref<128x128xf32, #tpu.memory_space<vmem>>)
        "tpu.region"() ({
          %run_scoped3A = tpu.sem_alloc : memref<!tpu.dma_semaphore, #tpu.memory_space<semaphore_mem>>
          %dma_start3A_88 = arith.constant 0 : i32
          %dma_start3A_89 = tpu.memref_slice %arg9[%add3A_81, %dma_start3A_88] : memref<40x128xi32, #tpu.memory_space<vmem>> -> memref<1x128xi32, #tpu.memory_space<vmem>>
          %dma_start3A_90 = tpu.memref_squeeze %dma_start3A_89 : memref<1x128xi32, #tpu.memory_space<vmem>> -> memref<128xi32, #tpu.memory_space<vmem>>
          %dma_start3A_91 = arith.constant 0 : i32
          %dma_start3A_92 = arith.constant 0 : i32
          %dma_start3A_93 = tpu.memref_slice %arg7[%dma_start3A_91, %dma_start3A_92] : memref<10240x128xf32, #tpu.memory_space<vmem_shared>> -> memref<10240x128xf32, #tpu.memory_space<vmem_shared>>
          tpu.enqueue_indirect_dma source(%arg11 : memref<128x128xf32, #tpu.memory_space<vmem>>) target(%dma_start3A_93 : memref<10240x128xf32, #tpu.memory_space<vmem_shared>>) offsets(%dma_start3A_90 : memref<128xi32, #tpu.memory_space<vmem>>) semaphore(%run_scoped3A : memref<!tpu.dma_semaphore, #tpu.memory_space<semaphore_mem>>) {add = true}
          %dma_wait3A_94 = arith.constant 0 : i32
          %dma_wait3A_95 = tpu.memref_slice %arg9[%add3A_81, %dma_wait3A_94] : memref<40x128xi32, #tpu.memory_space<vmem>> -> memref<1x128xi32, #tpu.memory_space<vmem>>
          %dma_wait3A_96 = tpu.memref_squeeze %dma_wait3A_95 : memref<1x128xi32, #tpu.memory_space<vmem>> -> memref<128xi32, #tpu.memory_space<vmem>>
          %dma_wait3A_97 = arith.constant 0 : i32
          %dma_wait3A_98 = arith.constant 0 : i32
          %dma_wait3A_99 = tpu.memref_slice %arg7[%dma_wait3A_97, %dma_wait3A_98] : memref<10240x128xf32, #tpu.memory_space<vmem_shared>> -> memref<10240x128xf32, #tpu.memory_space<vmem_shared>>
          tpu.wait_indirect_dma semaphore(%run_scoped3A : memref<!tpu.dma_semaphore, #tpu.memory_space<semaphore_mem>>) src(%arg11 : memref<128x128xf32, #tpu.memory_space<vmem>>) dst(%dma_wait3A_99 : memref<10240x128xf32, #tpu.memory_space<vmem_shared>>)
          tpu.yield
        }) : () -> ()
      }
      %while3A_58 = arith.constant 1 : i32
      scf.for %while3A_59 = %while3A_56 to %while3A_52 step %while3A_58  : i32 {
        %mul3A_60 = arith.constant 2 : i32
        %mul3A_61 = arith.muli %mul3A_60, %while3A_59 : i32
        %add3A_62 = arith.constant 1 : i32
        %add3A_63 = arith.addi %mul3A_61, %add3A_62 : i32
        %dma_start3A_64 = arith.constant 0 : i32
        %dma_start3A_65 = tpu.memref_slice %arg8[%add3A_63, %dma_start3A_64] : memref<40x128xi32, #tpu.memory_space<vmem>> -> memref<1x128xi32, #tpu.memory_space<vmem>>
        %dma_start3A_66 = tpu.memref_squeeze %dma_start3A_65 : memref<1x128xi32, #tpu.memory_space<vmem>> -> memref<128xi32, #tpu.memory_space<vmem>>
        %dma_start3A_67 = arith.constant 0 : i32
        %dma_start3A_68 = arith.constant 0 : i32
        %dma_start3A_69 = tpu.memref_slice %arg2[%dma_start3A_67, %dma_start3A_68] : memref<10000x128xf32, #tpu.memory_space<hbm>> -> memref<10000x128xf32, #tpu.memory_space<hbm>>
        tpu.enqueue_indirect_dma source(%dma_start3A_69 : memref<10000x128xf32, #tpu.memory_space<hbm>>) target(%arg11 : memref<128x128xf32, #tpu.memory_space<vmem>>) offsets(%dma_start3A_66 : memref<128xi32, #tpu.memory_space<vmem>>) semaphore(%arg13 : memref<!tpu.dma_semaphore, #tpu.memory_space<semaphore_mem>>)
        %dma_wait3A = arith.constant 0 : i32
        %dma_wait3A_70 = tpu.memref_slice %arg8[%mul3A_61, %dma_wait3A] : memref<40x128xi32, #tpu.memory_space<vmem>> -> memref<1x128xi32, #tpu.memory_space<vmem>>
        %dma_wait3A_71 = tpu.memref_squeeze %dma_wait3A_70 : memref<1x128xi32, #tpu.memory_space<vmem>> -> memref<128xi32, #tpu.memory_space<vmem>>
        %dma_wait3A_72 = arith.constant 0 : i32
        %dma_wait3A_73 = arith.constant 0 : i32
        %dma_wait3A_74 = tpu.memref_slice %arg2[%dma_wait3A_72, %dma_wait3A_73] : memref<10000x128xf32, #tpu.memory_space<hbm>> -> memref<10000x128xf32, #tpu.memory_space<hbm>>
        tpu.wait_indirect_dma semaphore(%arg12 : memref<!tpu.dma_semaphore, #tpu.memory_space<semaphore_mem>>) src(%dma_wait3A_74 : memref<10000x128xf32, #tpu.memory_space<hbm>>) dst(%arg10 : memref<128x128xf32, #tpu.memory_space<vmem>>)
        "tpu.region"() ({
          %run_scoped3A = tpu.sem_alloc : memref<!tpu.dma_semaphore, #tpu.memory_space<semaphore_mem>>
          %dma_start3A_88 = arith.constant 0 : i32
          %dma_start3A_89 = tpu.memref_slice %arg9[%mul3A_61, %dma_start3A_88] : memref<40x128xi32, #tpu.memory_space<vmem>> -> memref<1x128xi32, #tpu.memory_space<vmem>>
          %dma_start3A_90 = tpu.memref_squeeze %dma_start3A_89 : memref<1x128xi32, #tpu.memory_space<vmem>> -> memref<128xi32, #tpu.memory_space<vmem>>
          %dma_start3A_91 = arith.constant 0 : i32
          %dma_start3A_92 = arith.constant 0 : i32
          %dma_start3A_93 = tpu.memref_slice %arg7[%dma_start3A_91, %dma_start3A_92] : memref<10240x128xf32, #tpu.memory_space<vmem_shared>> -> memref<10240x128xf32, #tpu.memory_space<vmem_shared>>
          tpu.enqueue_indirect_dma source(%arg10 : memref<128x128xf32, #tpu.memory_space<vmem>>) target(%dma_start3A_93 : memref<10240x128xf32, #tpu.memory_space<vmem_shared>>) offsets(%dma_start3A_90 : memref<128xi32, #tpu.memory_space<vmem>>) semaphore(%run_scoped3A : memref<!tpu.dma_semaphore, #tpu.memory_space<semaphore_mem>>) {add = true}
          %dma_wait3A_94 = arith.constant 0 : i32
          %dma_wait3A_95 = tpu.memref_slice %arg9[%mul3A_61, %dma_wait3A_94] : memref<40x128xi32, #tpu.memory_space<vmem>> -> memref<1x128xi32, #tpu.memory_space<vmem>>
          %dma_wait3A_96 = tpu.memref_squeeze %dma_wait3A_95 : memref<1x128xi32, #tpu.memory_space<vmem>> -> memref<128xi32, #tpu.memory_space<vmem>>
          %dma_wait3A_97 = arith.constant 0 : i32
          %dma_wait3A_98 = arith.constant 0 : i32
          %dma_wait3A_99 = tpu.memref_slice %arg7[%dma_wait3A_97, %dma_wait3A_98] : memref<10240x128xf32, #tpu.memory_space<vmem_shared>> -> memref<10240x128xf32, #tpu.memory_space<vmem_shared>>
          tpu.wait_indirect_dma semaphore(%run_scoped3A : memref<!tpu.dma_semaphore, #tpu.memory_space<semaphore_mem>>) src(%arg10 : memref<128x128xf32, #tpu.memory_space<vmem>>) dst(%dma_wait3A_99 : memref<10240x128xf32, #tpu.memory_space<vmem_shared>>)
          tpu.yield
        }) : () -> ()
        %lt3A_75 = arith.constant 19 : i32
        %lt3A_76 = arith.cmpi slt, %while3A_59, %lt3A_75 : i32
        %convert_element_type3A_77 = arith.extui %lt3A_76 : i1 to i32
        %cond3A_78 = arith.constant 0 : i32
        %cond3A_79 = arith.cmpi ne, %convert_element_type3A_77, %cond3A_78 : i32
        scf.if %cond3A_79 {
          %add3A_88 = arith.constant 2 : i32
          %add3A_89 = arith.addi %mul3A_61, %add3A_88 : i32
          %dma_start3A_90 = arith.constant 0 : i32
          %dma_start3A_91 = tpu.memref_slice %arg8[%add3A_89, %dma_start3A_90] : memref<40x128xi32, #tpu.memory_space<vmem>> -> memref<1x128xi32, #tpu.memory_space<vmem>>
          %dma_start3A_92 = tpu.memref_squeeze %dma_start3A_91 : memref<1x128xi32, #tpu.memory_space<vmem>> -> memref<128xi32, #tpu.memory_space<vmem>>
          %dma_start3A_93 = arith.constant 0 : i32
          %dma_start3A_94 = arith.constant 0 : i32
          %dma_start3A_95 = tpu.memref_slice %arg2[%dma_start3A_93, %dma_start3A_94] : memref<10000x128xf32, #tpu.memory_space<hbm>> -> memref<10000x128xf32, #tpu.memory_space<hbm>>
          tpu.enqueue_indirect_dma source(%dma_start3A_95 : memref<10000x128xf32, #tpu.memory_space<hbm>>) target(%arg10 : memref<128x128xf32, #tpu.memory_space<vmem>>) offsets(%dma_start3A_92 : memref<128xi32, #tpu.memory_space<vmem>>) semaphore(%arg12 : memref<!tpu.dma_semaphore, #tpu.memory_space<semaphore_mem>>)
        } else {
        }
        %add3A_80 = arith.constant 1 : i32
        %add3A_81 = arith.addi %mul3A_61, %add3A_80 : i32
        %dma_wait3A_82 = arith.constant 0 : i32
        %dma_wait3A_83 = tpu.memref_slice %arg8[%add3A_81, %dma_wait3A_82] : memref<40x128xi32, #tpu.memory_space<vmem>> -> memref<1x128xi32, #tpu.memory_space<vmem>>
        %dma_wait3A_84 = tpu.memref_squeeze %dma_wait3A_83 : memref<1x128xi32, #tpu.memory_space<vmem>> -> memref<128xi32, #tpu.memory_space<vmem>>
        %dma_wait3A_85 = arith.constant 0 : i32
        %dma_wait3A_86 = arith.constant 0 : i32
        %dma_wait3A_87 = tpu.memref_slice %arg2[%dma_wait3A_85, %dma_wait3A_86] : memref<10000x128xf32, #tpu.memory_space<hbm>> -> memref<10000x128xf32, #tpu.memory_space<hbm>>
        tpu.wait_indirect_dma semaphore(%arg13 : memref<!tpu.dma_semaphore, #tpu.memory_space<semaphore_mem>>) src(%dma_wait3A_87 : memref<10000x128xf32, #tpu.memory_space<hbm>>) dst(%arg11 : memref<128x128xf32, #tpu.memory_space<vmem>>)
        "tpu.region"() ({
          %run_scoped3A = tpu.sem_alloc : memref<!tpu.dma_semaphore, #tpu.memory_space<semaphore_mem>>
          %dma_start3A_88 = arith.constant 0 : i32
          %dma_start3A_89 = tpu.memref_slice %arg9[%add3A_81, %dma_start3A_88] : memref<40x128xi32, #tpu.memory_space<vmem>> -> memref<1x128xi32, #tpu.memory_space<vmem>>
          %dma_start3A_90 = tpu.memref_squeeze %dma_start3A_89 : memref<1x128xi32, #tpu.memory_space<vmem>> -> memref<128xi32, #tpu.memory_space<vmem>>
          %dma_start3A_91 = arith.constant 0 : i32
          %dma_start3A_92 = arith.constant 0 : i32
          %dma_start3A_93 = tpu.memref_slice %arg7[%dma_start3A_91, %dma_start3A_92] : memref<10240x128xf32, #tpu.memory_space<vmem_shared>> -> memref<10240x128xf32, #tpu.memory_space<vmem_shared>>
          tpu.enqueue_indirect_dma source(%arg11 : memref<128x128xf32, #tpu.memory_space<vmem>>) target(%dma_start3A_93 : memref<10240x128xf32, #tpu.memory_space<vmem_shared>>) offsets(%dma_start3A_90 : memref<128xi32, #tpu.memory_space<vmem>>) semaphore(%run_scoped3A : memref<!tpu.dma_semaphore, #tpu.memory_space<semaphore_mem>>) {add = true}
          %dma_wait3A_94 = arith.constant 0 : i32
          %dma_wait3A_95 = tpu.memref_slice %arg9[%add3A_81, %dma_wait3A_94] : memref<40x128xi32, #tpu.memory_space<vmem>> -> memref<1x128xi32, #tpu.memory_space<vmem>>
          %dma_wait3A_96 = tpu.memref_squeeze %dma_wait3A_95 : memref<1x128xi32, #tpu.memory_space<vmem>> -> memref<128xi32, #tpu.memory_space<vmem>>
          %dma_wait3A_97 = arith.constant 0 : i32
          %dma_wait3A_98 = arith.constant 0 : i32
          %dma_wait3A_99 = tpu.memref_slice %arg7[%dma_wait3A_97, %dma_wait3A_98] : memref<10240x128xf32, #tpu.memory_space<vmem_shared>> -> memref<10240x128xf32, #tpu.memory_space<vmem_shared>>
          tpu.wait_indirect_dma semaphore(%run_scoped3A : memref<!tpu.dma_semaphore, #tpu.memory_space<semaphore_mem>>) src(%arg11 : memref<128x128xf32, #tpu.memory_space<vmem>>) dst(%dma_wait3A_99 : memref<10240x128xf32, #tpu.memory_space<vmem_shared>>)
          tpu.yield
        }) : () -> ()
      }
    } else {
    }
    %lt3A_20 = arith.constant 40 : i32
    %lt3A_21 = arith.cmpi slt, %lt3A_20, %select_n3A : i32
    %convert_element_type3A_22 = arith.extui %lt3A_21 : i1 to i32
    %cond3A_23 = arith.constant 0 : i32
    %cond3A_24 = arith.cmpi ne, %convert_element_type3A_22, %cond3A_23 : i32
    scf.if %cond3A_24 {
      %add3A_41 = arith.constant 40 : i32
      %add3A_42 = arith.addi %select_n3A_8, %add3A_41 : i32
      "tpu.region"() ({
        %run_scoped3A = tpu.sem_alloc : memref<!tpu.dma_semaphore, #tpu.memory_space<semaphore_mem>>
        %dma_start3A_59 = arith.constant 0 : i32
        %dma_start3A_60 = tpu.memref_slice %arg3[%add3A_42, %dma_start3A_59] : memref<2560x128xi32, #tpu.memory_space<hbm>> -> memref<40x128xi32, #tpu.memory_space<hbm>>
        %dma_start3A_61 = arith.constant 0 : i32
        %dma_start3A_62 = tpu.memref_slice %arg3[%add3A_42, %dma_start3A_61] : memref<2560x128xi32, #tpu.memory_space<hbm>> -> memref<40x128xi32, #tpu.memory_space<hbm>>
        tpu.enqueue_dma source(%dma_start3A_62 : memref<40x128xi32, #tpu.memory_space<hbm>>) target(%arg8 : memref<40x128xi32, #tpu.memory_space<vmem>>) target_semaphore(%run_scoped3A : memref<!tpu.dma_semaphore, #tpu.memory_space<semaphore_mem>>)
        %dma_wait3A = arith.constant 0 : i32
        %dma_wait3A_63 = tpu.memref_slice %arg3[%add3A_42, %dma_wait3A] : memref<2560x128xi32, #tpu.memory_space<hbm>> -> memref<40x128xi32, #tpu.memory_space<hbm>>
        %dma_wait3A_64 = arith.constant 0 : i32
        %dma_wait3A_65 = tpu.memref_slice %arg3[%add3A_42, %dma_wait3A_64] : memref<2560x128xi32, #tpu.memory_space<hbm>> -> memref<40x128xi32, #tpu.memory_space<hbm>>
        tpu.wait_dma2 semaphore(%run_scoped3A : memref<!tpu.dma_semaphore, #tpu.memory_space<semaphore_mem>>) src(%dma_wait3A_65 : memref<40x128xi32, #tpu.memory_space<hbm>>) dst(%arg8 : memref<40x128xi32, #tpu.memory_space<vmem>>)
        tpu.yield
      }) : () -> ()
      "tpu.region"() ({
        %run_scoped3A = tpu.sem_alloc : memref<!tpu.dma_semaphore, #tpu.memory_space<semaphore_mem>>
        %dma_start3A_59 = arith.constant 0 : i32
        %dma_start3A_60 = tpu.memref_slice %arg4[%add3A_42, %dma_start3A_59] : memref<2560x128xi32, #tpu.memory_space<hbm>> -> memref<40x128xi32, #tpu.memory_space<hbm>>
        %dma_start3A_61 = arith.constant 0 : i32
        %dma_start3A_62 = tpu.memref_slice %arg4[%add3A_42, %dma_start3A_61] : memref<2560x128xi32, #tpu.memory_space<hbm>> -> memref<40x128xi32, #tpu.memory_space<hbm>>
        tpu.enqueue_dma source(%dma_start3A_62 : memref<40x128xi32, #tpu.memory_space<hbm>>) target(%arg9 : memref<40x128xi32, #tpu.memory_space<vmem>>) target_semaphore(%run_scoped3A : memref<!tpu.dma_semaphore, #tpu.memory_space<semaphore_mem>>)
        %dma_wait3A = arith.constant 0 : i32
        %dma_wait3A_63 = tpu.memref_slice %arg4[%add3A_42, %dma_wait3A] : memref<2560x128xi32, #tpu.memory_space<hbm>> -> memref<40x128xi32, #tpu.memory_space<hbm>>
        %dma_wait3A_64 = arith.constant 0 : i32
        %dma_wait3A_65 = tpu.memref_slice %arg4[%add3A_42, %dma_wait3A_64] : memref<2560x128xi32, #tpu.memory_space<hbm>> -> memref<40x128xi32, #tpu.memory_space<hbm>>
        tpu.wait_dma2 semaphore(%run_scoped3A : memref<!tpu.dma_semaphore, #tpu.memory_space<semaphore_mem>>) src(%dma_wait3A_65 : memref<40x128xi32, #tpu.memory_space<hbm>>) dst(%arg9 : memref<40x128xi32, #tpu.memory_space<vmem>>)
        tpu.yield
      }) : () -> ()
      %dma_start3A = arith.constant 0 : i32
      %dma_start3A_43 = arith.constant 0 : i32
      %dma_start3A_44 = tpu.memref_slice %arg8[%dma_start3A, %dma_start3A_43] : memref<40x128xi32, #tpu.memory_space<vmem>> -> memref<1x128xi32, #tpu.memory_space<vmem>>
      %dma_start3A_45 = tpu.memref_squeeze %dma_start3A_44 : memref<1x128xi32, #tpu.memory_space<vmem>> -> memref<128xi32, #tpu.memory_space<vmem>>
      %dma_start3A_46 = arith.constant 0 : i32
      %dma_start3A_47 = arith.constant 0 : i32
      %dma_start3A_48 = tpu.memref_slice %arg2[%dma_start3A_46, %dma_start3A_47] : memref<10000x128xf32, #tpu.memory_space<hbm>> -> memref<10000x128xf32, #tpu.memory_space<hbm>>
      tpu.enqueue_indirect_dma source(%dma_start3A_48 : memref<10000x128xf32, #tpu.memory_space<hbm>>) target(%arg10 : memref<128x128xf32, #tpu.memory_space<vmem>>) offsets(%dma_start3A_45 : memref<128xi32, #tpu.memory_space<vmem>>) semaphore(%arg12 : memref<!tpu.dma_semaphore, #tpu.memory_space<semaphore_mem>>)
      %while3A_49 = arith.constant 0 : i32
      %while3A_50 = arith.constant 20 : i32
      %while3A_51 = arith.subi %while3A_50, %while3A_49 : i32
      %while3A_52 = arith.addi %while3A_49, %while3A_51 : i32
      %while3A_53 = arith.constant 1 : i32
      %while3A_54 = arith.divsi %while3A_51, %while3A_53 : i32
      %while3A_55 = arith.muli %while3A_54, %while3A_53 : i32
      %while3A_56 = arith.addi %while3A_49, %while3A_55 : i32
      %while3A_57 = arith.constant 1 : i32
      scf.for %while3A_59 = %while3A_49 to %while3A_56 step %while3A_57  : i32 {
        %mul3A_60 = arith.constant 2 : i32
        %mul3A_61 = arith.muli %mul3A_60, %while3A_59 : i32
        %add3A_62 = arith.constant 1 : i32
        %add3A_63 = arith.addi %mul3A_61, %add3A_62 : i32
        %dma_start3A_64 = arith.constant 0 : i32
        %dma_start3A_65 = tpu.memref_slice %arg8[%add3A_63, %dma_start3A_64] : memref<40x128xi32, #tpu.memory_space<vmem>> -> memref<1x128xi32, #tpu.memory_space<vmem>>
        %dma_start3A_66 = tpu.memref_squeeze %dma_start3A_65 : memref<1x128xi32, #tpu.memory_space<vmem>> -> memref<128xi32, #tpu.memory_space<vmem>>
        %dma_start3A_67 = arith.constant 0 : i32
        %dma_start3A_68 = arith.constant 0 : i32
        %dma_start3A_69 = tpu.memref_slice %arg2[%dma_start3A_67, %dma_start3A_68] : memref<10000x128xf32, #tpu.memory_space<hbm>> -> memref<10000x128xf32, #tpu.memory_space<hbm>>
        tpu.enqueue_indirect_dma source(%dma_start3A_69 : memref<10000x128xf32, #tpu.memory_space<hbm>>) target(%arg11 : memref<128x128xf32, #tpu.memory_space<vmem>>) offsets(%dma_start3A_66 : memref<128xi32, #tpu.memory_space<vmem>>) semaphore(%arg13 : memref<!tpu.dma_semaphore, #tpu.memory_space<semaphore_mem>>)
        %dma_wait3A = arith.constant 0 : i32
        %dma_wait3A_70 = tpu.memref_slice %arg8[%mul3A_61, %dma_wait3A] : memref<40x128xi32, #tpu.memory_space<vmem>> -> memref<1x128xi32, #tpu.memory_space<vmem>>
        %dma_wait3A_71 = tpu.memref_squeeze %dma_wait3A_70 : memref<1x128xi32, #tpu.memory_space<vmem>> -> memref<128xi32, #tpu.memory_space<vmem>>
        %dma_wait3A_72 = arith.constant 0 : i32
        %dma_wait3A_73 = arith.constant 0 : i32
        %dma_wait3A_74 = tpu.memref_slice %arg2[%dma_wait3A_72, %dma_wait3A_73] : memref<10000x128xf32, #tpu.memory_space<hbm>> -> memref<10000x128xf32, #tpu.memory_space<hbm>>
        tpu.wait_indirect_dma semaphore(%arg12 : memref<!tpu.dma_semaphore, #tpu.memory_space<semaphore_mem>>) src(%dma_wait3A_74 : memref<10000x128xf32, #tpu.memory_space<hbm>>) dst(%arg10 : memref<128x128xf32, #tpu.memory_space<vmem>>)
        "tpu.region"() ({
          %run_scoped3A = tpu.sem_alloc : memref<!tpu.dma_semaphore, #tpu.memory_space<semaphore_mem>>
          %dma_start3A_88 = arith.constant 0 : i32
          %dma_start3A_89 = tpu.memref_slice %arg9[%mul3A_61, %dma_start3A_88] : memref<40x128xi32, #tpu.memory_space<vmem>> -> memref<1x128xi32, #tpu.memory_space<vmem>>
          %dma_start3A_90 = tpu.memref_squeeze %dma_start3A_89 : memref<1x128xi32, #tpu.memory_space<vmem>> -> memref<128xi32, #tpu.memory_space<vmem>>
          %dma_start3A_91 = arith.constant 0 : i32
          %dma_start3A_92 = arith.constant 0 : i32
          %dma_start3A_93 = tpu.memref_slice %arg7[%dma_start3A_91, %dma_start3A_92] : memref<10240x128xf32, #tpu.memory_space<vmem_shared>> -> memref<10240x128xf32, #tpu.memory_space<vmem_shared>>
          tpu.enqueue_indirect_dma source(%arg10 : memref<128x128xf32, #tpu.memory_space<vmem>>) target(%dma_start3A_93 : memref<10240x128xf32, #tpu.memory_space<vmem_shared>>) offsets(%dma_start3A_90 : memref<128xi32, #tpu.memory_space<vmem>>) semaphore(%run_scoped3A : memref<!tpu.dma_semaphore, #tpu.memory_space<semaphore_mem>>) {add = true}
          %dma_wait3A_94 = arith.constant 0 : i32
          %dma_wait3A_95 = tpu.memref_slice %arg9[%mul3A_61, %dma_wait3A_94] : memref<40x128xi32, #tpu.memory_space<vmem>> -> memref<1x128xi32, #tpu.memory_space<vmem>>
          %dma_wait3A_96 = tpu.memref_squeeze %dma_wait3A_95 : memref<1x128xi32, #tpu.memory_space<vmem>> -> memref<128xi32, #tpu.memory_space<vmem>>
          %dma_wait3A_97 = arith.constant 0 : i32
          %dma_wait3A_98 = arith.constant 0 : i32
          %dma_wait3A_99 = tpu.memref_slice %arg7[%dma_wait3A_97, %dma_wait3A_98] : memref<10240x128xf32, #tpu.memory_space<vmem_shared>> -> memref<10240x128xf32, #tpu.memory_space<vmem_shared>>
          tpu.wait_indirect_dma semaphore(%run_scoped3A : memref<!tpu.dma_semaphore, #tpu.memory_space<semaphore_mem>>) src(%arg10 : memref<128x128xf32, #tpu.memory_space<vmem>>) dst(%dma_wait3A_99 : memref<10240x128xf32, #tpu.memory_space<vmem_shared>>)
          tpu.yield
        }) : () -> ()
        %lt3A_75 = arith.constant 19 : i32
        %lt3A_76 = arith.cmpi slt, %while3A_59, %lt3A_75 : i32
        %convert_element_type3A_77 = arith.extui %lt3A_76 : i1 to i32
        %cond3A_78 = arith.constant 0 : i32
        %cond3A_79 = arith.cmpi ne, %convert_element_type3A_77, %cond3A_78 : i32
        scf.if %cond3A_79 {
          %add3A_88 = arith.constant 2 : i32
          %add3A_89 = arith.addi %mul3A_61, %add3A_88 : i32
          %dma_start3A_90 = arith.constant 0 : i32
          %dma_start3A_91 = tpu.memref_slice %arg8[%add3A_89, %dma_start3A_90] : memref<40x128xi32, #tpu.memory_space<vmem>> -> memref<1x128xi32, #tpu.memory_space<vmem>>
          %dma_start3A_92 = tpu.memref_squeeze %dma_start3A_91 : memref<1x128xi32, #tpu.memory_space<vmem>> -> memref<128xi32, #tpu.memory_space<vmem>>
          %dma_start3A_93 = arith.constant 0 : i32
          %dma_start3A_94 = arith.constant 0 : i32
          %dma_start3A_95 = tpu.memref_slice %arg2[%dma_start3A_93, %dma_start3A_94] : memref<10000x128xf32, #tpu.memory_space<hbm>> -> memref<10000x128xf32, #tpu.memory_space<hbm>>
          tpu.enqueue_indirect_dma source(%dma_start3A_95 : memref<10000x128xf32, #tpu.memory_space<hbm>>) target(%arg10 : memref<128x128xf32, #tpu.memory_space<vmem>>) offsets(%dma_start3A_92 : memref<128xi32, #tpu.memory_space<vmem>>) semaphore(%arg12 : memref<!tpu.dma_semaphore, #tpu.memory_space<semaphore_mem>>)
        } else {
        }
        %add3A_80 = arith.constant 1 : i32
        %add3A_81 = arith.addi %mul3A_61, %add3A_80 : i32
        %dma_wait3A_82 = arith.constant 0 : i32
        %dma_wait3A_83 = tpu.memref_slice %arg8[%add3A_81, %dma_wait3A_82] : memref<40x128xi32, #tpu.memory_space<vmem>> -> memref<1x128xi32, #tpu.memory_space<vmem>>
        %dma_wait3A_84 = tpu.memref_squeeze %dma_wait3A_83 : memref<1x128xi32, #tpu.memory_space<vmem>> -> memref<128xi32, #tpu.memory_space<vmem>>
        %dma_wait3A_85 = arith.constant 0 : i32
        %dma_wait3A_86 = arith.constant 0 : i32
        %dma_wait3A_87 = tpu.memref_slice %arg2[%dma_wait3A_85, %dma_wait3A_86] : memref<10000x128xf32, #tpu.memory_space<hbm>> -> memref<10000x128xf32, #tpu.memory_space<hbm>>
        tpu.wait_indirect_dma semaphore(%arg13 : memref<!tpu.dma_semaphore, #tpu.memory_space<semaphore_mem>>) src(%dma_wait3A_87 : memref<10000x128xf32, #tpu.memory_space<hbm>>) dst(%arg11 : memref<128x128xf32, #tpu.memory_space<vmem>>)
        "tpu.region"() ({
          %run_scoped3A = tpu.sem_alloc : memref<!tpu.dma_semaphore, #tpu.memory_space<semaphore_mem>>
          %dma_start3A_88 = arith.constant 0 : i32
          %dma_start3A_89 = tpu.memref_slice %arg9[%add3A_81, %dma_start3A_88] : memref<40x128xi32, #tpu.memory_space<vmem>> -> memref<1x128xi32, #tpu.memory_space<vmem>>
          %dma_start3A_90 = tpu.memref_squeeze %dma_start3A_89 : memref<1x128xi32, #tpu.memory_space<vmem>> -> memref<128xi32, #tpu.memory_space<vmem>>
          %dma_start3A_91 = arith.constant 0 : i32
          %dma_start3A_92 = arith.constant 0 : i32
          %dma_start3A_93 = tpu.memref_slice %arg7[%dma_start3A_91, %dma_start3A_92] : memref<10240x128xf32, #tpu.memory_space<vmem_shared>> -> memref<10240x128xf32, #tpu.memory_space<vmem_shared>>
          tpu.enqueue_indirect_dma source(%arg11 : memref<128x128xf32, #tpu.memory_space<vmem>>) target(%dma_start3A_93 : memref<10240x128xf32, #tpu.memory_space<vmem_shared>>) offsets(%dma_start3A_90 : memref<128xi32, #tpu.memory_space<vmem>>) semaphore(%run_scoped3A : memref<!tpu.dma_semaphore, #tpu.memory_space<semaphore_mem>>) {add = true}
          %dma_wait3A_94 = arith.constant 0 : i32
          %dma_wait3A_95 = tpu.memref_slice %arg9[%add3A_81, %dma_wait3A_94] : memref<40x128xi32, #tpu.memory_space<vmem>> -> memref<1x128xi32, #tpu.memory_space<vmem>>
          %dma_wait3A_96 = tpu.memref_squeeze %dma_wait3A_95 : memref<1x128xi32, #tpu.memory_space<vmem>> -> memref<128xi32, #tpu.memory_space<vmem>>
          %dma_wait3A_97 = arith.constant 0 : i32
          %dma_wait3A_98 = arith.constant 0 : i32
          %dma_wait3A_99 = tpu.memref_slice %arg7[%dma_wait3A_97, %dma_wait3A_98] : memref<10240x128xf32, #tpu.memory_space<vmem_shared>> -> memref<10240x128xf32, #tpu.memory_space<vmem_shared>>
          tpu.wait_indirect_dma semaphore(%run_scoped3A : memref<!tpu.dma_semaphore, #tpu.memory_space<semaphore_mem>>) src(%arg11 : memref<128x128xf32, #tpu.memory_space<vmem>>) dst(%dma_wait3A_99 : memref<10240x128xf32, #tpu.memory_space<vmem_shared>>)
          tpu.yield
        }) : () -> ()
      }
      %while3A_58 = arith.constant 1 : i32
      scf.for %while3A_59 = %while3A_56 to %while3A_52 step %while3A_58  : i32 {
        %mul3A_60 = arith.constant 2 : i32
        %mul3A_61 = arith.muli %mul3A_60, %while3A_59 : i32
        %add3A_62 = arith.constant 1 : i32
        %add3A_63 = arith.addi %mul3A_61, %add3A_62 : i32
        %dma_start3A_64 = arith.constant 0 : i32
        %dma_start3A_65 = tpu.memref_slice %arg8[%add3A_63, %dma_start3A_64] : memref<40x128xi32, #tpu.memory_space<vmem>> -> memref<1x128xi32, #tpu.memory_space<vmem>>
        %dma_start3A_66 = tpu.memref_squeeze %dma_start3A_65 : memref<1x128xi32, #tpu.memory_space<vmem>> -> memref<128xi32, #tpu.memory_space<vmem>>
        %dma_start3A_67 = arith.constant 0 : i32
        %dma_start3A_68 = arith.constant 0 : i32
        %dma_start3A_69 = tpu.memref_slice %arg2[%dma_start3A_67, %dma_start3A_68] : memref<10000x128xf32, #tpu.memory_space<hbm>> -> memref<10000x128xf32, #tpu.memory_space<hbm>>
        tpu.enqueue_indirect_dma source(%dma_start3A_69 : memref<10000x128xf32, #tpu.memory_space<hbm>>) target(%arg11 : memref<128x128xf32, #tpu.memory_space<vmem>>) offsets(%dma_start3A_66 : memref<128xi32, #tpu.memory_space<vmem>>) semaphore(%arg13 : memref<!tpu.dma_semaphore, #tpu.memory_space<semaphore_mem>>)
        %dma_wait3A = arith.constant 0 : i32
        %dma_wait3A_70 = tpu.memref_slice %arg8[%mul3A_61, %dma_wait3A] : memref<40x128xi32, #tpu.memory_space<vmem>> -> memref<1x128xi32, #tpu.memory_space<vmem>>
        %dma_wait3A_71 = tpu.memref_squeeze %dma_wait3A_70 : memref<1x128xi32, #tpu.memory_space<vmem>> -> memref<128xi32, #tpu.memory_space<vmem>>
        %dma_wait3A_72 = arith.constant 0 : i32
        %dma_wait3A_73 = arith.constant 0 : i32
        %dma_wait3A_74 = tpu.memref_slice %arg2[%dma_wait3A_72, %dma_wait3A_73] : memref<10000x128xf32, #tpu.memory_space<hbm>> -> memref<10000x128xf32, #tpu.memory_space<hbm>>
        tpu.wait_indirect_dma semaphore(%arg12 : memref<!tpu.dma_semaphore, #tpu.memory_space<semaphore_mem>>) src(%dma_wait3A_74 : memref<10000x128xf32, #tpu.memory_space<hbm>>) dst(%arg10 : memref<128x128xf32, #tpu.memory_space<vmem>>)
        "tpu.region"() ({
          %run_scoped3A = tpu.sem_alloc : memref<!tpu.dma_semaphore, #tpu.memory_space<semaphore_mem>>
          %dma_start3A_88 = arith.constant 0 : i32
          %dma_start3A_89 = tpu.memref_slice %arg9[%mul3A_61, %dma_start3A_88] : memref<40x128xi32, #tpu.memory_space<vmem>> -> memref<1x128xi32, #tpu.memory_space<vmem>>
          %dma_start3A_90 = tpu.memref_squeeze %dma_start3A_89 : memref<1x128xi32, #tpu.memory_space<vmem>> -> memref<128xi32, #tpu.memory_space<vmem>>
          %dma_start3A_91 = arith.constant 0 : i32
          %dma_start3A_92 = arith.constant 0 : i32
          %dma_start3A_93 = tpu.memref_slice %arg7[%dma_start3A_91, %dma_start3A_92] : memref<10240x128xf32, #tpu.memory_space<vmem_shared>> -> memref<10240x128xf32, #tpu.memory_space<vmem_shared>>
          tpu.enqueue_indirect_dma source(%arg10 : memref<128x128xf32, #tpu.memory_space<vmem>>) target(%dma_start3A_93 : memref<10240x128xf32, #tpu.memory_space<vmem_shared>>) offsets(%dma_start3A_90 : memref<128xi32, #tpu.memory_space<vmem>>) semaphore(%run_scoped3A : memref<!tpu.dma_semaphore, #tpu.memory_space<semaphore_mem>>) {add = true}
          %dma_wait3A_94 = arith.constant 0 : i32
          %dma_wait3A_95 = tpu.memref_slice %arg9[%mul3A_61, %dma_wait3A_94] : memref<40x128xi32, #tpu.memory_space<vmem>> -> memref<1x128xi32, #tpu.memory_space<vmem>>
          %dma_wait3A_96 = tpu.memref_squeeze %dma_wait3A_95 : memref<1x128xi32, #tpu.memory_space<vmem>> -> memref<128xi32, #tpu.memory_space<vmem>>
          %dma_wait3A_97 = arith.constant 0 : i32
          %dma_wait3A_98 = arith.constant 0 : i32
          %dma_wait3A_99 = tpu.memref_slice %arg7[%dma_wait3A_97, %dma_wait3A_98] : memref<10240x128xf32, #tpu.memory_space<vmem_shared>> -> memref<10240x128xf32, #tpu.memory_space<vmem_shared>>
          tpu.wait_indirect_dma semaphore(%run_scoped3A : memref<!tpu.dma_semaphore, #tpu.memory_space<semaphore_mem>>) src(%arg10 : memref<128x128xf32, #tpu.memory_space<vmem>>) dst(%dma_wait3A_99 : memref<10240x128xf32, #tpu.memory_space<vmem_shared>>)
          tpu.yield
        }) : () -> ()
        %lt3A_75 = arith.constant 19 : i32
        %lt3A_76 = arith.cmpi slt, %while3A_59, %lt3A_75 : i32
        %convert_element_type3A_77 = arith.extui %lt3A_76 : i1 to i32
        %cond3A_78 = arith.constant 0 : i32
        %cond3A_79 = arith.cmpi ne, %convert_element_type3A_77, %cond3A_78 : i32
        scf.if %cond3A_79 {
          %add3A_88 = arith.constant 2 : i32
          %add3A_89 = arith.addi %mul3A_61, %add3A_88 : i32
          %dma_start3A_90 = arith.constant 0 : i32
          %dma_start3A_91 = tpu.memref_slice %arg8[%add3A_89, %dma_start3A_90] : memref<40x128xi32, #tpu.memory_space<vmem>> -> memref<1x128xi32, #tpu.memory_space<vmem>>
          %dma_start3A_92 = tpu.memref_squeeze %dma_start3A_91 : memref<1x128xi32, #tpu.memory_space<vmem>> -> memref<128xi32, #tpu.memory_space<vmem>>
          %dma_start3A_93 = arith.constant 0 : i32
          %dma_start3A_94 = arith.constant 0 : i32
          %dma_start3A_95 = tpu.memref_slice %arg2[%dma_start3A_93, %dma_start3A_94] : memref<10000x128xf32, #tpu.memory_space<hbm>> -> memref<10000x128xf32, #tpu.memory_space<hbm>>
          tpu.enqueue_indirect_dma source(%dma_start3A_95 : memref<10000x128xf32, #tpu.memory_space<hbm>>) target(%arg10 : memref<128x128xf32, #tpu.memory_space<vmem>>) offsets(%dma_start3A_92 : memref<128xi32, #tpu.memory_space<vmem>>) semaphore(%arg12 : memref<!tpu.dma_semaphore, #tpu.memory_space<semaphore_mem>>)
        } else {
        }
        %add3A_80 = arith.constant 1 : i32
        %add3A_81 = arith.addi %mul3A_61, %add3A_80 : i32
        %dma_wait3A_82 = arith.constant 0 : i32
        %dma_wait3A_83 = tpu.memref_slice %arg8[%add3A_81, %dma_wait3A_82] : memref<40x128xi32, #tpu.memory_space<vmem>> -> memref<1x128xi32, #tpu.memory_space<vmem>>
        %dma_wait3A_84 = tpu.memref_squeeze %dma_wait3A_83 : memref<1x128xi32, #tpu.memory_space<vmem>> -> memref<128xi32, #tpu.memory_space<vmem>>
        %dma_wait3A_85 = arith.constant 0 : i32
        %dma_wait3A_86 = arith.constant 0 : i32
        %dma_wait3A_87 = tpu.memref_slice %arg2[%dma_wait3A_85, %dma_wait3A_86] : memref<10000x128xf32, #tpu.memory_space<hbm>> -> memref<10000x128xf32, #tpu.memory_space<hbm>>
        tpu.wait_indirect_dma semaphore(%arg13 : memref<!tpu.dma_semaphore, #tpu.memory_space<semaphore_mem>>) src(%dma_wait3A_87 : memref<10000x128xf32, #tpu.memory_space<hbm>>) dst(%arg11 : memref<128x128xf32, #tpu.memory_space<vmem>>)
        "tpu.region"() ({
          %run_scoped3A = tpu.sem_alloc : memref<!tpu.dma_semaphore, #tpu.memory_space<semaphore_mem>>
          %dma_start3A_88 = arith.constant 0 : i32
          %dma_start3A_89 = tpu.memref_slice %arg9[%add3A_81, %dma_start3A_88] : memref<40x128xi32, #tpu.memory_space<vmem>> -> memref<1x128xi32, #tpu.memory_space<vmem>>
          %dma_start3A_90 = tpu.memref_squeeze %dma_start3A_89 : memref<1x128xi32, #tpu.memory_space<vmem>> -> memref<128xi32, #tpu.memory_space<vmem>>
          %dma_start3A_91 = arith.constant 0 : i32
          %dma_start3A_92 = arith.constant 0 : i32
          %dma_start3A_93 = tpu.memref_slice %arg7[%dma_start3A_91, %dma_start3A_92] : memref<10240x128xf32, #tpu.memory_space<vmem_shared>> -> memref<10240x128xf32, #tpu.memory_space<vmem_shared>>
          tpu.enqueue_indirect_dma source(%arg11 : memref<128x128xf32, #tpu.memory_space<vmem>>) target(%dma_start3A_93 : memref<10240x128xf32, #tpu.memory_space<vmem_shared>>) offsets(%dma_start3A_90 : memref<128xi32, #tpu.memory_space<vmem>>) semaphore(%run_scoped3A : memref<!tpu.dma_semaphore, #tpu.memory_space<semaphore_mem>>) {add = true}
          %dma_wait3A_94 = arith.constant 0 : i32
          %dma_wait3A_95 = tpu.memref_slice %arg9[%add3A_81, %dma_wait3A_94] : memref<40x128xi32, #tpu.memory_space<vmem>> -> memref<1x128xi32, #tpu.memory_space<vmem>>
          %dma_wait3A_96 = tpu.memref_squeeze %dma_wait3A_95 : memref<1x128xi32, #tpu.memory_space<vmem>> -> memref<128xi32, #tpu.memory_space<vmem>>
          %dma_wait3A_97 = arith.constant 0 : i32
          %dma_wait3A_98 = arith.constant 0 : i32
          %dma_wait3A_99 = tpu.memref_slice %arg7[%dma_wait3A_97, %dma_wait3A_98] : memref<10240x128xf32, #tpu.memory_space<vmem_shared>> -> memref<10240x128xf32, #tpu.memory_space<vmem_shared>>
          tpu.wait_indirect_dma semaphore(%run_scoped3A : memref<!tpu.dma_semaphore, #tpu.memory_space<semaphore_mem>>) src(%arg11 : memref<128x128xf32, #tpu.memory_space<vmem>>) dst(%dma_wait3A_99 : memref<10240x128xf32, #tpu.memory_space<vmem_shared>>)
          tpu.yield
        }) : () -> ()
      }
    } else {
    }
    %lt3A_25 = arith.constant 80 : i32
    %lt3A_26 = arith.cmpi slt, %lt3A_25, %select_n3A : i32
    %convert_element_type3A_27 = arith.extui %lt3A_26 : i1 to i32
    %cond3A_28 = arith.constant 0 : i32
    %cond3A_29 = arith.cmpi ne, %convert_element_type3A_27, %cond3A_28 : i32
    scf.if %cond3A_29 {
      %add3A_41 = arith.constant 80 : i32
      %add3A_42 = arith.addi %select_n3A_8, %add3A_41 : i32
      "tpu.region"() ({
        %run_scoped3A = tpu.sem_alloc : memref<!tpu.dma_semaphore, #tpu.memory_space<semaphore_mem>>
        %dma_start3A_59 = arith.constant 0 : i32
        %dma_start3A_60 = tpu.memref_slice %arg3[%add3A_42, %dma_start3A_59] : memref<2560x128xi32, #tpu.memory_space<hbm>> -> memref<40x128xi32, #tpu.memory_space<hbm>>
        %dma_start3A_61 = arith.constant 0 : i32
        %dma_start3A_62 = tpu.memref_slice %arg3[%add3A_42, %dma_start3A_61] : memref<2560x128xi32, #tpu.memory_space<hbm>> -> memref<40x128xi32, #tpu.memory_space<hbm>>
        tpu.enqueue_dma source(%dma_start3A_62 : memref<40x128xi32, #tpu.memory_space<hbm>>) target(%arg8 : memref<40x128xi32, #tpu.memory_space<vmem>>) target_semaphore(%run_scoped3A : memref<!tpu.dma_semaphore, #tpu.memory_space<semaphore_mem>>)
        %dma_wait3A = arith.constant 0 : i32
        %dma_wait3A_63 = tpu.memref_slice %arg3[%add3A_42, %dma_wait3A] : memref<2560x128xi32, #tpu.memory_space<hbm>> -> memref<40x128xi32, #tpu.memory_space<hbm>>
        %dma_wait3A_64 = arith.constant 0 : i32
        %dma_wait3A_65 = tpu.memref_slice %arg3[%add3A_42, %dma_wait3A_64] : memref<2560x128xi32, #tpu.memory_space<hbm>> -> memref<40x128xi32, #tpu.memory_space<hbm>>
        tpu.wait_dma2 semaphore(%run_scoped3A : memref<!tpu.dma_semaphore, #tpu.memory_space<semaphore_mem>>) src(%dma_wait3A_65 : memref<40x128xi32, #tpu.memory_space<hbm>>) dst(%arg8 : memref<40x128xi32, #tpu.memory_space<vmem>>)
        tpu.yield
      }) : () -> ()
      "tpu.region"() ({
        %run_scoped3A = tpu.sem_alloc : memref<!tpu.dma_semaphore, #tpu.memory_space<semaphore_mem>>
        %dma_start3A_59 = arith.constant 0 : i32
        %dma_start3A_60 = tpu.memref_slice %arg4[%add3A_42, %dma_start3A_59] : memref<2560x128xi32, #tpu.memory_space<hbm>> -> memref<40x128xi32, #tpu.memory_space<hbm>>
        %dma_start3A_61 = arith.constant 0 : i32
        %dma_start3A_62 = tpu.memref_slice %arg4[%add3A_42, %dma_start3A_61] : memref<2560x128xi32, #tpu.memory_space<hbm>> -> memref<40x128xi32, #tpu.memory_space<hbm>>
        tpu.enqueue_dma source(%dma_start3A_62 : memref<40x128xi32, #tpu.memory_space<hbm>>) target(%arg9 : memref<40x128xi32, #tpu.memory_space<vmem>>) target_semaphore(%run_scoped3A : memref<!tpu.dma_semaphore, #tpu.memory_space<semaphore_mem>>)
        %dma_wait3A = arith.constant 0 : i32
        %dma_wait3A_63 = tpu.memref_slice %arg4[%add3A_42, %dma_wait3A] : memref<2560x128xi32, #tpu.memory_space<hbm>> -> memref<40x128xi32, #tpu.memory_space<hbm>>
        %dma_wait3A_64 = arith.constant 0 : i32
        %dma_wait3A_65 = tpu.memref_slice %arg4[%add3A_42, %dma_wait3A_64] : memref<2560x128xi32, #tpu.memory_space<hbm>> -> memref<40x128xi32, #tpu.memory_space<hbm>>
        tpu.wait_dma2 semaphore(%run_scoped3A : memref<!tpu.dma_semaphore, #tpu.memory_space<semaphore_mem>>) src(%dma_wait3A_65 : memref<40x128xi32, #tpu.memory_space<hbm>>) dst(%arg9 : memref<40x128xi32, #tpu.memory_space<vmem>>)
        tpu.yield
      }) : () -> ()
      %dma_start3A = arith.constant 0 : i32
      %dma_start3A_43 = arith.constant 0 : i32
      %dma_start3A_44 = tpu.memref_slice %arg8[%dma_start3A, %dma_start3A_43] : memref<40x128xi32, #tpu.memory_space<vmem>> -> memref<1x128xi32, #tpu.memory_space<vmem>>
      %dma_start3A_45 = tpu.memref_squeeze %dma_start3A_44 : memref<1x128xi32, #tpu.memory_space<vmem>> -> memref<128xi32, #tpu.memory_space<vmem>>
      %dma_start3A_46 = arith.constant 0 : i32
      %dma_start3A_47 = arith.constant 0 : i32
      %dma_start3A_48 = tpu.memref_slice %arg2[%dma_start3A_46, %dma_start3A_47] : memref<10000x128xf32, #tpu.memory_space<hbm>> -> memref<10000x128xf32, #tpu.memory_space<hbm>>
      tpu.enqueue_indirect_dma source(%dma_start3A_48 : memref<10000x128xf32, #tpu.memory_space<hbm>>) target(%arg10 : memref<128x128xf32, #tpu.memory_space<vmem>>) offsets(%dma_start3A_45 : memref<128xi32, #tpu.memory_space<vmem>>) semaphore(%arg12 : memref<!tpu.dma_semaphore, #tpu.memory_space<semaphore_mem>>)
      %while3A_49 = arith.constant 0 : i32
      %while3A_50 = arith.constant 20 : i32
      %while3A_51 = arith.subi %while3A_50, %while3A_49 : i32
      %while3A_52 = arith.addi %while3A_49, %while3A_51 : i32
      %while3A_53 = arith.constant 1 : i32
      %while3A_54 = arith.divsi %while3A_51, %while3A_53 : i32
      %while3A_55 = arith.muli %while3A_54, %while3A_53 : i32
      %while3A_56 = arith.addi %while3A_49, %while3A_55 : i32
      %while3A_57 = arith.constant 1 : i32
      scf.for %while3A_59 = %while3A_49 to %while3A_56 step %while3A_57  : i32 {
        %mul3A_60 = arith.constant 2 : i32
        %mul3A_61 = arith.muli %mul3A_60, %while3A_59 : i32
        %add3A_62 = arith.constant 1 : i32
        %add3A_63 = arith.addi %mul3A_61, %add3A_62 : i32
        %dma_start3A_64 = arith.constant 0 : i32
        %dma_start3A_65 = tpu.memref_slice %arg8[%add3A_63, %dma_start3A_64] : memref<40x128xi32, #tpu.memory_space<vmem>> -> memref<1x128xi32, #tpu.memory_space<vmem>>
        %dma_start3A_66 = tpu.memref_squeeze %dma_start3A_65 : memref<1x128xi32, #tpu.memory_space<vmem>> -> memref<128xi32, #tpu.memory_space<vmem>>
        %dma_start3A_67 = arith.constant 0 : i32
        %dma_start3A_68 = arith.constant 0 : i32
        %dma_start3A_69 = tpu.memref_slice %arg2[%dma_start3A_67, %dma_start3A_68] : memref<10000x128xf32, #tpu.memory_space<hbm>> -> memref<10000x128xf32, #tpu.memory_space<hbm>>
        tpu.enqueue_indirect_dma source(%dma_start3A_69 : memref<10000x128xf32, #tpu.memory_space<hbm>>) target(%arg11 : memref<128x128xf32, #tpu.memory_space<vmem>>) offsets(%dma_start3A_66 : memref<128xi32, #tpu.memory_space<vmem>>) semaphore(%arg13 : memref<!tpu.dma_semaphore, #tpu.memory_space<semaphore_mem>>)
        %dma_wait3A = arith.constant 0 : i32
        %dma_wait3A_70 = tpu.memref_slice %arg8[%mul3A_61, %dma_wait3A] : memref<40x128xi32, #tpu.memory_space<vmem>> -> memref<1x128xi32, #tpu.memory_space<vmem>>
        %dma_wait3A_71 = tpu.memref_squeeze %dma_wait3A_70 : memref<1x128xi32, #tpu.memory_space<vmem>> -> memref<128xi32, #tpu.memory_space<vmem>>
        %dma_wait3A_72 = arith.constant 0 : i32
        %dma_wait3A_73 = arith.constant 0 : i32
        %dma_wait3A_74 = tpu.memref_slice %arg2[%dma_wait3A_72, %dma_wait3A_73] : memref<10000x128xf32, #tpu.memory_space<hbm>> -> memref<10000x128xf32, #tpu.memory_space<hbm>>
        tpu.wait_indirect_dma semaphore(%arg12 : memref<!tpu.dma_semaphore, #tpu.memory_space<semaphore_mem>>) src(%dma_wait3A_74 : memref<10000x128xf32, #tpu.memory_space<hbm>>) dst(%arg10 : memref<128x128xf32, #tpu.memory_space<vmem>>)
        "tpu.region"() ({
          %run_scoped3A = tpu.sem_alloc : memref<!tpu.dma_semaphore, #tpu.memory_space<semaphore_mem>>
          %dma_start3A_88 = arith.constant 0 : i32
          %dma_start3A_89 = tpu.memref_slice %arg9[%mul3A_61, %dma_start3A_88] : memref<40x128xi32, #tpu.memory_space<vmem>> -> memref<1x128xi32, #tpu.memory_space<vmem>>
          %dma_start3A_90 = tpu.memref_squeeze %dma_start3A_89 : memref<1x128xi32, #tpu.memory_space<vmem>> -> memref<128xi32, #tpu.memory_space<vmem>>
          %dma_start3A_91 = arith.constant 0 : i32
          %dma_start3A_92 = arith.constant 0 : i32
          %dma_start3A_93 = tpu.memref_slice %arg7[%dma_start3A_91, %dma_start3A_92] : memref<10240x128xf32, #tpu.memory_space<vmem_shared>> -> memref<10240x128xf32, #tpu.memory_space<vmem_shared>>
          tpu.enqueue_indirect_dma source(%arg10 : memref<128x128xf32, #tpu.memory_space<vmem>>) target(%dma_start3A_93 : memref<10240x128xf32, #tpu.memory_space<vmem_shared>>) offsets(%dma_start3A_90 : memref<128xi32, #tpu.memory_space<vmem>>) semaphore(%run_scoped3A : memref<!tpu.dma_semaphore, #tpu.memory_space<semaphore_mem>>) {add = true}
          %dma_wait3A_94 = arith.constant 0 : i32
          %dma_wait3A_95 = tpu.memref_slice %arg9[%mul3A_61, %dma_wait3A_94] : memref<40x128xi32, #tpu.memory_space<vmem>> -> memref<1x128xi32, #tpu.memory_space<vmem>>
          %dma_wait3A_96 = tpu.memref_squeeze %dma_wait3A_95 : memref<1x128xi32, #tpu.memory_space<vmem>> -> memref<128xi32, #tpu.memory_space<vmem>>
          %dma_wait3A_97 = arith.constant 0 : i32
          %dma_wait3A_98 = arith.constant 0 : i32
          %dma_wait3A_99 = tpu.memref_slice %arg7[%dma_wait3A_97, %dma_wait3A_98] : memref<10240x128xf32, #tpu.memory_space<vmem_shared>> -> memref<10240x128xf32, #tpu.memory_space<vmem_shared>>
          tpu.wait_indirect_dma semaphore(%run_scoped3A : memref<!tpu.dma_semaphore, #tpu.memory_space<semaphore_mem>>) src(%arg10 : memref<128x128xf32, #tpu.memory_space<vmem>>) dst(%dma_wait3A_99 : memref<10240x128xf32, #tpu.memory_space<vmem_shared>>)
          tpu.yield
        }) : () -> ()
        %lt3A_75 = arith.constant 19 : i32
        %lt3A_76 = arith.cmpi slt, %while3A_59, %lt3A_75 : i32
        %convert_element_type3A_77 = arith.extui %lt3A_76 : i1 to i32
        %cond3A_78 = arith.constant 0 : i32
        %cond3A_79 = arith.cmpi ne, %convert_element_type3A_77, %cond3A_78 : i32
        scf.if %cond3A_79 {
          %add3A_88 = arith.constant 2 : i32
          %add3A_89 = arith.addi %mul3A_61, %add3A_88 : i32
          %dma_start3A_90 = arith.constant 0 : i32
          %dma_start3A_91 = tpu.memref_slice %arg8[%add3A_89, %dma_start3A_90] : memref<40x128xi32, #tpu.memory_space<vmem>> -> memref<1x128xi32, #tpu.memory_space<vmem>>
          %dma_start3A_92 = tpu.memref_squeeze %dma_start3A_91 : memref<1x128xi32, #tpu.memory_space<vmem>> -> memref<128xi32, #tpu.memory_space<vmem>>
          %dma_start3A_93 = arith.constant 0 : i32
          %dma_start3A_94 = arith.constant 0 : i32
          %dma_start3A_95 = tpu.memref_slice %arg2[%dma_start3A_93, %dma_start3A_94] : memref<10000x128xf32, #tpu.memory_space<hbm>> -> memref<10000x128xf32, #tpu.memory_space<hbm>>
          tpu.enqueue_indirect_dma source(%dma_start3A_95 : memref<10000x128xf32, #tpu.memory_space<hbm>>) target(%arg10 : memref<128x128xf32, #tpu.memory_space<vmem>>) offsets(%dma_start3A_92 : memref<128xi32, #tpu.memory_space<vmem>>) semaphore(%arg12 : memref<!tpu.dma_semaphore, #tpu.memory_space<semaphore_mem>>)
        } else {
        }
        %add3A_80 = arith.constant 1 : i32
        %add3A_81 = arith.addi %mul3A_61, %add3A_80 : i32
        %dma_wait3A_82 = arith.constant 0 : i32
        %dma_wait3A_83 = tpu.memref_slice %arg8[%add3A_81, %dma_wait3A_82] : memref<40x128xi32, #tpu.memory_space<vmem>> -> memref<1x128xi32, #tpu.memory_space<vmem>>
        %dma_wait3A_84 = tpu.memref_squeeze %dma_wait3A_83 : memref<1x128xi32, #tpu.memory_space<vmem>> -> memref<128xi32, #tpu.memory_space<vmem>>
        %dma_wait3A_85 = arith.constant 0 : i32
        %dma_wait3A_86 = arith.constant 0 : i32
        %dma_wait3A_87 = tpu.memref_slice %arg2[%dma_wait3A_85, %dma_wait3A_86] : memref<10000x128xf32, #tpu.memory_space<hbm>> -> memref<10000x128xf32, #tpu.memory_space<hbm>>
        tpu.wait_indirect_dma semaphore(%arg13 : memref<!tpu.dma_semaphore, #tpu.memory_space<semaphore_mem>>) src(%dma_wait3A_87 : memref<10000x128xf32, #tpu.memory_space<hbm>>) dst(%arg11 : memref<128x128xf32, #tpu.memory_space<vmem>>)
        "tpu.region"() ({
          %run_scoped3A = tpu.sem_alloc : memref<!tpu.dma_semaphore, #tpu.memory_space<semaphore_mem>>
          %dma_start3A_88 = arith.constant 0 : i32
          %dma_start3A_89 = tpu.memref_slice %arg9[%add3A_81, %dma_start3A_88] : memref<40x128xi32, #tpu.memory_space<vmem>> -> memref<1x128xi32, #tpu.memory_space<vmem>>
          %dma_start3A_90 = tpu.memref_squeeze %dma_start3A_89 : memref<1x128xi32, #tpu.memory_space<vmem>> -> memref<128xi32, #tpu.memory_space<vmem>>
          %dma_start3A_91 = arith.constant 0 : i32
          %dma_start3A_92 = arith.constant 0 : i32
          %dma_start3A_93 = tpu.memref_slice %arg7[%dma_start3A_91, %dma_start3A_92] : memref<10240x128xf32, #tpu.memory_space<vmem_shared>> -> memref<10240x128xf32, #tpu.memory_space<vmem_shared>>
          tpu.enqueue_indirect_dma source(%arg11 : memref<128x128xf32, #tpu.memory_space<vmem>>) target(%dma_start3A_93 : memref<10240x128xf32, #tpu.memory_space<vmem_shared>>) offsets(%dma_start3A_90 : memref<128xi32, #tpu.memory_space<vmem>>) semaphore(%run_scoped3A : memref<!tpu.dma_semaphore, #tpu.memory_space<semaphore_mem>>) {add = true}
          %dma_wait3A_94 = arith.constant 0 : i32
          %dma_wait3A_95 = tpu.memref_slice %arg9[%add3A_81, %dma_wait3A_94] : memref<40x128xi32, #tpu.memory_space<vmem>> -> memref<1x128xi32, #tpu.memory_space<vmem>>
          %dma_wait3A_96 = tpu.memref_squeeze %dma_wait3A_95 : memref<1x128xi32, #tpu.memory_space<vmem>> -> memref<128xi32, #tpu.memory_space<vmem>>
          %dma_wait3A_97 = arith.constant 0 : i32
          %dma_wait3A_98 = arith.constant 0 : i32
          %dma_wait3A_99 = tpu.memref_slice %arg7[%dma_wait3A_97, %dma_wait3A_98] : memref<10240x128xf32, #tpu.memory_space<vmem_shared>> -> memref<10240x128xf32, #tpu.memory_space<vmem_shared>>
          tpu.wait_indirect_dma semaphore(%run_scoped3A : memref<!tpu.dma_semaphore, #tpu.memory_space<semaphore_mem>>) src(%arg11 : memref<128x128xf32, #tpu.memory_space<vmem>>) dst(%dma_wait3A_99 : memref<10240x128xf32, #tpu.memory_space<vmem_shared>>)
          tpu.yield
        }) : () -> ()
      }
      %while3A_58 = arith.constant 1 : i32
      scf.for %while3A_59 = %while3A_56 to %while3A_52 step %while3A_58  : i32 {
        %mul3A_60 = arith.constant 2 : i32
        %mul3A_61 = arith.muli %mul3A_60, %while3A_59 : i32
        %add3A_62 = arith.constant 1 : i32
        %add3A_63 = arith.addi %mul3A_61, %add3A_62 : i32
        %dma_start3A_64 = arith.constant 0 : i32
        %dma_start3A_65 = tpu.memref_slice %arg8[%add3A_63, %dma_start3A_64] : memref<40x128xi32, #tpu.memory_space<vmem>> -> memref<1x128xi32, #tpu.memory_space<vmem>>
        %dma_start3A_66 = tpu.memref_squeeze %dma_start3A_65 : memref<1x128xi32, #tpu.memory_space<vmem>> -> memref<128xi32, #tpu.memory_space<vmem>>
        %dma_start3A_67 = arith.constant 0 : i32
        %dma_start3A_68 = arith.constant 0 : i32
        %dma_start3A_69 = tpu.memref_slice %arg2[%dma_start3A_67, %dma_start3A_68] : memref<10000x128xf32, #tpu.memory_space<hbm>> -> memref<10000x128xf32, #tpu.memory_space<hbm>>
        tpu.enqueue_indirect_dma source(%dma_start3A_69 : memref<10000x128xf32, #tpu.memory_space<hbm>>) target(%arg11 : memref<128x128xf32, #tpu.memory_space<vmem>>) offsets(%dma_start3A_66 : memref<128xi32, #tpu.memory_space<vmem>>) semaphore(%arg13 : memref<!tpu.dma_semaphore, #tpu.memory_space<semaphore_mem>>)
        %dma_wait3A = arith.constant 0 : i32
        %dma_wait3A_70 = tpu.memref_slice %arg8[%mul3A_61, %dma_wait3A] : memref<40x128xi32, #tpu.memory_space<vmem>> -> memref<1x128xi32, #tpu.memory_space<vmem>>
        %dma_wait3A_71 = tpu.memref_squeeze %dma_wait3A_70 : memref<1x128xi32, #tpu.memory_space<vmem>> -> memref<128xi32, #tpu.memory_space<vmem>>
        %dma_wait3A_72 = arith.constant 0 : i32
        %dma_wait3A_73 = arith.constant 0 : i32
        %dma_wait3A_74 = tpu.memref_slice %arg2[%dma_wait3A_72, %dma_wait3A_73] : memref<10000x128xf32, #tpu.memory_space<hbm>> -> memref<10000x128xf32, #tpu.memory_space<hbm>>
        tpu.wait_indirect_dma semaphore(%arg12 : memref<!tpu.dma_semaphore, #tpu.memory_space<semaphore_mem>>) src(%dma_wait3A_74 : memref<10000x128xf32, #tpu.memory_space<hbm>>) dst(%arg10 : memref<128x128xf32, #tpu.memory_space<vmem>>)
        "tpu.region"() ({
          %run_scoped3A = tpu.sem_alloc : memref<!tpu.dma_semaphore, #tpu.memory_space<semaphore_mem>>
          %dma_start3A_88 = arith.constant 0 : i32
          %dma_start3A_89 = tpu.memref_slice %arg9[%mul3A_61, %dma_start3A_88] : memref<40x128xi32, #tpu.memory_space<vmem>> -> memref<1x128xi32, #tpu.memory_space<vmem>>
          %dma_start3A_90 = tpu.memref_squeeze %dma_start3A_89 : memref<1x128xi32, #tpu.memory_space<vmem>> -> memref<128xi32, #tpu.memory_space<vmem>>
          %dma_start3A_91 = arith.constant 0 : i32
          %dma_start3A_92 = arith.constant 0 : i32
          %dma_start3A_93 = tpu.memref_slice %arg7[%dma_start3A_91, %dma_start3A_92] : memref<10240x128xf32, #tpu.memory_space<vmem_shared>> -> memref<10240x128xf32, #tpu.memory_space<vmem_shared>>
          tpu.enqueue_indirect_dma source(%arg10 : memref<128x128xf32, #tpu.memory_space<vmem>>) target(%dma_start3A_93 : memref<10240x128xf32, #tpu.memory_space<vmem_shared>>) offsets(%dma_start3A_90 : memref<128xi32, #tpu.memory_space<vmem>>) semaphore(%run_scoped3A : memref<!tpu.dma_semaphore, #tpu.memory_space<semaphore_mem>>) {add = true}
          %dma_wait3A_94 = arith.constant 0 : i32
          %dma_wait3A_95 = tpu.memref_slice %arg9[%mul3A_61, %dma_wait3A_94] : memref<40x128xi32, #tpu.memory_space<vmem>> -> memref<1x128xi32, #tpu.memory_space<vmem>>
          %dma_wait3A_96 = tpu.memref_squeeze %dma_wait3A_95 : memref<1x128xi32, #tpu.memory_space<vmem>> -> memref<128xi32, #tpu.memory_space<vmem>>
          %dma_wait3A_97 = arith.constant 0 : i32
          %dma_wait3A_98 = arith.constant 0 : i32
          %dma_wait3A_99 = tpu.memref_slice %arg7[%dma_wait3A_97, %dma_wait3A_98] : memref<10240x128xf32, #tpu.memory_space<vmem_shared>> -> memref<10240x128xf32, #tpu.memory_space<vmem_shared>>
          tpu.wait_indirect_dma semaphore(%run_scoped3A : memref<!tpu.dma_semaphore, #tpu.memory_space<semaphore_mem>>) src(%arg10 : memref<128x128xf32, #tpu.memory_space<vmem>>) dst(%dma_wait3A_99 : memref<10240x128xf32, #tpu.memory_space<vmem_shared>>)
          tpu.yield
        }) : () -> ()
        %lt3A_75 = arith.constant 19 : i32
        %lt3A_76 = arith.cmpi slt, %while3A_59, %lt3A_75 : i32
        %convert_element_type3A_77 = arith.extui %lt3A_76 : i1 to i32
        %cond3A_78 = arith.constant 0 : i32
        %cond3A_79 = arith.cmpi ne, %convert_element_type3A_77, %cond3A_78 : i32
        scf.if %cond3A_79 {
          %add3A_88 = arith.constant 2 : i32
          %add3A_89 = arith.addi %mul3A_61, %add3A_88 : i32
          %dma_start3A_90 = arith.constant 0 : i32
          %dma_start3A_91 = tpu.memref_slice %arg8[%add3A_89, %dma_start3A_90] : memref<40x128xi32, #tpu.memory_space<vmem>> -> memref<1x128xi32, #tpu.memory_space<vmem>>
          %dma_start3A_92 = tpu.memref_squeeze %dma_start3A_91 : memref<1x128xi32, #tpu.memory_space<vmem>> -> memref<128xi32, #tpu.memory_space<vmem>>
          %dma_start3A_93 = arith.constant 0 : i32
          %dma_start3A_94 = arith.constant 0 : i32
          %dma_start3A_95 = tpu.memref_slice %arg2[%dma_start3A_93, %dma_start3A_94] : memref<10000x128xf32, #tpu.memory_space<hbm>> -> memref<10000x128xf32, #tpu.memory_space<hbm>>
          tpu.enqueue_indirect_dma source(%dma_start3A_95 : memref<10000x128xf32, #tpu.memory_space<hbm>>) target(%arg10 : memref<128x128xf32, #tpu.memory_space<vmem>>) offsets(%dma_start3A_92 : memref<128xi32, #tpu.memory_space<vmem>>) semaphore(%arg12 : memref<!tpu.dma_semaphore, #tpu.memory_space<semaphore_mem>>)
        } else {
        }
        %add3A_80 = arith.constant 1 : i32
        %add3A_81 = arith.addi %mul3A_61, %add3A_80 : i32
        %dma_wait3A_82 = arith.constant 0 : i32
        %dma_wait3A_83 = tpu.memref_slice %arg8[%add3A_81, %dma_wait3A_82] : memref<40x128xi32, #tpu.memory_space<vmem>> -> memref<1x128xi32, #tpu.memory_space<vmem>>
        %dma_wait3A_84 = tpu.memref_squeeze %dma_wait3A_83 : memref<1x128xi32, #tpu.memory_space<vmem>> -> memref<128xi32, #tpu.memory_space<vmem>>
        %dma_wait3A_85 = arith.constant 0 : i32
        %dma_wait3A_86 = arith.constant 0 : i32
        %dma_wait3A_87 = tpu.memref_slice %arg2[%dma_wait3A_85, %dma_wait3A_86] : memref<10000x128xf32, #tpu.memory_space<hbm>> -> memref<10000x128xf32, #tpu.memory_space<hbm>>
        tpu.wait_indirect_dma semaphore(%arg13 : memref<!tpu.dma_semaphore, #tpu.memory_space<semaphore_mem>>) src(%dma_wait3A_87 : memref<10000x128xf32, #tpu.memory_space<hbm>>) dst(%arg11 : memref<128x128xf32, #tpu.memory_space<vmem>>)
        "tpu.region"() ({
          %run_scoped3A = tpu.sem_alloc : memref<!tpu.dma_semaphore, #tpu.memory_space<semaphore_mem>>
          %dma_start3A_88 = arith.constant 0 : i32
          %dma_start3A_89 = tpu.memref_slice %arg9[%add3A_81, %dma_start3A_88] : memref<40x128xi32, #tpu.memory_space<vmem>> -> memref<1x128xi32, #tpu.memory_space<vmem>>
          %dma_start3A_90 = tpu.memref_squeeze %dma_start3A_89 : memref<1x128xi32, #tpu.memory_space<vmem>> -> memref<128xi32, #tpu.memory_space<vmem>>
          %dma_start3A_91 = arith.constant 0 : i32
          %dma_start3A_92 = arith.constant 0 : i32
          %dma_start3A_93 = tpu.memref_slice %arg7[%dma_start3A_91, %dma_start3A_92] : memref<10240x128xf32, #tpu.memory_space<vmem_shared>> -> memref<10240x128xf32, #tpu.memory_space<vmem_shared>>
          tpu.enqueue_indirect_dma source(%arg11 : memref<128x128xf32, #tpu.memory_space<vmem>>) target(%dma_start3A_93 : memref<10240x128xf32, #tpu.memory_space<vmem_shared>>) offsets(%dma_start3A_90 : memref<128xi32, #tpu.memory_space<vmem>>) semaphore(%run_scoped3A : memref<!tpu.dma_semaphore, #tpu.memory_space<semaphore_mem>>) {add = true}
          %dma_wait3A_94 = arith.constant 0 : i32
          %dma_wait3A_95 = tpu.memref_slice %arg9[%add3A_81, %dma_wait3A_94] : memref<40x128xi32, #tpu.memory_space<vmem>> -> memref<1x128xi32, #tpu.memory_space<vmem>>
          %dma_wait3A_96 = tpu.memref_squeeze %dma_wait3A_95 : memref<1x128xi32, #tpu.memory_space<vmem>> -> memref<128xi32, #tpu.memory_space<vmem>>
          %dma_wait3A_97 = arith.constant 0 : i32
          %dma_wait3A_98 = arith.constant 0 : i32
          %dma_wait3A_99 = tpu.memref_slice %arg7[%dma_wait3A_97, %dma_wait3A_98] : memref<10240x128xf32, #tpu.memory_space<vmem_shared>> -> memref<10240x128xf32, #tpu.memory_space<vmem_shared>>
          tpu.wait_indirect_dma semaphore(%run_scoped3A : memref<!tpu.dma_semaphore, #tpu.memory_space<semaphore_mem>>) src(%arg11 : memref<128x128xf32, #tpu.memory_space<vmem>>) dst(%dma_wait3A_99 : memref<10240x128xf32, #tpu.memory_space<vmem_shared>>)
          tpu.yield
        }) : () -> ()
      }
    } else {
    }
    %barrier3A_30 = arith.constant 0 : index
    tpu.barrier barrier_id(%barrier3A_30)
    %while3A_31 = arith.constant 0 : i32
    %while3A_32 = arith.constant 5 : i32
    %while3A_33 = arith.subi %while3A_32, %while3A_31 : i32
    %while3A_34 = arith.addi %while3A_31, %while3A_33 : i32
    %while3A_35 = arith.constant 1 : i32
    %while3A_36 = arith.divsi %while3A_33, %while3A_35 : i32
    %while3A_37 = arith.muli %while3A_36, %while3A_35 : i32
    %while3A_38 = arith.addi %while3A_31, %while3A_37 : i32
    %while3A_39 = arith.constant 1 : i32
    scf.for %while3A_41 = %while3A_31 to %while3A_38 step %while3A_39  : i32 {
      %mul3A_42 = arith.constant 640 : i32
      %mul3A_43 = arith.muli %arg1, %mul3A_42 : i32
      %mul3A_44 = arith.constant 128 : i32
      %mul3A_45 = arith.muli %while3A_41, %mul3A_44 : i32
      %add3A_46 = arith.addi %mul3A_43, %mul3A_45 : i32
      "tpu.region"() ({
        %run_scoped3A = tpu.sem_alloc : memref<!tpu.dma_semaphore, #tpu.memory_space<semaphore_mem>>
        %dma_start3A = arith.constant 0 : i32
        %dma_start3A_47 = tpu.memref_slice %arg7[%add3A_46, %dma_start3A] : memref<10240x128xf32, #tpu.memory_space<vmem_shared>> -> memref<128x128xf32, #tpu.memory_space<vmem_shared>>
        %dma_start3A_48 = arith.constant 0 : i32
        %dma_start3A_49 = tpu.memref_slice %arg7[%add3A_46, %dma_start3A_48] : memref<10240x128xf32, #tpu.memory_space<vmem_shared>> -> memref<128x128xf32, #tpu.memory_space<vmem_shared>>
        tpu.enqueue_dma source(%dma_start3A_49 : memref<128x128xf32, #tpu.memory_space<vmem_shared>>) target(%arg10 : memref<128x128xf32, #tpu.memory_space<vmem>>) target_semaphore(%run_scoped3A : memref<!tpu.dma_semaphore, #tpu.memory_space<semaphore_mem>>)
        %dma_wait3A = arith.constant 0 : i32
        %dma_wait3A_50 = tpu.memref_slice %arg7[%add3A_46, %dma_wait3A] : memref<10240x128xf32, #tpu.memory_space<vmem_shared>> -> memref<128x128xf32, #tpu.memory_space<vmem_shared>>
        %dma_wait3A_51 = arith.constant 0 : i32
        %dma_wait3A_52 = tpu.memref_slice %arg7[%add3A_46, %dma_wait3A_51] : memref<10240x128xf32, #tpu.memory_space<vmem_shared>> -> memref<128x128xf32, #tpu.memory_space<vmem_shared>>
        tpu.wait_dma2 semaphore(%run_scoped3A : memref<!tpu.dma_semaphore, #tpu.memory_space<semaphore_mem>>) src(%dma_wait3A_52 : memref<128x128xf32, #tpu.memory_space<vmem_shared>>) dst(%arg10 : memref<128x128xf32, #tpu.memory_space<vmem>>)
        tpu.yield
      }) : () -> ()
      "tpu.region"() ({
        %run_scoped3A = tpu.sem_alloc : memref<!tpu.dma_semaphore, #tpu.memory_space<semaphore_mem>>
        %dma_start3A = arith.constant 0 : i32
        %dma_start3A_47 = tpu.memref_slice %arg6[%arg0, %add3A_46, %dma_start3A] : memref<2x10240x128xf32, #tpu.memory_space<hbm>> -> memref<1x128x128xf32, #tpu.memory_space<hbm>>
        %dma_start3A_48 = tpu.memref_squeeze %dma_start3A_47 : memref<1x128x128xf32, #tpu.memory_space<hbm>> -> memref<128x128xf32, #tpu.memory_space<hbm>>
        %dma_start3A_49 = arith.constant 0 : i32
        %dma_start3A_50 = tpu.memref_slice %arg6[%arg0, %add3A_46, %dma_start3A_49] : memref<2x10240x128xf32, #tpu.memory_space<hbm>> -> memref<1x128x128xf32, #tpu.memory_space<hbm>>
        %dma_start3A_51 = tpu.memref_squeeze %dma_start3A_50 : memref<1x128x128xf32, #tpu.memory_space<hbm>> -> memref<128x128xf32, #tpu.memory_space<hbm>>
        tpu.enqueue_dma source(%arg10 : memref<128x128xf32, #tpu.memory_space<vmem>>) target(%dma_start3A_51 : memref<128x128xf32, #tpu.memory_space<hbm>>) target_semaphore(%run_scoped3A : memref<!tpu.dma_semaphore, #tpu.memory_space<semaphore_mem>>)
        %dma_wait3A = arith.constant 0 : i32
        %dma_wait3A_52 = tpu.memref_slice %arg6[%arg0, %add3A_46, %dma_wait3A] : memref<2x10240x128xf32, #tpu.memory_space<hbm>> -> memref<1x128x128xf32, #tpu.memory_space<hbm>>
        %dma_wait3A_53 = tpu.memref_squeeze %dma_wait3A_52 : memref<1x128x128xf32, #tpu.memory_space<hbm>> -> memref<128x128xf32, #tpu.memory_space<hbm>>
        %dma_wait3A_54 = arith.constant 0 : i32
        %dma_wait3A_55 = tpu.memref_slice %arg6[%arg0, %add3A_46, %dma_wait3A_54] : memref<2x10240x128xf32, #tpu.memory_space<hbm>> -> memref<1x128x128xf32, #tpu.memory_space<hbm>>
        %dma_wait3A_56 = tpu.memref_squeeze %dma_wait3A_55 : memref<1x128x128xf32, #tpu.memory_space<hbm>> -> memref<128x128xf32, #tpu.memory_space<hbm>>
        tpu.wait_dma2 semaphore(%run_scoped3A : memref<!tpu.dma_semaphore, #tpu.memory_space<semaphore_mem>>) src(%arg10 : memref<128x128xf32, #tpu.memory_space<vmem>>) dst(%dma_wait3A_56 : memref<128x128xf32, #tpu.memory_space<hbm>>)
        tpu.yield
      }) : () -> ()
    }
    %while3A_40 = arith.constant 1 : i32
    scf.for %while3A_41 = %while3A_38 to %while3A_34 step %while3A_40  : i32 {
      %mul3A_42 = arith.constant 640 : i32
      %mul3A_43 = arith.muli %arg1, %mul3A_42 : i32
      %mul3A_44 = arith.constant 128 : i32
      %mul3A_45 = arith.muli %while3A_41, %mul3A_44 : i32
      %add3A_46 = arith.addi %mul3A_43, %mul3A_45 : i32
      "tpu.region"() ({
        %run_scoped3A = tpu.sem_alloc : memref<!tpu.dma_semaphore, #tpu.memory_space<semaphore_mem>>
        %dma_start3A = arith.constant 0 : i32
        %dma_start3A_47 = tpu.memref_slice %arg7[%add3A_46, %dma_start3A] : memref<10240x128xf32, #tpu.memory_space<vmem_shared>> -> memref<128x128xf32, #tpu.memory_space<vmem_shared>>
        %dma_start3A_48 = arith.constant 0 : i32
        %dma_start3A_49 = tpu.memref_slice %arg7[%add3A_46, %dma_start3A_48] : memref<10240x128xf32, #tpu.memory_space<vmem_shared>> -> memref<128x128xf32, #tpu.memory_space<vmem_shared>>
        tpu.enqueue_dma source(%dma_start3A_49 : memref<128x128xf32, #tpu.memory_space<vmem_shared>>) target(%arg10 : memref<128x128xf32, #tpu.memory_space<vmem>>) target_semaphore(%run_scoped3A : memref<!tpu.dma_semaphore, #tpu.memory_space<semaphore_mem>>)
        %dma_wait3A = arith.constant 0 : i32
        %dma_wait3A_50 = tpu.memref_slice %arg7[%add3A_46, %dma_wait3A] : memref<10240x128xf32, #tpu.memory_space<vmem_shared>> -> memref<128x128xf32, #tpu.memory_space<vmem_shared>>
        %dma_wait3A_51 = arith.constant 0 : i32
        %dma_wait3A_52 = tpu.memref_slice %arg7[%add3A_46, %dma_wait3A_51] : memref<10240x128xf32, #tpu.memory_space<vmem_shared>> -> memref<128x128xf32, #tpu.memory_space<vmem_shared>>
        tpu.wait_dma2 semaphore(%run_scoped3A : memref<!tpu.dma_semaphore, #tpu.memory_space<semaphore_mem>>) src(%dma_wait3A_52 : memref<128x128xf32, #tpu.memory_space<vmem_shared>>) dst(%arg10 : memref<128x128xf32, #tpu.memory_space<vmem>>)
        tpu.yield
      }) : () -> ()
      "tpu.region"() ({
        %run_scoped3A = tpu.sem_alloc : memref<!tpu.dma_semaphore, #tpu.memory_space<semaphore_mem>>
        %dma_start3A = arith.constant 0 : i32
        %dma_start3A_47 = tpu.memref_slice %arg6[%arg0, %add3A_46, %dma_start3A] : memref<2x10240x128xf32, #tpu.memory_space<hbm>> -> memref<1x128x128xf32, #tpu.memory_space<hbm>>
        %dma_start3A_48 = tpu.memref_squeeze %dma_start3A_47 : memref<1x128x128xf32, #tpu.memory_space<hbm>> -> memref<128x128xf32, #tpu.memory_space<hbm>>
        %dma_start3A_49 = arith.constant 0 : i32
        %dma_start3A_50 = tpu.memref_slice %arg6[%arg0, %add3A_46, %dma_start3A_49] : memref<2x10240x128xf32, #tpu.memory_space<hbm>> -> memref<1x128x128xf32, #tpu.memory_space<hbm>>
        %dma_start3A_51 = tpu.memref_squeeze %dma_start3A_50 : memref<1x128x128xf32, #tpu.memory_space<hbm>> -> memref<128x128xf32, #tpu.memory_space<hbm>>
        tpu.enqueue_dma source(%arg10 : memref<128x128xf32, #tpu.memory_space<vmem>>) target(%dma_start3A_51 : memref<128x128xf32, #tpu.memory_space<hbm>>) target_semaphore(%run_scoped3A : memref<!tpu.dma_semaphore, #tpu.memory_space<semaphore_mem>>)
        %dma_wait3A = arith.constant 0 : i32
        %dma_wait3A_52 = tpu.memref_slice %arg6[%arg0, %add3A_46, %dma_wait3A] : memref<2x10240x128xf32, #tpu.memory_space<hbm>> -> memref<1x128x128xf32, #tpu.memory_space<hbm>>
        %dma_wait3A_53 = tpu.memref_squeeze %dma_wait3A_52 : memref<1x128x128xf32, #tpu.memory_space<hbm>> -> memref<128x128xf32, #tpu.memory_space<hbm>>
        %dma_wait3A_54 = arith.constant 0 : i32
        %dma_wait3A_55 = tpu.memref_slice %arg6[%arg0, %add3A_46, %dma_wait3A_54] : memref<2x10240x128xf32, #tpu.memory_space<hbm>> -> memref<1x128x128xf32, #tpu.memory_space<hbm>>
        %dma_wait3A_56 = tpu.memref_squeeze %dma_wait3A_55 : memref<1x128x128xf32, #tpu.memory_space<hbm>> -> memref<128x128xf32, #tpu.memory_space<hbm>>
        tpu.wait_dma2 semaphore(%run_scoped3A : memref<!tpu.dma_semaphore, #tpu.memory_space<semaphore_mem>>) src(%arg10 : memref<128x128xf32, #tpu.memory_space<vmem>>) dst(%dma_wait3A_56 : memref<128x128xf32, #tpu.memory_space<hbm>>)
        tpu.yield
      }) : () -> ()
    }
    return
  }
}

#map = affine_map<(d0, d1) -> (0, 0)>
#map1 = affine_map<(d0, d1) -> (0, 0, 0)>
module attributes {stable_mosaic.version = 14 : i64} {
  func.func @_agg_body(%arg0: i32, %arg1: i32, %arg2: memref<10000x128xf32, #tpu.memory_space<hbm>>, %arg3: memref<2560x128xi32, #tpu.memory_space<hbm>>, %arg4: memref<2560x128xi32, #tpu.memory_space<hbm>>, %arg5: memref<128x128xf32, #tpu.memory_space<hbm>>, %arg6: memref<2x10240x128xf32, #tpu.memory_space<hbm>>, %arg7: memref<10240x128xf32, #tpu.memory_space<vmem_shared>>, %arg8: memref<40x128xi32, #tpu.memory_space<vmem>>, %arg9: memref<40x128xi32, #tpu.memory_space<vmem>>, %arg10: memref<128x128xf32, #tpu.memory_space<vmem>>, %arg11: memref<128x128xf32, #tpu.memory_space<vmem>>, %arg12: memref<!tpu.dma_semaphore, #tpu.memory_space<semaphore_mem>>, %arg13: memref<!tpu.dma_semaphore, #tpu.memory_space<semaphore_mem>>) attributes {dimension_semantics = [#tpu.dimension_semantics<core_parallel>, #tpu.dimension_semantics<subcore_parallel>], iteration_bounds = array<i64: 2, 16>, scalar_prefetch = 0 : i64, scratch_operands = 7 : i64, tpu.core_type = #tpu.core_type<sc_vector_subcore>, window_params = [{transform_indices = #map}, {transform_indices = #map}, {transform_indices = #map}, {transform_indices = #map}, {transform_indices = #map1}]} {
    %eq3A = arith.constant 0 : i32
    %eq3A_0 = arith.cmpi eq, %arg0, %eq3A : i32
    %jit3A = arith.constant 120 : i32
    %jit3A_1 = arith.constant 40 : i32
    %select_n3A = arith.select %eq3A_0, %jit3A, %jit3A_1 : i32
    %eq3A_2 = arith.constant 0 : i32
    %eq3A_3 = arith.cmpi eq, %arg0, %eq3A_2 : i32
    %mul3A = arith.constant 120 : i32
    %mul3A_4 = arith.muli %arg1, %mul3A : i32
    %mul3A_5 = arith.constant 40 : i32
    %mul3A_6 = arith.muli %arg1, %mul3A_5 : i32
    %add3A = arith.constant 1920 : i32
    %add3A_7 = arith.addi %add3A, %mul3A_6 : i32
    %select_n3A_8 = arith.select %eq3A_3, %mul3A_4, %add3A_7 : i32
    "tpu.region"() ({
      %run_scoped3A = tpu.sem_alloc : memref<!tpu.dma_semaphore, #tpu.memory_space<semaphore_mem>>
      tpu.enqueue_dma source(%arg5 : memref<128x128xf32, #tpu.memory_space<hbm>>) target(%arg10 : memref<128x128xf32, #tpu.memory_space<vmem>>) target_semaphore(%run_scoped3A : memref<!tpu.dma_semaphore, #tpu.memory_space<semaphore_mem>>)
      tpu.wait_dma2 semaphore(%run_scoped3A : memref<!tpu.dma_semaphore, #tpu.memory_space<semaphore_mem>>) src(%arg5 : memref<128x128xf32, #tpu.memory_space<hbm>>) dst(%arg10 : memref<128x128xf32, #tpu.memory_space<vmem>>)
      tpu.yield
    }) : () -> ()
    %while3A = arith.constant 0 : i32
    %while3A_9 = arith.constant 5 : i32
    %while3A_10 = arith.subi %while3A_9, %while3A : i32
    %while3A_11 = arith.addi %while3A, %while3A_10 : i32
    %while3A_12 = arith.constant 1 : i32
    %while3A_13 = arith.divsi %while3A_10, %while3A_12 : i32
    %while3A_14 = arith.muli %while3A_13, %while3A_12 : i32
    %while3A_15 = arith.addi %while3A, %while3A_14 : i32
    %while3A_16 = arith.constant 1 : i32
    scf.for %while3A_41 = %while3A to %while3A_15 step %while3A_16  : i32 {
      %mul3A_42 = arith.constant 640 : i32
      %mul3A_43 = arith.muli %arg1, %mul3A_42 : i32
      %mul3A_44 = arith.constant 128 : i32
      %mul3A_45 = arith.muli %while3A_41, %mul3A_44 : i32
      %add3A_46 = arith.addi %mul3A_43, %mul3A_45 : i32
      "tpu.region"() ({
        %run_scoped3A = tpu.sem_alloc : memref<!tpu.dma_semaphore, #tpu.memory_space<semaphore_mem>>
        %dma_start3A = arith.constant 0 : i32
        %dma_start3A_47 = tpu.memref_slice %arg7[%add3A_46, %dma_start3A] : memref<10240x128xf32, #tpu.memory_space<vmem_shared>> -> memref<128x128xf32, #tpu.memory_space<vmem_shared>>
        %dma_start3A_48 = arith.constant 0 : i32
        %dma_start3A_49 = tpu.memref_slice %arg7[%add3A_46, %dma_start3A_48] : memref<10240x128xf32, #tpu.memory_space<vmem_shared>> -> memref<128x128xf32, #tpu.memory_space<vmem_shared>>
        tpu.enqueue_dma source(%arg10 : memref<128x128xf32, #tpu.memory_space<vmem>>) target(%dma_start3A_49 : memref<128x128xf32, #tpu.memory_space<vmem_shared>>) target_semaphore(%run_scoped3A : memref<!tpu.dma_semaphore, #tpu.memory_space<semaphore_mem>>)
        %dma_wait3A = arith.constant 0 : i32
        %dma_wait3A_50 = tpu.memref_slice %arg7[%add3A_46, %dma_wait3A] : memref<10240x128xf32, #tpu.memory_space<vmem_shared>> -> memref<128x128xf32, #tpu.memory_space<vmem_shared>>
        %dma_wait3A_51 = arith.constant 0 : i32
        %dma_wait3A_52 = tpu.memref_slice %arg7[%add3A_46, %dma_wait3A_51] : memref<10240x128xf32, #tpu.memory_space<vmem_shared>> -> memref<128x128xf32, #tpu.memory_space<vmem_shared>>
        tpu.wait_dma2 semaphore(%run_scoped3A : memref<!tpu.dma_semaphore, #tpu.memory_space<semaphore_mem>>) src(%arg10 : memref<128x128xf32, #tpu.memory_space<vmem>>) dst(%dma_wait3A_52 : memref<128x128xf32, #tpu.memory_space<vmem_shared>>)
        tpu.yield
      }) : () -> ()
    }
    %while3A_17 = arith.constant 1 : i32
    scf.for %while3A_41 = %while3A_15 to %while3A_11 step %while3A_17  : i32 {
      %mul3A_42 = arith.constant 640 : i32
      %mul3A_43 = arith.muli %arg1, %mul3A_42 : i32
      %mul3A_44 = arith.constant 128 : i32
      %mul3A_45 = arith.muli %while3A_41, %mul3A_44 : i32
      %add3A_46 = arith.addi %mul3A_43, %mul3A_45 : i32
      "tpu.region"() ({
        %run_scoped3A = tpu.sem_alloc : memref<!tpu.dma_semaphore, #tpu.memory_space<semaphore_mem>>
        %dma_start3A = arith.constant 0 : i32
        %dma_start3A_47 = tpu.memref_slice %arg7[%add3A_46, %dma_start3A] : memref<10240x128xf32, #tpu.memory_space<vmem_shared>> -> memref<128x128xf32, #tpu.memory_space<vmem_shared>>
        %dma_start3A_48 = arith.constant 0 : i32
        %dma_start3A_49 = tpu.memref_slice %arg7[%add3A_46, %dma_start3A_48] : memref<10240x128xf32, #tpu.memory_space<vmem_shared>> -> memref<128x128xf32, #tpu.memory_space<vmem_shared>>
        tpu.enqueue_dma source(%arg10 : memref<128x128xf32, #tpu.memory_space<vmem>>) target(%dma_start3A_49 : memref<128x128xf32, #tpu.memory_space<vmem_shared>>) target_semaphore(%run_scoped3A : memref<!tpu.dma_semaphore, #tpu.memory_space<semaphore_mem>>)
        %dma_wait3A = arith.constant 0 : i32
        %dma_wait3A_50 = tpu.memref_slice %arg7[%add3A_46, %dma_wait3A] : memref<10240x128xf32, #tpu.memory_space<vmem_shared>> -> memref<128x128xf32, #tpu.memory_space<vmem_shared>>
        %dma_wait3A_51 = arith.constant 0 : i32
        %dma_wait3A_52 = tpu.memref_slice %arg7[%add3A_46, %dma_wait3A_51] : memref<10240x128xf32, #tpu.memory_space<vmem_shared>> -> memref<128x128xf32, #tpu.memory_space<vmem_shared>>
        tpu.wait_dma2 semaphore(%run_scoped3A : memref<!tpu.dma_semaphore, #tpu.memory_space<semaphore_mem>>) src(%arg10 : memref<128x128xf32, #tpu.memory_space<vmem>>) dst(%dma_wait3A_52 : memref<128x128xf32, #tpu.memory_space<vmem_shared>>)
        tpu.yield
      }) : () -> ()
    }
    %barrier3A = arith.constant 0 : index
    tpu.barrier barrier_id(%barrier3A)
    %lt3A = arith.constant 0 : i32
    %lt3A_18 = arith.cmpi slt, %lt3A, %select_n3A : i32
    %convert_element_type3A = arith.extui %lt3A_18 : i1 to i32
    %cond3A = arith.constant 0 : i32
    %cond3A_19 = arith.cmpi ne, %convert_element_type3A, %cond3A : i32
    scf.if %cond3A_19 {
      %add3A_41 = arith.constant 0 : i32
      %add3A_42 = arith.addi %select_n3A_8, %add3A_41 : i32
      "tpu.region"() ({
        %run_scoped3A = tpu.sem_alloc : memref<!tpu.dma_semaphore, #tpu.memory_space<semaphore_mem>>
        %dma_start3A_59 = arith.constant 0 : i32
        %dma_start3A_60 = tpu.memref_slice %arg3[%add3A_42, %dma_start3A_59] : memref<2560x128xi32, #tpu.memory_space<hbm>> -> memref<40x128xi32, #tpu.memory_space<hbm>>
        %dma_start3A_61 = arith.constant 0 : i32
        %dma_start3A_62 = tpu.memref_slice %arg3[%add3A_42, %dma_start3A_61] : memref<2560x128xi32, #tpu.memory_space<hbm>> -> memref<40x128xi32, #tpu.memory_space<hbm>>
        tpu.enqueue_dma source(%dma_start3A_62 : memref<40x128xi32, #tpu.memory_space<hbm>>) target(%arg8 : memref<40x128xi32, #tpu.memory_space<vmem>>) target_semaphore(%run_scoped3A : memref<!tpu.dma_semaphore, #tpu.memory_space<semaphore_mem>>)
        %dma_wait3A = arith.constant 0 : i32
        %dma_wait3A_63 = tpu.memref_slice %arg3[%add3A_42, %dma_wait3A] : memref<2560x128xi32, #tpu.memory_space<hbm>> -> memref<40x128xi32, #tpu.memory_space<hbm>>
        %dma_wait3A_64 = arith.constant 0 : i32
        %dma_wait3A_65 = tpu.memref_slice %arg3[%add3A_42, %dma_wait3A_64] : memref<2560x128xi32, #tpu.memory_space<hbm>> -> memref<40x128xi32, #tpu.memory_space<hbm>>
        tpu.wait_dma2 semaphore(%run_scoped3A : memref<!tpu.dma_semaphore, #tpu.memory_space<semaphore_mem>>) src(%dma_wait3A_65 : memref<40x128xi32, #tpu.memory_space<hbm>>) dst(%arg8 : memref<40x128xi32, #tpu.memory_space<vmem>>)
        tpu.yield
      }) : () -> ()
      "tpu.region"() ({
        %run_scoped3A = tpu.sem_alloc : memref<!tpu.dma_semaphore, #tpu.memory_space<semaphore_mem>>
        %dma_start3A_59 = arith.constant 0 : i32
        %dma_start3A_60 = tpu.memref_slice %arg4[%add3A_42, %dma_start3A_59] : memref<2560x128xi32, #tpu.memory_space<hbm>> -> memref<40x128xi32, #tpu.memory_space<hbm>>
        %dma_start3A_61 = arith.constant 0 : i32
        %dma_start3A_62 = tpu.memref_slice %arg4[%add3A_42, %dma_start3A_61] : memref<2560x128xi32, #tpu.memory_space<hbm>> -> memref<40x128xi32, #tpu.memory_space<hbm>>
        tpu.enqueue_dma source(%dma_start3A_62 : memref<40x128xi32, #tpu.memory_space<hbm>>) target(%arg9 : memref<40x128xi32, #tpu.memory_space<vmem>>) target_semaphore(%run_scoped3A : memref<!tpu.dma_semaphore, #tpu.memory_space<semaphore_mem>>)
        %dma_wait3A = arith.constant 0 : i32
        %dma_wait3A_63 = tpu.memref_slice %arg4[%add3A_42, %dma_wait3A] : memref<2560x128xi32, #tpu.memory_space<hbm>> -> memref<40x128xi32, #tpu.memory_space<hbm>>
        %dma_wait3A_64 = arith.constant 0 : i32
        %dma_wait3A_65 = tpu.memref_slice %arg4[%add3A_42, %dma_wait3A_64] : memref<2560x128xi32, #tpu.memory_space<hbm>> -> memref<40x128xi32, #tpu.memory_space<hbm>>
        tpu.wait_dma2 semaphore(%run_scoped3A : memref<!tpu.dma_semaphore, #tpu.memory_space<semaphore_mem>>) src(%dma_wait3A_65 : memref<40x128xi32, #tpu.memory_space<hbm>>) dst(%arg9 : memref<40x128xi32, #tpu.memory_space<vmem>>)
        tpu.yield
      }) : () -> ()
      %dma_start3A = arith.constant 0 : i32
      %dma_start3A_43 = arith.constant 0 : i32
      %dma_start3A_44 = tpu.memref_slice %arg8[%dma_start3A, %dma_start3A_43] : memref<40x128xi32, #tpu.memory_space<vmem>> -> memref<1x128xi32, #tpu.memory_space<vmem>>
      %dma_start3A_45 = tpu.memref_squeeze %dma_start3A_44 : memref<1x128xi32, #tpu.memory_space<vmem>> -> memref<128xi32, #tpu.memory_space<vmem>>
      %dma_start3A_46 = arith.constant 0 : i32
      %dma_start3A_47 = arith.constant 0 : i32
      %dma_start3A_48 = tpu.memref_slice %arg2[%dma_start3A_46, %dma_start3A_47] : memref<10000x128xf32, #tpu.memory_space<hbm>> -> memref<10000x128xf32, #tpu.memory_space<hbm>>
      tpu.enqueue_indirect_dma source(%dma_start3A_48 : memref<10000x128xf32, #tpu.memory_space<hbm>>) target(%arg10 : memref<128x128xf32, #tpu.memory_space<vmem>>) offsets(%dma_start3A_45 : memref<128xi32, #tpu.memory_space<vmem>>) semaphore(%arg12 : memref<!tpu.dma_semaphore, #tpu.memory_space<semaphore_mem>>)
      %while3A_49 = arith.constant 0 : i32
      %while3A_50 = arith.constant 20 : i32
      %while3A_51 = arith.subi %while3A_50, %while3A_49 : i32
      %while3A_52 = arith.addi %while3A_49, %while3A_51 : i32
      %while3A_53 = arith.constant 1 : i32
      %while3A_54 = arith.divsi %while3A_51, %while3A_53 : i32
      %while3A_55 = arith.muli %while3A_54, %while3A_53 : i32
      %while3A_56 = arith.addi %while3A_49, %while3A_55 : i32
      %while3A_57 = arith.constant 1 : i32
      scf.for %while3A_59 = %while3A_49 to %while3A_56 step %while3A_57  : i32 {
        %mul3A_60 = arith.constant 2 : i32
        %mul3A_61 = arith.muli %mul3A_60, %while3A_59 : i32
        %add3A_62 = arith.constant 1 : i32
        %add3A_63 = arith.addi %mul3A_61, %add3A_62 : i32
        %dma_start3A_64 = arith.constant 0 : i32
        %dma_start3A_65 = tpu.memref_slice %arg8[%add3A_63, %dma_start3A_64] : memref<40x128xi32, #tpu.memory_space<vmem>> -> memref<1x128xi32, #tpu.memory_space<vmem>>
        %dma_start3A_66 = tpu.memref_squeeze %dma_start3A_65 : memref<1x128xi32, #tpu.memory_space<vmem>> -> memref<128xi32, #tpu.memory_space<vmem>>
        %dma_start3A_67 = arith.constant 0 : i32
        %dma_start3A_68 = arith.constant 0 : i32
        %dma_start3A_69 = tpu.memref_slice %arg2[%dma_start3A_67, %dma_start3A_68] : memref<10000x128xf32, #tpu.memory_space<hbm>> -> memref<10000x128xf32, #tpu.memory_space<hbm>>
        tpu.enqueue_indirect_dma source(%dma_start3A_69 : memref<10000x128xf32, #tpu.memory_space<hbm>>) target(%arg11 : memref<128x128xf32, #tpu.memory_space<vmem>>) offsets(%dma_start3A_66 : memref<128xi32, #tpu.memory_space<vmem>>) semaphore(%arg13 : memref<!tpu.dma_semaphore, #tpu.memory_space<semaphore_mem>>)
        %dma_wait3A = arith.constant 0 : i32
        %dma_wait3A_70 = tpu.memref_slice %arg8[%mul3A_61, %dma_wait3A] : memref<40x128xi32, #tpu.memory_space<vmem>> -> memref<1x128xi32, #tpu.memory_space<vmem>>
        %dma_wait3A_71 = tpu.memref_squeeze %dma_wait3A_70 : memref<1x128xi32, #tpu.memory_space<vmem>> -> memref<128xi32, #tpu.memory_space<vmem>>
        %dma_wait3A_72 = arith.constant 0 : i32
        %dma_wait3A_73 = arith.constant 0 : i32
        %dma_wait3A_74 = tpu.memref_slice %arg2[%dma_wait3A_72, %dma_wait3A_73] : memref<10000x128xf32, #tpu.memory_space<hbm>> -> memref<10000x128xf32, #tpu.memory_space<hbm>>
        tpu.wait_indirect_dma semaphore(%arg12 : memref<!tpu.dma_semaphore, #tpu.memory_space<semaphore_mem>>) src(%dma_wait3A_74 : memref<10000x128xf32, #tpu.memory_space<hbm>>) dst(%arg10 : memref<128x128xf32, #tpu.memory_space<vmem>>)
        "tpu.region"() ({
          %run_scoped3A = tpu.sem_alloc : memref<!tpu.dma_semaphore, #tpu.memory_space<semaphore_mem>>
          %dma_start3A_88 = arith.constant 0 : i32
          %dma_start3A_89 = tpu.memref_slice %arg9[%mul3A_61, %dma_start3A_88] : memref<40x128xi32, #tpu.memory_space<vmem>> -> memref<1x128xi32, #tpu.memory_space<vmem>>
          %dma_start3A_90 = tpu.memref_squeeze %dma_start3A_89 : memref<1x128xi32, #tpu.memory_space<vmem>> -> memref<128xi32, #tpu.memory_space<vmem>>
          %dma_start3A_91 = arith.constant 0 : i32
          %dma_start3A_92 = arith.constant 0 : i32
          %dma_start3A_93 = tpu.memref_slice %arg7[%dma_start3A_91, %dma_start3A_92] : memref<10240x128xf32, #tpu.memory_space<vmem_shared>> -> memref<10240x128xf32, #tpu.memory_space<vmem_shared>>
          tpu.enqueue_indirect_dma source(%arg10 : memref<128x128xf32, #tpu.memory_space<vmem>>) target(%dma_start3A_93 : memref<10240x128xf32, #tpu.memory_space<vmem_shared>>) offsets(%dma_start3A_90 : memref<128xi32, #tpu.memory_space<vmem>>) semaphore(%run_scoped3A : memref<!tpu.dma_semaphore, #tpu.memory_space<semaphore_mem>>) {add = true}
          %dma_wait3A_94 = arith.constant 0 : i32
          %dma_wait3A_95 = tpu.memref_slice %arg9[%mul3A_61, %dma_wait3A_94] : memref<40x128xi32, #tpu.memory_space<vmem>> -> memref<1x128xi32, #tpu.memory_space<vmem>>
          %dma_wait3A_96 = tpu.memref_squeeze %dma_wait3A_95 : memref<1x128xi32, #tpu.memory_space<vmem>> -> memref<128xi32, #tpu.memory_space<vmem>>
          %dma_wait3A_97 = arith.constant 0 : i32
          %dma_wait3A_98 = arith.constant 0 : i32
          %dma_wait3A_99 = tpu.memref_slice %arg7[%dma_wait3A_97, %dma_wait3A_98] : memref<10240x128xf32, #tpu.memory_space<vmem_shared>> -> memref<10240x128xf32, #tpu.memory_space<vmem_shared>>
          tpu.wait_indirect_dma semaphore(%run_scoped3A : memref<!tpu.dma_semaphore, #tpu.memory_space<semaphore_mem>>) src(%arg10 : memref<128x128xf32, #tpu.memory_space<vmem>>) dst(%dma_wait3A_99 : memref<10240x128xf32, #tpu.memory_space<vmem_shared>>)
          tpu.yield
        }) : () -> ()
        %lt3A_75 = arith.constant 19 : i32
        %lt3A_76 = arith.cmpi slt, %while3A_59, %lt3A_75 : i32
        %convert_element_type3A_77 = arith.extui %lt3A_76 : i1 to i32
        %cond3A_78 = arith.constant 0 : i32
        %cond3A_79 = arith.cmpi ne, %convert_element_type3A_77, %cond3A_78 : i32
        scf.if %cond3A_79 {
          %add3A_88 = arith.constant 2 : i32
          %add3A_89 = arith.addi %mul3A_61, %add3A_88 : i32
          %dma_start3A_90 = arith.constant 0 : i32
          %dma_start3A_91 = tpu.memref_slice %arg8[%add3A_89, %dma_start3A_90] : memref<40x128xi32, #tpu.memory_space<vmem>> -> memref<1x128xi32, #tpu.memory_space<vmem>>
          %dma_start3A_92 = tpu.memref_squeeze %dma_start3A_91 : memref<1x128xi32, #tpu.memory_space<vmem>> -> memref<128xi32, #tpu.memory_space<vmem>>
          %dma_start3A_93 = arith.constant 0 : i32
          %dma_start3A_94 = arith.constant 0 : i32
          %dma_start3A_95 = tpu.memref_slice %arg2[%dma_start3A_93, %dma_start3A_94] : memref<10000x128xf32, #tpu.memory_space<hbm>> -> memref<10000x128xf32, #tpu.memory_space<hbm>>
          tpu.enqueue_indirect_dma source(%dma_start3A_95 : memref<10000x128xf32, #tpu.memory_space<hbm>>) target(%arg10 : memref<128x128xf32, #tpu.memory_space<vmem>>) offsets(%dma_start3A_92 : memref<128xi32, #tpu.memory_space<vmem>>) semaphore(%arg12 : memref<!tpu.dma_semaphore, #tpu.memory_space<semaphore_mem>>)
        } else {
        }
        %add3A_80 = arith.constant 1 : i32
        %add3A_81 = arith.addi %mul3A_61, %add3A_80 : i32
        %dma_wait3A_82 = arith.constant 0 : i32
        %dma_wait3A_83 = tpu.memref_slice %arg8[%add3A_81, %dma_wait3A_82] : memref<40x128xi32, #tpu.memory_space<vmem>> -> memref<1x128xi32, #tpu.memory_space<vmem>>
        %dma_wait3A_84 = tpu.memref_squeeze %dma_wait3A_83 : memref<1x128xi32, #tpu.memory_space<vmem>> -> memref<128xi32, #tpu.memory_space<vmem>>
        %dma_wait3A_85 = arith.constant 0 : i32
        %dma_wait3A_86 = arith.constant 0 : i32
        %dma_wait3A_87 = tpu.memref_slice %arg2[%dma_wait3A_85, %dma_wait3A_86] : memref<10000x128xf32, #tpu.memory_space<hbm>> -> memref<10000x128xf32, #tpu.memory_space<hbm>>
        tpu.wait_indirect_dma semaphore(%arg13 : memref<!tpu.dma_semaphore, #tpu.memory_space<semaphore_mem>>) src(%dma_wait3A_87 : memref<10000x128xf32, #tpu.memory_space<hbm>>) dst(%arg11 : memref<128x128xf32, #tpu.memory_space<vmem>>)
        "tpu.region"() ({
          %run_scoped3A = tpu.sem_alloc : memref<!tpu.dma_semaphore, #tpu.memory_space<semaphore_mem>>
          %dma_start3A_88 = arith.constant 0 : i32
          %dma_start3A_89 = tpu.memref_slice %arg9[%add3A_81, %dma_start3A_88] : memref<40x128xi32, #tpu.memory_space<vmem>> -> memref<1x128xi32, #tpu.memory_space<vmem>>
          %dma_start3A_90 = tpu.memref_squeeze %dma_start3A_89 : memref<1x128xi32, #tpu.memory_space<vmem>> -> memref<128xi32, #tpu.memory_space<vmem>>
          %dma_start3A_91 = arith.constant 0 : i32
          %dma_start3A_92 = arith.constant 0 : i32
          %dma_start3A_93 = tpu.memref_slice %arg7[%dma_start3A_91, %dma_start3A_92] : memref<10240x128xf32, #tpu.memory_space<vmem_shared>> -> memref<10240x128xf32, #tpu.memory_space<vmem_shared>>
          tpu.enqueue_indirect_dma source(%arg11 : memref<128x128xf32, #tpu.memory_space<vmem>>) target(%dma_start3A_93 : memref<10240x128xf32, #tpu.memory_space<vmem_shared>>) offsets(%dma_start3A_90 : memref<128xi32, #tpu.memory_space<vmem>>) semaphore(%run_scoped3A : memref<!tpu.dma_semaphore, #tpu.memory_space<semaphore_mem>>) {add = true}
          %dma_wait3A_94 = arith.constant 0 : i32
          %dma_wait3A_95 = tpu.memref_slice %arg9[%add3A_81, %dma_wait3A_94] : memref<40x128xi32, #tpu.memory_space<vmem>> -> memref<1x128xi32, #tpu.memory_space<vmem>>
          %dma_wait3A_96 = tpu.memref_squeeze %dma_wait3A_95 : memref<1x128xi32, #tpu.memory_space<vmem>> -> memref<128xi32, #tpu.memory_space<vmem>>
          %dma_wait3A_97 = arith.constant 0 : i32
          %dma_wait3A_98 = arith.constant 0 : i32
          %dma_wait3A_99 = tpu.memref_slice %arg7[%dma_wait3A_97, %dma_wait3A_98] : memref<10240x128xf32, #tpu.memory_space<vmem_shared>> -> memref<10240x128xf32, #tpu.memory_space<vmem_shared>>
          tpu.wait_indirect_dma semaphore(%run_scoped3A : memref<!tpu.dma_semaphore, #tpu.memory_space<semaphore_mem>>) src(%arg11 : memref<128x128xf32, #tpu.memory_space<vmem>>) dst(%dma_wait3A_99 : memref<10240x128xf32, #tpu.memory_space<vmem_shared>>)
          tpu.yield
        }) : () -> ()
      }
      %while3A_58 = arith.constant 1 : i32
      scf.for %while3A_59 = %while3A_56 to %while3A_52 step %while3A_58  : i32 {
        %mul3A_60 = arith.constant 2 : i32
        %mul3A_61 = arith.muli %mul3A_60, %while3A_59 : i32
        %add3A_62 = arith.constant 1 : i32
        %add3A_63 = arith.addi %mul3A_61, %add3A_62 : i32
        %dma_start3A_64 = arith.constant 0 : i32
        %dma_start3A_65 = tpu.memref_slice %arg8[%add3A_63, %dma_start3A_64] : memref<40x128xi32, #tpu.memory_space<vmem>> -> memref<1x128xi32, #tpu.memory_space<vmem>>
        %dma_start3A_66 = tpu.memref_squeeze %dma_start3A_65 : memref<1x128xi32, #tpu.memory_space<vmem>> -> memref<128xi32, #tpu.memory_space<vmem>>
        %dma_start3A_67 = arith.constant 0 : i32
        %dma_start3A_68 = arith.constant 0 : i32
        %dma_start3A_69 = tpu.memref_slice %arg2[%dma_start3A_67, %dma_start3A_68] : memref<10000x128xf32, #tpu.memory_space<hbm>> -> memref<10000x128xf32, #tpu.memory_space<hbm>>
        tpu.enqueue_indirect_dma source(%dma_start3A_69 : memref<10000x128xf32, #tpu.memory_space<hbm>>) target(%arg11 : memref<128x128xf32, #tpu.memory_space<vmem>>) offsets(%dma_start3A_66 : memref<128xi32, #tpu.memory_space<vmem>>) semaphore(%arg13 : memref<!tpu.dma_semaphore, #tpu.memory_space<semaphore_mem>>)
        %dma_wait3A = arith.constant 0 : i32
        %dma_wait3A_70 = tpu.memref_slice %arg8[%mul3A_61, %dma_wait3A] : memref<40x128xi32, #tpu.memory_space<vmem>> -> memref<1x128xi32, #tpu.memory_space<vmem>>
        %dma_wait3A_71 = tpu.memref_squeeze %dma_wait3A_70 : memref<1x128xi32, #tpu.memory_space<vmem>> -> memref<128xi32, #tpu.memory_space<vmem>>
        %dma_wait3A_72 = arith.constant 0 : i32
        %dma_wait3A_73 = arith.constant 0 : i32
        %dma_wait3A_74 = tpu.memref_slice %arg2[%dma_wait3A_72, %dma_wait3A_73] : memref<10000x128xf32, #tpu.memory_space<hbm>> -> memref<10000x128xf32, #tpu.memory_space<hbm>>
        tpu.wait_indirect_dma semaphore(%arg12 : memref<!tpu.dma_semaphore, #tpu.memory_space<semaphore_mem>>) src(%dma_wait3A_74 : memref<10000x128xf32, #tpu.memory_space<hbm>>) dst(%arg10 : memref<128x128xf32, #tpu.memory_space<vmem>>)
        "tpu.region"() ({
          %run_scoped3A = tpu.sem_alloc : memref<!tpu.dma_semaphore, #tpu.memory_space<semaphore_mem>>
          %dma_start3A_88 = arith.constant 0 : i32
          %dma_start3A_89 = tpu.memref_slice %arg9[%mul3A_61, %dma_start3A_88] : memref<40x128xi32, #tpu.memory_space<vmem>> -> memref<1x128xi32, #tpu.memory_space<vmem>>
          %dma_start3A_90 = tpu.memref_squeeze %dma_start3A_89 : memref<1x128xi32, #tpu.memory_space<vmem>> -> memref<128xi32, #tpu.memory_space<vmem>>
          %dma_start3A_91 = arith.constant 0 : i32
          %dma_start3A_92 = arith.constant 0 : i32
          %dma_start3A_93 = tpu.memref_slice %arg7[%dma_start3A_91, %dma_start3A_92] : memref<10240x128xf32, #tpu.memory_space<vmem_shared>> -> memref<10240x128xf32, #tpu.memory_space<vmem_shared>>
          tpu.enqueue_indirect_dma source(%arg10 : memref<128x128xf32, #tpu.memory_space<vmem>>) target(%dma_start3A_93 : memref<10240x128xf32, #tpu.memory_space<vmem_shared>>) offsets(%dma_start3A_90 : memref<128xi32, #tpu.memory_space<vmem>>) semaphore(%run_scoped3A : memref<!tpu.dma_semaphore, #tpu.memory_space<semaphore_mem>>) {add = true}
          %dma_wait3A_94 = arith.constant 0 : i32
          %dma_wait3A_95 = tpu.memref_slice %arg9[%mul3A_61, %dma_wait3A_94] : memref<40x128xi32, #tpu.memory_space<vmem>> -> memref<1x128xi32, #tpu.memory_space<vmem>>
          %dma_wait3A_96 = tpu.memref_squeeze %dma_wait3A_95 : memref<1x128xi32, #tpu.memory_space<vmem>> -> memref<128xi32, #tpu.memory_space<vmem>>
          %dma_wait3A_97 = arith.constant 0 : i32
          %dma_wait3A_98 = arith.constant 0 : i32
          %dma_wait3A_99 = tpu.memref_slice %arg7[%dma_wait3A_97, %dma_wait3A_98] : memref<10240x128xf32, #tpu.memory_space<vmem_shared>> -> memref<10240x128xf32, #tpu.memory_space<vmem_shared>>
          tpu.wait_indirect_dma semaphore(%run_scoped3A : memref<!tpu.dma_semaphore, #tpu.memory_space<semaphore_mem>>) src(%arg10 : memref<128x128xf32, #tpu.memory_space<vmem>>) dst(%dma_wait3A_99 : memref<10240x128xf32, #tpu.memory_space<vmem_shared>>)
          tpu.yield
        }) : () -> ()
        %lt3A_75 = arith.constant 19 : i32
        %lt3A_76 = arith.cmpi slt, %while3A_59, %lt3A_75 : i32
        %convert_element_type3A_77 = arith.extui %lt3A_76 : i1 to i32
        %cond3A_78 = arith.constant 0 : i32
        %cond3A_79 = arith.cmpi ne, %convert_element_type3A_77, %cond3A_78 : i32
        scf.if %cond3A_79 {
          %add3A_88 = arith.constant 2 : i32
          %add3A_89 = arith.addi %mul3A_61, %add3A_88 : i32
          %dma_start3A_90 = arith.constant 0 : i32
          %dma_start3A_91 = tpu.memref_slice %arg8[%add3A_89, %dma_start3A_90] : memref<40x128xi32, #tpu.memory_space<vmem>> -> memref<1x128xi32, #tpu.memory_space<vmem>>
          %dma_start3A_92 = tpu.memref_squeeze %dma_start3A_91 : memref<1x128xi32, #tpu.memory_space<vmem>> -> memref<128xi32, #tpu.memory_space<vmem>>
          %dma_start3A_93 = arith.constant 0 : i32
          %dma_start3A_94 = arith.constant 0 : i32
          %dma_start3A_95 = tpu.memref_slice %arg2[%dma_start3A_93, %dma_start3A_94] : memref<10000x128xf32, #tpu.memory_space<hbm>> -> memref<10000x128xf32, #tpu.memory_space<hbm>>
          tpu.enqueue_indirect_dma source(%dma_start3A_95 : memref<10000x128xf32, #tpu.memory_space<hbm>>) target(%arg10 : memref<128x128xf32, #tpu.memory_space<vmem>>) offsets(%dma_start3A_92 : memref<128xi32, #tpu.memory_space<vmem>>) semaphore(%arg12 : memref<!tpu.dma_semaphore, #tpu.memory_space<semaphore_mem>>)
        } else {
        }
        %add3A_80 = arith.constant 1 : i32
        %add3A_81 = arith.addi %mul3A_61, %add3A_80 : i32
        %dma_wait3A_82 = arith.constant 0 : i32
        %dma_wait3A_83 = tpu.memref_slice %arg8[%add3A_81, %dma_wait3A_82] : memref<40x128xi32, #tpu.memory_space<vmem>> -> memref<1x128xi32, #tpu.memory_space<vmem>>
        %dma_wait3A_84 = tpu.memref_squeeze %dma_wait3A_83 : memref<1x128xi32, #tpu.memory_space<vmem>> -> memref<128xi32, #tpu.memory_space<vmem>>
        %dma_wait3A_85 = arith.constant 0 : i32
        %dma_wait3A_86 = arith.constant 0 : i32
        %dma_wait3A_87 = tpu.memref_slice %arg2[%dma_wait3A_85, %dma_wait3A_86] : memref<10000x128xf32, #tpu.memory_space<hbm>> -> memref<10000x128xf32, #tpu.memory_space<hbm>>
        tpu.wait_indirect_dma semaphore(%arg13 : memref<!tpu.dma_semaphore, #tpu.memory_space<semaphore_mem>>) src(%dma_wait3A_87 : memref<10000x128xf32, #tpu.memory_space<hbm>>) dst(%arg11 : memref<128x128xf32, #tpu.memory_space<vmem>>)
        "tpu.region"() ({
          %run_scoped3A = tpu.sem_alloc : memref<!tpu.dma_semaphore, #tpu.memory_space<semaphore_mem>>
          %dma_start3A_88 = arith.constant 0 : i32
          %dma_start3A_89 = tpu.memref_slice %arg9[%add3A_81, %dma_start3A_88] : memref<40x128xi32, #tpu.memory_space<vmem>> -> memref<1x128xi32, #tpu.memory_space<vmem>>
          %dma_start3A_90 = tpu.memref_squeeze %dma_start3A_89 : memref<1x128xi32, #tpu.memory_space<vmem>> -> memref<128xi32, #tpu.memory_space<vmem>>
          %dma_start3A_91 = arith.constant 0 : i32
          %dma_start3A_92 = arith.constant 0 : i32
          %dma_start3A_93 = tpu.memref_slice %arg7[%dma_start3A_91, %dma_start3A_92] : memref<10240x128xf32, #tpu.memory_space<vmem_shared>> -> memref<10240x128xf32, #tpu.memory_space<vmem_shared>>
          tpu.enqueue_indirect_dma source(%arg11 : memref<128x128xf32, #tpu.memory_space<vmem>>) target(%dma_start3A_93 : memref<10240x128xf32, #tpu.memory_space<vmem_shared>>) offsets(%dma_start3A_90 : memref<128xi32, #tpu.memory_space<vmem>>) semaphore(%run_scoped3A : memref<!tpu.dma_semaphore, #tpu.memory_space<semaphore_mem>>) {add = true}
          %dma_wait3A_94 = arith.constant 0 : i32
          %dma_wait3A_95 = tpu.memref_slice %arg9[%add3A_81, %dma_wait3A_94] : memref<40x128xi32, #tpu.memory_space<vmem>> -> memref<1x128xi32, #tpu.memory_space<vmem>>
          %dma_wait3A_96 = tpu.memref_squeeze %dma_wait3A_95 : memref<1x128xi32, #tpu.memory_space<vmem>> -> memref<128xi32, #tpu.memory_space<vmem>>
          %dma_wait3A_97 = arith.constant 0 : i32
          %dma_wait3A_98 = arith.constant 0 : i32
          %dma_wait3A_99 = tpu.memref_slice %arg7[%dma_wait3A_97, %dma_wait3A_98] : memref<10240x128xf32, #tpu.memory_space<vmem_shared>> -> memref<10240x128xf32, #tpu.memory_space<vmem_shared>>
          tpu.wait_indirect_dma semaphore(%run_scoped3A : memref<!tpu.dma_semaphore, #tpu.memory_space<semaphore_mem>>) src(%arg11 : memref<128x128xf32, #tpu.memory_space<vmem>>) dst(%dma_wait3A_99 : memref<10240x128xf32, #tpu.memory_space<vmem_shared>>)
          tpu.yield
        }) : () -> ()
      }
    } else {
    }
    %lt3A_20 = arith.constant 40 : i32
    %lt3A_21 = arith.cmpi slt, %lt3A_20, %select_n3A : i32
    %convert_element_type3A_22 = arith.extui %lt3A_21 : i1 to i32
    %cond3A_23 = arith.constant 0 : i32
    %cond3A_24 = arith.cmpi ne, %convert_element_type3A_22, %cond3A_23 : i32
    scf.if %cond3A_24 {
      %add3A_41 = arith.constant 40 : i32
      %add3A_42 = arith.addi %select_n3A_8, %add3A_41 : i32
      "tpu.region"() ({
        %run_scoped3A = tpu.sem_alloc : memref<!tpu.dma_semaphore, #tpu.memory_space<semaphore_mem>>
        %dma_start3A_59 = arith.constant 0 : i32
        %dma_start3A_60 = tpu.memref_slice %arg3[%add3A_42, %dma_start3A_59] : memref<2560x128xi32, #tpu.memory_space<hbm>> -> memref<40x128xi32, #tpu.memory_space<hbm>>
        %dma_start3A_61 = arith.constant 0 : i32
        %dma_start3A_62 = tpu.memref_slice %arg3[%add3A_42, %dma_start3A_61] : memref<2560x128xi32, #tpu.memory_space<hbm>> -> memref<40x128xi32, #tpu.memory_space<hbm>>
        tpu.enqueue_dma source(%dma_start3A_62 : memref<40x128xi32, #tpu.memory_space<hbm>>) target(%arg8 : memref<40x128xi32, #tpu.memory_space<vmem>>) target_semaphore(%run_scoped3A : memref<!tpu.dma_semaphore, #tpu.memory_space<semaphore_mem>>)
        %dma_wait3A = arith.constant 0 : i32
        %dma_wait3A_63 = tpu.memref_slice %arg3[%add3A_42, %dma_wait3A] : memref<2560x128xi32, #tpu.memory_space<hbm>> -> memref<40x128xi32, #tpu.memory_space<hbm>>
        %dma_wait3A_64 = arith.constant 0 : i32
        %dma_wait3A_65 = tpu.memref_slice %arg3[%add3A_42, %dma_wait3A_64] : memref<2560x128xi32, #tpu.memory_space<hbm>> -> memref<40x128xi32, #tpu.memory_space<hbm>>
        tpu.wait_dma2 semaphore(%run_scoped3A : memref<!tpu.dma_semaphore, #tpu.memory_space<semaphore_mem>>) src(%dma_wait3A_65 : memref<40x128xi32, #tpu.memory_space<hbm>>) dst(%arg8 : memref<40x128xi32, #tpu.memory_space<vmem>>)
        tpu.yield
      }) : () -> ()
      "tpu.region"() ({
        %run_scoped3A = tpu.sem_alloc : memref<!tpu.dma_semaphore, #tpu.memory_space<semaphore_mem>>
        %dma_start3A_59 = arith.constant 0 : i32
        %dma_start3A_60 = tpu.memref_slice %arg4[%add3A_42, %dma_start3A_59] : memref<2560x128xi32, #tpu.memory_space<hbm>> -> memref<40x128xi32, #tpu.memory_space<hbm>>
        %dma_start3A_61 = arith.constant 0 : i32
        %dma_start3A_62 = tpu.memref_slice %arg4[%add3A_42, %dma_start3A_61] : memref<2560x128xi32, #tpu.memory_space<hbm>> -> memref<40x128xi32, #tpu.memory_space<hbm>>
        tpu.enqueue_dma source(%dma_start3A_62 : memref<40x128xi32, #tpu.memory_space<hbm>>) target(%arg9 : memref<40x128xi32, #tpu.memory_space<vmem>>) target_semaphore(%run_scoped3A : memref<!tpu.dma_semaphore, #tpu.memory_space<semaphore_mem>>)
        %dma_wait3A = arith.constant 0 : i32
        %dma_wait3A_63 = tpu.memref_slice %arg4[%add3A_42, %dma_wait3A] : memref<2560x128xi32, #tpu.memory_space<hbm>> -> memref<40x128xi32, #tpu.memory_space<hbm>>
        %dma_wait3A_64 = arith.constant 0 : i32
        %dma_wait3A_65 = tpu.memref_slice %arg4[%add3A_42, %dma_wait3A_64] : memref<2560x128xi32, #tpu.memory_space<hbm>> -> memref<40x128xi32, #tpu.memory_space<hbm>>
        tpu.wait_dma2 semaphore(%run_scoped3A : memref<!tpu.dma_semaphore, #tpu.memory_space<semaphore_mem>>) src(%dma_wait3A_65 : memref<40x128xi32, #tpu.memory_space<hbm>>) dst(%arg9 : memref<40x128xi32, #tpu.memory_space<vmem>>)
        tpu.yield
      }) : () -> ()
      %dma_start3A = arith.constant 0 : i32
      %dma_start3A_43 = arith.constant 0 : i32
      %dma_start3A_44 = tpu.memref_slice %arg8[%dma_start3A, %dma_start3A_43] : memref<40x128xi32, #tpu.memory_space<vmem>> -> memref<1x128xi32, #tpu.memory_space<vmem>>
      %dma_start3A_45 = tpu.memref_squeeze %dma_start3A_44 : memref<1x128xi32, #tpu.memory_space<vmem>> -> memref<128xi32, #tpu.memory_space<vmem>>
      %dma_start3A_46 = arith.constant 0 : i32
      %dma_start3A_47 = arith.constant 0 : i32
      %dma_start3A_48 = tpu.memref_slice %arg2[%dma_start3A_46, %dma_start3A_47] : memref<10000x128xf32, #tpu.memory_space<hbm>> -> memref<10000x128xf32, #tpu.memory_space<hbm>>
      tpu.enqueue_indirect_dma source(%dma_start3A_48 : memref<10000x128xf32, #tpu.memory_space<hbm>>) target(%arg10 : memref<128x128xf32, #tpu.memory_space<vmem>>) offsets(%dma_start3A_45 : memref<128xi32, #tpu.memory_space<vmem>>) semaphore(%arg12 : memref<!tpu.dma_semaphore, #tpu.memory_space<semaphore_mem>>)
      %while3A_49 = arith.constant 0 : i32
      %while3A_50 = arith.constant 20 : i32
      %while3A_51 = arith.subi %while3A_50, %while3A_49 : i32
      %while3A_52 = arith.addi %while3A_49, %while3A_51 : i32
      %while3A_53 = arith.constant 1 : i32
      %while3A_54 = arith.divsi %while3A_51, %while3A_53 : i32
      %while3A_55 = arith.muli %while3A_54, %while3A_53 : i32
      %while3A_56 = arith.addi %while3A_49, %while3A_55 : i32
      %while3A_57 = arith.constant 1 : i32
      scf.for %while3A_59 = %while3A_49 to %while3A_56 step %while3A_57  : i32 {
        %mul3A_60 = arith.constant 2 : i32
        %mul3A_61 = arith.muli %mul3A_60, %while3A_59 : i32
        %add3A_62 = arith.constant 1 : i32
        %add3A_63 = arith.addi %mul3A_61, %add3A_62 : i32
        %dma_start3A_64 = arith.constant 0 : i32
        %dma_start3A_65 = tpu.memref_slice %arg8[%add3A_63, %dma_start3A_64] : memref<40x128xi32, #tpu.memory_space<vmem>> -> memref<1x128xi32, #tpu.memory_space<vmem>>
        %dma_start3A_66 = tpu.memref_squeeze %dma_start3A_65 : memref<1x128xi32, #tpu.memory_space<vmem>> -> memref<128xi32, #tpu.memory_space<vmem>>
        %dma_start3A_67 = arith.constant 0 : i32
        %dma_start3A_68 = arith.constant 0 : i32
        %dma_start3A_69 = tpu.memref_slice %arg2[%dma_start3A_67, %dma_start3A_68] : memref<10000x128xf32, #tpu.memory_space<hbm>> -> memref<10000x128xf32, #tpu.memory_space<hbm>>
        tpu.enqueue_indirect_dma source(%dma_start3A_69 : memref<10000x128xf32, #tpu.memory_space<hbm>>) target(%arg11 : memref<128x128xf32, #tpu.memory_space<vmem>>) offsets(%dma_start3A_66 : memref<128xi32, #tpu.memory_space<vmem>>) semaphore(%arg13 : memref<!tpu.dma_semaphore, #tpu.memory_space<semaphore_mem>>)
        %dma_wait3A = arith.constant 0 : i32
        %dma_wait3A_70 = tpu.memref_slice %arg8[%mul3A_61, %dma_wait3A] : memref<40x128xi32, #tpu.memory_space<vmem>> -> memref<1x128xi32, #tpu.memory_space<vmem>>
        %dma_wait3A_71 = tpu.memref_squeeze %dma_wait3A_70 : memref<1x128xi32, #tpu.memory_space<vmem>> -> memref<128xi32, #tpu.memory_space<vmem>>
        %dma_wait3A_72 = arith.constant 0 : i32
        %dma_wait3A_73 = arith.constant 0 : i32
        %dma_wait3A_74 = tpu.memref_slice %arg2[%dma_wait3A_72, %dma_wait3A_73] : memref<10000x128xf32, #tpu.memory_space<hbm>> -> memref<10000x128xf32, #tpu.memory_space<hbm>>
        tpu.wait_indirect_dma semaphore(%arg12 : memref<!tpu.dma_semaphore, #tpu.memory_space<semaphore_mem>>) src(%dma_wait3A_74 : memref<10000x128xf32, #tpu.memory_space<hbm>>) dst(%arg10 : memref<128x128xf32, #tpu.memory_space<vmem>>)
        "tpu.region"() ({
          %run_scoped3A = tpu.sem_alloc : memref<!tpu.dma_semaphore, #tpu.memory_space<semaphore_mem>>
          %dma_start3A_88 = arith.constant 0 : i32
          %dma_start3A_89 = tpu.memref_slice %arg9[%mul3A_61, %dma_start3A_88] : memref<40x128xi32, #tpu.memory_space<vmem>> -> memref<1x128xi32, #tpu.memory_space<vmem>>
          %dma_start3A_90 = tpu.memref_squeeze %dma_start3A_89 : memref<1x128xi32, #tpu.memory_space<vmem>> -> memref<128xi32, #tpu.memory_space<vmem>>
          %dma_start3A_91 = arith.constant 0 : i32
          %dma_start3A_92 = arith.constant 0 : i32
          %dma_start3A_93 = tpu.memref_slice %arg7[%dma_start3A_91, %dma_start3A_92] : memref<10240x128xf32, #tpu.memory_space<vmem_shared>> -> memref<10240x128xf32, #tpu.memory_space<vmem_shared>>
          tpu.enqueue_indirect_dma source(%arg10 : memref<128x128xf32, #tpu.memory_space<vmem>>) target(%dma_start3A_93 : memref<10240x128xf32, #tpu.memory_space<vmem_shared>>) offsets(%dma_start3A_90 : memref<128xi32, #tpu.memory_space<vmem>>) semaphore(%run_scoped3A : memref<!tpu.dma_semaphore, #tpu.memory_space<semaphore_mem>>) {add = true}
          %dma_wait3A_94 = arith.constant 0 : i32
          %dma_wait3A_95 = tpu.memref_slice %arg9[%mul3A_61, %dma_wait3A_94] : memref<40x128xi32, #tpu.memory_space<vmem>> -> memref<1x128xi32, #tpu.memory_space<vmem>>
          %dma_wait3A_96 = tpu.memref_squeeze %dma_wait3A_95 : memref<1x128xi32, #tpu.memory_space<vmem>> -> memref<128xi32, #tpu.memory_space<vmem>>
          %dma_wait3A_97 = arith.constant 0 : i32
          %dma_wait3A_98 = arith.constant 0 : i32
          %dma_wait3A_99 = tpu.memref_slice %arg7[%dma_wait3A_97, %dma_wait3A_98] : memref<10240x128xf32, #tpu.memory_space<vmem_shared>> -> memref<10240x128xf32, #tpu.memory_space<vmem_shared>>
          tpu.wait_indirect_dma semaphore(%run_scoped3A : memref<!tpu.dma_semaphore, #tpu.memory_space<semaphore_mem>>) src(%arg10 : memref<128x128xf32, #tpu.memory_space<vmem>>) dst(%dma_wait3A_99 : memref<10240x128xf32, #tpu.memory_space<vmem_shared>>)
          tpu.yield
        }) : () -> ()
        %lt3A_75 = arith.constant 19 : i32
        %lt3A_76 = arith.cmpi slt, %while3A_59, %lt3A_75 : i32
        %convert_element_type3A_77 = arith.extui %lt3A_76 : i1 to i32
        %cond3A_78 = arith.constant 0 : i32
        %cond3A_79 = arith.cmpi ne, %convert_element_type3A_77, %cond3A_78 : i32
        scf.if %cond3A_79 {
          %add3A_88 = arith.constant 2 : i32
          %add3A_89 = arith.addi %mul3A_61, %add3A_88 : i32
          %dma_start3A_90 = arith.constant 0 : i32
          %dma_start3A_91 = tpu.memref_slice %arg8[%add3A_89, %dma_start3A_90] : memref<40x128xi32, #tpu.memory_space<vmem>> -> memref<1x128xi32, #tpu.memory_space<vmem>>
          %dma_start3A_92 = tpu.memref_squeeze %dma_start3A_91 : memref<1x128xi32, #tpu.memory_space<vmem>> -> memref<128xi32, #tpu.memory_space<vmem>>
          %dma_start3A_93 = arith.constant 0 : i32
          %dma_start3A_94 = arith.constant 0 : i32
          %dma_start3A_95 = tpu.memref_slice %arg2[%dma_start3A_93, %dma_start3A_94] : memref<10000x128xf32, #tpu.memory_space<hbm>> -> memref<10000x128xf32, #tpu.memory_space<hbm>>
          tpu.enqueue_indirect_dma source(%dma_start3A_95 : memref<10000x128xf32, #tpu.memory_space<hbm>>) target(%arg10 : memref<128x128xf32, #tpu.memory_space<vmem>>) offsets(%dma_start3A_92 : memref<128xi32, #tpu.memory_space<vmem>>) semaphore(%arg12 : memref<!tpu.dma_semaphore, #tpu.memory_space<semaphore_mem>>)
        } else {
        }
        %add3A_80 = arith.constant 1 : i32
        %add3A_81 = arith.addi %mul3A_61, %add3A_80 : i32
        %dma_wait3A_82 = arith.constant 0 : i32
        %dma_wait3A_83 = tpu.memref_slice %arg8[%add3A_81, %dma_wait3A_82] : memref<40x128xi32, #tpu.memory_space<vmem>> -> memref<1x128xi32, #tpu.memory_space<vmem>>
        %dma_wait3A_84 = tpu.memref_squeeze %dma_wait3A_83 : memref<1x128xi32, #tpu.memory_space<vmem>> -> memref<128xi32, #tpu.memory_space<vmem>>
        %dma_wait3A_85 = arith.constant 0 : i32
        %dma_wait3A_86 = arith.constant 0 : i32
        %dma_wait3A_87 = tpu.memref_slice %arg2[%dma_wait3A_85, %dma_wait3A_86] : memref<10000x128xf32, #tpu.memory_space<hbm>> -> memref<10000x128xf32, #tpu.memory_space<hbm>>
        tpu.wait_indirect_dma semaphore(%arg13 : memref<!tpu.dma_semaphore, #tpu.memory_space<semaphore_mem>>) src(%dma_wait3A_87 : memref<10000x128xf32, #tpu.memory_space<hbm>>) dst(%arg11 : memref<128x128xf32, #tpu.memory_space<vmem>>)
        "tpu.region"() ({
          %run_scoped3A = tpu.sem_alloc : memref<!tpu.dma_semaphore, #tpu.memory_space<semaphore_mem>>
          %dma_start3A_88 = arith.constant 0 : i32
          %dma_start3A_89 = tpu.memref_slice %arg9[%add3A_81, %dma_start3A_88] : memref<40x128xi32, #tpu.memory_space<vmem>> -> memref<1x128xi32, #tpu.memory_space<vmem>>
          %dma_start3A_90 = tpu.memref_squeeze %dma_start3A_89 : memref<1x128xi32, #tpu.memory_space<vmem>> -> memref<128xi32, #tpu.memory_space<vmem>>
          %dma_start3A_91 = arith.constant 0 : i32
          %dma_start3A_92 = arith.constant 0 : i32
          %dma_start3A_93 = tpu.memref_slice %arg7[%dma_start3A_91, %dma_start3A_92] : memref<10240x128xf32, #tpu.memory_space<vmem_shared>> -> memref<10240x128xf32, #tpu.memory_space<vmem_shared>>
          tpu.enqueue_indirect_dma source(%arg11 : memref<128x128xf32, #tpu.memory_space<vmem>>) target(%dma_start3A_93 : memref<10240x128xf32, #tpu.memory_space<vmem_shared>>) offsets(%dma_start3A_90 : memref<128xi32, #tpu.memory_space<vmem>>) semaphore(%run_scoped3A : memref<!tpu.dma_semaphore, #tpu.memory_space<semaphore_mem>>) {add = true}
          %dma_wait3A_94 = arith.constant 0 : i32
          %dma_wait3A_95 = tpu.memref_slice %arg9[%add3A_81, %dma_wait3A_94] : memref<40x128xi32, #tpu.memory_space<vmem>> -> memref<1x128xi32, #tpu.memory_space<vmem>>
          %dma_wait3A_96 = tpu.memref_squeeze %dma_wait3A_95 : memref<1x128xi32, #tpu.memory_space<vmem>> -> memref<128xi32, #tpu.memory_space<vmem>>
          %dma_wait3A_97 = arith.constant 0 : i32
          %dma_wait3A_98 = arith.constant 0 : i32
          %dma_wait3A_99 = tpu.memref_slice %arg7[%dma_wait3A_97, %dma_wait3A_98] : memref<10240x128xf32, #tpu.memory_space<vmem_shared>> -> memref<10240x128xf32, #tpu.memory_space<vmem_shared>>
          tpu.wait_indirect_dma semaphore(%run_scoped3A : memref<!tpu.dma_semaphore, #tpu.memory_space<semaphore_mem>>) src(%arg11 : memref<128x128xf32, #tpu.memory_space<vmem>>) dst(%dma_wait3A_99 : memref<10240x128xf32, #tpu.memory_space<vmem_shared>>)
          tpu.yield
        }) : () -> ()
      }
      %while3A_58 = arith.constant 1 : i32
      scf.for %while3A_59 = %while3A_56 to %while3A_52 step %while3A_58  : i32 {
        %mul3A_60 = arith.constant 2 : i32
        %mul3A_61 = arith.muli %mul3A_60, %while3A_59 : i32
        %add3A_62 = arith.constant 1 : i32
        %add3A_63 = arith.addi %mul3A_61, %add3A_62 : i32
        %dma_start3A_64 = arith.constant 0 : i32
        %dma_start3A_65 = tpu.memref_slice %arg8[%add3A_63, %dma_start3A_64] : memref<40x128xi32, #tpu.memory_space<vmem>> -> memref<1x128xi32, #tpu.memory_space<vmem>>
        %dma_start3A_66 = tpu.memref_squeeze %dma_start3A_65 : memref<1x128xi32, #tpu.memory_space<vmem>> -> memref<128xi32, #tpu.memory_space<vmem>>
        %dma_start3A_67 = arith.constant 0 : i32
        %dma_start3A_68 = arith.constant 0 : i32
        %dma_start3A_69 = tpu.memref_slice %arg2[%dma_start3A_67, %dma_start3A_68] : memref<10000x128xf32, #tpu.memory_space<hbm>> -> memref<10000x128xf32, #tpu.memory_space<hbm>>
        tpu.enqueue_indirect_dma source(%dma_start3A_69 : memref<10000x128xf32, #tpu.memory_space<hbm>>) target(%arg11 : memref<128x128xf32, #tpu.memory_space<vmem>>) offsets(%dma_start3A_66 : memref<128xi32, #tpu.memory_space<vmem>>) semaphore(%arg13 : memref<!tpu.dma_semaphore, #tpu.memory_space<semaphore_mem>>)
        %dma_wait3A = arith.constant 0 : i32
        %dma_wait3A_70 = tpu.memref_slice %arg8[%mul3A_61, %dma_wait3A] : memref<40x128xi32, #tpu.memory_space<vmem>> -> memref<1x128xi32, #tpu.memory_space<vmem>>
        %dma_wait3A_71 = tpu.memref_squeeze %dma_wait3A_70 : memref<1x128xi32, #tpu.memory_space<vmem>> -> memref<128xi32, #tpu.memory_space<vmem>>
        %dma_wait3A_72 = arith.constant 0 : i32
        %dma_wait3A_73 = arith.constant 0 : i32
        %dma_wait3A_74 = tpu.memref_slice %arg2[%dma_wait3A_72, %dma_wait3A_73] : memref<10000x128xf32, #tpu.memory_space<hbm>> -> memref<10000x128xf32, #tpu.memory_space<hbm>>
        tpu.wait_indirect_dma semaphore(%arg12 : memref<!tpu.dma_semaphore, #tpu.memory_space<semaphore_mem>>) src(%dma_wait3A_74 : memref<10000x128xf32, #tpu.memory_space<hbm>>) dst(%arg10 : memref<128x128xf32, #tpu.memory_space<vmem>>)
        "tpu.region"() ({
          %run_scoped3A = tpu.sem_alloc : memref<!tpu.dma_semaphore, #tpu.memory_space<semaphore_mem>>
          %dma_start3A_88 = arith.constant 0 : i32
          %dma_start3A_89 = tpu.memref_slice %arg9[%mul3A_61, %dma_start3A_88] : memref<40x128xi32, #tpu.memory_space<vmem>> -> memref<1x128xi32, #tpu.memory_space<vmem>>
          %dma_start3A_90 = tpu.memref_squeeze %dma_start3A_89 : memref<1x128xi32, #tpu.memory_space<vmem>> -> memref<128xi32, #tpu.memory_space<vmem>>
          %dma_start3A_91 = arith.constant 0 : i32
          %dma_start3A_92 = arith.constant 0 : i32
          %dma_start3A_93 = tpu.memref_slice %arg7[%dma_start3A_91, %dma_start3A_92] : memref<10240x128xf32, #tpu.memory_space<vmem_shared>> -> memref<10240x128xf32, #tpu.memory_space<vmem_shared>>
          tpu.enqueue_indirect_dma source(%arg10 : memref<128x128xf32, #tpu.memory_space<vmem>>) target(%dma_start3A_93 : memref<10240x128xf32, #tpu.memory_space<vmem_shared>>) offsets(%dma_start3A_90 : memref<128xi32, #tpu.memory_space<vmem>>) semaphore(%run_scoped3A : memref<!tpu.dma_semaphore, #tpu.memory_space<semaphore_mem>>) {add = true}
          %dma_wait3A_94 = arith.constant 0 : i32
          %dma_wait3A_95 = tpu.memref_slice %arg9[%mul3A_61, %dma_wait3A_94] : memref<40x128xi32, #tpu.memory_space<vmem>> -> memref<1x128xi32, #tpu.memory_space<vmem>>
          %dma_wait3A_96 = tpu.memref_squeeze %dma_wait3A_95 : memref<1x128xi32, #tpu.memory_space<vmem>> -> memref<128xi32, #tpu.memory_space<vmem>>
          %dma_wait3A_97 = arith.constant 0 : i32
          %dma_wait3A_98 = arith.constant 0 : i32
          %dma_wait3A_99 = tpu.memref_slice %arg7[%dma_wait3A_97, %dma_wait3A_98] : memref<10240x128xf32, #tpu.memory_space<vmem_shared>> -> memref<10240x128xf32, #tpu.memory_space<vmem_shared>>
          tpu.wait_indirect_dma semaphore(%run_scoped3A : memref<!tpu.dma_semaphore, #tpu.memory_space<semaphore_mem>>) src(%arg10 : memref<128x128xf32, #tpu.memory_space<vmem>>) dst(%dma_wait3A_99 : memref<10240x128xf32, #tpu.memory_space<vmem_shared>>)
          tpu.yield
        }) : () -> ()
        %lt3A_75 = arith.constant 19 : i32
        %lt3A_76 = arith.cmpi slt, %while3A_59, %lt3A_75 : i32
        %convert_element_type3A_77 = arith.extui %lt3A_76 : i1 to i32
        %cond3A_78 = arith.constant 0 : i32
        %cond3A_79 = arith.cmpi ne, %convert_element_type3A_77, %cond3A_78 : i32
        scf.if %cond3A_79 {
          %add3A_88 = arith.constant 2 : i32
          %add3A_89 = arith.addi %mul3A_61, %add3A_88 : i32
          %dma_start3A_90 = arith.constant 0 : i32
          %dma_start3A_91 = tpu.memref_slice %arg8[%add3A_89, %dma_start3A_90] : memref<40x128xi32, #tpu.memory_space<vmem>> -> memref<1x128xi32, #tpu.memory_space<vmem>>
          %dma_start3A_92 = tpu.memref_squeeze %dma_start3A_91 : memref<1x128xi32, #tpu.memory_space<vmem>> -> memref<128xi32, #tpu.memory_space<vmem>>
          %dma_start3A_93 = arith.constant 0 : i32
          %dma_start3A_94 = arith.constant 0 : i32
          %dma_start3A_95 = tpu.memref_slice %arg2[%dma_start3A_93, %dma_start3A_94] : memref<10000x128xf32, #tpu.memory_space<hbm>> -> memref<10000x128xf32, #tpu.memory_space<hbm>>
          tpu.enqueue_indirect_dma source(%dma_start3A_95 : memref<10000x128xf32, #tpu.memory_space<hbm>>) target(%arg10 : memref<128x128xf32, #tpu.memory_space<vmem>>) offsets(%dma_start3A_92 : memref<128xi32, #tpu.memory_space<vmem>>) semaphore(%arg12 : memref<!tpu.dma_semaphore, #tpu.memory_space<semaphore_mem>>)
        } else {
        }
        %add3A_80 = arith.constant 1 : i32
        %add3A_81 = arith.addi %mul3A_61, %add3A_80 : i32
        %dma_wait3A_82 = arith.constant 0 : i32
        %dma_wait3A_83 = tpu.memref_slice %arg8[%add3A_81, %dma_wait3A_82] : memref<40x128xi32, #tpu.memory_space<vmem>> -> memref<1x128xi32, #tpu.memory_space<vmem>>
        %dma_wait3A_84 = tpu.memref_squeeze %dma_wait3A_83 : memref<1x128xi32, #tpu.memory_space<vmem>> -> memref<128xi32, #tpu.memory_space<vmem>>
        %dma_wait3A_85 = arith.constant 0 : i32
        %dma_wait3A_86 = arith.constant 0 : i32
        %dma_wait3A_87 = tpu.memref_slice %arg2[%dma_wait3A_85, %dma_wait3A_86] : memref<10000x128xf32, #tpu.memory_space<hbm>> -> memref<10000x128xf32, #tpu.memory_space<hbm>>
        tpu.wait_indirect_dma semaphore(%arg13 : memref<!tpu.dma_semaphore, #tpu.memory_space<semaphore_mem>>) src(%dma_wait3A_87 : memref<10000x128xf32, #tpu.memory_space<hbm>>) dst(%arg11 : memref<128x128xf32, #tpu.memory_space<vmem>>)
        "tpu.region"() ({
          %run_scoped3A = tpu.sem_alloc : memref<!tpu.dma_semaphore, #tpu.memory_space<semaphore_mem>>
          %dma_start3A_88 = arith.constant 0 : i32
          %dma_start3A_89 = tpu.memref_slice %arg9[%add3A_81, %dma_start3A_88] : memref<40x128xi32, #tpu.memory_space<vmem>> -> memref<1x128xi32, #tpu.memory_space<vmem>>
          %dma_start3A_90 = tpu.memref_squeeze %dma_start3A_89 : memref<1x128xi32, #tpu.memory_space<vmem>> -> memref<128xi32, #tpu.memory_space<vmem>>
          %dma_start3A_91 = arith.constant 0 : i32
          %dma_start3A_92 = arith.constant 0 : i32
          %dma_start3A_93 = tpu.memref_slice %arg7[%dma_start3A_91, %dma_start3A_92] : memref<10240x128xf32, #tpu.memory_space<vmem_shared>> -> memref<10240x128xf32, #tpu.memory_space<vmem_shared>>
          tpu.enqueue_indirect_dma source(%arg11 : memref<128x128xf32, #tpu.memory_space<vmem>>) target(%dma_start3A_93 : memref<10240x128xf32, #tpu.memory_space<vmem_shared>>) offsets(%dma_start3A_90 : memref<128xi32, #tpu.memory_space<vmem>>) semaphore(%run_scoped3A : memref<!tpu.dma_semaphore, #tpu.memory_space<semaphore_mem>>) {add = true}
          %dma_wait3A_94 = arith.constant 0 : i32
          %dma_wait3A_95 = tpu.memref_slice %arg9[%add3A_81, %dma_wait3A_94] : memref<40x128xi32, #tpu.memory_space<vmem>> -> memref<1x128xi32, #tpu.memory_space<vmem>>
          %dma_wait3A_96 = tpu.memref_squeeze %dma_wait3A_95 : memref<1x128xi32, #tpu.memory_space<vmem>> -> memref<128xi32, #tpu.memory_space<vmem>>
          %dma_wait3A_97 = arith.constant 0 : i32
          %dma_wait3A_98 = arith.constant 0 : i32
          %dma_wait3A_99 = tpu.memref_slice %arg7[%dma_wait3A_97, %dma_wait3A_98] : memref<10240x128xf32, #tpu.memory_space<vmem_shared>> -> memref<10240x128xf32, #tpu.memory_space<vmem_shared>>
          tpu.wait_indirect_dma semaphore(%run_scoped3A : memref<!tpu.dma_semaphore, #tpu.memory_space<semaphore_mem>>) src(%arg11 : memref<128x128xf32, #tpu.memory_space<vmem>>) dst(%dma_wait3A_99 : memref<10240x128xf32, #tpu.memory_space<vmem_shared>>)
          tpu.yield
        }) : () -> ()
      }
    } else {
    }
    %lt3A_25 = arith.constant 80 : i32
    %lt3A_26 = arith.cmpi slt, %lt3A_25, %select_n3A : i32
    %convert_element_type3A_27 = arith.extui %lt3A_26 : i1 to i32
    %cond3A_28 = arith.constant 0 : i32
    %cond3A_29 = arith.cmpi ne, %convert_element_type3A_27, %cond3A_28 : i32
    scf.if %cond3A_29 {
      %add3A_41 = arith.constant 80 : i32
      %add3A_42 = arith.addi %select_n3A_8, %add3A_41 : i32
      "tpu.region"() ({
        %run_scoped3A = tpu.sem_alloc : memref<!tpu.dma_semaphore, #tpu.memory_space<semaphore_mem>>
        %dma_start3A_59 = arith.constant 0 : i32
        %dma_start3A_60 = tpu.memref_slice %arg3[%add3A_42, %dma_start3A_59] : memref<2560x128xi32, #tpu.memory_space<hbm>> -> memref<40x128xi32, #tpu.memory_space<hbm>>
        %dma_start3A_61 = arith.constant 0 : i32
        %dma_start3A_62 = tpu.memref_slice %arg3[%add3A_42, %dma_start3A_61] : memref<2560x128xi32, #tpu.memory_space<hbm>> -> memref<40x128xi32, #tpu.memory_space<hbm>>
        tpu.enqueue_dma source(%dma_start3A_62 : memref<40x128xi32, #tpu.memory_space<hbm>>) target(%arg8 : memref<40x128xi32, #tpu.memory_space<vmem>>) target_semaphore(%run_scoped3A : memref<!tpu.dma_semaphore, #tpu.memory_space<semaphore_mem>>)
        %dma_wait3A = arith.constant 0 : i32
        %dma_wait3A_63 = tpu.memref_slice %arg3[%add3A_42, %dma_wait3A] : memref<2560x128xi32, #tpu.memory_space<hbm>> -> memref<40x128xi32, #tpu.memory_space<hbm>>
        %dma_wait3A_64 = arith.constant 0 : i32
        %dma_wait3A_65 = tpu.memref_slice %arg3[%add3A_42, %dma_wait3A_64] : memref<2560x128xi32, #tpu.memory_space<hbm>> -> memref<40x128xi32, #tpu.memory_space<hbm>>
        tpu.wait_dma2 semaphore(%run_scoped3A : memref<!tpu.dma_semaphore, #tpu.memory_space<semaphore_mem>>) src(%dma_wait3A_65 : memref<40x128xi32, #tpu.memory_space<hbm>>) dst(%arg8 : memref<40x128xi32, #tpu.memory_space<vmem>>)
        tpu.yield
      }) : () -> ()
      "tpu.region"() ({
        %run_scoped3A = tpu.sem_alloc : memref<!tpu.dma_semaphore, #tpu.memory_space<semaphore_mem>>
        %dma_start3A_59 = arith.constant 0 : i32
        %dma_start3A_60 = tpu.memref_slice %arg4[%add3A_42, %dma_start3A_59] : memref<2560x128xi32, #tpu.memory_space<hbm>> -> memref<40x128xi32, #tpu.memory_space<hbm>>
        %dma_start3A_61 = arith.constant 0 : i32
        %dma_start3A_62 = tpu.memref_slice %arg4[%add3A_42, %dma_start3A_61] : memref<2560x128xi32, #tpu.memory_space<hbm>> -> memref<40x128xi32, #tpu.memory_space<hbm>>
        tpu.enqueue_dma source(%dma_start3A_62 : memref<40x128xi32, #tpu.memory_space<hbm>>) target(%arg9 : memref<40x128xi32, #tpu.memory_space<vmem>>) target_semaphore(%run_scoped3A : memref<!tpu.dma_semaphore, #tpu.memory_space<semaphore_mem>>)
        %dma_wait3A = arith.constant 0 : i32
        %dma_wait3A_63 = tpu.memref_slice %arg4[%add3A_42, %dma_wait3A] : memref<2560x128xi32, #tpu.memory_space<hbm>> -> memref<40x128xi32, #tpu.memory_space<hbm>>
        %dma_wait3A_64 = arith.constant 0 : i32
        %dma_wait3A_65 = tpu.memref_slice %arg4[%add3A_42, %dma_wait3A_64] : memref<2560x128xi32, #tpu.memory_space<hbm>> -> memref<40x128xi32, #tpu.memory_space<hbm>>
        tpu.wait_dma2 semaphore(%run_scoped3A : memref<!tpu.dma_semaphore, #tpu.memory_space<semaphore_mem>>) src(%dma_wait3A_65 : memref<40x128xi32, #tpu.memory_space<hbm>>) dst(%arg9 : memref<40x128xi32, #tpu.memory_space<vmem>>)
        tpu.yield
      }) : () -> ()
      %dma_start3A = arith.constant 0 : i32
      %dma_start3A_43 = arith.constant 0 : i32
      %dma_start3A_44 = tpu.memref_slice %arg8[%dma_start3A, %dma_start3A_43] : memref<40x128xi32, #tpu.memory_space<vmem>> -> memref<1x128xi32, #tpu.memory_space<vmem>>
      %dma_start3A_45 = tpu.memref_squeeze %dma_start3A_44 : memref<1x128xi32, #tpu.memory_space<vmem>> -> memref<128xi32, #tpu.memory_space<vmem>>
      %dma_start3A_46 = arith.constant 0 : i32
      %dma_start3A_47 = arith.constant 0 : i32
      %dma_start3A_48 = tpu.memref_slice %arg2[%dma_start3A_46, %dma_start3A_47] : memref<10000x128xf32, #tpu.memory_space<hbm>> -> memref<10000x128xf32, #tpu.memory_space<hbm>>
      tpu.enqueue_indirect_dma source(%dma_start3A_48 : memref<10000x128xf32, #tpu.memory_space<hbm>>) target(%arg10 : memref<128x128xf32, #tpu.memory_space<vmem>>) offsets(%dma_start3A_45 : memref<128xi32, #tpu.memory_space<vmem>>) semaphore(%arg12 : memref<!tpu.dma_semaphore, #tpu.memory_space<semaphore_mem>>)
      %while3A_49 = arith.constant 0 : i32
      %while3A_50 = arith.constant 20 : i32
      %while3A_51 = arith.subi %while3A_50, %while3A_49 : i32
      %while3A_52 = arith.addi %while3A_49, %while3A_51 : i32
      %while3A_53 = arith.constant 1 : i32
      %while3A_54 = arith.divsi %while3A_51, %while3A_53 : i32
      %while3A_55 = arith.muli %while3A_54, %while3A_53 : i32
      %while3A_56 = arith.addi %while3A_49, %while3A_55 : i32
      %while3A_57 = arith.constant 1 : i32
      scf.for %while3A_59 = %while3A_49 to %while3A_56 step %while3A_57  : i32 {
        %mul3A_60 = arith.constant 2 : i32
        %mul3A_61 = arith.muli %mul3A_60, %while3A_59 : i32
        %add3A_62 = arith.constant 1 : i32
        %add3A_63 = arith.addi %mul3A_61, %add3A_62 : i32
        %dma_start3A_64 = arith.constant 0 : i32
        %dma_start3A_65 = tpu.memref_slice %arg8[%add3A_63, %dma_start3A_64] : memref<40x128xi32, #tpu.memory_space<vmem>> -> memref<1x128xi32, #tpu.memory_space<vmem>>
        %dma_start3A_66 = tpu.memref_squeeze %dma_start3A_65 : memref<1x128xi32, #tpu.memory_space<vmem>> -> memref<128xi32, #tpu.memory_space<vmem>>
        %dma_start3A_67 = arith.constant 0 : i32
        %dma_start3A_68 = arith.constant 0 : i32
        %dma_start3A_69 = tpu.memref_slice %arg2[%dma_start3A_67, %dma_start3A_68] : memref<10000x128xf32, #tpu.memory_space<hbm>> -> memref<10000x128xf32, #tpu.memory_space<hbm>>
        tpu.enqueue_indirect_dma source(%dma_start3A_69 : memref<10000x128xf32, #tpu.memory_space<hbm>>) target(%arg11 : memref<128x128xf32, #tpu.memory_space<vmem>>) offsets(%dma_start3A_66 : memref<128xi32, #tpu.memory_space<vmem>>) semaphore(%arg13 : memref<!tpu.dma_semaphore, #tpu.memory_space<semaphore_mem>>)
        %dma_wait3A = arith.constant 0 : i32
        %dma_wait3A_70 = tpu.memref_slice %arg8[%mul3A_61, %dma_wait3A] : memref<40x128xi32, #tpu.memory_space<vmem>> -> memref<1x128xi32, #tpu.memory_space<vmem>>
        %dma_wait3A_71 = tpu.memref_squeeze %dma_wait3A_70 : memref<1x128xi32, #tpu.memory_space<vmem>> -> memref<128xi32, #tpu.memory_space<vmem>>
        %dma_wait3A_72 = arith.constant 0 : i32
        %dma_wait3A_73 = arith.constant 0 : i32
        %dma_wait3A_74 = tpu.memref_slice %arg2[%dma_wait3A_72, %dma_wait3A_73] : memref<10000x128xf32, #tpu.memory_space<hbm>> -> memref<10000x128xf32, #tpu.memory_space<hbm>>
        tpu.wait_indirect_dma semaphore(%arg12 : memref<!tpu.dma_semaphore, #tpu.memory_space<semaphore_mem>>) src(%dma_wait3A_74 : memref<10000x128xf32, #tpu.memory_space<hbm>>) dst(%arg10 : memref<128x128xf32, #tpu.memory_space<vmem>>)
        "tpu.region"() ({
          %run_scoped3A = tpu.sem_alloc : memref<!tpu.dma_semaphore, #tpu.memory_space<semaphore_mem>>
          %dma_start3A_88 = arith.constant 0 : i32
          %dma_start3A_89 = tpu.memref_slice %arg9[%mul3A_61, %dma_start3A_88] : memref<40x128xi32, #tpu.memory_space<vmem>> -> memref<1x128xi32, #tpu.memory_space<vmem>>
          %dma_start3A_90 = tpu.memref_squeeze %dma_start3A_89 : memref<1x128xi32, #tpu.memory_space<vmem>> -> memref<128xi32, #tpu.memory_space<vmem>>
          %dma_start3A_91 = arith.constant 0 : i32
          %dma_start3A_92 = arith.constant 0 : i32
          %dma_start3A_93 = tpu.memref_slice %arg7[%dma_start3A_91, %dma_start3A_92] : memref<10240x128xf32, #tpu.memory_space<vmem_shared>> -> memref<10240x128xf32, #tpu.memory_space<vmem_shared>>
          tpu.enqueue_indirect_dma source(%arg10 : memref<128x128xf32, #tpu.memory_space<vmem>>) target(%dma_start3A_93 : memref<10240x128xf32, #tpu.memory_space<vmem_shared>>) offsets(%dma_start3A_90 : memref<128xi32, #tpu.memory_space<vmem>>) semaphore(%run_scoped3A : memref<!tpu.dma_semaphore, #tpu.memory_space<semaphore_mem>>) {add = true}
          %dma_wait3A_94 = arith.constant 0 : i32
          %dma_wait3A_95 = tpu.memref_slice %arg9[%mul3A_61, %dma_wait3A_94] : memref<40x128xi32, #tpu.memory_space<vmem>> -> memref<1x128xi32, #tpu.memory_space<vmem>>
          %dma_wait3A_96 = tpu.memref_squeeze %dma_wait3A_95 : memref<1x128xi32, #tpu.memory_space<vmem>> -> memref<128xi32, #tpu.memory_space<vmem>>
          %dma_wait3A_97 = arith.constant 0 : i32
          %dma_wait3A_98 = arith.constant 0 : i32
          %dma_wait3A_99 = tpu.memref_slice %arg7[%dma_wait3A_97, %dma_wait3A_98] : memref<10240x128xf32, #tpu.memory_space<vmem_shared>> -> memref<10240x128xf32, #tpu.memory_space<vmem_shared>>
          tpu.wait_indirect_dma semaphore(%run_scoped3A : memref<!tpu.dma_semaphore, #tpu.memory_space<semaphore_mem>>) src(%arg10 : memref<128x128xf32, #tpu.memory_space<vmem>>) dst(%dma_wait3A_99 : memref<10240x128xf32, #tpu.memory_space<vmem_shared>>)
          tpu.yield
        }) : () -> ()
        %lt3A_75 = arith.constant 19 : i32
        %lt3A_76 = arith.cmpi slt, %while3A_59, %lt3A_75 : i32
        %convert_element_type3A_77 = arith.extui %lt3A_76 : i1 to i32
        %cond3A_78 = arith.constant 0 : i32
        %cond3A_79 = arith.cmpi ne, %convert_element_type3A_77, %cond3A_78 : i32
        scf.if %cond3A_79 {
          %add3A_88 = arith.constant 2 : i32
          %add3A_89 = arith.addi %mul3A_61, %add3A_88 : i32
          %dma_start3A_90 = arith.constant 0 : i32
          %dma_start3A_91 = tpu.memref_slice %arg8[%add3A_89, %dma_start3A_90] : memref<40x128xi32, #tpu.memory_space<vmem>> -> memref<1x128xi32, #tpu.memory_space<vmem>>
          %dma_start3A_92 = tpu.memref_squeeze %dma_start3A_91 : memref<1x128xi32, #tpu.memory_space<vmem>> -> memref<128xi32, #tpu.memory_space<vmem>>
          %dma_start3A_93 = arith.constant 0 : i32
          %dma_start3A_94 = arith.constant 0 : i32
          %dma_start3A_95 = tpu.memref_slice %arg2[%dma_start3A_93, %dma_start3A_94] : memref<10000x128xf32, #tpu.memory_space<hbm>> -> memref<10000x128xf32, #tpu.memory_space<hbm>>
          tpu.enqueue_indirect_dma source(%dma_start3A_95 : memref<10000x128xf32, #tpu.memory_space<hbm>>) target(%arg10 : memref<128x128xf32, #tpu.memory_space<vmem>>) offsets(%dma_start3A_92 : memref<128xi32, #tpu.memory_space<vmem>>) semaphore(%arg12 : memref<!tpu.dma_semaphore, #tpu.memory_space<semaphore_mem>>)
        } else {
        }
        %add3A_80 = arith.constant 1 : i32
        %add3A_81 = arith.addi %mul3A_61, %add3A_80 : i32
        %dma_wait3A_82 = arith.constant 0 : i32
        %dma_wait3A_83 = tpu.memref_slice %arg8[%add3A_81, %dma_wait3A_82] : memref<40x128xi32, #tpu.memory_space<vmem>> -> memref<1x128xi32, #tpu.memory_space<vmem>>
        %dma_wait3A_84 = tpu.memref_squeeze %dma_wait3A_83 : memref<1x128xi32, #tpu.memory_space<vmem>> -> memref<128xi32, #tpu.memory_space<vmem>>
        %dma_wait3A_85 = arith.constant 0 : i32
        %dma_wait3A_86 = arith.constant 0 : i32
        %dma_wait3A_87 = tpu.memref_slice %arg2[%dma_wait3A_85, %dma_wait3A_86] : memref<10000x128xf32, #tpu.memory_space<hbm>> -> memref<10000x128xf32, #tpu.memory_space<hbm>>
        tpu.wait_indirect_dma semaphore(%arg13 : memref<!tpu.dma_semaphore, #tpu.memory_space<semaphore_mem>>) src(%dma_wait3A_87 : memref<10000x128xf32, #tpu.memory_space<hbm>>) dst(%arg11 : memref<128x128xf32, #tpu.memory_space<vmem>>)
        "tpu.region"() ({
          %run_scoped3A = tpu.sem_alloc : memref<!tpu.dma_semaphore, #tpu.memory_space<semaphore_mem>>
          %dma_start3A_88 = arith.constant 0 : i32
          %dma_start3A_89 = tpu.memref_slice %arg9[%add3A_81, %dma_start3A_88] : memref<40x128xi32, #tpu.memory_space<vmem>> -> memref<1x128xi32, #tpu.memory_space<vmem>>
          %dma_start3A_90 = tpu.memref_squeeze %dma_start3A_89 : memref<1x128xi32, #tpu.memory_space<vmem>> -> memref<128xi32, #tpu.memory_space<vmem>>
          %dma_start3A_91 = arith.constant 0 : i32
          %dma_start3A_92 = arith.constant 0 : i32
          %dma_start3A_93 = tpu.memref_slice %arg7[%dma_start3A_91, %dma_start3A_92] : memref<10240x128xf32, #tpu.memory_space<vmem_shared>> -> memref<10240x128xf32, #tpu.memory_space<vmem_shared>>
          tpu.enqueue_indirect_dma source(%arg11 : memref<128x128xf32, #tpu.memory_space<vmem>>) target(%dma_start3A_93 : memref<10240x128xf32, #tpu.memory_space<vmem_shared>>) offsets(%dma_start3A_90 : memref<128xi32, #tpu.memory_space<vmem>>) semaphore(%run_scoped3A : memref<!tpu.dma_semaphore, #tpu.memory_space<semaphore_mem>>) {add = true}
          %dma_wait3A_94 = arith.constant 0 : i32
          %dma_wait3A_95 = tpu.memref_slice %arg9[%add3A_81, %dma_wait3A_94] : memref<40x128xi32, #tpu.memory_space<vmem>> -> memref<1x128xi32, #tpu.memory_space<vmem>>
          %dma_wait3A_96 = tpu.memref_squeeze %dma_wait3A_95 : memref<1x128xi32, #tpu.memory_space<vmem>> -> memref<128xi32, #tpu.memory_space<vmem>>
          %dma_wait3A_97 = arith.constant 0 : i32
          %dma_wait3A_98 = arith.constant 0 : i32
          %dma_wait3A_99 = tpu.memref_slice %arg7[%dma_wait3A_97, %dma_wait3A_98] : memref<10240x128xf32, #tpu.memory_space<vmem_shared>> -> memref<10240x128xf32, #tpu.memory_space<vmem_shared>>
          tpu.wait_indirect_dma semaphore(%run_scoped3A : memref<!tpu.dma_semaphore, #tpu.memory_space<semaphore_mem>>) src(%arg11 : memref<128x128xf32, #tpu.memory_space<vmem>>) dst(%dma_wait3A_99 : memref<10240x128xf32, #tpu.memory_space<vmem_shared>>)
          tpu.yield
        }) : () -> ()
      }
      %while3A_58 = arith.constant 1 : i32
      scf.for %while3A_59 = %while3A_56 to %while3A_52 step %while3A_58  : i32 {
        %mul3A_60 = arith.constant 2 : i32
        %mul3A_61 = arith.muli %mul3A_60, %while3A_59 : i32
        %add3A_62 = arith.constant 1 : i32
        %add3A_63 = arith.addi %mul3A_61, %add3A_62 : i32
        %dma_start3A_64 = arith.constant 0 : i32
        %dma_start3A_65 = tpu.memref_slice %arg8[%add3A_63, %dma_start3A_64] : memref<40x128xi32, #tpu.memory_space<vmem>> -> memref<1x128xi32, #tpu.memory_space<vmem>>
        %dma_start3A_66 = tpu.memref_squeeze %dma_start3A_65 : memref<1x128xi32, #tpu.memory_space<vmem>> -> memref<128xi32, #tpu.memory_space<vmem>>
        %dma_start3A_67 = arith.constant 0 : i32
        %dma_start3A_68 = arith.constant 0 : i32
        %dma_start3A_69 = tpu.memref_slice %arg2[%dma_start3A_67, %dma_start3A_68] : memref<10000x128xf32, #tpu.memory_space<hbm>> -> memref<10000x128xf32, #tpu.memory_space<hbm>>
        tpu.enqueue_indirect_dma source(%dma_start3A_69 : memref<10000x128xf32, #tpu.memory_space<hbm>>) target(%arg11 : memref<128x128xf32, #tpu.memory_space<vmem>>) offsets(%dma_start3A_66 : memref<128xi32, #tpu.memory_space<vmem>>) semaphore(%arg13 : memref<!tpu.dma_semaphore, #tpu.memory_space<semaphore_mem>>)
        %dma_wait3A = arith.constant 0 : i32
        %dma_wait3A_70 = tpu.memref_slice %arg8[%mul3A_61, %dma_wait3A] : memref<40x128xi32, #tpu.memory_space<vmem>> -> memref<1x128xi32, #tpu.memory_space<vmem>>
        %dma_wait3A_71 = tpu.memref_squeeze %dma_wait3A_70 : memref<1x128xi32, #tpu.memory_space<vmem>> -> memref<128xi32, #tpu.memory_space<vmem>>
        %dma_wait3A_72 = arith.constant 0 : i32
        %dma_wait3A_73 = arith.constant 0 : i32
        %dma_wait3A_74 = tpu.memref_slice %arg2[%dma_wait3A_72, %dma_wait3A_73] : memref<10000x128xf32, #tpu.memory_space<hbm>> -> memref<10000x128xf32, #tpu.memory_space<hbm>>
        tpu.wait_indirect_dma semaphore(%arg12 : memref<!tpu.dma_semaphore, #tpu.memory_space<semaphore_mem>>) src(%dma_wait3A_74 : memref<10000x128xf32, #tpu.memory_space<hbm>>) dst(%arg10 : memref<128x128xf32, #tpu.memory_space<vmem>>)
        "tpu.region"() ({
          %run_scoped3A = tpu.sem_alloc : memref<!tpu.dma_semaphore, #tpu.memory_space<semaphore_mem>>
          %dma_start3A_88 = arith.constant 0 : i32
          %dma_start3A_89 = tpu.memref_slice %arg9[%mul3A_61, %dma_start3A_88] : memref<40x128xi32, #tpu.memory_space<vmem>> -> memref<1x128xi32, #tpu.memory_space<vmem>>
          %dma_start3A_90 = tpu.memref_squeeze %dma_start3A_89 : memref<1x128xi32, #tpu.memory_space<vmem>> -> memref<128xi32, #tpu.memory_space<vmem>>
          %dma_start3A_91 = arith.constant 0 : i32
          %dma_start3A_92 = arith.constant 0 : i32
          %dma_start3A_93 = tpu.memref_slice %arg7[%dma_start3A_91, %dma_start3A_92] : memref<10240x128xf32, #tpu.memory_space<vmem_shared>> -> memref<10240x128xf32, #tpu.memory_space<vmem_shared>>
          tpu.enqueue_indirect_dma source(%arg10 : memref<128x128xf32, #tpu.memory_space<vmem>>) target(%dma_start3A_93 : memref<10240x128xf32, #tpu.memory_space<vmem_shared>>) offsets(%dma_start3A_90 : memref<128xi32, #tpu.memory_space<vmem>>) semaphore(%run_scoped3A : memref<!tpu.dma_semaphore, #tpu.memory_space<semaphore_mem>>) {add = true}
          %dma_wait3A_94 = arith.constant 0 : i32
          %dma_wait3A_95 = tpu.memref_slice %arg9[%mul3A_61, %dma_wait3A_94] : memref<40x128xi32, #tpu.memory_space<vmem>> -> memref<1x128xi32, #tpu.memory_space<vmem>>
          %dma_wait3A_96 = tpu.memref_squeeze %dma_wait3A_95 : memref<1x128xi32, #tpu.memory_space<vmem>> -> memref<128xi32, #tpu.memory_space<vmem>>
          %dma_wait3A_97 = arith.constant 0 : i32
          %dma_wait3A_98 = arith.constant 0 : i32
          %dma_wait3A_99 = tpu.memref_slice %arg7[%dma_wait3A_97, %dma_wait3A_98] : memref<10240x128xf32, #tpu.memory_space<vmem_shared>> -> memref<10240x128xf32, #tpu.memory_space<vmem_shared>>
          tpu.wait_indirect_dma semaphore(%run_scoped3A : memref<!tpu.dma_semaphore, #tpu.memory_space<semaphore_mem>>) src(%arg10 : memref<128x128xf32, #tpu.memory_space<vmem>>) dst(%dma_wait3A_99 : memref<10240x128xf32, #tpu.memory_space<vmem_shared>>)
          tpu.yield
        }) : () -> ()
        %lt3A_75 = arith.constant 19 : i32
        %lt3A_76 = arith.cmpi slt, %while3A_59, %lt3A_75 : i32
        %convert_element_type3A_77 = arith.extui %lt3A_76 : i1 to i32
        %cond3A_78 = arith.constant 0 : i32
        %cond3A_79 = arith.cmpi ne, %convert_element_type3A_77, %cond3A_78 : i32
        scf.if %cond3A_79 {
          %add3A_88 = arith.constant 2 : i32
          %add3A_89 = arith.addi %mul3A_61, %add3A_88 : i32
          %dma_start3A_90 = arith.constant 0 : i32
          %dma_start3A_91 = tpu.memref_slice %arg8[%add3A_89, %dma_start3A_90] : memref<40x128xi32, #tpu.memory_space<vmem>> -> memref<1x128xi32, #tpu.memory_space<vmem>>
          %dma_start3A_92 = tpu.memref_squeeze %dma_start3A_91 : memref<1x128xi32, #tpu.memory_space<vmem>> -> memref<128xi32, #tpu.memory_space<vmem>>
          %dma_start3A_93 = arith.constant 0 : i32
          %dma_start3A_94 = arith.constant 0 : i32
          %dma_start3A_95 = tpu.memref_slice %arg2[%dma_start3A_93, %dma_start3A_94] : memref<10000x128xf32, #tpu.memory_space<hbm>> -> memref<10000x128xf32, #tpu.memory_space<hbm>>
          tpu.enqueue_indirect_dma source(%dma_start3A_95 : memref<10000x128xf32, #tpu.memory_space<hbm>>) target(%arg10 : memref<128x128xf32, #tpu.memory_space<vmem>>) offsets(%dma_start3A_92 : memref<128xi32, #tpu.memory_space<vmem>>) semaphore(%arg12 : memref<!tpu.dma_semaphore, #tpu.memory_space<semaphore_mem>>)
        } else {
        }
        %add3A_80 = arith.constant 1 : i32
        %add3A_81 = arith.addi %mul3A_61, %add3A_80 : i32
        %dma_wait3A_82 = arith.constant 0 : i32
        %dma_wait3A_83 = tpu.memref_slice %arg8[%add3A_81, %dma_wait3A_82] : memref<40x128xi32, #tpu.memory_space<vmem>> -> memref<1x128xi32, #tpu.memory_space<vmem>>
        %dma_wait3A_84 = tpu.memref_squeeze %dma_wait3A_83 : memref<1x128xi32, #tpu.memory_space<vmem>> -> memref<128xi32, #tpu.memory_space<vmem>>
        %dma_wait3A_85 = arith.constant 0 : i32
        %dma_wait3A_86 = arith.constant 0 : i32
        %dma_wait3A_87 = tpu.memref_slice %arg2[%dma_wait3A_85, %dma_wait3A_86] : memref<10000x128xf32, #tpu.memory_space<hbm>> -> memref<10000x128xf32, #tpu.memory_space<hbm>>
        tpu.wait_indirect_dma semaphore(%arg13 : memref<!tpu.dma_semaphore, #tpu.memory_space<semaphore_mem>>) src(%dma_wait3A_87 : memref<10000x128xf32, #tpu.memory_space<hbm>>) dst(%arg11 : memref<128x128xf32, #tpu.memory_space<vmem>>)
        "tpu.region"() ({
          %run_scoped3A = tpu.sem_alloc : memref<!tpu.dma_semaphore, #tpu.memory_space<semaphore_mem>>
          %dma_start3A_88 = arith.constant 0 : i32
          %dma_start3A_89 = tpu.memref_slice %arg9[%add3A_81, %dma_start3A_88] : memref<40x128xi32, #tpu.memory_space<vmem>> -> memref<1x128xi32, #tpu.memory_space<vmem>>
          %dma_start3A_90 = tpu.memref_squeeze %dma_start3A_89 : memref<1x128xi32, #tpu.memory_space<vmem>> -> memref<128xi32, #tpu.memory_space<vmem>>
          %dma_start3A_91 = arith.constant 0 : i32
          %dma_start3A_92 = arith.constant 0 : i32
          %dma_start3A_93 = tpu.memref_slice %arg7[%dma_start3A_91, %dma_start3A_92] : memref<10240x128xf32, #tpu.memory_space<vmem_shared>> -> memref<10240x128xf32, #tpu.memory_space<vmem_shared>>
          tpu.enqueue_indirect_dma source(%arg11 : memref<128x128xf32, #tpu.memory_space<vmem>>) target(%dma_start3A_93 : memref<10240x128xf32, #tpu.memory_space<vmem_shared>>) offsets(%dma_start3A_90 : memref<128xi32, #tpu.memory_space<vmem>>) semaphore(%run_scoped3A : memref<!tpu.dma_semaphore, #tpu.memory_space<semaphore_mem>>) {add = true}
          %dma_wait3A_94 = arith.constant 0 : i32
          %dma_wait3A_95 = tpu.memref_slice %arg9[%add3A_81, %dma_wait3A_94] : memref<40x128xi32, #tpu.memory_space<vmem>> -> memref<1x128xi32, #tpu.memory_space<vmem>>
          %dma_wait3A_96 = tpu.memref_squeeze %dma_wait3A_95 : memref<1x128xi32, #tpu.memory_space<vmem>> -> memref<128xi32, #tpu.memory_space<vmem>>
          %dma_wait3A_97 = arith.constant 0 : i32
          %dma_wait3A_98 = arith.constant 0 : i32
          %dma_wait3A_99 = tpu.memref_slice %arg7[%dma_wait3A_97, %dma_wait3A_98] : memref<10240x128xf32, #tpu.memory_space<vmem_shared>> -> memref<10240x128xf32, #tpu.memory_space<vmem_shared>>
          tpu.wait_indirect_dma semaphore(%run_scoped3A : memref<!tpu.dma_semaphore, #tpu.memory_space<semaphore_mem>>) src(%arg11 : memref<128x128xf32, #tpu.memory_space<vmem>>) dst(%dma_wait3A_99 : memref<10240x128xf32, #tpu.memory_space<vmem_shared>>)
          tpu.yield
        }) : () -> ()
      }
    } else {
    }
    %barrier3A_30 = arith.constant 0 : index
    tpu.barrier barrier_id(%barrier3A_30)
    %while3A_31 = arith.constant 0 : i32
    %while3A_32 = arith.constant 5 : i32
    %while3A_33 = arith.subi %while3A_32, %while3A_31 : i32
    %while3A_34 = arith.addi %while3A_31, %while3A_33 : i32
    %while3A_35 = arith.constant 1 : i32
    %while3A_36 = arith.divsi %while3A_33, %while3A_35 : i32
    %while3A_37 = arith.muli %while3A_36, %while3A_35 : i32
    %while3A_38 = arith.addi %while3A_31, %while3A_37 : i32
    %while3A_39 = arith.constant 1 : i32
    scf.for %while3A_41 = %while3A_31 to %while3A_38 step %while3A_39  : i32 {
      %mul3A_42 = arith.constant 640 : i32
      %mul3A_43 = arith.muli %arg1, %mul3A_42 : i32
      %mul3A_44 = arith.constant 128 : i32
      %mul3A_45 = arith.muli %while3A_41, %mul3A_44 : i32
      %add3A_46 = arith.addi %mul3A_43, %mul3A_45 : i32
      "tpu.region"() ({
        %run_scoped3A = tpu.sem_alloc : memref<!tpu.dma_semaphore, #tpu.memory_space<semaphore_mem>>
        %dma_start3A = arith.constant 0 : i32
        %dma_start3A_47 = tpu.memref_slice %arg7[%add3A_46, %dma_start3A] : memref<10240x128xf32, #tpu.memory_space<vmem_shared>> -> memref<128x128xf32, #tpu.memory_space<vmem_shared>>
        %dma_start3A_48 = arith.constant 0 : i32
        %dma_start3A_49 = tpu.memref_slice %arg7[%add3A_46, %dma_start3A_48] : memref<10240x128xf32, #tpu.memory_space<vmem_shared>> -> memref<128x128xf32, #tpu.memory_space<vmem_shared>>
        tpu.enqueue_dma source(%dma_start3A_49 : memref<128x128xf32, #tpu.memory_space<vmem_shared>>) target(%arg10 : memref<128x128xf32, #tpu.memory_space<vmem>>) target_semaphore(%run_scoped3A : memref<!tpu.dma_semaphore, #tpu.memory_space<semaphore_mem>>)
        %dma_wait3A = arith.constant 0 : i32
        %dma_wait3A_50 = tpu.memref_slice %arg7[%add3A_46, %dma_wait3A] : memref<10240x128xf32, #tpu.memory_space<vmem_shared>> -> memref<128x128xf32, #tpu.memory_space<vmem_shared>>
        %dma_wait3A_51 = arith.constant 0 : i32
        %dma_wait3A_52 = tpu.memref_slice %arg7[%add3A_46, %dma_wait3A_51] : memref<10240x128xf32, #tpu.memory_space<vmem_shared>> -> memref<128x128xf32, #tpu.memory_space<vmem_shared>>
        tpu.wait_dma2 semaphore(%run_scoped3A : memref<!tpu.dma_semaphore, #tpu.memory_space<semaphore_mem>>) src(%dma_wait3A_52 : memref<128x128xf32, #tpu.memory_space<vmem_shared>>) dst(%arg10 : memref<128x128xf32, #tpu.memory_space<vmem>>)
        tpu.yield
      }) : () -> ()
      "tpu.region"() ({
        %run_scoped3A = tpu.sem_alloc : memref<!tpu.dma_semaphore, #tpu.memory_space<semaphore_mem>>
        %dma_start3A = arith.constant 0 : i32
        %dma_start3A_47 = tpu.memref_slice %arg6[%arg0, %add3A_46, %dma_start3A] : memref<2x10240x128xf32, #tpu.memory_space<hbm>> -> memref<1x128x128xf32, #tpu.memory_space<hbm>>
        %dma_start3A_48 = tpu.memref_squeeze %dma_start3A_47 : memref<1x128x128xf32, #tpu.memory_space<hbm>> -> memref<128x128xf32, #tpu.memory_space<hbm>>
        %dma_start3A_49 = arith.constant 0 : i32
        %dma_start3A_50 = tpu.memref_slice %arg6[%arg0, %add3A_46, %dma_start3A_49] : memref<2x10240x128xf32, #tpu.memory_space<hbm>> -> memref<1x128x128xf32, #tpu.memory_space<hbm>>
        %dma_start3A_51 = tpu.memref_squeeze %dma_start3A_50 : memref<1x128x128xf32, #tpu.memory_space<hbm>> -> memref<128x128xf32, #tpu.memory_space<hbm>>
        tpu.enqueue_dma source(%arg10 : memref<128x128xf32, #tpu.memory_space<vmem>>) target(%dma_start3A_51 : memref<128x128xf32, #tpu.memory_space<hbm>>) target_semaphore(%run_scoped3A : memref<!tpu.dma_semaphore, #tpu.memory_space<semaphore_mem>>)
        %dma_wait3A = arith.constant 0 : i32
        %dma_wait3A_52 = tpu.memref_slice %arg6[%arg0, %add3A_46, %dma_wait3A] : memref<2x10240x128xf32, #tpu.memory_space<hbm>> -> memref<1x128x128xf32, #tpu.memory_space<hbm>>
        %dma_wait3A_53 = tpu.memref_squeeze %dma_wait3A_52 : memref<1x128x128xf32, #tpu.memory_space<hbm>> -> memref<128x128xf32, #tpu.memory_space<hbm>>
        %dma_wait3A_54 = arith.constant 0 : i32
        %dma_wait3A_55 = tpu.memref_slice %arg6[%arg0, %add3A_46, %dma_wait3A_54] : memref<2x10240x128xf32, #tpu.memory_space<hbm>> -> memref<1x128x128xf32, #tpu.memory_space<hbm>>
        %dma_wait3A_56 = tpu.memref_squeeze %dma_wait3A_55 : memref<1x128x128xf32, #tpu.memory_space<hbm>> -> memref<128x128xf32, #tpu.memory_space<hbm>>
        tpu.wait_dma2 semaphore(%run_scoped3A : memref<!tpu.dma_semaphore, #tpu.memory_space<semaphore_mem>>) src(%arg10 : memref<128x128xf32, #tpu.memory_space<vmem>>) dst(%dma_wait3A_56 : memref<128x128xf32, #tpu.memory_space<hbm>>)
        tpu.yield
      }) : () -> ()
    }
    %while3A_40 = arith.constant 1 : i32
    scf.for %while3A_41 = %while3A_38 to %while3A_34 step %while3A_40  : i32 {
      %mul3A_42 = arith.constant 640 : i32
      %mul3A_43 = arith.muli %arg1, %mul3A_42 : i32
      %mul3A_44 = arith.constant 128 : i32
      %mul3A_45 = arith.muli %while3A_41, %mul3A_44 : i32
      %add3A_46 = arith.addi %mul3A_43, %mul3A_45 : i32
      "tpu.region"() ({
        %run_scoped3A = tpu.sem_alloc : memref<!tpu.dma_semaphore, #tpu.memory_space<semaphore_mem>>
        %dma_start3A = arith.constant 0 : i32
        %dma_start3A_47 = tpu.memref_slice %arg7[%add3A_46, %dma_start3A] : memref<10240x128xf32, #tpu.memory_space<vmem_shared>> -> memref<128x128xf32, #tpu.memory_space<vmem_shared>>
        %dma_start3A_48 = arith.constant 0 : i32
        %dma_start3A_49 = tpu.memref_slice %arg7[%add3A_46, %dma_start3A_48] : memref<10240x128xf32, #tpu.memory_space<vmem_shared>> -> memref<128x128xf32, #tpu.memory_space<vmem_shared>>
        tpu.enqueue_dma source(%dma_start3A_49 : memref<128x128xf32, #tpu.memory_space<vmem_shared>>) target(%arg10 : memref<128x128xf32, #tpu.memory_space<vmem>>) target_semaphore(%run_scoped3A : memref<!tpu.dma_semaphore, #tpu.memory_space<semaphore_mem>>)
        %dma_wait3A = arith.constant 0 : i32
        %dma_wait3A_50 = tpu.memref_slice %arg7[%add3A_46, %dma_wait3A] : memref<10240x128xf32, #tpu.memory_space<vmem_shared>> -> memref<128x128xf32, #tpu.memory_space<vmem_shared>>
        %dma_wait3A_51 = arith.constant 0 : i32
        %dma_wait3A_52 = tpu.memref_slice %arg7[%add3A_46, %dma_wait3A_51] : memref<10240x128xf32, #tpu.memory_space<vmem_shared>> -> memref<128x128xf32, #tpu.memory_space<vmem_shared>>
        tpu.wait_dma2 semaphore(%run_scoped3A : memref<!tpu.dma_semaphore, #tpu.memory_space<semaphore_mem>>) src(%dma_wait3A_52 : memref<128x128xf32, #tpu.memory_space<vmem_shared>>) dst(%arg10 : memref<128x128xf32, #tpu.memory_space<vmem>>)
        tpu.yield
      }) : () -> ()
      "tpu.region"() ({
        %run_scoped3A = tpu.sem_alloc : memref<!tpu.dma_semaphore, #tpu.memory_space<semaphore_mem>>
        %dma_start3A = arith.constant 0 : i32
        %dma_start3A_47 = tpu.memref_slice %arg6[%arg0, %add3A_46, %dma_start3A] : memref<2x10240x128xf32, #tpu.memory_space<hbm>> -> memref<1x128x128xf32, #tpu.memory_space<hbm>>
        %dma_start3A_48 = tpu.memref_squeeze %dma_start3A_47 : memref<1x128x128xf32, #tpu.memory_space<hbm>> -> memref<128x128xf32, #tpu.memory_space<hbm>>
        %dma_start3A_49 = arith.constant 0 : i32
        %dma_start3A_50 = tpu.memref_slice %arg6[%arg0, %add3A_46, %dma_start3A_49] : memref<2x10240x128xf32, #tpu.memory_space<hbm>> -> memref<1x128x128xf32, #tpu.memory_space<hbm>>
        %dma_start3A_51 = tpu.memref_squeeze %dma_start3A_50 : memref<1x128x128xf32, #tpu.memory_space<hbm>> -> memref<128x128xf32, #tpu.memory_space<hbm>>
        tpu.enqueue_dma source(%arg10 : memref<128x128xf32, #tpu.memory_space<vmem>>) target(%dma_start3A_51 : memref<128x128xf32, #tpu.memory_space<hbm>>) target_semaphore(%run_scoped3A : memref<!tpu.dma_semaphore, #tpu.memory_space<semaphore_mem>>)
        %dma_wait3A = arith.constant 0 : i32
        %dma_wait3A_52 = tpu.memref_slice %arg6[%arg0, %add3A_46, %dma_wait3A] : memref<2x10240x128xf32, #tpu.memory_space<hbm>> -> memref<1x128x128xf32, #tpu.memory_space<hbm>>
        %dma_wait3A_53 = tpu.memref_squeeze %dma_wait3A_52 : memref<1x128x128xf32, #tpu.memory_space<hbm>> -> memref<128x128xf32, #tpu.memory_space<hbm>>
        %dma_wait3A_54 = arith.constant 0 : i32
        %dma_wait3A_55 = tpu.memref_slice %arg6[%arg0, %add3A_46, %dma_wait3A_54] : memref<2x10240x128xf32, #tpu.memory_space<hbm>> -> memref<1x128x128xf32, #tpu.memory_space<hbm>>
        %dma_wait3A_56 = tpu.memref_squeeze %dma_wait3A_55 : memref<1x128x128xf32, #tpu.memory_space<hbm>> -> memref<128x128xf32, #tpu.memory_space<hbm>>
        tpu.wait_dma2 semaphore(%run_scoped3A : memref<!tpu.dma_semaphore, #tpu.memory_space<semaphore_mem>>) src(%arg10 : memref<128x128xf32, #tpu.memory_space<vmem>>) dst(%dma_wait3A_56 : memref<128x128xf32, #tpu.memory_space<hbm>>)
        tpu.yield
      }) : () -> ()
    }
    return
  }
}

#map = affine_map<(d0, d1) -> (0, 0)>
#map1 = affine_map<(d0, d1) -> (0, 0, 0)>
module attributes {stable_mosaic.version = 14 : i64} {
  func.func @_agg_body(%arg0: i32, %arg1: i32, %arg2: memref<10000x128xf32, #tpu.memory_space<hbm>>, %arg3: memref<2560x128xi32, #tpu.memory_space<hbm>>, %arg4: memref<2560x128xi32, #tpu.memory_space<hbm>>, %arg5: memref<128x128xf32, #tpu.memory_space<hbm>>, %arg6: memref<2x10240x128xf32, #tpu.memory_space<hbm>>, %arg7: memref<10240x128xf32, #tpu.memory_space<vmem_shared>>, %arg8: memref<40x128xi32, #tpu.memory_space<vmem>>, %arg9: memref<40x128xi32, #tpu.memory_space<vmem>>, %arg10: memref<128x128xf32, #tpu.memory_space<vmem>>, %arg11: memref<128x128xf32, #tpu.memory_space<vmem>>, %arg12: memref<!tpu.dma_semaphore, #tpu.memory_space<semaphore_mem>>, %arg13: memref<!tpu.dma_semaphore, #tpu.memory_space<semaphore_mem>>) attributes {dimension_semantics = [#tpu.dimension_semantics<core_parallel>, #tpu.dimension_semantics<subcore_parallel>], iteration_bounds = array<i64: 2, 16>, scalar_prefetch = 0 : i64, scratch_operands = 7 : i64, tpu.core_type = #tpu.core_type<sc_vector_subcore>, window_params = [{transform_indices = #map}, {transform_indices = #map}, {transform_indices = #map}, {transform_indices = #map}, {transform_indices = #map1}]} {
    %eq3A = arith.constant 0 : i32
    %eq3A_0 = arith.cmpi eq, %arg0, %eq3A : i32
    %jit3A = arith.constant 120 : i32
    %jit3A_1 = arith.constant 40 : i32
    %select_n3A = arith.select %eq3A_0, %jit3A, %jit3A_1 : i32
    %eq3A_2 = arith.constant 0 : i32
    %eq3A_3 = arith.cmpi eq, %arg0, %eq3A_2 : i32
    %mul3A = arith.constant 120 : i32
    %mul3A_4 = arith.muli %arg1, %mul3A : i32
    %mul3A_5 = arith.constant 40 : i32
    %mul3A_6 = arith.muli %arg1, %mul3A_5 : i32
    %add3A = arith.constant 1920 : i32
    %add3A_7 = arith.addi %add3A, %mul3A_6 : i32
    %select_n3A_8 = arith.select %eq3A_3, %mul3A_4, %add3A_7 : i32
    "tpu.region"() ({
      %run_scoped3A = tpu.sem_alloc : memref<!tpu.dma_semaphore, #tpu.memory_space<semaphore_mem>>
      tpu.enqueue_dma source(%arg5 : memref<128x128xf32, #tpu.memory_space<hbm>>) target(%arg10 : memref<128x128xf32, #tpu.memory_space<vmem>>) target_semaphore(%run_scoped3A : memref<!tpu.dma_semaphore, #tpu.memory_space<semaphore_mem>>)
      tpu.wait_dma2 semaphore(%run_scoped3A : memref<!tpu.dma_semaphore, #tpu.memory_space<semaphore_mem>>) src(%arg5 : memref<128x128xf32, #tpu.memory_space<hbm>>) dst(%arg10 : memref<128x128xf32, #tpu.memory_space<vmem>>)
      tpu.yield
    }) : () -> ()
    %while3A = arith.constant 0 : i32
    %while3A_9 = arith.constant 5 : i32
    %while3A_10 = arith.subi %while3A_9, %while3A : i32
    %while3A_11 = arith.addi %while3A, %while3A_10 : i32
    %while3A_12 = arith.constant 1 : i32
    %while3A_13 = arith.divsi %while3A_10, %while3A_12 : i32
    %while3A_14 = arith.muli %while3A_13, %while3A_12 : i32
    %while3A_15 = arith.addi %while3A, %while3A_14 : i32
    %while3A_16 = arith.constant 1 : i32
    scf.for %while3A_41 = %while3A to %while3A_15 step %while3A_16  : i32 {
      %mul3A_42 = arith.constant 640 : i32
      %mul3A_43 = arith.muli %arg1, %mul3A_42 : i32
      %mul3A_44 = arith.constant 128 : i32
      %mul3A_45 = arith.muli %while3A_41, %mul3A_44 : i32
      %add3A_46 = arith.addi %mul3A_43, %mul3A_45 : i32
      "tpu.region"() ({
        %run_scoped3A = tpu.sem_alloc : memref<!tpu.dma_semaphore, #tpu.memory_space<semaphore_mem>>
        %dma_start3A = arith.constant 0 : i32
        %dma_start3A_47 = tpu.memref_slice %arg7[%add3A_46, %dma_start3A] : memref<10240x128xf32, #tpu.memory_space<vmem_shared>> -> memref<128x128xf32, #tpu.memory_space<vmem_shared>>
        %dma_start3A_48 = arith.constant 0 : i32
        %dma_start3A_49 = tpu.memref_slice %arg7[%add3A_46, %dma_start3A_48] : memref<10240x128xf32, #tpu.memory_space<vmem_shared>> -> memref<128x128xf32, #tpu.memory_space<vmem_shared>>
        tpu.enqueue_dma source(%arg10 : memref<128x128xf32, #tpu.memory_space<vmem>>) target(%dma_start3A_49 : memref<128x128xf32, #tpu.memory_space<vmem_shared>>) target_semaphore(%run_scoped3A : memref<!tpu.dma_semaphore, #tpu.memory_space<semaphore_mem>>)
        %dma_wait3A = arith.constant 0 : i32
        %dma_wait3A_50 = tpu.memref_slice %arg7[%add3A_46, %dma_wait3A] : memref<10240x128xf32, #tpu.memory_space<vmem_shared>> -> memref<128x128xf32, #tpu.memory_space<vmem_shared>>
        %dma_wait3A_51 = arith.constant 0 : i32
        %dma_wait3A_52 = tpu.memref_slice %arg7[%add3A_46, %dma_wait3A_51] : memref<10240x128xf32, #tpu.memory_space<vmem_shared>> -> memref<128x128xf32, #tpu.memory_space<vmem_shared>>
        tpu.wait_dma2 semaphore(%run_scoped3A : memref<!tpu.dma_semaphore, #tpu.memory_space<semaphore_mem>>) src(%arg10 : memref<128x128xf32, #tpu.memory_space<vmem>>) dst(%dma_wait3A_52 : memref<128x128xf32, #tpu.memory_space<vmem_shared>>)
        tpu.yield
      }) : () -> ()
    }
    %while3A_17 = arith.constant 1 : i32
    scf.for %while3A_41 = %while3A_15 to %while3A_11 step %while3A_17  : i32 {
      %mul3A_42 = arith.constant 640 : i32
      %mul3A_43 = arith.muli %arg1, %mul3A_42 : i32
      %mul3A_44 = arith.constant 128 : i32
      %mul3A_45 = arith.muli %while3A_41, %mul3A_44 : i32
      %add3A_46 = arith.addi %mul3A_43, %mul3A_45 : i32
      "tpu.region"() ({
        %run_scoped3A = tpu.sem_alloc : memref<!tpu.dma_semaphore, #tpu.memory_space<semaphore_mem>>
        %dma_start3A = arith.constant 0 : i32
        %dma_start3A_47 = tpu.memref_slice %arg7[%add3A_46, %dma_start3A] : memref<10240x128xf32, #tpu.memory_space<vmem_shared>> -> memref<128x128xf32, #tpu.memory_space<vmem_shared>>
        %dma_start3A_48 = arith.constant 0 : i32
        %dma_start3A_49 = tpu.memref_slice %arg7[%add3A_46, %dma_start3A_48] : memref<10240x128xf32, #tpu.memory_space<vmem_shared>> -> memref<128x128xf32, #tpu.memory_space<vmem_shared>>
        tpu.enqueue_dma source(%arg10 : memref<128x128xf32, #tpu.memory_space<vmem>>) target(%dma_start3A_49 : memref<128x128xf32, #tpu.memory_space<vmem_shared>>) target_semaphore(%run_scoped3A : memref<!tpu.dma_semaphore, #tpu.memory_space<semaphore_mem>>)
        %dma_wait3A = arith.constant 0 : i32
        %dma_wait3A_50 = tpu.memref_slice %arg7[%add3A_46, %dma_wait3A] : memref<10240x128xf32, #tpu.memory_space<vmem_shared>> -> memref<128x128xf32, #tpu.memory_space<vmem_shared>>
        %dma_wait3A_51 = arith.constant 0 : i32
        %dma_wait3A_52 = tpu.memref_slice %arg7[%add3A_46, %dma_wait3A_51] : memref<10240x128xf32, #tpu.memory_space<vmem_shared>> -> memref<128x128xf32, #tpu.memory_space<vmem_shared>>
        tpu.wait_dma2 semaphore(%run_scoped3A : memref<!tpu.dma_semaphore, #tpu.memory_space<semaphore_mem>>) src(%arg10 : memref<128x128xf32, #tpu.memory_space<vmem>>) dst(%dma_wait3A_52 : memref<128x128xf32, #tpu.memory_space<vmem_shared>>)
        tpu.yield
      }) : () -> ()
    }
    %barrier3A = arith.constant 0 : index
    tpu.barrier barrier_id(%barrier3A)
    %lt3A = arith.constant 0 : i32
    %lt3A_18 = arith.cmpi slt, %lt3A, %select_n3A : i32
    %convert_element_type3A = arith.extui %lt3A_18 : i1 to i32
    %cond3A = arith.constant 0 : i32
    %cond3A_19 = arith.cmpi ne, %convert_element_type3A, %cond3A : i32
    scf.if %cond3A_19 {
      %add3A_41 = arith.constant 0 : i32
      %add3A_42 = arith.addi %select_n3A_8, %add3A_41 : i32
      "tpu.region"() ({
        %run_scoped3A = tpu.sem_alloc : memref<!tpu.dma_semaphore, #tpu.memory_space<semaphore_mem>>
        %dma_start3A_59 = arith.constant 0 : i32
        %dma_start3A_60 = tpu.memref_slice %arg3[%add3A_42, %dma_start3A_59] : memref<2560x128xi32, #tpu.memory_space<hbm>> -> memref<40x128xi32, #tpu.memory_space<hbm>>
        %dma_start3A_61 = arith.constant 0 : i32
        %dma_start3A_62 = tpu.memref_slice %arg3[%add3A_42, %dma_start3A_61] : memref<2560x128xi32, #tpu.memory_space<hbm>> -> memref<40x128xi32, #tpu.memory_space<hbm>>
        tpu.enqueue_dma source(%dma_start3A_62 : memref<40x128xi32, #tpu.memory_space<hbm>>) target(%arg8 : memref<40x128xi32, #tpu.memory_space<vmem>>) target_semaphore(%run_scoped3A : memref<!tpu.dma_semaphore, #tpu.memory_space<semaphore_mem>>)
        %dma_wait3A = arith.constant 0 : i32
        %dma_wait3A_63 = tpu.memref_slice %arg3[%add3A_42, %dma_wait3A] : memref<2560x128xi32, #tpu.memory_space<hbm>> -> memref<40x128xi32, #tpu.memory_space<hbm>>
        %dma_wait3A_64 = arith.constant 0 : i32
        %dma_wait3A_65 = tpu.memref_slice %arg3[%add3A_42, %dma_wait3A_64] : memref<2560x128xi32, #tpu.memory_space<hbm>> -> memref<40x128xi32, #tpu.memory_space<hbm>>
        tpu.wait_dma2 semaphore(%run_scoped3A : memref<!tpu.dma_semaphore, #tpu.memory_space<semaphore_mem>>) src(%dma_wait3A_65 : memref<40x128xi32, #tpu.memory_space<hbm>>) dst(%arg8 : memref<40x128xi32, #tpu.memory_space<vmem>>)
        tpu.yield
      }) : () -> ()
      "tpu.region"() ({
        %run_scoped3A = tpu.sem_alloc : memref<!tpu.dma_semaphore, #tpu.memory_space<semaphore_mem>>
        %dma_start3A_59 = arith.constant 0 : i32
        %dma_start3A_60 = tpu.memref_slice %arg4[%add3A_42, %dma_start3A_59] : memref<2560x128xi32, #tpu.memory_space<hbm>> -> memref<40x128xi32, #tpu.memory_space<hbm>>
        %dma_start3A_61 = arith.constant 0 : i32
        %dma_start3A_62 = tpu.memref_slice %arg4[%add3A_42, %dma_start3A_61] : memref<2560x128xi32, #tpu.memory_space<hbm>> -> memref<40x128xi32, #tpu.memory_space<hbm>>
        tpu.enqueue_dma source(%dma_start3A_62 : memref<40x128xi32, #tpu.memory_space<hbm>>) target(%arg9 : memref<40x128xi32, #tpu.memory_space<vmem>>) target_semaphore(%run_scoped3A : memref<!tpu.dma_semaphore, #tpu.memory_space<semaphore_mem>>)
        %dma_wait3A = arith.constant 0 : i32
        %dma_wait3A_63 = tpu.memref_slice %arg4[%add3A_42, %dma_wait3A] : memref<2560x128xi32, #tpu.memory_space<hbm>> -> memref<40x128xi32, #tpu.memory_space<hbm>>
        %dma_wait3A_64 = arith.constant 0 : i32
        %dma_wait3A_65 = tpu.memref_slice %arg4[%add3A_42, %dma_wait3A_64] : memref<2560x128xi32, #tpu.memory_space<hbm>> -> memref<40x128xi32, #tpu.memory_space<hbm>>
        tpu.wait_dma2 semaphore(%run_scoped3A : memref<!tpu.dma_semaphore, #tpu.memory_space<semaphore_mem>>) src(%dma_wait3A_65 : memref<40x128xi32, #tpu.memory_space<hbm>>) dst(%arg9 : memref<40x128xi32, #tpu.memory_space<vmem>>)
        tpu.yield
      }) : () -> ()
      %dma_start3A = arith.constant 0 : i32
      %dma_start3A_43 = arith.constant 0 : i32
      %dma_start3A_44 = tpu.memref_slice %arg8[%dma_start3A, %dma_start3A_43] : memref<40x128xi32, #tpu.memory_space<vmem>> -> memref<1x128xi32, #tpu.memory_space<vmem>>
      %dma_start3A_45 = tpu.memref_squeeze %dma_start3A_44 : memref<1x128xi32, #tpu.memory_space<vmem>> -> memref<128xi32, #tpu.memory_space<vmem>>
      %dma_start3A_46 = arith.constant 0 : i32
      %dma_start3A_47 = arith.constant 0 : i32
      %dma_start3A_48 = tpu.memref_slice %arg2[%dma_start3A_46, %dma_start3A_47] : memref<10000x128xf32, #tpu.memory_space<hbm>> -> memref<10000x128xf32, #tpu.memory_space<hbm>>
      tpu.enqueue_indirect_dma source(%dma_start3A_48 : memref<10000x128xf32, #tpu.memory_space<hbm>>) target(%arg10 : memref<128x128xf32, #tpu.memory_space<vmem>>) offsets(%dma_start3A_45 : memref<128xi32, #tpu.memory_space<vmem>>) semaphore(%arg12 : memref<!tpu.dma_semaphore, #tpu.memory_space<semaphore_mem>>)
      %while3A_49 = arith.constant 0 : i32
      %while3A_50 = arith.constant 20 : i32
      %while3A_51 = arith.subi %while3A_50, %while3A_49 : i32
      %while3A_52 = arith.addi %while3A_49, %while3A_51 : i32
      %while3A_53 = arith.constant 1 : i32
      %while3A_54 = arith.divsi %while3A_51, %while3A_53 : i32
      %while3A_55 = arith.muli %while3A_54, %while3A_53 : i32
      %while3A_56 = arith.addi %while3A_49, %while3A_55 : i32
      %while3A_57 = arith.constant 1 : i32
      scf.for %while3A_59 = %while3A_49 to %while3A_56 step %while3A_57  : i32 {
        %mul3A_60 = arith.constant 2 : i32
        %mul3A_61 = arith.muli %mul3A_60, %while3A_59 : i32
        %add3A_62 = arith.constant 1 : i32
        %add3A_63 = arith.addi %mul3A_61, %add3A_62 : i32
        %dma_start3A_64 = arith.constant 0 : i32
        %dma_start3A_65 = tpu.memref_slice %arg8[%add3A_63, %dma_start3A_64] : memref<40x128xi32, #tpu.memory_space<vmem>> -> memref<1x128xi32, #tpu.memory_space<vmem>>
        %dma_start3A_66 = tpu.memref_squeeze %dma_start3A_65 : memref<1x128xi32, #tpu.memory_space<vmem>> -> memref<128xi32, #tpu.memory_space<vmem>>
        %dma_start3A_67 = arith.constant 0 : i32
        %dma_start3A_68 = arith.constant 0 : i32
        %dma_start3A_69 = tpu.memref_slice %arg2[%dma_start3A_67, %dma_start3A_68] : memref<10000x128xf32, #tpu.memory_space<hbm>> -> memref<10000x128xf32, #tpu.memory_space<hbm>>
        tpu.enqueue_indirect_dma source(%dma_start3A_69 : memref<10000x128xf32, #tpu.memory_space<hbm>>) target(%arg11 : memref<128x128xf32, #tpu.memory_space<vmem>>) offsets(%dma_start3A_66 : memref<128xi32, #tpu.memory_space<vmem>>) semaphore(%arg13 : memref<!tpu.dma_semaphore, #tpu.memory_space<semaphore_mem>>)
        %dma_wait3A = arith.constant 0 : i32
        %dma_wait3A_70 = tpu.memref_slice %arg8[%mul3A_61, %dma_wait3A] : memref<40x128xi32, #tpu.memory_space<vmem>> -> memref<1x128xi32, #tpu.memory_space<vmem>>
        %dma_wait3A_71 = tpu.memref_squeeze %dma_wait3A_70 : memref<1x128xi32, #tpu.memory_space<vmem>> -> memref<128xi32, #tpu.memory_space<vmem>>
        %dma_wait3A_72 = arith.constant 0 : i32
        %dma_wait3A_73 = arith.constant 0 : i32
        %dma_wait3A_74 = tpu.memref_slice %arg2[%dma_wait3A_72, %dma_wait3A_73] : memref<10000x128xf32, #tpu.memory_space<hbm>> -> memref<10000x128xf32, #tpu.memory_space<hbm>>
        tpu.wait_indirect_dma semaphore(%arg12 : memref<!tpu.dma_semaphore, #tpu.memory_space<semaphore_mem>>) src(%dma_wait3A_74 : memref<10000x128xf32, #tpu.memory_space<hbm>>) dst(%arg10 : memref<128x128xf32, #tpu.memory_space<vmem>>)
        "tpu.region"() ({
          %run_scoped3A = tpu.sem_alloc : memref<!tpu.dma_semaphore, #tpu.memory_space<semaphore_mem>>
          %dma_start3A_88 = arith.constant 0 : i32
          %dma_start3A_89 = tpu.memref_slice %arg9[%mul3A_61, %dma_start3A_88] : memref<40x128xi32, #tpu.memory_space<vmem>> -> memref<1x128xi32, #tpu.memory_space<vmem>>
          %dma_start3A_90 = tpu.memref_squeeze %dma_start3A_89 : memref<1x128xi32, #tpu.memory_space<vmem>> -> memref<128xi32, #tpu.memory_space<vmem>>
          %dma_start3A_91 = arith.constant 0 : i32
          %dma_start3A_92 = arith.constant 0 : i32
          %dma_start3A_93 = tpu.memref_slice %arg7[%dma_start3A_91, %dma_start3A_92] : memref<10240x128xf32, #tpu.memory_space<vmem_shared>> -> memref<10240x128xf32, #tpu.memory_space<vmem_shared>>
          tpu.enqueue_indirect_dma source(%arg10 : memref<128x128xf32, #tpu.memory_space<vmem>>) target(%dma_start3A_93 : memref<10240x128xf32, #tpu.memory_space<vmem_shared>>) offsets(%dma_start3A_90 : memref<128xi32, #tpu.memory_space<vmem>>) semaphore(%run_scoped3A : memref<!tpu.dma_semaphore, #tpu.memory_space<semaphore_mem>>) {add = true}
          %dma_wait3A_94 = arith.constant 0 : i32
          %dma_wait3A_95 = tpu.memref_slice %arg9[%mul3A_61, %dma_wait3A_94] : memref<40x128xi32, #tpu.memory_space<vmem>> -> memref<1x128xi32, #tpu.memory_space<vmem>>
          %dma_wait3A_96 = tpu.memref_squeeze %dma_wait3A_95 : memref<1x128xi32, #tpu.memory_space<vmem>> -> memref<128xi32, #tpu.memory_space<vmem>>
          %dma_wait3A_97 = arith.constant 0 : i32
          %dma_wait3A_98 = arith.constant 0 : i32
          %dma_wait3A_99 = tpu.memref_slice %arg7[%dma_wait3A_97, %dma_wait3A_98] : memref<10240x128xf32, #tpu.memory_space<vmem_shared>> -> memref<10240x128xf32, #tpu.memory_space<vmem_shared>>
          tpu.wait_indirect_dma semaphore(%run_scoped3A : memref<!tpu.dma_semaphore, #tpu.memory_space<semaphore_mem>>) src(%arg10 : memref<128x128xf32, #tpu.memory_space<vmem>>) dst(%dma_wait3A_99 : memref<10240x128xf32, #tpu.memory_space<vmem_shared>>)
          tpu.yield
        }) : () -> ()
        %lt3A_75 = arith.constant 19 : i32
        %lt3A_76 = arith.cmpi slt, %while3A_59, %lt3A_75 : i32
        %convert_element_type3A_77 = arith.extui %lt3A_76 : i1 to i32
        %cond3A_78 = arith.constant 0 : i32
        %cond3A_79 = arith.cmpi ne, %convert_element_type3A_77, %cond3A_78 : i32
        scf.if %cond3A_79 {
          %add3A_88 = arith.constant 2 : i32
          %add3A_89 = arith.addi %mul3A_61, %add3A_88 : i32
          %dma_start3A_90 = arith.constant 0 : i32
          %dma_start3A_91 = tpu.memref_slice %arg8[%add3A_89, %dma_start3A_90] : memref<40x128xi32, #tpu.memory_space<vmem>> -> memref<1x128xi32, #tpu.memory_space<vmem>>
          %dma_start3A_92 = tpu.memref_squeeze %dma_start3A_91 : memref<1x128xi32, #tpu.memory_space<vmem>> -> memref<128xi32, #tpu.memory_space<vmem>>
          %dma_start3A_93 = arith.constant 0 : i32
          %dma_start3A_94 = arith.constant 0 : i32
          %dma_start3A_95 = tpu.memref_slice %arg2[%dma_start3A_93, %dma_start3A_94] : memref<10000x128xf32, #tpu.memory_space<hbm>> -> memref<10000x128xf32, #tpu.memory_space<hbm>>
          tpu.enqueue_indirect_dma source(%dma_start3A_95 : memref<10000x128xf32, #tpu.memory_space<hbm>>) target(%arg10 : memref<128x128xf32, #tpu.memory_space<vmem>>) offsets(%dma_start3A_92 : memref<128xi32, #tpu.memory_space<vmem>>) semaphore(%arg12 : memref<!tpu.dma_semaphore, #tpu.memory_space<semaphore_mem>>)
        } else {
        }
        %add3A_80 = arith.constant 1 : i32
        %add3A_81 = arith.addi %mul3A_61, %add3A_80 : i32
        %dma_wait3A_82 = arith.constant 0 : i32
        %dma_wait3A_83 = tpu.memref_slice %arg8[%add3A_81, %dma_wait3A_82] : memref<40x128xi32, #tpu.memory_space<vmem>> -> memref<1x128xi32, #tpu.memory_space<vmem>>
        %dma_wait3A_84 = tpu.memref_squeeze %dma_wait3A_83 : memref<1x128xi32, #tpu.memory_space<vmem>> -> memref<128xi32, #tpu.memory_space<vmem>>
        %dma_wait3A_85 = arith.constant 0 : i32
        %dma_wait3A_86 = arith.constant 0 : i32
        %dma_wait3A_87 = tpu.memref_slice %arg2[%dma_wait3A_85, %dma_wait3A_86] : memref<10000x128xf32, #tpu.memory_space<hbm>> -> memref<10000x128xf32, #tpu.memory_space<hbm>>
        tpu.wait_indirect_dma semaphore(%arg13 : memref<!tpu.dma_semaphore, #tpu.memory_space<semaphore_mem>>) src(%dma_wait3A_87 : memref<10000x128xf32, #tpu.memory_space<hbm>>) dst(%arg11 : memref<128x128xf32, #tpu.memory_space<vmem>>)
        "tpu.region"() ({
          %run_scoped3A = tpu.sem_alloc : memref<!tpu.dma_semaphore, #tpu.memory_space<semaphore_mem>>
          %dma_start3A_88 = arith.constant 0 : i32
          %dma_start3A_89 = tpu.memref_slice %arg9[%add3A_81, %dma_start3A_88] : memref<40x128xi32, #tpu.memory_space<vmem>> -> memref<1x128xi32, #tpu.memory_space<vmem>>
          %dma_start3A_90 = tpu.memref_squeeze %dma_start3A_89 : memref<1x128xi32, #tpu.memory_space<vmem>> -> memref<128xi32, #tpu.memory_space<vmem>>
          %dma_start3A_91 = arith.constant 0 : i32
          %dma_start3A_92 = arith.constant 0 : i32
          %dma_start3A_93 = tpu.memref_slice %arg7[%dma_start3A_91, %dma_start3A_92] : memref<10240x128xf32, #tpu.memory_space<vmem_shared>> -> memref<10240x128xf32, #tpu.memory_space<vmem_shared>>
          tpu.enqueue_indirect_dma source(%arg11 : memref<128x128xf32, #tpu.memory_space<vmem>>) target(%dma_start3A_93 : memref<10240x128xf32, #tpu.memory_space<vmem_shared>>) offsets(%dma_start3A_90 : memref<128xi32, #tpu.memory_space<vmem>>) semaphore(%run_scoped3A : memref<!tpu.dma_semaphore, #tpu.memory_space<semaphore_mem>>) {add = true}
          %dma_wait3A_94 = arith.constant 0 : i32
          %dma_wait3A_95 = tpu.memref_slice %arg9[%add3A_81, %dma_wait3A_94] : memref<40x128xi32, #tpu.memory_space<vmem>> -> memref<1x128xi32, #tpu.memory_space<vmem>>
          %dma_wait3A_96 = tpu.memref_squeeze %dma_wait3A_95 : memref<1x128xi32, #tpu.memory_space<vmem>> -> memref<128xi32, #tpu.memory_space<vmem>>
          %dma_wait3A_97 = arith.constant 0 : i32
          %dma_wait3A_98 = arith.constant 0 : i32
          %dma_wait3A_99 = tpu.memref_slice %arg7[%dma_wait3A_97, %dma_wait3A_98] : memref<10240x128xf32, #tpu.memory_space<vmem_shared>> -> memref<10240x128xf32, #tpu.memory_space<vmem_shared>>
          tpu.wait_indirect_dma semaphore(%run_scoped3A : memref<!tpu.dma_semaphore, #tpu.memory_space<semaphore_mem>>) src(%arg11 : memref<128x128xf32, #tpu.memory_space<vmem>>) dst(%dma_wait3A_99 : memref<10240x128xf32, #tpu.memory_space<vmem_shared>>)
          tpu.yield
        }) : () -> ()
      }
      %while3A_58 = arith.constant 1 : i32
      scf.for %while3A_59 = %while3A_56 to %while3A_52 step %while3A_58  : i32 {
        %mul3A_60 = arith.constant 2 : i32
        %mul3A_61 = arith.muli %mul3A_60, %while3A_59 : i32
        %add3A_62 = arith.constant 1 : i32
        %add3A_63 = arith.addi %mul3A_61, %add3A_62 : i32
        %dma_start3A_64 = arith.constant 0 : i32
        %dma_start3A_65 = tpu.memref_slice %arg8[%add3A_63, %dma_start3A_64] : memref<40x128xi32, #tpu.memory_space<vmem>> -> memref<1x128xi32, #tpu.memory_space<vmem>>
        %dma_start3A_66 = tpu.memref_squeeze %dma_start3A_65 : memref<1x128xi32, #tpu.memory_space<vmem>> -> memref<128xi32, #tpu.memory_space<vmem>>
        %dma_start3A_67 = arith.constant 0 : i32
        %dma_start3A_68 = arith.constant 0 : i32
        %dma_start3A_69 = tpu.memref_slice %arg2[%dma_start3A_67, %dma_start3A_68] : memref<10000x128xf32, #tpu.memory_space<hbm>> -> memref<10000x128xf32, #tpu.memory_space<hbm>>
        tpu.enqueue_indirect_dma source(%dma_start3A_69 : memref<10000x128xf32, #tpu.memory_space<hbm>>) target(%arg11 : memref<128x128xf32, #tpu.memory_space<vmem>>) offsets(%dma_start3A_66 : memref<128xi32, #tpu.memory_space<vmem>>) semaphore(%arg13 : memref<!tpu.dma_semaphore, #tpu.memory_space<semaphore_mem>>)
        %dma_wait3A = arith.constant 0 : i32
        %dma_wait3A_70 = tpu.memref_slice %arg8[%mul3A_61, %dma_wait3A] : memref<40x128xi32, #tpu.memory_space<vmem>> -> memref<1x128xi32, #tpu.memory_space<vmem>>
        %dma_wait3A_71 = tpu.memref_squeeze %dma_wait3A_70 : memref<1x128xi32, #tpu.memory_space<vmem>> -> memref<128xi32, #tpu.memory_space<vmem>>
        %dma_wait3A_72 = arith.constant 0 : i32
        %dma_wait3A_73 = arith.constant 0 : i32
        %dma_wait3A_74 = tpu.memref_slice %arg2[%dma_wait3A_72, %dma_wait3A_73] : memref<10000x128xf32, #tpu.memory_space<hbm>> -> memref<10000x128xf32, #tpu.memory_space<hbm>>
        tpu.wait_indirect_dma semaphore(%arg12 : memref<!tpu.dma_semaphore, #tpu.memory_space<semaphore_mem>>) src(%dma_wait3A_74 : memref<10000x128xf32, #tpu.memory_space<hbm>>) dst(%arg10 : memref<128x128xf32, #tpu.memory_space<vmem>>)
        "tpu.region"() ({
          %run_scoped3A = tpu.sem_alloc : memref<!tpu.dma_semaphore, #tpu.memory_space<semaphore_mem>>
          %dma_start3A_88 = arith.constant 0 : i32
          %dma_start3A_89 = tpu.memref_slice %arg9[%mul3A_61, %dma_start3A_88] : memref<40x128xi32, #tpu.memory_space<vmem>> -> memref<1x128xi32, #tpu.memory_space<vmem>>
          %dma_start3A_90 = tpu.memref_squeeze %dma_start3A_89 : memref<1x128xi32, #tpu.memory_space<vmem>> -> memref<128xi32, #tpu.memory_space<vmem>>
          %dma_start3A_91 = arith.constant 0 : i32
          %dma_start3A_92 = arith.constant 0 : i32
          %dma_start3A_93 = tpu.memref_slice %arg7[%dma_start3A_91, %dma_start3A_92] : memref<10240x128xf32, #tpu.memory_space<vmem_shared>> -> memref<10240x128xf32, #tpu.memory_space<vmem_shared>>
          tpu.enqueue_indirect_dma source(%arg10 : memref<128x128xf32, #tpu.memory_space<vmem>>) target(%dma_start3A_93 : memref<10240x128xf32, #tpu.memory_space<vmem_shared>>) offsets(%dma_start3A_90 : memref<128xi32, #tpu.memory_space<vmem>>) semaphore(%run_scoped3A : memref<!tpu.dma_semaphore, #tpu.memory_space<semaphore_mem>>) {add = true}
          %dma_wait3A_94 = arith.constant 0 : i32
          %dma_wait3A_95 = tpu.memref_slice %arg9[%mul3A_61, %dma_wait3A_94] : memref<40x128xi32, #tpu.memory_space<vmem>> -> memref<1x128xi32, #tpu.memory_space<vmem>>
          %dma_wait3A_96 = tpu.memref_squeeze %dma_wait3A_95 : memref<1x128xi32, #tpu.memory_space<vmem>> -> memref<128xi32, #tpu.memory_space<vmem>>
          %dma_wait3A_97 = arith.constant 0 : i32
          %dma_wait3A_98 = arith.constant 0 : i32
          %dma_wait3A_99 = tpu.memref_slice %arg7[%dma_wait3A_97, %dma_wait3A_98] : memref<10240x128xf32, #tpu.memory_space<vmem_shared>> -> memref<10240x128xf32, #tpu.memory_space<vmem_shared>>
          tpu.wait_indirect_dma semaphore(%run_scoped3A : memref<!tpu.dma_semaphore, #tpu.memory_space<semaphore_mem>>) src(%arg10 : memref<128x128xf32, #tpu.memory_space<vmem>>) dst(%dma_wait3A_99 : memref<10240x128xf32, #tpu.memory_space<vmem_shared>>)
          tpu.yield
        }) : () -> ()
        %lt3A_75 = arith.constant 19 : i32
        %lt3A_76 = arith.cmpi slt, %while3A_59, %lt3A_75 : i32
        %convert_element_type3A_77 = arith.extui %lt3A_76 : i1 to i32
        %cond3A_78 = arith.constant 0 : i32
        %cond3A_79 = arith.cmpi ne, %convert_element_type3A_77, %cond3A_78 : i32
        scf.if %cond3A_79 {
          %add3A_88 = arith.constant 2 : i32
          %add3A_89 = arith.addi %mul3A_61, %add3A_88 : i32
          %dma_start3A_90 = arith.constant 0 : i32
          %dma_start3A_91 = tpu.memref_slice %arg8[%add3A_89, %dma_start3A_90] : memref<40x128xi32, #tpu.memory_space<vmem>> -> memref<1x128xi32, #tpu.memory_space<vmem>>
          %dma_start3A_92 = tpu.memref_squeeze %dma_start3A_91 : memref<1x128xi32, #tpu.memory_space<vmem>> -> memref<128xi32, #tpu.memory_space<vmem>>
          %dma_start3A_93 = arith.constant 0 : i32
          %dma_start3A_94 = arith.constant 0 : i32
          %dma_start3A_95 = tpu.memref_slice %arg2[%dma_start3A_93, %dma_start3A_94] : memref<10000x128xf32, #tpu.memory_space<hbm>> -> memref<10000x128xf32, #tpu.memory_space<hbm>>
          tpu.enqueue_indirect_dma source(%dma_start3A_95 : memref<10000x128xf32, #tpu.memory_space<hbm>>) target(%arg10 : memref<128x128xf32, #tpu.memory_space<vmem>>) offsets(%dma_start3A_92 : memref<128xi32, #tpu.memory_space<vmem>>) semaphore(%arg12 : memref<!tpu.dma_semaphore, #tpu.memory_space<semaphore_mem>>)
        } else {
        }
        %add3A_80 = arith.constant 1 : i32
        %add3A_81 = arith.addi %mul3A_61, %add3A_80 : i32
        %dma_wait3A_82 = arith.constant 0 : i32
        %dma_wait3A_83 = tpu.memref_slice %arg8[%add3A_81, %dma_wait3A_82] : memref<40x128xi32, #tpu.memory_space<vmem>> -> memref<1x128xi32, #tpu.memory_space<vmem>>
        %dma_wait3A_84 = tpu.memref_squeeze %dma_wait3A_83 : memref<1x128xi32, #tpu.memory_space<vmem>> -> memref<128xi32, #tpu.memory_space<vmem>>
        %dma_wait3A_85 = arith.constant 0 : i32
        %dma_wait3A_86 = arith.constant 0 : i32
        %dma_wait3A_87 = tpu.memref_slice %arg2[%dma_wait3A_85, %dma_wait3A_86] : memref<10000x128xf32, #tpu.memory_space<hbm>> -> memref<10000x128xf32, #tpu.memory_space<hbm>>
        tpu.wait_indirect_dma semaphore(%arg13 : memref<!tpu.dma_semaphore, #tpu.memory_space<semaphore_mem>>) src(%dma_wait3A_87 : memref<10000x128xf32, #tpu.memory_space<hbm>>) dst(%arg11 : memref<128x128xf32, #tpu.memory_space<vmem>>)
        "tpu.region"() ({
          %run_scoped3A = tpu.sem_alloc : memref<!tpu.dma_semaphore, #tpu.memory_space<semaphore_mem>>
          %dma_start3A_88 = arith.constant 0 : i32
          %dma_start3A_89 = tpu.memref_slice %arg9[%add3A_81, %dma_start3A_88] : memref<40x128xi32, #tpu.memory_space<vmem>> -> memref<1x128xi32, #tpu.memory_space<vmem>>
          %dma_start3A_90 = tpu.memref_squeeze %dma_start3A_89 : memref<1x128xi32, #tpu.memory_space<vmem>> -> memref<128xi32, #tpu.memory_space<vmem>>
          %dma_start3A_91 = arith.constant 0 : i32
          %dma_start3A_92 = arith.constant 0 : i32
          %dma_start3A_93 = tpu.memref_slice %arg7[%dma_start3A_91, %dma_start3A_92] : memref<10240x128xf32, #tpu.memory_space<vmem_shared>> -> memref<10240x128xf32, #tpu.memory_space<vmem_shared>>
          tpu.enqueue_indirect_dma source(%arg11 : memref<128x128xf32, #tpu.memory_space<vmem>>) target(%dma_start3A_93 : memref<10240x128xf32, #tpu.memory_space<vmem_shared>>) offsets(%dma_start3A_90 : memref<128xi32, #tpu.memory_space<vmem>>) semaphore(%run_scoped3A : memref<!tpu.dma_semaphore, #tpu.memory_space<semaphore_mem>>) {add = true}
          %dma_wait3A_94 = arith.constant 0 : i32
          %dma_wait3A_95 = tpu.memref_slice %arg9[%add3A_81, %dma_wait3A_94] : memref<40x128xi32, #tpu.memory_space<vmem>> -> memref<1x128xi32, #tpu.memory_space<vmem>>
          %dma_wait3A_96 = tpu.memref_squeeze %dma_wait3A_95 : memref<1x128xi32, #tpu.memory_space<vmem>> -> memref<128xi32, #tpu.memory_space<vmem>>
          %dma_wait3A_97 = arith.constant 0 : i32
          %dma_wait3A_98 = arith.constant 0 : i32
          %dma_wait3A_99 = tpu.memref_slice %arg7[%dma_wait3A_97, %dma_wait3A_98] : memref<10240x128xf32, #tpu.memory_space<vmem_shared>> -> memref<10240x128xf32, #tpu.memory_space<vmem_shared>>
          tpu.wait_indirect_dma semaphore(%run_scoped3A : memref<!tpu.dma_semaphore, #tpu.memory_space<semaphore_mem>>) src(%arg11 : memref<128x128xf32, #tpu.memory_space<vmem>>) dst(%dma_wait3A_99 : memref<10240x128xf32, #tpu.memory_space<vmem_shared>>)
          tpu.yield
        }) : () -> ()
      }
    } else {
    }
    %lt3A_20 = arith.constant 40 : i32
    %lt3A_21 = arith.cmpi slt, %lt3A_20, %select_n3A : i32
    %convert_element_type3A_22 = arith.extui %lt3A_21 : i1 to i32
    %cond3A_23 = arith.constant 0 : i32
    %cond3A_24 = arith.cmpi ne, %convert_element_type3A_22, %cond3A_23 : i32
    scf.if %cond3A_24 {
      %add3A_41 = arith.constant 40 : i32
      %add3A_42 = arith.addi %select_n3A_8, %add3A_41 : i32
      "tpu.region"() ({
        %run_scoped3A = tpu.sem_alloc : memref<!tpu.dma_semaphore, #tpu.memory_space<semaphore_mem>>
        %dma_start3A_59 = arith.constant 0 : i32
        %dma_start3A_60 = tpu.memref_slice %arg3[%add3A_42, %dma_start3A_59] : memref<2560x128xi32, #tpu.memory_space<hbm>> -> memref<40x128xi32, #tpu.memory_space<hbm>>
        %dma_start3A_61 = arith.constant 0 : i32
        %dma_start3A_62 = tpu.memref_slice %arg3[%add3A_42, %dma_start3A_61] : memref<2560x128xi32, #tpu.memory_space<hbm>> -> memref<40x128xi32, #tpu.memory_space<hbm>>
        tpu.enqueue_dma source(%dma_start3A_62 : memref<40x128xi32, #tpu.memory_space<hbm>>) target(%arg8 : memref<40x128xi32, #tpu.memory_space<vmem>>) target_semaphore(%run_scoped3A : memref<!tpu.dma_semaphore, #tpu.memory_space<semaphore_mem>>)
        %dma_wait3A = arith.constant 0 : i32
        %dma_wait3A_63 = tpu.memref_slice %arg3[%add3A_42, %dma_wait3A] : memref<2560x128xi32, #tpu.memory_space<hbm>> -> memref<40x128xi32, #tpu.memory_space<hbm>>
        %dma_wait3A_64 = arith.constant 0 : i32
        %dma_wait3A_65 = tpu.memref_slice %arg3[%add3A_42, %dma_wait3A_64] : memref<2560x128xi32, #tpu.memory_space<hbm>> -> memref<40x128xi32, #tpu.memory_space<hbm>>
        tpu.wait_dma2 semaphore(%run_scoped3A : memref<!tpu.dma_semaphore, #tpu.memory_space<semaphore_mem>>) src(%dma_wait3A_65 : memref<40x128xi32, #tpu.memory_space<hbm>>) dst(%arg8 : memref<40x128xi32, #tpu.memory_space<vmem>>)
        tpu.yield
      }) : () -> ()
      "tpu.region"() ({
        %run_scoped3A = tpu.sem_alloc : memref<!tpu.dma_semaphore, #tpu.memory_space<semaphore_mem>>
        %dma_start3A_59 = arith.constant 0 : i32
        %dma_start3A_60 = tpu.memref_slice %arg4[%add3A_42, %dma_start3A_59] : memref<2560x128xi32, #tpu.memory_space<hbm>> -> memref<40x128xi32, #tpu.memory_space<hbm>>
        %dma_start3A_61 = arith.constant 0 : i32
        %dma_start3A_62 = tpu.memref_slice %arg4[%add3A_42, %dma_start3A_61] : memref<2560x128xi32, #tpu.memory_space<hbm>> -> memref<40x128xi32, #tpu.memory_space<hbm>>
        tpu.enqueue_dma source(%dma_start3A_62 : memref<40x128xi32, #tpu.memory_space<hbm>>) target(%arg9 : memref<40x128xi32, #tpu.memory_space<vmem>>) target_semaphore(%run_scoped3A : memref<!tpu.dma_semaphore, #tpu.memory_space<semaphore_mem>>)
        %dma_wait3A = arith.constant 0 : i32
        %dma_wait3A_63 = tpu.memref_slice %arg4[%add3A_42, %dma_wait3A] : memref<2560x128xi32, #tpu.memory_space<hbm>> -> memref<40x128xi32, #tpu.memory_space<hbm>>
        %dma_wait3A_64 = arith.constant 0 : i32
        %dma_wait3A_65 = tpu.memref_slice %arg4[%add3A_42, %dma_wait3A_64] : memref<2560x128xi32, #tpu.memory_space<hbm>> -> memref<40x128xi32, #tpu.memory_space<hbm>>
        tpu.wait_dma2 semaphore(%run_scoped3A : memref<!tpu.dma_semaphore, #tpu.memory_space<semaphore_mem>>) src(%dma_wait3A_65 : memref<40x128xi32, #tpu.memory_space<hbm>>) dst(%arg9 : memref<40x128xi32, #tpu.memory_space<vmem>>)
        tpu.yield
      }) : () -> ()
      %dma_start3A = arith.constant 0 : i32
      %dma_start3A_43 = arith.constant 0 : i32
      %dma_start3A_44 = tpu.memref_slice %arg8[%dma_start3A, %dma_start3A_43] : memref<40x128xi32, #tpu.memory_space<vmem>> -> memref<1x128xi32, #tpu.memory_space<vmem>>
      %dma_start3A_45 = tpu.memref_squeeze %dma_start3A_44 : memref<1x128xi32, #tpu.memory_space<vmem>> -> memref<128xi32, #tpu.memory_space<vmem>>
      %dma_start3A_46 = arith.constant 0 : i32
      %dma_start3A_47 = arith.constant 0 : i32
      %dma_start3A_48 = tpu.memref_slice %arg2[%dma_start3A_46, %dma_start3A_47] : memref<10000x128xf32, #tpu.memory_space<hbm>> -> memref<10000x128xf32, #tpu.memory_space<hbm>>
      tpu.enqueue_indirect_dma source(%dma_start3A_48 : memref<10000x128xf32, #tpu.memory_space<hbm>>) target(%arg10 : memref<128x128xf32, #tpu.memory_space<vmem>>) offsets(%dma_start3A_45 : memref<128xi32, #tpu.memory_space<vmem>>) semaphore(%arg12 : memref<!tpu.dma_semaphore, #tpu.memory_space<semaphore_mem>>)
      %while3A_49 = arith.constant 0 : i32
      %while3A_50 = arith.constant 20 : i32
      %while3A_51 = arith.subi %while3A_50, %while3A_49 : i32
      %while3A_52 = arith.addi %while3A_49, %while3A_51 : i32
      %while3A_53 = arith.constant 1 : i32
      %while3A_54 = arith.divsi %while3A_51, %while3A_53 : i32
      %while3A_55 = arith.muli %while3A_54, %while3A_53 : i32
      %while3A_56 = arith.addi %while3A_49, %while3A_55 : i32
      %while3A_57 = arith.constant 1 : i32
      scf.for %while3A_59 = %while3A_49 to %while3A_56 step %while3A_57  : i32 {
        %mul3A_60 = arith.constant 2 : i32
        %mul3A_61 = arith.muli %mul3A_60, %while3A_59 : i32
        %add3A_62 = arith.constant 1 : i32
        %add3A_63 = arith.addi %mul3A_61, %add3A_62 : i32
        %dma_start3A_64 = arith.constant 0 : i32
        %dma_start3A_65 = tpu.memref_slice %arg8[%add3A_63, %dma_start3A_64] : memref<40x128xi32, #tpu.memory_space<vmem>> -> memref<1x128xi32, #tpu.memory_space<vmem>>
        %dma_start3A_66 = tpu.memref_squeeze %dma_start3A_65 : memref<1x128xi32, #tpu.memory_space<vmem>> -> memref<128xi32, #tpu.memory_space<vmem>>
        %dma_start3A_67 = arith.constant 0 : i32
        %dma_start3A_68 = arith.constant 0 : i32
        %dma_start3A_69 = tpu.memref_slice %arg2[%dma_start3A_67, %dma_start3A_68] : memref<10000x128xf32, #tpu.memory_space<hbm>> -> memref<10000x128xf32, #tpu.memory_space<hbm>>
        tpu.enqueue_indirect_dma source(%dma_start3A_69 : memref<10000x128xf32, #tpu.memory_space<hbm>>) target(%arg11 : memref<128x128xf32, #tpu.memory_space<vmem>>) offsets(%dma_start3A_66 : memref<128xi32, #tpu.memory_space<vmem>>) semaphore(%arg13 : memref<!tpu.dma_semaphore, #tpu.memory_space<semaphore_mem>>)
        %dma_wait3A = arith.constant 0 : i32
        %dma_wait3A_70 = tpu.memref_slice %arg8[%mul3A_61, %dma_wait3A] : memref<40x128xi32, #tpu.memory_space<vmem>> -> memref<1x128xi32, #tpu.memory_space<vmem>>
        %dma_wait3A_71 = tpu.memref_squeeze %dma_wait3A_70 : memref<1x128xi32, #tpu.memory_space<vmem>> -> memref<128xi32, #tpu.memory_space<vmem>>
        %dma_wait3A_72 = arith.constant 0 : i32
        %dma_wait3A_73 = arith.constant 0 : i32
        %dma_wait3A_74 = tpu.memref_slice %arg2[%dma_wait3A_72, %dma_wait3A_73] : memref<10000x128xf32, #tpu.memory_space<hbm>> -> memref<10000x128xf32, #tpu.memory_space<hbm>>
        tpu.wait_indirect_dma semaphore(%arg12 : memref<!tpu.dma_semaphore, #tpu.memory_space<semaphore_mem>>) src(%dma_wait3A_74 : memref<10000x128xf32, #tpu.memory_space<hbm>>) dst(%arg10 : memref<128x128xf32, #tpu.memory_space<vmem>>)
        "tpu.region"() ({
          %run_scoped3A = tpu.sem_alloc : memref<!tpu.dma_semaphore, #tpu.memory_space<semaphore_mem>>
          %dma_start3A_88 = arith.constant 0 : i32
          %dma_start3A_89 = tpu.memref_slice %arg9[%mul3A_61, %dma_start3A_88] : memref<40x128xi32, #tpu.memory_space<vmem>> -> memref<1x128xi32, #tpu.memory_space<vmem>>
          %dma_start3A_90 = tpu.memref_squeeze %dma_start3A_89 : memref<1x128xi32, #tpu.memory_space<vmem>> -> memref<128xi32, #tpu.memory_space<vmem>>
          %dma_start3A_91 = arith.constant 0 : i32
          %dma_start3A_92 = arith.constant 0 : i32
          %dma_start3A_93 = tpu.memref_slice %arg7[%dma_start3A_91, %dma_start3A_92] : memref<10240x128xf32, #tpu.memory_space<vmem_shared>> -> memref<10240x128xf32, #tpu.memory_space<vmem_shared>>
          tpu.enqueue_indirect_dma source(%arg10 : memref<128x128xf32, #tpu.memory_space<vmem>>) target(%dma_start3A_93 : memref<10240x128xf32, #tpu.memory_space<vmem_shared>>) offsets(%dma_start3A_90 : memref<128xi32, #tpu.memory_space<vmem>>) semaphore(%run_scoped3A : memref<!tpu.dma_semaphore, #tpu.memory_space<semaphore_mem>>) {add = true}
          %dma_wait3A_94 = arith.constant 0 : i32
          %dma_wait3A_95 = tpu.memref_slice %arg9[%mul3A_61, %dma_wait3A_94] : memref<40x128xi32, #tpu.memory_space<vmem>> -> memref<1x128xi32, #tpu.memory_space<vmem>>
          %dma_wait3A_96 = tpu.memref_squeeze %dma_wait3A_95 : memref<1x128xi32, #tpu.memory_space<vmem>> -> memref<128xi32, #tpu.memory_space<vmem>>
          %dma_wait3A_97 = arith.constant 0 : i32
          %dma_wait3A_98 = arith.constant 0 : i32
          %dma_wait3A_99 = tpu.memref_slice %arg7[%dma_wait3A_97, %dma_wait3A_98] : memref<10240x128xf32, #tpu.memory_space<vmem_shared>> -> memref<10240x128xf32, #tpu.memory_space<vmem_shared>>
          tpu.wait_indirect_dma semaphore(%run_scoped3A : memref<!tpu.dma_semaphore, #tpu.memory_space<semaphore_mem>>) src(%arg10 : memref<128x128xf32, #tpu.memory_space<vmem>>) dst(%dma_wait3A_99 : memref<10240x128xf32, #tpu.memory_space<vmem_shared>>)
          tpu.yield
        }) : () -> ()
        %lt3A_75 = arith.constant 19 : i32
        %lt3A_76 = arith.cmpi slt, %while3A_59, %lt3A_75 : i32
        %convert_element_type3A_77 = arith.extui %lt3A_76 : i1 to i32
        %cond3A_78 = arith.constant 0 : i32
        %cond3A_79 = arith.cmpi ne, %convert_element_type3A_77, %cond3A_78 : i32
        scf.if %cond3A_79 {
          %add3A_88 = arith.constant 2 : i32
          %add3A_89 = arith.addi %mul3A_61, %add3A_88 : i32
          %dma_start3A_90 = arith.constant 0 : i32
          %dma_start3A_91 = tpu.memref_slice %arg8[%add3A_89, %dma_start3A_90] : memref<40x128xi32, #tpu.memory_space<vmem>> -> memref<1x128xi32, #tpu.memory_space<vmem>>
          %dma_start3A_92 = tpu.memref_squeeze %dma_start3A_91 : memref<1x128xi32, #tpu.memory_space<vmem>> -> memref<128xi32, #tpu.memory_space<vmem>>
          %dma_start3A_93 = arith.constant 0 : i32
          %dma_start3A_94 = arith.constant 0 : i32
          %dma_start3A_95 = tpu.memref_slice %arg2[%dma_start3A_93, %dma_start3A_94] : memref<10000x128xf32, #tpu.memory_space<hbm>> -> memref<10000x128xf32, #tpu.memory_space<hbm>>
          tpu.enqueue_indirect_dma source(%dma_start3A_95 : memref<10000x128xf32, #tpu.memory_space<hbm>>) target(%arg10 : memref<128x128xf32, #tpu.memory_space<vmem>>) offsets(%dma_start3A_92 : memref<128xi32, #tpu.memory_space<vmem>>) semaphore(%arg12 : memref<!tpu.dma_semaphore, #tpu.memory_space<semaphore_mem>>)
        } else {
        }
        %add3A_80 = arith.constant 1 : i32
        %add3A_81 = arith.addi %mul3A_61, %add3A_80 : i32
        %dma_wait3A_82 = arith.constant 0 : i32
        %dma_wait3A_83 = tpu.memref_slice %arg8[%add3A_81, %dma_wait3A_82] : memref<40x128xi32, #tpu.memory_space<vmem>> -> memref<1x128xi32, #tpu.memory_space<vmem>>
        %dma_wait3A_84 = tpu.memref_squeeze %dma_wait3A_83 : memref<1x128xi32, #tpu.memory_space<vmem>> -> memref<128xi32, #tpu.memory_space<vmem>>
        %dma_wait3A_85 = arith.constant 0 : i32
        %dma_wait3A_86 = arith.constant 0 : i32
        %dma_wait3A_87 = tpu.memref_slice %arg2[%dma_wait3A_85, %dma_wait3A_86] : memref<10000x128xf32, #tpu.memory_space<hbm>> -> memref<10000x128xf32, #tpu.memory_space<hbm>>
        tpu.wait_indirect_dma semaphore(%arg13 : memref<!tpu.dma_semaphore, #tpu.memory_space<semaphore_mem>>) src(%dma_wait3A_87 : memref<10000x128xf32, #tpu.memory_space<hbm>>) dst(%arg11 : memref<128x128xf32, #tpu.memory_space<vmem>>)
        "tpu.region"() ({
          %run_scoped3A = tpu.sem_alloc : memref<!tpu.dma_semaphore, #tpu.memory_space<semaphore_mem>>
          %dma_start3A_88 = arith.constant 0 : i32
          %dma_start3A_89 = tpu.memref_slice %arg9[%add3A_81, %dma_start3A_88] : memref<40x128xi32, #tpu.memory_space<vmem>> -> memref<1x128xi32, #tpu.memory_space<vmem>>
          %dma_start3A_90 = tpu.memref_squeeze %dma_start3A_89 : memref<1x128xi32, #tpu.memory_space<vmem>> -> memref<128xi32, #tpu.memory_space<vmem>>
          %dma_start3A_91 = arith.constant 0 : i32
          %dma_start3A_92 = arith.constant 0 : i32
          %dma_start3A_93 = tpu.memref_slice %arg7[%dma_start3A_91, %dma_start3A_92] : memref<10240x128xf32, #tpu.memory_space<vmem_shared>> -> memref<10240x128xf32, #tpu.memory_space<vmem_shared>>
          tpu.enqueue_indirect_dma source(%arg11 : memref<128x128xf32, #tpu.memory_space<vmem>>) target(%dma_start3A_93 : memref<10240x128xf32, #tpu.memory_space<vmem_shared>>) offsets(%dma_start3A_90 : memref<128xi32, #tpu.memory_space<vmem>>) semaphore(%run_scoped3A : memref<!tpu.dma_semaphore, #tpu.memory_space<semaphore_mem>>) {add = true}
          %dma_wait3A_94 = arith.constant 0 : i32
          %dma_wait3A_95 = tpu.memref_slice %arg9[%add3A_81, %dma_wait3A_94] : memref<40x128xi32, #tpu.memory_space<vmem>> -> memref<1x128xi32, #tpu.memory_space<vmem>>
          %dma_wait3A_96 = tpu.memref_squeeze %dma_wait3A_95 : memref<1x128xi32, #tpu.memory_space<vmem>> -> memref<128xi32, #tpu.memory_space<vmem>>
          %dma_wait3A_97 = arith.constant 0 : i32
          %dma_wait3A_98 = arith.constant 0 : i32
          %dma_wait3A_99 = tpu.memref_slice %arg7[%dma_wait3A_97, %dma_wait3A_98] : memref<10240x128xf32, #tpu.memory_space<vmem_shared>> -> memref<10240x128xf32, #tpu.memory_space<vmem_shared>>
          tpu.wait_indirect_dma semaphore(%run_scoped3A : memref<!tpu.dma_semaphore, #tpu.memory_space<semaphore_mem>>) src(%arg11 : memref<128x128xf32, #tpu.memory_space<vmem>>) dst(%dma_wait3A_99 : memref<10240x128xf32, #tpu.memory_space<vmem_shared>>)
          tpu.yield
        }) : () -> ()
      }
      %while3A_58 = arith.constant 1 : i32
      scf.for %while3A_59 = %while3A_56 to %while3A_52 step %while3A_58  : i32 {
        %mul3A_60 = arith.constant 2 : i32
        %mul3A_61 = arith.muli %mul3A_60, %while3A_59 : i32
        %add3A_62 = arith.constant 1 : i32
        %add3A_63 = arith.addi %mul3A_61, %add3A_62 : i32
        %dma_start3A_64 = arith.constant 0 : i32
        %dma_start3A_65 = tpu.memref_slice %arg8[%add3A_63, %dma_start3A_64] : memref<40x128xi32, #tpu.memory_space<vmem>> -> memref<1x128xi32, #tpu.memory_space<vmem>>
        %dma_start3A_66 = tpu.memref_squeeze %dma_start3A_65 : memref<1x128xi32, #tpu.memory_space<vmem>> -> memref<128xi32, #tpu.memory_space<vmem>>
        %dma_start3A_67 = arith.constant 0 : i32
        %dma_start3A_68 = arith.constant 0 : i32
        %dma_start3A_69 = tpu.memref_slice %arg2[%dma_start3A_67, %dma_start3A_68] : memref<10000x128xf32, #tpu.memory_space<hbm>> -> memref<10000x128xf32, #tpu.memory_space<hbm>>
        tpu.enqueue_indirect_dma source(%dma_start3A_69 : memref<10000x128xf32, #tpu.memory_space<hbm>>) target(%arg11 : memref<128x128xf32, #tpu.memory_space<vmem>>) offsets(%dma_start3A_66 : memref<128xi32, #tpu.memory_space<vmem>>) semaphore(%arg13 : memref<!tpu.dma_semaphore, #tpu.memory_space<semaphore_mem>>)
        %dma_wait3A = arith.constant 0 : i32
        %dma_wait3A_70 = tpu.memref_slice %arg8[%mul3A_61, %dma_wait3A] : memref<40x128xi32, #tpu.memory_space<vmem>> -> memref<1x128xi32, #tpu.memory_space<vmem>>
        %dma_wait3A_71 = tpu.memref_squeeze %dma_wait3A_70 : memref<1x128xi32, #tpu.memory_space<vmem>> -> memref<128xi32, #tpu.memory_space<vmem>>
        %dma_wait3A_72 = arith.constant 0 : i32
        %dma_wait3A_73 = arith.constant 0 : i32
        %dma_wait3A_74 = tpu.memref_slice %arg2[%dma_wait3A_72, %dma_wait3A_73] : memref<10000x128xf32, #tpu.memory_space<hbm>> -> memref<10000x128xf32, #tpu.memory_space<hbm>>
        tpu.wait_indirect_dma semaphore(%arg12 : memref<!tpu.dma_semaphore, #tpu.memory_space<semaphore_mem>>) src(%dma_wait3A_74 : memref<10000x128xf32, #tpu.memory_space<hbm>>) dst(%arg10 : memref<128x128xf32, #tpu.memory_space<vmem>>)
        "tpu.region"() ({
          %run_scoped3A = tpu.sem_alloc : memref<!tpu.dma_semaphore, #tpu.memory_space<semaphore_mem>>
          %dma_start3A_88 = arith.constant 0 : i32
          %dma_start3A_89 = tpu.memref_slice %arg9[%mul3A_61, %dma_start3A_88] : memref<40x128xi32, #tpu.memory_space<vmem>> -> memref<1x128xi32, #tpu.memory_space<vmem>>
          %dma_start3A_90 = tpu.memref_squeeze %dma_start3A_89 : memref<1x128xi32, #tpu.memory_space<vmem>> -> memref<128xi32, #tpu.memory_space<vmem>>
          %dma_start3A_91 = arith.constant 0 : i32
          %dma_start3A_92 = arith.constant 0 : i32
          %dma_start3A_93 = tpu.memref_slice %arg7[%dma_start3A_91, %dma_start3A_92] : memref<10240x128xf32, #tpu.memory_space<vmem_shared>> -> memref<10240x128xf32, #tpu.memory_space<vmem_shared>>
          tpu.enqueue_indirect_dma source(%arg10 : memref<128x128xf32, #tpu.memory_space<vmem>>) target(%dma_start3A_93 : memref<10240x128xf32, #tpu.memory_space<vmem_shared>>) offsets(%dma_start3A_90 : memref<128xi32, #tpu.memory_space<vmem>>) semaphore(%run_scoped3A : memref<!tpu.dma_semaphore, #tpu.memory_space<semaphore_mem>>) {add = true}
          %dma_wait3A_94 = arith.constant 0 : i32
          %dma_wait3A_95 = tpu.memref_slice %arg9[%mul3A_61, %dma_wait3A_94] : memref<40x128xi32, #tpu.memory_space<vmem>> -> memref<1x128xi32, #tpu.memory_space<vmem>>
          %dma_wait3A_96 = tpu.memref_squeeze %dma_wait3A_95 : memref<1x128xi32, #tpu.memory_space<vmem>> -> memref<128xi32, #tpu.memory_space<vmem>>
          %dma_wait3A_97 = arith.constant 0 : i32
          %dma_wait3A_98 = arith.constant 0 : i32
          %dma_wait3A_99 = tpu.memref_slice %arg7[%dma_wait3A_97, %dma_wait3A_98] : memref<10240x128xf32, #tpu.memory_space<vmem_shared>> -> memref<10240x128xf32, #tpu.memory_space<vmem_shared>>
          tpu.wait_indirect_dma semaphore(%run_scoped3A : memref<!tpu.dma_semaphore, #tpu.memory_space<semaphore_mem>>) src(%arg10 : memref<128x128xf32, #tpu.memory_space<vmem>>) dst(%dma_wait3A_99 : memref<10240x128xf32, #tpu.memory_space<vmem_shared>>)
          tpu.yield
        }) : () -> ()
        %lt3A_75 = arith.constant 19 : i32
        %lt3A_76 = arith.cmpi slt, %while3A_59, %lt3A_75 : i32
        %convert_element_type3A_77 = arith.extui %lt3A_76 : i1 to i32
        %cond3A_78 = arith.constant 0 : i32
        %cond3A_79 = arith.cmpi ne, %convert_element_type3A_77, %cond3A_78 : i32
        scf.if %cond3A_79 {
          %add3A_88 = arith.constant 2 : i32
          %add3A_89 = arith.addi %mul3A_61, %add3A_88 : i32
          %dma_start3A_90 = arith.constant 0 : i32
          %dma_start3A_91 = tpu.memref_slice %arg8[%add3A_89, %dma_start3A_90] : memref<40x128xi32, #tpu.memory_space<vmem>> -> memref<1x128xi32, #tpu.memory_space<vmem>>
          %dma_start3A_92 = tpu.memref_squeeze %dma_start3A_91 : memref<1x128xi32, #tpu.memory_space<vmem>> -> memref<128xi32, #tpu.memory_space<vmem>>
          %dma_start3A_93 = arith.constant 0 : i32
          %dma_start3A_94 = arith.constant 0 : i32
          %dma_start3A_95 = tpu.memref_slice %arg2[%dma_start3A_93, %dma_start3A_94] : memref<10000x128xf32, #tpu.memory_space<hbm>> -> memref<10000x128xf32, #tpu.memory_space<hbm>>
          tpu.enqueue_indirect_dma source(%dma_start3A_95 : memref<10000x128xf32, #tpu.memory_space<hbm>>) target(%arg10 : memref<128x128xf32, #tpu.memory_space<vmem>>) offsets(%dma_start3A_92 : memref<128xi32, #tpu.memory_space<vmem>>) semaphore(%arg12 : memref<!tpu.dma_semaphore, #tpu.memory_space<semaphore_mem>>)
        } else {
        }
        %add3A_80 = arith.constant 1 : i32
        %add3A_81 = arith.addi %mul3A_61, %add3A_80 : i32
        %dma_wait3A_82 = arith.constant 0 : i32
        %dma_wait3A_83 = tpu.memref_slice %arg8[%add3A_81, %dma_wait3A_82] : memref<40x128xi32, #tpu.memory_space<vmem>> -> memref<1x128xi32, #tpu.memory_space<vmem>>
        %dma_wait3A_84 = tpu.memref_squeeze %dma_wait3A_83 : memref<1x128xi32, #tpu.memory_space<vmem>> -> memref<128xi32, #tpu.memory_space<vmem>>
        %dma_wait3A_85 = arith.constant 0 : i32
        %dma_wait3A_86 = arith.constant 0 : i32
        %dma_wait3A_87 = tpu.memref_slice %arg2[%dma_wait3A_85, %dma_wait3A_86] : memref<10000x128xf32, #tpu.memory_space<hbm>> -> memref<10000x128xf32, #tpu.memory_space<hbm>>
        tpu.wait_indirect_dma semaphore(%arg13 : memref<!tpu.dma_semaphore, #tpu.memory_space<semaphore_mem>>) src(%dma_wait3A_87 : memref<10000x128xf32, #tpu.memory_space<hbm>>) dst(%arg11 : memref<128x128xf32, #tpu.memory_space<vmem>>)
        "tpu.region"() ({
          %run_scoped3A = tpu.sem_alloc : memref<!tpu.dma_semaphore, #tpu.memory_space<semaphore_mem>>
          %dma_start3A_88 = arith.constant 0 : i32
          %dma_start3A_89 = tpu.memref_slice %arg9[%add3A_81, %dma_start3A_88] : memref<40x128xi32, #tpu.memory_space<vmem>> -> memref<1x128xi32, #tpu.memory_space<vmem>>
          %dma_start3A_90 = tpu.memref_squeeze %dma_start3A_89 : memref<1x128xi32, #tpu.memory_space<vmem>> -> memref<128xi32, #tpu.memory_space<vmem>>
          %dma_start3A_91 = arith.constant 0 : i32
          %dma_start3A_92 = arith.constant 0 : i32
          %dma_start3A_93 = tpu.memref_slice %arg7[%dma_start3A_91, %dma_start3A_92] : memref<10240x128xf32, #tpu.memory_space<vmem_shared>> -> memref<10240x128xf32, #tpu.memory_space<vmem_shared>>
          tpu.enqueue_indirect_dma source(%arg11 : memref<128x128xf32, #tpu.memory_space<vmem>>) target(%dma_start3A_93 : memref<10240x128xf32, #tpu.memory_space<vmem_shared>>) offsets(%dma_start3A_90 : memref<128xi32, #tpu.memory_space<vmem>>) semaphore(%run_scoped3A : memref<!tpu.dma_semaphore, #tpu.memory_space<semaphore_mem>>) {add = true}
          %dma_wait3A_94 = arith.constant 0 : i32
          %dma_wait3A_95 = tpu.memref_slice %arg9[%add3A_81, %dma_wait3A_94] : memref<40x128xi32, #tpu.memory_space<vmem>> -> memref<1x128xi32, #tpu.memory_space<vmem>>
          %dma_wait3A_96 = tpu.memref_squeeze %dma_wait3A_95 : memref<1x128xi32, #tpu.memory_space<vmem>> -> memref<128xi32, #tpu.memory_space<vmem>>
          %dma_wait3A_97 = arith.constant 0 : i32
          %dma_wait3A_98 = arith.constant 0 : i32
          %dma_wait3A_99 = tpu.memref_slice %arg7[%dma_wait3A_97, %dma_wait3A_98] : memref<10240x128xf32, #tpu.memory_space<vmem_shared>> -> memref<10240x128xf32, #tpu.memory_space<vmem_shared>>
          tpu.wait_indirect_dma semaphore(%run_scoped3A : memref<!tpu.dma_semaphore, #tpu.memory_space<semaphore_mem>>) src(%arg11 : memref<128x128xf32, #tpu.memory_space<vmem>>) dst(%dma_wait3A_99 : memref<10240x128xf32, #tpu.memory_space<vmem_shared>>)
          tpu.yield
        }) : () -> ()
      }
    } else {
    }
    %lt3A_25 = arith.constant 80 : i32
    %lt3A_26 = arith.cmpi slt, %lt3A_25, %select_n3A : i32
    %convert_element_type3A_27 = arith.extui %lt3A_26 : i1 to i32
    %cond3A_28 = arith.constant 0 : i32
    %cond3A_29 = arith.cmpi ne, %convert_element_type3A_27, %cond3A_28 : i32
    scf.if %cond3A_29 {
      %add3A_41 = arith.constant 80 : i32
      %add3A_42 = arith.addi %select_n3A_8, %add3A_41 : i32
      "tpu.region"() ({
        %run_scoped3A = tpu.sem_alloc : memref<!tpu.dma_semaphore, #tpu.memory_space<semaphore_mem>>
        %dma_start3A_59 = arith.constant 0 : i32
        %dma_start3A_60 = tpu.memref_slice %arg3[%add3A_42, %dma_start3A_59] : memref<2560x128xi32, #tpu.memory_space<hbm>> -> memref<40x128xi32, #tpu.memory_space<hbm>>
        %dma_start3A_61 = arith.constant 0 : i32
        %dma_start3A_62 = tpu.memref_slice %arg3[%add3A_42, %dma_start3A_61] : memref<2560x128xi32, #tpu.memory_space<hbm>> -> memref<40x128xi32, #tpu.memory_space<hbm>>
        tpu.enqueue_dma source(%dma_start3A_62 : memref<40x128xi32, #tpu.memory_space<hbm>>) target(%arg8 : memref<40x128xi32, #tpu.memory_space<vmem>>) target_semaphore(%run_scoped3A : memref<!tpu.dma_semaphore, #tpu.memory_space<semaphore_mem>>)
        %dma_wait3A = arith.constant 0 : i32
        %dma_wait3A_63 = tpu.memref_slice %arg3[%add3A_42, %dma_wait3A] : memref<2560x128xi32, #tpu.memory_space<hbm>> -> memref<40x128xi32, #tpu.memory_space<hbm>>
        %dma_wait3A_64 = arith.constant 0 : i32
        %dma_wait3A_65 = tpu.memref_slice %arg3[%add3A_42, %dma_wait3A_64] : memref<2560x128xi32, #tpu.memory_space<hbm>> -> memref<40x128xi32, #tpu.memory_space<hbm>>
        tpu.wait_dma2 semaphore(%run_scoped3A : memref<!tpu.dma_semaphore, #tpu.memory_space<semaphore_mem>>) src(%dma_wait3A_65 : memref<40x128xi32, #tpu.memory_space<hbm>>) dst(%arg8 : memref<40x128xi32, #tpu.memory_space<vmem>>)
        tpu.yield
      }) : () -> ()
      "tpu.region"() ({
        %run_scoped3A = tpu.sem_alloc : memref<!tpu.dma_semaphore, #tpu.memory_space<semaphore_mem>>
        %dma_start3A_59 = arith.constant 0 : i32
        %dma_start3A_60 = tpu.memref_slice %arg4[%add3A_42, %dma_start3A_59] : memref<2560x128xi32, #tpu.memory_space<hbm>> -> memref<40x128xi32, #tpu.memory_space<hbm>>
        %dma_start3A_61 = arith.constant 0 : i32
        %dma_start3A_62 = tpu.memref_slice %arg4[%add3A_42, %dma_start3A_61] : memref<2560x128xi32, #tpu.memory_space<hbm>> -> memref<40x128xi32, #tpu.memory_space<hbm>>
        tpu.enqueue_dma source(%dma_start3A_62 : memref<40x128xi32, #tpu.memory_space<hbm>>) target(%arg9 : memref<40x128xi32, #tpu.memory_space<vmem>>) target_semaphore(%run_scoped3A : memref<!tpu.dma_semaphore, #tpu.memory_space<semaphore_mem>>)
        %dma_wait3A = arith.constant 0 : i32
        %dma_wait3A_63 = tpu.memref_slice %arg4[%add3A_42, %dma_wait3A] : memref<2560x128xi32, #tpu.memory_space<hbm>> -> memref<40x128xi32, #tpu.memory_space<hbm>>
        %dma_wait3A_64 = arith.constant 0 : i32
        %dma_wait3A_65 = tpu.memref_slice %arg4[%add3A_42, %dma_wait3A_64] : memref<2560x128xi32, #tpu.memory_space<hbm>> -> memref<40x128xi32, #tpu.memory_space<hbm>>
        tpu.wait_dma2 semaphore(%run_scoped3A : memref<!tpu.dma_semaphore, #tpu.memory_space<semaphore_mem>>) src(%dma_wait3A_65 : memref<40x128xi32, #tpu.memory_space<hbm>>) dst(%arg9 : memref<40x128xi32, #tpu.memory_space<vmem>>)
        tpu.yield
      }) : () -> ()
      %dma_start3A = arith.constant 0 : i32
      %dma_start3A_43 = arith.constant 0 : i32
      %dma_start3A_44 = tpu.memref_slice %arg8[%dma_start3A, %dma_start3A_43] : memref<40x128xi32, #tpu.memory_space<vmem>> -> memref<1x128xi32, #tpu.memory_space<vmem>>
      %dma_start3A_45 = tpu.memref_squeeze %dma_start3A_44 : memref<1x128xi32, #tpu.memory_space<vmem>> -> memref<128xi32, #tpu.memory_space<vmem>>
      %dma_start3A_46 = arith.constant 0 : i32
      %dma_start3A_47 = arith.constant 0 : i32
      %dma_start3A_48 = tpu.memref_slice %arg2[%dma_start3A_46, %dma_start3A_47] : memref<10000x128xf32, #tpu.memory_space<hbm>> -> memref<10000x128xf32, #tpu.memory_space<hbm>>
      tpu.enqueue_indirect_dma source(%dma_start3A_48 : memref<10000x128xf32, #tpu.memory_space<hbm>>) target(%arg10 : memref<128x128xf32, #tpu.memory_space<vmem>>) offsets(%dma_start3A_45 : memref<128xi32, #tpu.memory_space<vmem>>) semaphore(%arg12 : memref<!tpu.dma_semaphore, #tpu.memory_space<semaphore_mem>>)
      %while3A_49 = arith.constant 0 : i32
      %while3A_50 = arith.constant 20 : i32
      %while3A_51 = arith.subi %while3A_50, %while3A_49 : i32
      %while3A_52 = arith.addi %while3A_49, %while3A_51 : i32
      %while3A_53 = arith.constant 1 : i32
      %while3A_54 = arith.divsi %while3A_51, %while3A_53 : i32
      %while3A_55 = arith.muli %while3A_54, %while3A_53 : i32
      %while3A_56 = arith.addi %while3A_49, %while3A_55 : i32
      %while3A_57 = arith.constant 1 : i32
      scf.for %while3A_59 = %while3A_49 to %while3A_56 step %while3A_57  : i32 {
        %mul3A_60 = arith.constant 2 : i32
        %mul3A_61 = arith.muli %mul3A_60, %while3A_59 : i32
        %add3A_62 = arith.constant 1 : i32
        %add3A_63 = arith.addi %mul3A_61, %add3A_62 : i32
        %dma_start3A_64 = arith.constant 0 : i32
        %dma_start3A_65 = tpu.memref_slice %arg8[%add3A_63, %dma_start3A_64] : memref<40x128xi32, #tpu.memory_space<vmem>> -> memref<1x128xi32, #tpu.memory_space<vmem>>
        %dma_start3A_66 = tpu.memref_squeeze %dma_start3A_65 : memref<1x128xi32, #tpu.memory_space<vmem>> -> memref<128xi32, #tpu.memory_space<vmem>>
        %dma_start3A_67 = arith.constant 0 : i32
        %dma_start3A_68 = arith.constant 0 : i32
        %dma_start3A_69 = tpu.memref_slice %arg2[%dma_start3A_67, %dma_start3A_68] : memref<10000x128xf32, #tpu.memory_space<hbm>> -> memref<10000x128xf32, #tpu.memory_space<hbm>>
        tpu.enqueue_indirect_dma source(%dma_start3A_69 : memref<10000x128xf32, #tpu.memory_space<hbm>>) target(%arg11 : memref<128x128xf32, #tpu.memory_space<vmem>>) offsets(%dma_start3A_66 : memref<128xi32, #tpu.memory_space<vmem>>) semaphore(%arg13 : memref<!tpu.dma_semaphore, #tpu.memory_space<semaphore_mem>>)
        %dma_wait3A = arith.constant 0 : i32
        %dma_wait3A_70 = tpu.memref_slice %arg8[%mul3A_61, %dma_wait3A] : memref<40x128xi32, #tpu.memory_space<vmem>> -> memref<1x128xi32, #tpu.memory_space<vmem>>
        %dma_wait3A_71 = tpu.memref_squeeze %dma_wait3A_70 : memref<1x128xi32, #tpu.memory_space<vmem>> -> memref<128xi32, #tpu.memory_space<vmem>>
        %dma_wait3A_72 = arith.constant 0 : i32
        %dma_wait3A_73 = arith.constant 0 : i32
        %dma_wait3A_74 = tpu.memref_slice %arg2[%dma_wait3A_72, %dma_wait3A_73] : memref<10000x128xf32, #tpu.memory_space<hbm>> -> memref<10000x128xf32, #tpu.memory_space<hbm>>
        tpu.wait_indirect_dma semaphore(%arg12 : memref<!tpu.dma_semaphore, #tpu.memory_space<semaphore_mem>>) src(%dma_wait3A_74 : memref<10000x128xf32, #tpu.memory_space<hbm>>) dst(%arg10 : memref<128x128xf32, #tpu.memory_space<vmem>>)
        "tpu.region"() ({
          %run_scoped3A = tpu.sem_alloc : memref<!tpu.dma_semaphore, #tpu.memory_space<semaphore_mem>>
          %dma_start3A_88 = arith.constant 0 : i32
          %dma_start3A_89 = tpu.memref_slice %arg9[%mul3A_61, %dma_start3A_88] : memref<40x128xi32, #tpu.memory_space<vmem>> -> memref<1x128xi32, #tpu.memory_space<vmem>>
          %dma_start3A_90 = tpu.memref_squeeze %dma_start3A_89 : memref<1x128xi32, #tpu.memory_space<vmem>> -> memref<128xi32, #tpu.memory_space<vmem>>
          %dma_start3A_91 = arith.constant 0 : i32
          %dma_start3A_92 = arith.constant 0 : i32
          %dma_start3A_93 = tpu.memref_slice %arg7[%dma_start3A_91, %dma_start3A_92] : memref<10240x128xf32, #tpu.memory_space<vmem_shared>> -> memref<10240x128xf32, #tpu.memory_space<vmem_shared>>
          tpu.enqueue_indirect_dma source(%arg10 : memref<128x128xf32, #tpu.memory_space<vmem>>) target(%dma_start3A_93 : memref<10240x128xf32, #tpu.memory_space<vmem_shared>>) offsets(%dma_start3A_90 : memref<128xi32, #tpu.memory_space<vmem>>) semaphore(%run_scoped3A : memref<!tpu.dma_semaphore, #tpu.memory_space<semaphore_mem>>) {add = true}
          %dma_wait3A_94 = arith.constant 0 : i32
          %dma_wait3A_95 = tpu.memref_slice %arg9[%mul3A_61, %dma_wait3A_94] : memref<40x128xi32, #tpu.memory_space<vmem>> -> memref<1x128xi32, #tpu.memory_space<vmem>>
          %dma_wait3A_96 = tpu.memref_squeeze %dma_wait3A_95 : memref<1x128xi32, #tpu.memory_space<vmem>> -> memref<128xi32, #tpu.memory_space<vmem>>
          %dma_wait3A_97 = arith.constant 0 : i32
          %dma_wait3A_98 = arith.constant 0 : i32
          %dma_wait3A_99 = tpu.memref_slice %arg7[%dma_wait3A_97, %dma_wait3A_98] : memref<10240x128xf32, #tpu.memory_space<vmem_shared>> -> memref<10240x128xf32, #tpu.memory_space<vmem_shared>>
          tpu.wait_indirect_dma semaphore(%run_scoped3A : memref<!tpu.dma_semaphore, #tpu.memory_space<semaphore_mem>>) src(%arg10 : memref<128x128xf32, #tpu.memory_space<vmem>>) dst(%dma_wait3A_99 : memref<10240x128xf32, #tpu.memory_space<vmem_shared>>)
          tpu.yield
        }) : () -> ()
        %lt3A_75 = arith.constant 19 : i32
        %lt3A_76 = arith.cmpi slt, %while3A_59, %lt3A_75 : i32
        %convert_element_type3A_77 = arith.extui %lt3A_76 : i1 to i32
        %cond3A_78 = arith.constant 0 : i32
        %cond3A_79 = arith.cmpi ne, %convert_element_type3A_77, %cond3A_78 : i32
        scf.if %cond3A_79 {
          %add3A_88 = arith.constant 2 : i32
          %add3A_89 = arith.addi %mul3A_61, %add3A_88 : i32
          %dma_start3A_90 = arith.constant 0 : i32
          %dma_start3A_91 = tpu.memref_slice %arg8[%add3A_89, %dma_start3A_90] : memref<40x128xi32, #tpu.memory_space<vmem>> -> memref<1x128xi32, #tpu.memory_space<vmem>>
          %dma_start3A_92 = tpu.memref_squeeze %dma_start3A_91 : memref<1x128xi32, #tpu.memory_space<vmem>> -> memref<128xi32, #tpu.memory_space<vmem>>
          %dma_start3A_93 = arith.constant 0 : i32
          %dma_start3A_94 = arith.constant 0 : i32
          %dma_start3A_95 = tpu.memref_slice %arg2[%dma_start3A_93, %dma_start3A_94] : memref<10000x128xf32, #tpu.memory_space<hbm>> -> memref<10000x128xf32, #tpu.memory_space<hbm>>
          tpu.enqueue_indirect_dma source(%dma_start3A_95 : memref<10000x128xf32, #tpu.memory_space<hbm>>) target(%arg10 : memref<128x128xf32, #tpu.memory_space<vmem>>) offsets(%dma_start3A_92 : memref<128xi32, #tpu.memory_space<vmem>>) semaphore(%arg12 : memref<!tpu.dma_semaphore, #tpu.memory_space<semaphore_mem>>)
        } else {
        }
        %add3A_80 = arith.constant 1 : i32
        %add3A_81 = arith.addi %mul3A_61, %add3A_80 : i32
        %dma_wait3A_82 = arith.constant 0 : i32
        %dma_wait3A_83 = tpu.memref_slice %arg8[%add3A_81, %dma_wait3A_82] : memref<40x128xi32, #tpu.memory_space<vmem>> -> memref<1x128xi32, #tpu.memory_space<vmem>>
        %dma_wait3A_84 = tpu.memref_squeeze %dma_wait3A_83 : memref<1x128xi32, #tpu.memory_space<vmem>> -> memref<128xi32, #tpu.memory_space<vmem>>
        %dma_wait3A_85 = arith.constant 0 : i32
        %dma_wait3A_86 = arith.constant 0 : i32
        %dma_wait3A_87 = tpu.memref_slice %arg2[%dma_wait3A_85, %dma_wait3A_86] : memref<10000x128xf32, #tpu.memory_space<hbm>> -> memref<10000x128xf32, #tpu.memory_space<hbm>>
        tpu.wait_indirect_dma semaphore(%arg13 : memref<!tpu.dma_semaphore, #tpu.memory_space<semaphore_mem>>) src(%dma_wait3A_87 : memref<10000x128xf32, #tpu.memory_space<hbm>>) dst(%arg11 : memref<128x128xf32, #tpu.memory_space<vmem>>)
        "tpu.region"() ({
          %run_scoped3A = tpu.sem_alloc : memref<!tpu.dma_semaphore, #tpu.memory_space<semaphore_mem>>
          %dma_start3A_88 = arith.constant 0 : i32
          %dma_start3A_89 = tpu.memref_slice %arg9[%add3A_81, %dma_start3A_88] : memref<40x128xi32, #tpu.memory_space<vmem>> -> memref<1x128xi32, #tpu.memory_space<vmem>>
          %dma_start3A_90 = tpu.memref_squeeze %dma_start3A_89 : memref<1x128xi32, #tpu.memory_space<vmem>> -> memref<128xi32, #tpu.memory_space<vmem>>
          %dma_start3A_91 = arith.constant 0 : i32
          %dma_start3A_92 = arith.constant 0 : i32
          %dma_start3A_93 = tpu.memref_slice %arg7[%dma_start3A_91, %dma_start3A_92] : memref<10240x128xf32, #tpu.memory_space<vmem_shared>> -> memref<10240x128xf32, #tpu.memory_space<vmem_shared>>
          tpu.enqueue_indirect_dma source(%arg11 : memref<128x128xf32, #tpu.memory_space<vmem>>) target(%dma_start3A_93 : memref<10240x128xf32, #tpu.memory_space<vmem_shared>>) offsets(%dma_start3A_90 : memref<128xi32, #tpu.memory_space<vmem>>) semaphore(%run_scoped3A : memref<!tpu.dma_semaphore, #tpu.memory_space<semaphore_mem>>) {add = true}
          %dma_wait3A_94 = arith.constant 0 : i32
          %dma_wait3A_95 = tpu.memref_slice %arg9[%add3A_81, %dma_wait3A_94] : memref<40x128xi32, #tpu.memory_space<vmem>> -> memref<1x128xi32, #tpu.memory_space<vmem>>
          %dma_wait3A_96 = tpu.memref_squeeze %dma_wait3A_95 : memref<1x128xi32, #tpu.memory_space<vmem>> -> memref<128xi32, #tpu.memory_space<vmem>>
          %dma_wait3A_97 = arith.constant 0 : i32
          %dma_wait3A_98 = arith.constant 0 : i32
          %dma_wait3A_99 = tpu.memref_slice %arg7[%dma_wait3A_97, %dma_wait3A_98] : memref<10240x128xf32, #tpu.memory_space<vmem_shared>> -> memref<10240x128xf32, #tpu.memory_space<vmem_shared>>
          tpu.wait_indirect_dma semaphore(%run_scoped3A : memref<!tpu.dma_semaphore, #tpu.memory_space<semaphore_mem>>) src(%arg11 : memref<128x128xf32, #tpu.memory_space<vmem>>) dst(%dma_wait3A_99 : memref<10240x128xf32, #tpu.memory_space<vmem_shared>>)
          tpu.yield
        }) : () -> ()
      }
      %while3A_58 = arith.constant 1 : i32
      scf.for %while3A_59 = %while3A_56 to %while3A_52 step %while3A_58  : i32 {
        %mul3A_60 = arith.constant 2 : i32
        %mul3A_61 = arith.muli %mul3A_60, %while3A_59 : i32
        %add3A_62 = arith.constant 1 : i32
        %add3A_63 = arith.addi %mul3A_61, %add3A_62 : i32
        %dma_start3A_64 = arith.constant 0 : i32
        %dma_start3A_65 = tpu.memref_slice %arg8[%add3A_63, %dma_start3A_64] : memref<40x128xi32, #tpu.memory_space<vmem>> -> memref<1x128xi32, #tpu.memory_space<vmem>>
        %dma_start3A_66 = tpu.memref_squeeze %dma_start3A_65 : memref<1x128xi32, #tpu.memory_space<vmem>> -> memref<128xi32, #tpu.memory_space<vmem>>
        %dma_start3A_67 = arith.constant 0 : i32
        %dma_start3A_68 = arith.constant 0 : i32
        %dma_start3A_69 = tpu.memref_slice %arg2[%dma_start3A_67, %dma_start3A_68] : memref<10000x128xf32, #tpu.memory_space<hbm>> -> memref<10000x128xf32, #tpu.memory_space<hbm>>
        tpu.enqueue_indirect_dma source(%dma_start3A_69 : memref<10000x128xf32, #tpu.memory_space<hbm>>) target(%arg11 : memref<128x128xf32, #tpu.memory_space<vmem>>) offsets(%dma_start3A_66 : memref<128xi32, #tpu.memory_space<vmem>>) semaphore(%arg13 : memref<!tpu.dma_semaphore, #tpu.memory_space<semaphore_mem>>)
        %dma_wait3A = arith.constant 0 : i32
        %dma_wait3A_70 = tpu.memref_slice %arg8[%mul3A_61, %dma_wait3A] : memref<40x128xi32, #tpu.memory_space<vmem>> -> memref<1x128xi32, #tpu.memory_space<vmem>>
        %dma_wait3A_71 = tpu.memref_squeeze %dma_wait3A_70 : memref<1x128xi32, #tpu.memory_space<vmem>> -> memref<128xi32, #tpu.memory_space<vmem>>
        %dma_wait3A_72 = arith.constant 0 : i32
        %dma_wait3A_73 = arith.constant 0 : i32
        %dma_wait3A_74 = tpu.memref_slice %arg2[%dma_wait3A_72, %dma_wait3A_73] : memref<10000x128xf32, #tpu.memory_space<hbm>> -> memref<10000x128xf32, #tpu.memory_space<hbm>>
        tpu.wait_indirect_dma semaphore(%arg12 : memref<!tpu.dma_semaphore, #tpu.memory_space<semaphore_mem>>) src(%dma_wait3A_74 : memref<10000x128xf32, #tpu.memory_space<hbm>>) dst(%arg10 : memref<128x128xf32, #tpu.memory_space<vmem>>)
        "tpu.region"() ({
          %run_scoped3A = tpu.sem_alloc : memref<!tpu.dma_semaphore, #tpu.memory_space<semaphore_mem>>
          %dma_start3A_88 = arith.constant 0 : i32
          %dma_start3A_89 = tpu.memref_slice %arg9[%mul3A_61, %dma_start3A_88] : memref<40x128xi32, #tpu.memory_space<vmem>> -> memref<1x128xi32, #tpu.memory_space<vmem>>
          %dma_start3A_90 = tpu.memref_squeeze %dma_start3A_89 : memref<1x128xi32, #tpu.memory_space<vmem>> -> memref<128xi32, #tpu.memory_space<vmem>>
          %dma_start3A_91 = arith.constant 0 : i32
          %dma_start3A_92 = arith.constant 0 : i32
          %dma_start3A_93 = tpu.memref_slice %arg7[%dma_start3A_91, %dma_start3A_92] : memref<10240x128xf32, #tpu.memory_space<vmem_shared>> -> memref<10240x128xf32, #tpu.memory_space<vmem_shared>>
          tpu.enqueue_indirect_dma source(%arg10 : memref<128x128xf32, #tpu.memory_space<vmem>>) target(%dma_start3A_93 : memref<10240x128xf32, #tpu.memory_space<vmem_shared>>) offsets(%dma_start3A_90 : memref<128xi32, #tpu.memory_space<vmem>>) semaphore(%run_scoped3A : memref<!tpu.dma_semaphore, #tpu.memory_space<semaphore_mem>>) {add = true}
          %dma_wait3A_94 = arith.constant 0 : i32
          %dma_wait3A_95 = tpu.memref_slice %arg9[%mul3A_61, %dma_wait3A_94] : memref<40x128xi32, #tpu.memory_space<vmem>> -> memref<1x128xi32, #tpu.memory_space<vmem>>
          %dma_wait3A_96 = tpu.memref_squeeze %dma_wait3A_95 : memref<1x128xi32, #tpu.memory_space<vmem>> -> memref<128xi32, #tpu.memory_space<vmem>>
          %dma_wait3A_97 = arith.constant 0 : i32
          %dma_wait3A_98 = arith.constant 0 : i32
          %dma_wait3A_99 = tpu.memref_slice %arg7[%dma_wait3A_97, %dma_wait3A_98] : memref<10240x128xf32, #tpu.memory_space<vmem_shared>> -> memref<10240x128xf32, #tpu.memory_space<vmem_shared>>
          tpu.wait_indirect_dma semaphore(%run_scoped3A : memref<!tpu.dma_semaphore, #tpu.memory_space<semaphore_mem>>) src(%arg10 : memref<128x128xf32, #tpu.memory_space<vmem>>) dst(%dma_wait3A_99 : memref<10240x128xf32, #tpu.memory_space<vmem_shared>>)
          tpu.yield
        }) : () -> ()
        %lt3A_75 = arith.constant 19 : i32
        %lt3A_76 = arith.cmpi slt, %while3A_59, %lt3A_75 : i32
        %convert_element_type3A_77 = arith.extui %lt3A_76 : i1 to i32
        %cond3A_78 = arith.constant 0 : i32
        %cond3A_79 = arith.cmpi ne, %convert_element_type3A_77, %cond3A_78 : i32
        scf.if %cond3A_79 {
          %add3A_88 = arith.constant 2 : i32
          %add3A_89 = arith.addi %mul3A_61, %add3A_88 : i32
          %dma_start3A_90 = arith.constant 0 : i32
          %dma_start3A_91 = tpu.memref_slice %arg8[%add3A_89, %dma_start3A_90] : memref<40x128xi32, #tpu.memory_space<vmem>> -> memref<1x128xi32, #tpu.memory_space<vmem>>
          %dma_start3A_92 = tpu.memref_squeeze %dma_start3A_91 : memref<1x128xi32, #tpu.memory_space<vmem>> -> memref<128xi32, #tpu.memory_space<vmem>>
          %dma_start3A_93 = arith.constant 0 : i32
          %dma_start3A_94 = arith.constant 0 : i32
          %dma_start3A_95 = tpu.memref_slice %arg2[%dma_start3A_93, %dma_start3A_94] : memref<10000x128xf32, #tpu.memory_space<hbm>> -> memref<10000x128xf32, #tpu.memory_space<hbm>>
          tpu.enqueue_indirect_dma source(%dma_start3A_95 : memref<10000x128xf32, #tpu.memory_space<hbm>>) target(%arg10 : memref<128x128xf32, #tpu.memory_space<vmem>>) offsets(%dma_start3A_92 : memref<128xi32, #tpu.memory_space<vmem>>) semaphore(%arg12 : memref<!tpu.dma_semaphore, #tpu.memory_space<semaphore_mem>>)
        } else {
        }
        %add3A_80 = arith.constant 1 : i32
        %add3A_81 = arith.addi %mul3A_61, %add3A_80 : i32
        %dma_wait3A_82 = arith.constant 0 : i32
        %dma_wait3A_83 = tpu.memref_slice %arg8[%add3A_81, %dma_wait3A_82] : memref<40x128xi32, #tpu.memory_space<vmem>> -> memref<1x128xi32, #tpu.memory_space<vmem>>
        %dma_wait3A_84 = tpu.memref_squeeze %dma_wait3A_83 : memref<1x128xi32, #tpu.memory_space<vmem>> -> memref<128xi32, #tpu.memory_space<vmem>>
        %dma_wait3A_85 = arith.constant 0 : i32
        %dma_wait3A_86 = arith.constant 0 : i32
        %dma_wait3A_87 = tpu.memref_slice %arg2[%dma_wait3A_85, %dma_wait3A_86] : memref<10000x128xf32, #tpu.memory_space<hbm>> -> memref<10000x128xf32, #tpu.memory_space<hbm>>
        tpu.wait_indirect_dma semaphore(%arg13 : memref<!tpu.dma_semaphore, #tpu.memory_space<semaphore_mem>>) src(%dma_wait3A_87 : memref<10000x128xf32, #tpu.memory_space<hbm>>) dst(%arg11 : memref<128x128xf32, #tpu.memory_space<vmem>>)
        "tpu.region"() ({
          %run_scoped3A = tpu.sem_alloc : memref<!tpu.dma_semaphore, #tpu.memory_space<semaphore_mem>>
          %dma_start3A_88 = arith.constant 0 : i32
          %dma_start3A_89 = tpu.memref_slice %arg9[%add3A_81, %dma_start3A_88] : memref<40x128xi32, #tpu.memory_space<vmem>> -> memref<1x128xi32, #tpu.memory_space<vmem>>
          %dma_start3A_90 = tpu.memref_squeeze %dma_start3A_89 : memref<1x128xi32, #tpu.memory_space<vmem>> -> memref<128xi32, #tpu.memory_space<vmem>>
          %dma_start3A_91 = arith.constant 0 : i32
          %dma_start3A_92 = arith.constant 0 : i32
          %dma_start3A_93 = tpu.memref_slice %arg7[%dma_start3A_91, %dma_start3A_92] : memref<10240x128xf32, #tpu.memory_space<vmem_shared>> -> memref<10240x128xf32, #tpu.memory_space<vmem_shared>>
          tpu.enqueue_indirect_dma source(%arg11 : memref<128x128xf32, #tpu.memory_space<vmem>>) target(%dma_start3A_93 : memref<10240x128xf32, #tpu.memory_space<vmem_shared>>) offsets(%dma_start3A_90 : memref<128xi32, #tpu.memory_space<vmem>>) semaphore(%run_scoped3A : memref<!tpu.dma_semaphore, #tpu.memory_space<semaphore_mem>>) {add = true}
          %dma_wait3A_94 = arith.constant 0 : i32
          %dma_wait3A_95 = tpu.memref_slice %arg9[%add3A_81, %dma_wait3A_94] : memref<40x128xi32, #tpu.memory_space<vmem>> -> memref<1x128xi32, #tpu.memory_space<vmem>>
          %dma_wait3A_96 = tpu.memref_squeeze %dma_wait3A_95 : memref<1x128xi32, #tpu.memory_space<vmem>> -> memref<128xi32, #tpu.memory_space<vmem>>
          %dma_wait3A_97 = arith.constant 0 : i32
          %dma_wait3A_98 = arith.constant 0 : i32
          %dma_wait3A_99 = tpu.memref_slice %arg7[%dma_wait3A_97, %dma_wait3A_98] : memref<10240x128xf32, #tpu.memory_space<vmem_shared>> -> memref<10240x128xf32, #tpu.memory_space<vmem_shared>>
          tpu.wait_indirect_dma semaphore(%run_scoped3A : memref<!tpu.dma_semaphore, #tpu.memory_space<semaphore_mem>>) src(%arg11 : memref<128x128xf32, #tpu.memory_space<vmem>>) dst(%dma_wait3A_99 : memref<10240x128xf32, #tpu.memory_space<vmem_shared>>)
          tpu.yield
        }) : () -> ()
      }
    } else {
    }
    %barrier3A_30 = arith.constant 0 : index
    tpu.barrier barrier_id(%barrier3A_30)
    %while3A_31 = arith.constant 0 : i32
    %while3A_32 = arith.constant 5 : i32
    %while3A_33 = arith.subi %while3A_32, %while3A_31 : i32
    %while3A_34 = arith.addi %while3A_31, %while3A_33 : i32
    %while3A_35 = arith.constant 1 : i32
    %while3A_36 = arith.divsi %while3A_33, %while3A_35 : i32
    %while3A_37 = arith.muli %while3A_36, %while3A_35 : i32
    %while3A_38 = arith.addi %while3A_31, %while3A_37 : i32
    %while3A_39 = arith.constant 1 : i32
    scf.for %while3A_41 = %while3A_31 to %while3A_38 step %while3A_39  : i32 {
      %mul3A_42 = arith.constant 640 : i32
      %mul3A_43 = arith.muli %arg1, %mul3A_42 : i32
      %mul3A_44 = arith.constant 128 : i32
      %mul3A_45 = arith.muli %while3A_41, %mul3A_44 : i32
      %add3A_46 = arith.addi %mul3A_43, %mul3A_45 : i32
      "tpu.region"() ({
        %run_scoped3A = tpu.sem_alloc : memref<!tpu.dma_semaphore, #tpu.memory_space<semaphore_mem>>
        %dma_start3A = arith.constant 0 : i32
        %dma_start3A_47 = tpu.memref_slice %arg7[%add3A_46, %dma_start3A] : memref<10240x128xf32, #tpu.memory_space<vmem_shared>> -> memref<128x128xf32, #tpu.memory_space<vmem_shared>>
        %dma_start3A_48 = arith.constant 0 : i32
        %dma_start3A_49 = tpu.memref_slice %arg7[%add3A_46, %dma_start3A_48] : memref<10240x128xf32, #tpu.memory_space<vmem_shared>> -> memref<128x128xf32, #tpu.memory_space<vmem_shared>>
        tpu.enqueue_dma source(%dma_start3A_49 : memref<128x128xf32, #tpu.memory_space<vmem_shared>>) target(%arg10 : memref<128x128xf32, #tpu.memory_space<vmem>>) target_semaphore(%run_scoped3A : memref<!tpu.dma_semaphore, #tpu.memory_space<semaphore_mem>>)
        %dma_wait3A = arith.constant 0 : i32
        %dma_wait3A_50 = tpu.memref_slice %arg7[%add3A_46, %dma_wait3A] : memref<10240x128xf32, #tpu.memory_space<vmem_shared>> -> memref<128x128xf32, #tpu.memory_space<vmem_shared>>
        %dma_wait3A_51 = arith.constant 0 : i32
        %dma_wait3A_52 = tpu.memref_slice %arg7[%add3A_46, %dma_wait3A_51] : memref<10240x128xf32, #tpu.memory_space<vmem_shared>> -> memref<128x128xf32, #tpu.memory_space<vmem_shared>>
        tpu.wait_dma2 semaphore(%run_scoped3A : memref<!tpu.dma_semaphore, #tpu.memory_space<semaphore_mem>>) src(%dma_wait3A_52 : memref<128x128xf32, #tpu.memory_space<vmem_shared>>) dst(%arg10 : memref<128x128xf32, #tpu.memory_space<vmem>>)
        tpu.yield
      }) : () -> ()
      "tpu.region"() ({
        %run_scoped3A = tpu.sem_alloc : memref<!tpu.dma_semaphore, #tpu.memory_space<semaphore_mem>>
        %dma_start3A = arith.constant 0 : i32
        %dma_start3A_47 = tpu.memref_slice %arg6[%arg0, %add3A_46, %dma_start3A] : memref<2x10240x128xf32, #tpu.memory_space<hbm>> -> memref<1x128x128xf32, #tpu.memory_space<hbm>>
        %dma_start3A_48 = tpu.memref_squeeze %dma_start3A_47 : memref<1x128x128xf32, #tpu.memory_space<hbm>> -> memref<128x128xf32, #tpu.memory_space<hbm>>
        %dma_start3A_49 = arith.constant 0 : i32
        %dma_start3A_50 = tpu.memref_slice %arg6[%arg0, %add3A_46, %dma_start3A_49] : memref<2x10240x128xf32, #tpu.memory_space<hbm>> -> memref<1x128x128xf32, #tpu.memory_space<hbm>>
        %dma_start3A_51 = tpu.memref_squeeze %dma_start3A_50 : memref<1x128x128xf32, #tpu.memory_space<hbm>> -> memref<128x128xf32, #tpu.memory_space<hbm>>
        tpu.enqueue_dma source(%arg10 : memref<128x128xf32, #tpu.memory_space<vmem>>) target(%dma_start3A_51 : memref<128x128xf32, #tpu.memory_space<hbm>>) target_semaphore(%run_scoped3A : memref<!tpu.dma_semaphore, #tpu.memory_space<semaphore_mem>>)
        %dma_wait3A = arith.constant 0 : i32
        %dma_wait3A_52 = tpu.memref_slice %arg6[%arg0, %add3A_46, %dma_wait3A] : memref<2x10240x128xf32, #tpu.memory_space<hbm>> -> memref<1x128x128xf32, #tpu.memory_space<hbm>>
        %dma_wait3A_53 = tpu.memref_squeeze %dma_wait3A_52 : memref<1x128x128xf32, #tpu.memory_space<hbm>> -> memref<128x128xf32, #tpu.memory_space<hbm>>
        %dma_wait3A_54 = arith.constant 0 : i32
        %dma_wait3A_55 = tpu.memref_slice %arg6[%arg0, %add3A_46, %dma_wait3A_54] : memref<2x10240x128xf32, #tpu.memory_space<hbm>> -> memref<1x128x128xf32, #tpu.memory_space<hbm>>
        %dma_wait3A_56 = tpu.memref_squeeze %dma_wait3A_55 : memref<1x128x128xf32, #tpu.memory_space<hbm>> -> memref<128x128xf32, #tpu.memory_space<hbm>>
        tpu.wait_dma2 semaphore(%run_scoped3A : memref<!tpu.dma_semaphore, #tpu.memory_space<semaphore_mem>>) src(%arg10 : memref<128x128xf32, #tpu.memory_space<vmem>>) dst(%dma_wait3A_56 : memref<128x128xf32, #tpu.memory_space<hbm>>)
        tpu.yield
      }) : () -> ()
    }
    %while3A_40 = arith.constant 1 : i32
    scf.for %while3A_41 = %while3A_38 to %while3A_34 step %while3A_40  : i32 {
      %mul3A_42 = arith.constant 640 : i32
      %mul3A_43 = arith.muli %arg1, %mul3A_42 : i32
      %mul3A_44 = arith.constant 128 : i32
      %mul3A_45 = arith.muli %while3A_41, %mul3A_44 : i32
      %add3A_46 = arith.addi %mul3A_43, %mul3A_45 : i32
      "tpu.region"() ({
        %run_scoped3A = tpu.sem_alloc : memref<!tpu.dma_semaphore, #tpu.memory_space<semaphore_mem>>
        %dma_start3A = arith.constant 0 : i32
        %dma_start3A_47 = tpu.memref_slice %arg7[%add3A_46, %dma_start3A] : memref<10240x128xf32, #tpu.memory_space<vmem_shared>> -> memref<128x128xf32, #tpu.memory_space<vmem_shared>>
        %dma_start3A_48 = arith.constant 0 : i32
        %dma_start3A_49 = tpu.memref_slice %arg7[%add3A_46, %dma_start3A_48] : memref<10240x128xf32, #tpu.memory_space<vmem_shared>> -> memref<128x128xf32, #tpu.memory_space<vmem_shared>>
        tpu.enqueue_dma source(%dma_start3A_49 : memref<128x128xf32, #tpu.memory_space<vmem_shared>>) target(%arg10 : memref<128x128xf32, #tpu.memory_space<vmem>>) target_semaphore(%run_scoped3A : memref<!tpu.dma_semaphore, #tpu.memory_space<semaphore_mem>>)
        %dma_wait3A = arith.constant 0 : i32
        %dma_wait3A_50 = tpu.memref_slice %arg7[%add3A_46, %dma_wait3A] : memref<10240x128xf32, #tpu.memory_space<vmem_shared>> -> memref<128x128xf32, #tpu.memory_space<vmem_shared>>
        %dma_wait3A_51 = arith.constant 0 : i32
        %dma_wait3A_52 = tpu.memref_slice %arg7[%add3A_46, %dma_wait3A_51] : memref<10240x128xf32, #tpu.memory_space<vmem_shared>> -> memref<128x128xf32, #tpu.memory_space<vmem_shared>>
        tpu.wait_dma2 semaphore(%run_scoped3A : memref<!tpu.dma_semaphore, #tpu.memory_space<semaphore_mem>>) src(%dma_wait3A_52 : memref<128x128xf32, #tpu.memory_space<vmem_shared>>) dst(%arg10 : memref<128x128xf32, #tpu.memory_space<vmem>>)
        tpu.yield
      }) : () -> ()
      "tpu.region"() ({
        %run_scoped3A = tpu.sem_alloc : memref<!tpu.dma_semaphore, #tpu.memory_space<semaphore_mem>>
        %dma_start3A = arith.constant 0 : i32
        %dma_start3A_47 = tpu.memref_slice %arg6[%arg0, %add3A_46, %dma_start3A] : memref<2x10240x128xf32, #tpu.memory_space<hbm>> -> memref<1x128x128xf32, #tpu.memory_space<hbm>>
        %dma_start3A_48 = tpu.memref_squeeze %dma_start3A_47 : memref<1x128x128xf32, #tpu.memory_space<hbm>> -> memref<128x128xf32, #tpu.memory_space<hbm>>
        %dma_start3A_49 = arith.constant 0 : i32
        %dma_start3A_50 = tpu.memref_slice %arg6[%arg0, %add3A_46, %dma_start3A_49] : memref<2x10240x128xf32, #tpu.memory_space<hbm>> -> memref<1x128x128xf32, #tpu.memory_space<hbm>>
        %dma_start3A_51 = tpu.memref_squeeze %dma_start3A_50 : memref<1x128x128xf32, #tpu.memory_space<hbm>> -> memref<128x128xf32, #tpu.memory_space<hbm>>
        tpu.enqueue_dma source(%arg10 : memref<128x128xf32, #tpu.memory_space<vmem>>) target(%dma_start3A_51 : memref<128x128xf32, #tpu.memory_space<hbm>>) target_semaphore(%run_scoped3A : memref<!tpu.dma_semaphore, #tpu.memory_space<semaphore_mem>>)
        %dma_wait3A = arith.constant 0 : i32
        %dma_wait3A_52 = tpu.memref_slice %arg6[%arg0, %add3A_46, %dma_wait3A] : memref<2x10240x128xf32, #tpu.memory_space<hbm>> -> memref<1x128x128xf32, #tpu.memory_space<hbm>>
        %dma_wait3A_53 = tpu.memref_squeeze %dma_wait3A_52 : memref<1x128x128xf32, #tpu.memory_space<hbm>> -> memref<128x128xf32, #tpu.memory_space<hbm>>
        %dma_wait3A_54 = arith.constant 0 : i32
        %dma_wait3A_55 = tpu.memref_slice %arg6[%arg0, %add3A_46, %dma_wait3A_54] : memref<2x10240x128xf32, #tpu.memory_space<hbm>> -> memref<1x128x128xf32, #tpu.memory_space<hbm>>
        %dma_wait3A_56 = tpu.memref_squeeze %dma_wait3A_55 : memref<1x128x128xf32, #tpu.memory_space<hbm>> -> memref<128x128xf32, #tpu.memory_space<hbm>>
        tpu.wait_dma2 semaphore(%run_scoped3A : memref<!tpu.dma_semaphore, #tpu.memory_space<semaphore_mem>>) src(%arg10 : memref<128x128xf32, #tpu.memory_space<vmem>>) dst(%dma_wait3A_56 : memref<128x128xf32, #tpu.memory_space<hbm>>)
        tpu.yield
      }) : () -> ()
    }
    return
  }
}

module attributes {stable_mosaic.version = 14 : i64} {
  func.func @_k2_body(%arg0: i32, %arg1: memref<2x400x128xf32, #tpu.memory_space<vmem>>, %arg2: memref<400x128xf32, #tpu.memory_space<vmem>>, %arg3: memref<400x1xf32, #tpu.memory_space<vmem>>, %arg4: memref<1x128xf32, #tpu.memory_space<vmem>>, %arg5: memref<400x128xf32, #tpu.memory_space<vmem>>) attributes {dimension_semantics = [#tpu.dimension_semantics<arbitrary>], iteration_bounds = array<i64: 25>, scalar_prefetch = 0 : i64, scratch_operands = 0 : i64, tpu.core_type = #tpu.core_type<tc>, window_params = [{transform_indices = @transform_0, window_bounds = array<i64: 2, 400, 128>}, {transform_indices = @transform_1, window_bounds = array<i64: 400, 128>}, {transform_indices = @transform_2, window_bounds = array<i64: 400, 1>}, {pipeline_mode = #tpu.pipeline_mode<synchronous>, transform_indices = @transform_3, window_bounds = array<i64: 1, 128>}, {transform_indices = @transform_4, window_bounds = array<i64: 400, 128>}]} {
    %get3A = arith.constant 0 : index
    %get3A_0 = arith.constant 0 : index
    %get3A_1 = vector.load %arg3[%get3A, %get3A_0] : memref<400x1xf32, #tpu.memory_space<vmem>>, vector<400x1xf32>
    %get3A_2 = arith.constant 0 : index
    %get3A_3 = arith.constant 0 : index
    %get3A_4 = arith.constant 0 : index
    %get3A_5 = vector.load %arg1[%get3A_2, %get3A_3, %get3A_4] : memref<2x400x128xf32, #tpu.memory_space<vmem>>, vector<1x400x128xf32>
    %get3A_6 = vector.shape_cast %get3A_5 : vector<1x400x128xf32> to vector<400x128xf32>
    %get3A_7 = arith.constant 1 : index
    %get3A_8 = arith.constant 0 : index
    %get3A_9 = arith.constant 0 : index
    %get3A_10 = vector.load %arg1[%get3A_7, %get3A_8, %get3A_9] : memref<2x400x128xf32, #tpu.memory_space<vmem>>, vector<1x400x128xf32>
    %get3A_11 = vector.shape_cast %get3A_10 : vector<1x400x128xf32> to vector<400x128xf32>
    %add3A = arith.addf %get3A_6, %get3A_11 : vector<400x128xf32>
    %get3A_12 = arith.constant 0 : index
    %get3A_13 = arith.constant 0 : index
    %get3A_14 = vector.load %arg2[%get3A_12, %get3A_13] : memref<400x128xf32, #tpu.memory_space<vmem>>, vector<400x128xf32>
    %add3A_15 = arith.addf %add3A, %get3A_14 : vector<400x128xf32>
    %mul3A = vector.broadcast %get3A_1 : vector<400x1xf32> to vector<400x128xf32>
    %mul3A_16 = arith.mulf %mul3A, %add3A_15 : vector<400x128xf32>
    %get3A_17 = arith.constant 0 : index
    %get3A_18 = arith.constant 0 : index
    %get3A_19 = vector.load %arg4[%get3A_17, %get3A_18] : memref<1x128xf32, #tpu.memory_space<vmem>>, vector<1x128xf32>
    %add3A_20 = vector.broadcast %get3A_19 : vector<1x128xf32> to vector<400x128xf32>
    %add3A_21 = arith.addf %mul3A_16, %add3A_20 : vector<400x128xf32>
    %max3A = arith.constant 0.000000e+00 : f32
    %max3A_22 = vector.broadcast %max3A : f32 to vector<400x128xf32>
    %max3A_23 = arith.maximumf %add3A_21, %max3A_22 : vector<400x128xf32>
    %mul3A_24 = vector.broadcast %get3A_1 : vector<400x1xf32> to vector<400x128xf32>
    %mul3A_25 = arith.mulf %mul3A_24, %max3A_23 : vector<400x128xf32>
    %swap3A = arith.constant 0 : index
    %swap3A_26 = arith.constant 0 : index
    %swap3A_27 = vector.load %arg5[%swap3A, %swap3A_26] : memref<400x128xf32, #tpu.memory_space<vmem>>, vector<400x128xf32>
    tpu.vector_store %arg5[%swap3A, %swap3A_26], %mul3A_25 {strides = array<i32>} : memref<400x128xf32, #tpu.memory_space<vmem>>, vector<400x128xf32>,
    return
  }
  func.func @transform_0(%arg0: i32) -> (i32, i32, i32) {
    %c0_i32 = arith.constant 0 : i32
    %c0_i32_0 = arith.constant 0 : i32
    %c0_i32_1 = arith.constant 0 : i32
    return %c0_i32, %arg0, %c0_i32_0 : i32, i32, i32
  }
  func.func @transform_1(%arg0: i32) -> (i32, i32) {
    %c0_i32 = arith.constant 0 : i32
    %c0_i32_0 = arith.constant 0 : i32
    return %arg0, %c0_i32 : i32, i32
  }
  func.func @transform_2(%arg0: i32) -> (i32, i32) {
    %c0_i32 = arith.constant 0 : i32
    %c0_i32_0 = arith.constant 0 : i32
    return %arg0, %c0_i32 : i32, i32
  }
  func.func @transform_3(%arg0: i32) -> (i32, i32) {
    %c0_i32 = arith.constant 0 : i32
    %c0_i32_0 = arith.constant 0 : i32
    %c0_i32_1 = arith.constant 0 : i32
    return %c0_i32, %c0_i32_0 : i32, i32
  }
  func.func @transform_4(%arg0: i32) -> (i32, i32) {
    %c0_i32 = arith.constant 0 : i32
    %c0_i32_0 = arith.constant 0 : i32
    return %arg0, %c0_i32 : i32, i32
  }
}

module attributes {stable_mosaic.version = 14 : i64} {
  func.func @_k1_body(%arg0: i32, %arg1: memref<2x400x128xf32, #tpu.memory_space<vmem>>, %arg2: memref<400x128xf32, #tpu.memory_space<vmem>>, %arg3: memref<128x128xf32, #tpu.memory_space<vmem>>, %arg4: memref<400x128xf32, #tpu.memory_space<vmem>>, %arg5: memref<400x1xf32, #tpu.memory_space<vmem>>) attributes {dimension_semantics = [#tpu.dimension_semantics<arbitrary>], iteration_bounds = array<i64: 25>, scalar_prefetch = 0 : i64, scratch_operands = 0 : i64, tpu.core_type = #tpu.core_type<tc>, window_params = [{transform_indices = @transform_0, window_bounds = array<i64: 2, 400, 128>}, {transform_indices = @transform_1, window_bounds = array<i64: 400, 128>}, {pipeline_mode = #tpu.pipeline_mode<synchronous>, transform_indices = @transform_2, window_bounds = array<i64: 128, 128>}, {transform_indices = @transform_3, window_bounds = array<i64: 400, 128>}, {transform_indices = @transform_4, window_bounds = array<i64: 400, 1>}]} {
    %get3A = arith.constant 0 : index
    %get3A_0 = arith.constant 0 : index
    %get3A_1 = arith.constant 0 : index
    %get3A_2 = vector.load %arg1[%get3A, %get3A_0, %get3A_1] : memref<2x400x128xf32, #tpu.memory_space<vmem>>, vector<1x400x1xf32>
    %get3A_3 = vector.shape_cast %get3A_2 : vector<1x400x1xf32> to vector<400x1xf32>
    %get3A_4 = arith.constant 1 : index
    %get3A_5 = arith.constant 0 : index
    %get3A_6 = arith.constant 0 : index
    %get3A_7 = vector.load %arg1[%get3A_4, %get3A_5, %get3A_6] : memref<2x400x128xf32, #tpu.memory_space<vmem>>, vector<1x400x1xf32>
    %get3A_8 = vector.shape_cast %get3A_7 : vector<1x400x1xf32> to vector<400x1xf32>
    %add3A = arith.addf %get3A_3, %get3A_8 : vector<400x1xf32>
    %add3A_9 = arith.constant 1.000000e+00 : f32
    %add3A_10 = vector.broadcast %add3A_9 : f32 to vector<400x1xf32>
    %add3A_11 = arith.addf %add3A, %add3A_10 : vector<400x1xf32>
    %rsqrt3A = math.rsqrt %add3A_11 : vector<400x1xf32>
    %get3A_12 = arith.constant 0 : index
    %get3A_13 = arith.constant 0 : index
    %get3A_14 = vector.load %arg2[%get3A_12, %get3A_13] : memref<400x128xf32, #tpu.memory_space<vmem>>, vector<400x128xf32>
    %get3A_15 = arith.constant 0 : index
    %get3A_16 = arith.constant 0 : index
    %get3A_17 = vector.load %arg3[%get3A_15, %get3A_16] : memref<128x128xf32, #tpu.memory_space<vmem>>, vector<128x128xf32>
    %dot_general3A = arith.constant dense<0.000000e+00> : vector<400x128xf32>
    %dot_general3A_18 = tpu.matmul %get3A_14, %get3A_17, %dot_general3A {dimension_numbers = #tpu.dot_dimension_numbers<[1], [1], [0], [0], [0, 0, 1, 0], [], []>, transpose_lhs_hint = false} : vector<400x128xf32>, vector<128x128xf32>, vector<400x128xf32> -> vector<400x128xf32>
    %mul3A = vector.broadcast %rsqrt3A : vector<400x1xf32> to vector<400x128xf32>
    %mul3A_19 = arith.mulf %mul3A, %dot_general3A_18 : vector<400x128xf32>
    %swap3A = arith.constant 0 : index
    %swap3A_20 = arith.constant 0 : index
    %swap3A_21 = vector.load %arg4[%swap3A, %swap3A_20] : memref<400x128xf32, #tpu.memory_space<vmem>>, vector<400x128xf32>
    tpu.vector_store %arg4[%swap3A, %swap3A_20], %mul3A_19 {strides = array<i32>} : memref<400x128xf32, #tpu.memory_space<vmem>>, vector<400x128xf32>,
    %swap3A_22 = arith.constant 0 : index
    %swap3A_23 = arith.constant 0 : index
    %swap3A_24 = vector.load %arg5[%swap3A_22, %swap3A_23] : memref<400x1xf32, #tpu.memory_space<vmem>>, vector<400x1xf32>
    tpu.vector_store %arg5[%swap3A_22, %swap3A_23], %rsqrt3A {strides = array<i32>} : memref<400x1xf32, #tpu.memory_space<vmem>>, vector<400x1xf32>,
    return
  }
  func.func @transform_0(%arg0: i32) -> (i32, i32, i32) {
    %c0_i32 = arith.constant 0 : i32
    %c0_i32_0 = arith.constant 0 : i32
    %c0_i32_1 = arith.constant 0 : i32
    return %c0_i32, %arg0, %c0_i32_0 : i32, i32, i32
  }
  func.func @transform_1(%arg0: i32) -> (i32, i32) {
    %c0_i32 = arith.constant 0 : i32
    %c0_i32_0 = arith.constant 0 : i32
    return %arg0, %c0_i32 : i32, i32
  }
  func.func @transform_2(%arg0: i32) -> (i32, i32) {
    %c0_i32 = arith.constant 0 : i32
    %c0_i32_0 = arith.constant 0 : i32
    %c0_i32_1 = arith.constant 0 : i32
    return %c0_i32, %c0_i32_0 : i32, i32
  }
  func.func @transform_3(%arg0: i32) -> (i32, i32) {
    %c0_i32 = arith.constant 0 : i32
    %c0_i32_0 = arith.constant 0 : i32
    return %arg0, %c0_i32 : i32, i32
  }
  func.func @transform_4(%arg0: i32) -> (i32, i32) {
    %c0_i32 = arith.constant 0 : i32
    %c0_i32_0 = arith.constant 0 : i32
    return %arg0, %c0_i32 : i32, i32
  }
}

module attributes {stable_mosaic.version = 14 : i64} {
  func.func @_k3_body(%arg0: i32, %arg1: memref<2x400x128xf32, #tpu.memory_space<vmem>>, %arg2: memref<400x128xf32, #tpu.memory_space<vmem>>, %arg3: memref<400x1xf32, #tpu.memory_space<vmem>>, %arg4: memref<1x256xf32, #tpu.memory_space<vmem>>, %arg5: memref<256x128xf32, #tpu.memory_space<vmem>>, %arg6: memref<128x256xf32, #tpu.memory_space<vmem>>, %arg7: memref<400x128xf32, #tpu.memory_space<vmem>>) attributes {dimension_semantics = [#tpu.dimension_semantics<arbitrary>], iteration_bounds = array<i64: 25>, scalar_prefetch = 0 : i64, scratch_operands = 0 : i64, tpu.core_type = #tpu.core_type<tc>, window_params = [{transform_indices = @transform_0, window_bounds = array<i64: 2, 400, 128>}, {transform_indices = @transform_1, window_bounds = array<i64: 400, 128>}, {transform_indices = @transform_2, window_bounds = array<i64: 400, 1>}, {pipeline_mode = #tpu.pipeline_mode<synchronous>, transform_indices = @transform_3, window_bounds = array<i64: 1, 256>}, {pipeline_mode = #tpu.pipeline_mode<synchronous>, transform_indices = @transform_4, window_bounds = array<i64: 256, 128>}, {pipeline_mode = #tpu.pipeline_mode<synchronous>, transform_indices = @transform_5, window_bounds = array<i64: 128, 256>}, {transform_indices = @transform_6, window_bounds = array<i64: 400, 128>}]} {
    %get3A = arith.constant 0 : index
    %get3A_0 = arith.constant 0 : index
    %get3A_1 = vector.load %arg3[%get3A, %get3A_0] : memref<400x1xf32, #tpu.memory_space<vmem>>, vector<400x1xf32>
    %get3A_2 = arith.constant 0 : index
    %get3A_3 = arith.constant 0 : index
    %get3A_4 = arith.constant 0 : index
    %get3A_5 = vector.load %arg1[%get3A_2, %get3A_3, %get3A_4] : memref<2x400x128xf32, #tpu.memory_space<vmem>>, vector<1x400x128xf32>
    %get3A_6 = vector.shape_cast %get3A_5 : vector<1x400x128xf32> to vector<400x128xf32>
    %get3A_7 = arith.constant 1 : index
    %get3A_8 = arith.constant 0 : index
    %get3A_9 = arith.constant 0 : index
    %get3A_10 = vector.load %arg1[%get3A_7, %get3A_8, %get3A_9] : memref<2x400x128xf32, #tpu.memory_space<vmem>>, vector<1x400x128xf32>
    %get3A_11 = vector.shape_cast %get3A_10 : vector<1x400x128xf32> to vector<400x128xf32>
    %add3A = arith.addf %get3A_6, %get3A_11 : vector<400x128xf32>
    %get3A_12 = arith.constant 0 : index
    %get3A_13 = arith.constant 0 : index
    %get3A_14 = vector.load %arg2[%get3A_12, %get3A_13] : memref<400x128xf32, #tpu.memory_space<vmem>>, vector<400x128xf32>
    %add3A_15 = arith.addf %add3A, %get3A_14 : vector<400x128xf32>
    %mul3A = vector.broadcast %get3A_1 : vector<400x1xf32> to vector<400x128xf32>
    %mul3A_16 = arith.mulf %mul3A, %add3A_15 : vector<400x128xf32>
    %get3A_17 = arith.constant 0 : index
    %get3A_18 = arith.constant 0 : index
    %get3A_19 = vector.load %arg5[%get3A_17, %get3A_18] : memref<256x128xf32, #tpu.memory_space<vmem>>, vector<256x128xf32>
    %dot_general3A = arith.constant dense<0.000000e+00> : vector<400x256xf32>
    %dot_general3A_20 = tpu.matmul %mul3A_16, %get3A_19, %dot_general3A {dimension_numbers = #tpu.dot_dimension_numbers<[1], [1], [0], [0], [0, 0, 1, 0], [], []>, transpose_lhs_hint = false} : vector<400x128xf32>, vector<256x128xf32>, vector<400x256xf32> -> vector<400x256xf32>
    %get3A_21 = arith.constant 0 : index
    %get3A_22 = arith.constant 0 : index
    %get3A_23 = vector.load %arg4[%get3A_21, %get3A_22] : memref<1x256xf32, #tpu.memory_space<vmem>>, vector<1x256xf32>
    %add3A_24 = vector.broadcast %get3A_23 : vector<1x256xf32> to vector<400x256xf32>
    %add3A_25 = arith.addf %dot_general3A_20, %add3A_24 : vector<400x256xf32>
    %max3A = arith.constant 0.000000e+00 : f32
    %max3A_26 = vector.broadcast %max3A : f32 to vector<400x256xf32>
    %max3A_27 = arith.maximumf %add3A_25, %max3A_26 : vector<400x256xf32>
    %get3A_28 = arith.constant 0 : index
    %get3A_29 = arith.constant 0 : index
    %get3A_30 = vector.load %arg6[%get3A_28, %get3A_29] : memref<128x256xf32, #tpu.memory_space<vmem>>, vector<128x256xf32>
    %dot_general3A_31 = arith.constant dense<0.000000e+00> : vector<400x128xf32>
    %dot_general3A_32 = tpu.matmul %max3A_27, %get3A_30, %dot_general3A_31 {dimension_numbers = #tpu.dot_dimension_numbers<[1], [1], [0], [0], [0, 0, 1, 0], [], []>, transpose_lhs_hint = false} : vector<400x256xf32>, vector<128x256xf32>, vector<400x128xf32> -> vector<400x128xf32>
    %mul3A_33 = vector.broadcast %get3A_1 : vector<400x1xf32> to vector<400x128xf32>
    %mul3A_34 = arith.mulf %mul3A_33, %dot_general3A_32 : vector<400x128xf32>
    %swap3A = arith.constant 0 : index
    %swap3A_35 = arith.constant 0 : index
    %swap3A_36 = vector.load %arg7[%swap3A, %swap3A_35] : memref<400x128xf32, #tpu.memory_space<vmem>>, vector<400x128xf32>
    tpu.vector_store %arg7[%swap3A, %swap3A_35], %mul3A_34 {strides = array<i32>} : memref<400x128xf32, #tpu.memory_space<vmem>>, vector<400x128xf32>,
    return
  }
  func.func @transform_0(%arg0: i32) -> (i32, i32, i32) {
    %c0_i32 = arith.constant 0 : i32
    %c0_i32_0 = arith.constant 0 : i32
    %c0_i32_1 = arith.constant 0 : i32
    return %c0_i32, %arg0, %c0_i32_0 : i32, i32, i32
  }
  func.func @transform_1(%arg0: i32) -> (i32, i32) {
    %c0_i32 = arith.constant 0 : i32
    %c0_i32_0 = arith.constant 0 : i32
    return %arg0, %c0_i32 : i32, i32
  }
  func.func @transform_2(%arg0: i32) -> (i32, i32) {
    %c0_i32 = arith.constant 0 : i32
    %c0_i32_0 = arith.constant 0 : i32
    return %arg0, %c0_i32 : i32, i32
  }
  func.func @transform_3(%arg0: i32) -> (i32, i32) {
    %c0_i32 = arith.constant 0 : i32
    %c0_i32_0 = arith.constant 0 : i32
    %c0_i32_1 = arith.constant 0 : i32
    return %c0_i32, %c0_i32_0 : i32, i32
  }
  func.func @transform_4(%arg0: i32) -> (i32, i32) {
    %c0_i32 = arith.constant 0 : i32
    %c0_i32_0 = arith.constant 0 : i32
    %c0_i32_1 = arith.constant 0 : i32
    return %c0_i32, %c0_i32_0 : i32, i32
  }
  func.func @transform_5(%arg0: i32) -> (i32, i32) {
    %c0_i32 = arith.constant 0 : i32
    %c0_i32_0 = arith.constant 0 : i32
    %c0_i32_1 = arith.constant 0 : i32
    return %c0_i32, %c0_i32_0 : i32, i32
  }
  func.func @transform_6(%arg0: i32) -> (i32, i32) {
    %c0_i32 = arith.constant 0 : i32
    %c0_i32_0 = arith.constant 0 : i32
    return %arg0, %c0_i32 : i32, i32
  }
}

module attributes {stable_mosaic.version = 14 : i64} {
  func.func @_k4_body(%arg0: i32, %arg1: memref<2x400x128xf32, #tpu.memory_space<vmem>>, %arg2: memref<400x128xf32, #tpu.memory_space<vmem>>, %arg3: memref<400x1xf32, #tpu.memory_space<vmem>>, %arg4: memref<1x128xf32, #tpu.memory_space<vmem>>, %arg5: memref<64x128xf32, #tpu.memory_space<vmem>>, %arg6: memref<1x64xf32, #tpu.memory_space<vmem>>, %arg7: memref<1x64xf32, #tpu.memory_space<vmem>>, %arg8: memref<1x128xf32, #tpu.memory_space<vmem>>) attributes {dimension_semantics = [#tpu.dimension_semantics<arbitrary>], iteration_bounds = array<i64: 25>, scalar_prefetch = 0 : i64, scratch_operands = 1 : i64, tpu.core_type = #tpu.core_type<tc>, window_params = [{transform_indices = @transform_0, window_bounds = array<i64: 2, 400, 128>}, {transform_indices = @transform_1, window_bounds = array<i64: 400, 128>}, {transform_indices = @transform_2, window_bounds = array<i64: 400, 1>}, {pipeline_mode = #tpu.pipeline_mode<synchronous>, transform_indices = @transform_3, window_bounds = array<i64: 1, 128>}, {pipeline_mode = #tpu.pipeline_mode<synchronous>, transform_indices = @transform_4, window_bounds = array<i64: 64, 128>}, {pipeline_mode = #tpu.pipeline_mode<synchronous>, transform_indices = @transform_5, window_bounds = array<i64: 1, 64>}, {pipeline_mode = #tpu.pipeline_mode<synchronous>, transform_indices = @transform_6, window_bounds = array<i64: 1, 64>}]} {
    %get3A = arith.constant 0 : index
    %get3A_0 = arith.constant 0 : index
    %get3A_1 = vector.load %arg3[%get3A, %get3A_0] : memref<400x1xf32, #tpu.memory_space<vmem>>, vector<400x1xf32>
    %get3A_2 = arith.constant 0 : index
    %get3A_3 = arith.constant 0 : index
    %get3A_4 = arith.constant 0 : index
    %get3A_5 = vector.load %arg1[%get3A_2, %get3A_3, %get3A_4] : memref<2x400x128xf32, #tpu.memory_space<vmem>>, vector<1x400x128xf32>
    %get3A_6 = vector.shape_cast %get3A_5 : vector<1x400x128xf32> to vector<400x128xf32>
    %get3A_7 = arith.constant 1 : index
    %get3A_8 = arith.constant 0 : index
    %get3A_9 = arith.constant 0 : index
    %get3A_10 = vector.load %arg1[%get3A_7, %get3A_8, %get3A_9] : memref<2x400x128xf32, #tpu.memory_space<vmem>>, vector<1x400x128xf32>
    %get3A_11 = vector.shape_cast %get3A_10 : vector<1x400x128xf32> to vector<400x128xf32>
    %add3A = arith.addf %get3A_6, %get3A_11 : vector<400x128xf32>
    %get3A_12 = arith.constant 0 : index
    %get3A_13 = arith.constant 0 : index
    %get3A_14 = vector.load %arg2[%get3A_12, %get3A_13] : memref<400x128xf32, #tpu.memory_space<vmem>>, vector<400x128xf32>
    %add3A_15 = arith.addf %add3A, %get3A_14 : vector<400x128xf32>
    %mul3A = vector.broadcast %get3A_1 : vector<400x1xf32> to vector<400x128xf32>
    %mul3A_16 = arith.mulf %mul3A, %add3A_15 : vector<400x128xf32>
    %get3A_17 = arith.constant 0 : index
    %get3A_18 = arith.constant 0 : index
    %get3A_19 = vector.load %arg4[%get3A_17, %get3A_18] : memref<1x128xf32, #tpu.memory_space<vmem>>, vector<1x128xf32>
    %add3A_20 = vector.broadcast %get3A_19 : vector<1x128xf32> to vector<400x128xf32>
    %add3A_21 = arith.addf %mul3A_16, %add3A_20 : vector<400x128xf32>
    %max3A = arith.constant 0.000000e+00 : f32
    %max3A_22 = vector.broadcast %max3A : f32 to vector<400x128xf32>
    %max3A_23 = arith.maximumf %add3A_21, %max3A_22 : vector<400x128xf32>
    %reduce_sum3A = arith.constant dense<0.000000e+00> : vector<128xf32>
    %reduce_sum3A_24 = vector.multi_reduction <add>, %max3A_23, %reduce_sum3A [0] : vector<400x128xf32> to vector<128xf32>
    %broadcast_in_dim3A = vector.shape_cast %reduce_sum3A_24 : vector<128xf32> to vector<1x128xf32>
    %eq3A = arith.constant 0 : i32
    %eq3A_25 = arith.cmpi eq, %arg0, %eq3A : i32
    %convert_element_type3A = arith.extui %eq3A_25 : i1 to i32
    %cond3A = arith.constant 0 : i32
    %cond3A_26 = arith.cmpi ne, %convert_element_type3A, %cond3A : i32
    scf.if %cond3A_26 {
      %swap3A = arith.constant 0 : index
      %swap3A_36 = arith.constant 0 : index
      %swap3A_37 = vector.load %arg8[%swap3A, %swap3A_36] : memref<1x128xf32, #tpu.memory_space<vmem>>, vector<1x128xf32>
      tpu.vector_store %arg8[%swap3A, %swap3A_36], %broadcast_in_dim3A {strides = array<i32>} : memref<1x128xf32, #tpu.memory_space<vmem>>, vector<1x128xf32>,
    } else {
    }
    %gt3A = arith.constant 0 : i32
    %gt3A_27 = arith.cmpi sgt, %arg0, %gt3A : i32
    %convert_element_type3A_28 = arith.extui %gt3A_27 : i1 to i32
    %cond3A_29 = arith.constant 0 : i32
    %cond3A_30 = arith.cmpi ne, %convert_element_type3A_28, %cond3A_29 : i32
    scf.if %cond3A_30 {
      %get3A_36 = arith.constant 0 : index
      %get3A_37 = arith.constant 0 : index
      %get3A_38 = vector.load %arg8[%get3A_36, %get3A_37] : memref<1x128xf32, #tpu.memory_space<vmem>>, vector<1x128xf32>
      %add3A_39 = arith.addf %get3A_38, %broadcast_in_dim3A : vector<1x128xf32>
      %swap3A = arith.constant 0 : index
      %swap3A_40 = arith.constant 0 : index
      %swap3A_41 = vector.load %arg8[%swap3A, %swap3A_40] : memref<1x128xf32, #tpu.memory_space<vmem>>, vector<1x128xf32>
      tpu.vector_store %arg8[%swap3A, %swap3A_40], %add3A_39 {strides = array<i32>} : memref<1x128xf32, #tpu.memory_space<vmem>>, vector<1x128xf32>,
    } else {
    }
    %eq3A_31 = arith.constant 24 : i32
    %eq3A_32 = arith.cmpi eq, %arg0, %eq3A_31 : i32
    %convert_element_type3A_33 = arith.extui %eq3A_32 : i1 to i32
    %cond3A_34 = arith.constant 0 : i32
    %cond3A_35 = arith.cmpi ne, %convert_element_type3A_33, %cond3A_34 : i32
    scf.if %cond3A_35 {
      %get3A_36 = arith.constant 0 : index
      %get3A_37 = arith.constant 0 : index
      %get3A_38 = vector.load %arg8[%get3A_36, %get3A_37] : memref<1x128xf32, #tpu.memory_space<vmem>>, vector<1x128xf32>
      %mul3A_39 = arith.constant 9.99999974E-5 : f32
      %mul3A_40 = vector.broadcast %mul3A_39 : f32 to vector<1x128xf32>
      %mul3A_41 = arith.mulf %get3A_38, %mul3A_40 : vector<1x128xf32>
      %get3A_42 = arith.constant 0 : index
      %get3A_43 = arith.constant 0 : index
      %get3A_44 = vector.load %arg5[%get3A_42, %get3A_43] : memref<64x128xf32, #tpu.memory_space<vmem>>, vector<64x128xf32>
      %dot_general3A = arith.constant dense<0.000000e+00> : vector<1x64xf32>
      %dot_general3A_45 = tpu.matmul %mul3A_41, %get3A_44, %dot_general3A {dimension_numbers = #tpu.dot_dimension_numbers<[1], [1], [0], [0], [0, 0, 1, 0], [], []>, transpose_lhs_hint = false} : vector<1x128xf32>, vector<64x128xf32>, vector<1x64xf32> -> vector<1x64xf32>
      %get3A_46 = arith.constant 0 : index
      %get3A_47 = arith.constant 0 : index
      %get3A_48 = vector.load %arg6[%get3A_46, %get3A_47] : memref<1x64xf32, #tpu.memory_space<vmem>>, vector<1x64xf32>
      %add3A_49 = arith.addf %dot_general3A_45, %get3A_48 : vector<1x64xf32>
      %swap3A = arith.constant 0 : index
      %swap3A_50 = arith.constant 0 : index
      %swap3A_51 = vector.load %arg7[%swap3A, %swap3A_50] : memref<1x64xf32, #tpu.memory_space<vmem>>, vector<1x64xf32>
      tpu.vector_store %arg7[%swap3A, %swap3A_50], %add3A_49 {strides = array<i32>} : memref<1x64xf32, #tpu.memory_space<vmem>>, vector<1x64xf32>,
    } else {
    }
    return
  }
  func.func @transform_0(%arg0: i32) -> (i32, i32, i32) {
    %c0_i32 = arith.constant 0 : i32
    %c0_i32_0 = arith.constant 0 : i32
    %c0_i32_1 = arith.constant 0 : i32
    return %c0_i32, %arg0, %c0_i32_0 : i32, i32, i32
  }
  func.func @transform_1(%arg0: i32) -> (i32, i32) {
    %c0_i32 = arith.constant 0 : i32
    %c0_i32_0 = arith.constant 0 : i32
    return %arg0, %c0_i32 : i32, i32
  }
  func.func @transform_2(%arg0: i32) -> (i32, i32) {
    %c0_i32 = arith.constant 0 : i32
    %c0_i32_0 = arith.constant 0 : i32
    return %arg0, %c0_i32 : i32, i32
  }
  func.func @transform_3(%arg0: i32) -> (i32, i32) {
    %c0_i32 = arith.constant 0 : i32
    %c0_i32_0 = arith.constant 0 : i32
    %c0_i32_1 = arith.constant 0 : i32
    return %c0_i32, %c0_i32_0 : i32, i32
  }
  func.func @transform_4(%arg0: i32) -> (i32, i32) {
    %c0_i32 = arith.constant 0 : i32
    %c0_i32_0 = arith.constant 0 : i32
    %c0_i32_1 = arith.constant 0 : i32
    return %c0_i32, %c0_i32_0 : i32, i32
  }
  func.func @transform_5(%arg0: i32) -> (i32, i32) {
    %c0_i32 = arith.constant 0 : i32
    %c0_i32_0 = arith.constant 0 : i32
    %c0_i32_1 = arith.constant 0 : i32
    return %c0_i32, %c0_i32_0 : i32, i32
  }
  func.func @transform_6(%arg0: i32) -> (i32, i32) {
    %c0_i32 = arith.constant 0 : i32
    %c0_i32_0 = arith.constant 0 : i32
    %c0_i32_1 = arith.constant 0 : i32
    return %c0_i32, %c0_i32_0 : i32, i32
  }
}

</mosaic_0001>

<sc_bundles>
// kernel: kernel.10.cloned.1.call-start
scs
__scs_entry_jumppad:
0x0: {  	(pc) =	sbr.rel $0x88, $3  }
0x1: {  	(tag) =	ssettag $0x0;
	lr =	simm.s32 $0x1  }
0x2: {  	[smem:$0x3F97] =	sst lr;
	_ =	strace $0xD0000000  }
0x3: {  	_ = 	snop  }
0x4: {  	_ = 	snop  }
0x5: {  	_ = 	snop  }
0x6: {  	_ = 	snop  }
0x7: {  	_ = 	snop  }
__scs_overlays_trampoline_lowered:
0x8: {  	[smem:$0x3FA6] =	sst s0  }
0x9: {  	[smem:$0x3FA7] =	sst s1  }
0xa: {  	[smem:$0x3FA8] =	sst s2  }
0xb: {  	[smem:$0x3FA9] =	sst s3  }
0xc: {  	[smem:$0x3FAA] =	sst s4  }
0xd: {  	[smem:$0x3FAB] =	sst s5  }
0xe: {  	[smem:$0x3FAC] =	sst s6  }
0xf: {  	[smem:$0x3FAD] =	sst s7  }
0x10: {  	[smem:$0x3FAE] =	sst s8  }
0x11: {  	[smem:$0x3FAF] =	sst s9;
	s0 =	simm.s32 @!p0 $0x0  }
0x12: {  	s1 =	sld [smem:$0x3F95];
	s0 =	simm.s32 @p0 $0x1  }
0x13: {  	[smem:$0x3FB0] =	sst s0;
	s0 =	simm.s32 @!p1 $0x0  }
0x14: {  	s2 =	sld [smem:$0x3F94];
	s0 =	simm.s32 @p1 $0x1  }
0x15: {  	[smem:$0x3FB1] =	sst s0;
	s0 =	simm.s32 @!p2 $0x0  }
0x16: {  	s3 =	sld [smem:$0x3FDB];
	s0 =	simm.s32 @p2 $0x1  }
0x17: {  	s4 =	simm.s32 $0x1BF5;
	[smem:$0x3FB3] =	sst s0  }
0x18: {  	s0 =	sld [smem:$0x3F96];
	_ =	swait.ge [sflag:s4], $0x0  }
0x19: {  	s7 =	sld [smem:$0x3F97]  }
0x1a: {  	s8 =	sadd.s32 $0xFFFFE003, lr  }
0x1b: {  	s9 =	sadd.s32 $0xFFFFFEF7, lr;
	s5 =	simm.s32 $0xFFFFFFFF;
	p2 =	slt.u32 s8, $0xFFFFF086  }
0x1c: {  	p1 =	slt.u32 s9, $0xF7A;
	s5 =	simm.s32 @!p2 $0x0  }
0x1d: {  	s5 =	simm.s32 @p1 $0x1;
	p0 =	seq.s32 s7, s2  }
0x1e: {  	s7 =	smul.u32 @!p0 $0xF7A, s2;
	p2 =	seq.s32 @!p0 s5, $0x0  }
0x1f: {  	s9 =	smul.u32 $0xF7A, s1;
	s8 =	simm.s32 @!p0 $0x1BF5;
	p2 =	por !p2, p0  }
0x20: {  	[sflag:s8] =	ssyncset.s32 @!p0 $0xFFFFF086;
	s6 =	sadd.s32 @!p0 s3, s7;
	s7 =	simm.s32 @!p0 $0x108  }
0x21: {  	s3 =	sadd.s32 s3, s9;
	s6 =	sadd.s32 @!p0 $0x88, s6;
	s7 =	simm.s32 @p2 $0x1082  }
0x22: {  	[simem:s7], [sflag:s8] =	dma.local @!p0 [hbm:s6], $0xF7A  }
0x23: {  	s9 =	sor.u32 $0xD0000000, s2;
	s6 =	simm.s32 $0x108;
	_ =	swait.ge @!p0 [sflag:s8], $0x0  }
0x24: {  	s3 =	sadd.s32 $0x88, s3;
	s6 =	simm.s32 @!p1 $0x1082;
	[sflag:s4] =	ssyncset.s32 $0xFFFFF086  }
0x25: {  	[simem:s6], [sflag:s4] =	dma.local [hbm:s3], $0xF7A  }
0x26: {  	[smem:$0x3F97] =	sst s1;
	(tag) =	ssettag s2;
	_ =	strace s9  }
0x27: {  	s1 =	sld [smem:$0x3FA7]  }
0x28: {  	s2 =	sld [smem:$0x3FA8]  }
0x29: {  	s4 =	sld [smem:$0x3FAA]  }
0x2a: {  	p0 =	seq.s32 s5, $0x0;
	s5 =	sld [smem:$0x3FAB]  }
0x2b: {  	s6 =	sld [smem:$0x3FAC]  }
0x2c: {  	s7 =	sld [smem:$0x3FAD]  }
0x2d: {  	s3 =	simm.s32 $0x108;
	s8 =	sld [smem:$0x3FAE]  }
0x2e: {  	s3 =	simm.s32 @!p0 $0x1082;
	s9 =	sld [smem:$0x3FAF]  }
0x2f: {  	lr =	sadd.s32 s0, s3;
	s0 =	sld [smem:$0x3FA6]  }
0x30: {  	s3 =	sld [smem:$0x3FA9]  }
0x31: {  	[smem:$0x3FB2] =	sst s10  }
0x32: {  	s10 =	sld [smem:$0x3FB0];
	_ =	sdelay $0x3  }
0x33: {  	p0 =	seq.s32 s10, $0x1;
	s10 =	sld [smem:$0x3FB2];
	_ =	sdelay $0x3  }
0x34: {  	[smem:$0x3FB2] =	sst s10  }
0x35: {  	s10 =	sld [smem:$0x3FB1];
	_ =	sdelay $0x3  }
0x36: {  	p1 =	seq.s32 s10, $0x1;
	s10 =	sld [smem:$0x3FB2];
	_ =	sdelay $0x3  }
0x37: {  	[smem:$0x3FB2] =	sst s10  }
0x38: {  	s10 =	sld [smem:$0x3FB3]  }
0x39: {  	_ = 	snop;
	(pc) =	sbr.ind lr, $3  }
0x3a: {  	_ = 	snop  }
0x3b: {  	_ = 	snop  }
0x3c: {  	p2 =	seq.s32 s10, $0x1;
	s10 =	sld [smem:$0x3FB2]  }
0x3d: {  	_ =	shalt  }
0x3e: {  	_ =	shalt  }
0x3f: {  	_ =	shalt  }
0x40: {  	_ =	shalt  }
0x41: {  	_ =	shalt  }
0x42: {  	_ =	shalt  }
0x43: {  	_ =	shalt  }
0x44: {  	_ =	shalt  }
0x45: {  	_ =	shalt  }
0x46: {  	_ =	shalt  }
0x47: {  	_ =	shalt  }
0x48: {  	_ =	shalt  }
0x49: {  	_ =	shalt  }
0x4a: {  	_ =	shalt  }
0x4b: {  	_ =	shalt  }
0x4c: {  	_ =	shalt  }
0x4d: {  	_ =	shalt  }
0x4e: {  	_ =	shalt  }
0x4f: {  	_ =	shalt  }
0x50: {  	_ =	shalt  }
0x51: {  	_ =	shalt  }
0x52: {  	_ =	shalt  }
0x53: {  	_ =	shalt  }
0x54: {  	_ =	shalt  }
0x55: {  	_ =	shalt  }
0x56: {  	_ =	shalt  }
0x57: {  	_ =	shalt  }
0x58: {  	_ =	shalt  }
0x59: {  	_ =	shalt  }
0x5a: {  	_ =	shalt  }
0x5b: {  	_ =	shalt  }
0x5c: {  	_ =	shalt  }
0x5d: {  	_ =	shalt  }
0x5e: {  	_ =	shalt  }
0x5f: {  	_ =	shalt  }
0x60: {  	_ =	shalt  }
0x61: {  	_ =	shalt  }
0x62: {  	_ =	shalt  }
0x63: {  	_ =	shalt  }
0x64: {  	_ =	shalt  }
0x65: {  	_ =	shalt  }
0x66: {  	_ =	shalt  }
0x67: {  	_ =	shalt  }
0x68: {  	_ =	shalt  }
0x69: {  	_ =	shalt  }
0x6a: {  	_ =	shalt  }
0x6b: {  	_ =	shalt  }
0x6c: {  	_ =	shalt  }
0x6d: {  	_ =	shalt  }
0x6e: {  	_ =	shalt  }
0x6f: {  	_ =	shalt  }
0x70: {  	_ =	shalt  }
0x71: {  	_ =	shalt  }
0x72: {  	_ =	shalt  }
0x73: {  	_ =	shalt  }
0x74: {  	_ =	shalt  }
0x75: {  	_ =	shalt  }
0x76: {  	_ =	shalt  }
0x77: {  	_ =	shalt  }
0x78: {  	_ =	shalt  }
0x79: {  	_ =	shalt  }
0x7a: {  	_ =	shalt  }
0x7b: {  	_ =	shalt  }
0x7c: {  	_ =	shalt  }
0x7d: {  	_ =	shalt  }
0x7e: {  	_ =	shalt  }
0x7f: {  	_ =	shalt  }
0x80: {  	_ =	shalt  }
0x81: {  	_ =	shalt  }
0x82: {  	_ =	shalt  }
0x83: {  	_ =	shalt  }
0x84: {  	_ =	shalt  }
0x85: {  	_ =	shalt  }
0x86: {  	_ =	shalt  }
0x87: {  	_ =	shalt  }
.Lfunc_end0:
.L_simem_size_0:
called_computation_lowered:
.L_overlay_start_0:
0x88: {  	s2 =	sld [smem:$0x3FD9]  }
0x89: {  	s3 =	sld [smem:$0x3FFE];
	_ =	sdelay $0x1  }
0x8a: {  	s1 =	srdreg.scid  }
0x8b: {  	s0 =	sand.u32 $0x1, s1  }
0x8c: {  	s16 =	sshll.u32 s0, $0xA;
	s2 =	sadd.s32 s3, s2  }
0x8d: {  	s2 =	sadd.s32 s2, s16  }
0x8e: {  	[smem:$0x3FBE] =	sst s2  }
0x8f: {  	_ = 	snop  }
0x90: {  	(tm) =	ssettm $0x1  }
0x91: {  	s17 =	sld [smem:$0x3FFB];
	_ =	sdelay $0x3  }
0x92: {  	_ =	strace s17  }
0x93: {  	s2 =	sld [smem:$0x3FFC];
	_ =	sdelay $0x3  }
0x94: {  	_ =	strace s2  }
0x95: {  	s2 =	sld [smem:$0x3FFD];
	_ =	sdelay $0x3  }
0x96: {  	_ =	strace s2  }
0x97: {  	_ =	strace $0x8FFFFFFF  }
0x98: {  	s18 =	sld [smem:$0x3FDB];
	_ =	sdelay $0x1  }
0x99: {  	s19 =	simm.s32 $_scs_section_size  }
0x9a: {  	s4 =	simm.s32 $_size__tile_overlayer_lowered;
	s5 =	simm.s32 $_tile_overlayer_lowered  }
0x9b: {  	s22 =	simm.s32 $0x1BFF;
	s21 =	sshll.u32 s5, $0x1;
	s2 =	sadd.s32 s19, s18  }
0x9c: {  	s6 =	simm.s32 $0x0;
	s20 =	sshll.u32 s4, $0x1;
	s4 =	sadd.s32 s21, s2  }
0x9d: {  	[timem:s6], [sflag:s22] =	dma.local [hbm:s4], s20  }
0x9e: {  	_ =	swait.ge [sflag:s22], s20  }
0x9f: {  	s3 =	ssub.s32 $0x0, s20;
	[sflag:s22] =	ssyncset.done $0x0  }
0xa0: {  	[sflag:s22] =	ssyncadd.s32 s3;
	_ =	sdelay $0x1  }
0xa1: {  	s23 =	simm.s32 $0x1B8B  }
0xa2: {  	_ =	swait.ge [sflag:s23], $0x1  }
0xa3: {  	[sflag:s23] =	ssyncset.done $0x0  }
0xa4: {  	s25 =	simm.s32 $0x1B8E;
	s24 =	sld [smem:$0x3FFE];
	[sflag:s23] =	ssyncadd.s32 $0xFFFFFFFF  }
0xa5: {  	s26 =	simm.s32 $execute0_lowered;
	[smem:$0x3FD2] =	sst s25  }
0xa6: {  	s4 =	sshll.u32 s26, $0x1;
	_ =	strace $0x80000046;
	[dreg:$0x1] =	wrdreg $0xFFFFFFFF  }
0xa7: {  	s28 =	simm.s32 $_size_execute0_lowered;
	s2 =	sadd.s32 s2, s4;
	[dreg:$0x0] =	wrdreg $0x0  }
0xa8: {  	s4 =	sshll.u32 s28, $0x1;
	[dreg:$0x2] =	wrdreg s2  }
0xa9: {  	[dreg:$0x3] =	wrdreg s4  }
0xaa: {  	[dreg:$0x4] =	wrdreg $0xC0  }
0xab: {  	_ =	task [dreg:s6], $0x5FFFF  }
0xac: {  	[dreg:$0x1] =	wrdreg $0xFFFFFFFF  }
0xad: {  	[dreg:$0x0] =	wrdreg $0x60  }
0xae: {  	[dreg:$0x2] =	wrdreg s24  }
0xaf: {  	[dreg:$0x3] =	wrdreg $0x0  }
0xb0: {  	[dreg:$0x4] =	wrdreg $0x9  }
0xb1: {  	_ =	task.clear_ibuf [dreg:s6], $0x5FFFF;
	_ =	strace $0x90000046  }
0xb2: {  	s29 =	simm.s32 $0x9;
	_ =	strace $0x80000048  }
0xb3: {  	_ =	swait.ge [sflag:s29], $0x1  }
0xb4: {  	[sflag:s29] =	ssyncadd.s32 $0xFFFFFFFF  }
0xb5: {  	_ =	strace $0x90000048  }
0xb6: {  	_ =	sfence  }
0xb7: {  	s30 =	sld [smem:$0x0];
	_ =	sdelay $0x2  }
0xb8: {  	s31 =	sshll.u32 s1, $0xD;
	s1 =	sshrl.u32 s1, $0x2  }
0xb9: {  	s3 =	sand.u32 $0x4000, s31;
	s1 =	sadd.s32 s1, s30  }
0xba: {  	s0 =	sor.u32 s3, s0;
	s1 =	sshll.u32 s1, $0x11  }
0xbb: {  	s0 =	sor.u32 s1, s0  }
0xbc: {  	s0 =	sadd.s32 $0x8F2B, s0  }
0xbd: {  	[sflag:s0] =	ssyncadd.remote.s32 $0x1  }
0xbe: {  	_ =	sfence.sel $0xFFFF  }
0xbf: {  	[dreg:$0x0] =	wrdreg $0xFFFFFFFF;
	(pc) =	sbr.abs _section_cstart, $3  }
0xc0: {  	[dreg:$0x1] =	wrdreg $0xFFFFFFFF  }
0xc1: {  	_ =	task.clear_ibuf [dreg:s6], $0x2FFFF;
	_ =	strace $0x9FFFFFFF  }
0xc2: {  	(tm) =	ssettm $0x7FFFFFFF  }
0xc3: {  	_ =	shalt  }
tec
execute0_lowered:
.L_overlay_start_1:
0x0: {  	(tag) =	ssettag $0x1  }
0x1: {  	s6 =	rddreg [dreg:$0x0]  }
0x2: {  	s1 =	rddreg [dreg:$0x1]  }
0x3: {  	s0 =	rddreg [dreg:$0x2]  }
0x4: {  	s2 =	simm.s32 $0x0;
	s3 =	srdreg.scid;
	s28 =	simm.s32 $0x80  }
0x5: {  	s29 =	simm.s32 $0x0;
	[smem:$0x7FF] =	sst s2;
	s7 =	sadd.s32 $0xD000, s6  }
0x6: {  	s8 =	sand.u32 $0x1, s3;
	s4 =	sadd.s32 $0x17800, s6;
	s3 =	stileid.u32  }
0x7: {  	s22 =	sadd.s32 $0x18000, s6;
	_ =	strace $0x80000047;
	s11 =	smul.u32 $0x50000, s3  }
0x8: {  	s5 =	sshll.u32 s8, $0x4;
	s9 =	ssub.s32 $0x2, s8;
	s19 =	smul.u32 $0x140000, s8  }
0x9: {  	s18 =	smul.u32 $0x14000, s3;
	s10 =	sor.u32 s3, s5;
	s12 =	sshrl.u32 s9, $0x1  }
0xa: {  	s5 =	sadd.s32 $0x17000, s6;
	s13 =	smul.u32 $0x2800, s10;
	s9 =	ssub.s32 s9, s12  }
0xb: {  	s10 =	smul.u32 $0x500, s10;
	s24 =	sshrl.u32 s11, $0x2;
	s30 =	sadd.s32 s19, s18  }
0xc: {  	s15 =	sadd.s32 $0x4000, s18;
	s20 =	sadd.s32 $0x8000, s18;
	s21 =	sadd.s32 $0xC000, s18  }
0xd: {  	s23 =	sadd.s32 $0x10000, s18;
	s6 =	sadd.s32 s24, s1;
	s9 =	smax.u32 s9, $0x1  }
0xe: {  	s14 =	sshrl.u32 s30, $0x3;
	s16 =	sadd.s32 s19, s15;
	s15 =	sadd.s32 s15, s1  }
0xf: {  	s17 =	sadd.s32 s20, s1;
	s20 =	sadd.s32 s19, s20;
	s31 =	sadd.s32 s19, s21  }
0x10: {  	s24 =	sadd.s32 s19, s23;
	s19 =	sadd.s32 s21, s1;
	s21 =	sadd.s32 s23, s1  }
0x11: {  	s23 =	simm.s32 $0x15400;
	s25 =	sshrl.u32 s13, $0x3;
	s11 =	sadd.s32 $0x8000, s6  }
0x12: {  	s12 =	sadd.s32 $0xC000, s6;
	s13 =	sadd.s32 $0x10000, s6;
	s14 =	sadd.s32 s22, s14  }
0x13: {  	s16 =	sshrl.u32 s16, $0x3;
	s20 =	sshrl.u32 s20, $0x3;
	s24 =	sshrl.u32 s24, $0x3  }
0x14: {  	s26 =	sadd.s32 s7, s25;
	s7 =	sadd.s32 s7, s10;
	s10 =	sadd.s32 $0x4000, s6  }
0x15: {  	s16 =	sadd.s32 s22, s16;
	s18 =	sadd.s32 s22, s20;
	s20 =	sshrl.u32 s31, $0x3  }
0x16: {  	s25 =	simm.s32 $0x19400;
	s8 =	sadd.s32 $0x280, s26;
	s20 =	sadd.s32 s22, s20  }
0x17: {  	s22 =	sadd.s32 s22, s24;
	s24 =	simm.s32 $0x1;
	s26 =	simm.s32 $0x14000  }
.LBB2_1:
0x18: {  	[tilespmem:s23], [sflag:$0x1] =	stream.linear.gather [hbm4b:s5+s2], $0x4000, $0x38;
	[tilespmem:$0x1D400] =	vst v63  }
0x19: {  	_ =	swait.ge [sflag:s24], $0x4000  }
0x1a: {  	[sflag:s24] =	ssyncset.done $0x0  }
0x1b: {  	[sflag:s24] =	ssyncadd.s32 $0xFFFFC000  }
0x1c: {  	[tilespmem:s25], [sflag:$0x1] =	stream.linear.gather [hbm4b:s4+s2], $0x4000, $0x38;
	[tilespmem:$0x1D400] =	vst v63  }
0x1d: {  	_ =	swait.ge [sflag:s24], $0x4000  }
0x1e: {  	[sflag:s24] =	ssyncset.done $0x0  }
0x1f: {  	[sflag:s24] =	ssyncadd.s32 $0xFFFFC000  }
0x20: {  	[spmem:s6] =	stream.linear.scatter [tilespmem:s23], [sflag:$0x1], $0x4000, $0x38;
	[tilespmem:$0x1D400] =	vst v63  }
0x21: {  	_ =	swait.ge [sflag:s24], $0x4000  }
0x22: {  	[sflag:s24] =	ssyncset.done $0x0  }
0x23: {  	[sflag:s24] =	ssyncadd.s32 $0xFFFFC000  }
0x24: {  	[spmem:s10] =	stream.linear.scatter [tilespmem:s23], [sflag:$0x1], $0x4000, $0x38;
	[tilespmem:$0x1D400] =	vst v63  }
0x25: {  	_ =	swait.ge [sflag:s24], $0x4000  }
0x26: {  	[sflag:s24] =	ssyncset.done $0x0  }
0x27: {  	[sflag:s24] =	ssyncadd.s32 $0xFFFFC000  }
0x28: {  	[spmem:s11] =	stream.linear.scatter [tilespmem:s23], [sflag:$0x1], $0x4000, $0x38;
	[tilespmem:$0x1D400] =	vst v63  }
0x29: {  	_ =	swait.ge [sflag:s24], $0x4000  }
0x2a: {  	[sflag:s24] =	ssyncset.done $0x0  }
0x2b: {  	[sflag:s24] =	ssyncadd.s32 $0xFFFFC000  }
0x2c: {  	[spmem:s12] =	stream.linear.scatter [tilespmem:s23], [sflag:$0x1], $0x4000, $0x38;
	[tilespmem:$0x1D400] =	vst v63  }
0x2d: {  	_ =	swait.ge [sflag:s24], $0x4000  }
0x2e: {  	[sflag:s24] =	ssyncset.done $0x0  }
0x2f: {  	[sflag:s24] =	ssyncadd.s32 $0xFFFFC000  }
0x30: {  	[spmem:s13] =	stream.linear.scatter [tilespmem:s23], [sflag:$0x1], $0x4000, $0x38;
	[tilespmem:$0x1D400] =	vst v63  }
0x31: {  	_ =	swait.ge [sflag:s24], $0x4000  }
0x32: {  	[sflag:s24] =	ssyncset.done $0x0  }
0x33: {  	[sflag:s24] =	ssyncadd.s32 $0xFFFFC000  }
0x34: {  	[bflag:$0x0] =	sbarrier.arrive $0xFFFF  }
0x35: {  	[tilespmem:s26], [sflag:$0x1] =	stream.linear.gather [hbm4b:s7+s2], $0x1400, $0x38;
	[tilespmem:$0x1D400] =	vst v63  }
0x36: {  	_ =	swait.ge [sflag:s24], $0x1400  }
0x37: {  	[sflag:s24] =	ssyncset.done $0x0  }
0x38: {  	s30 =	simm.s32 $0x14000;
	[sflag:s24] =	ssyncadd.s32 $0xFFFFEC00  }
0x39: {  	[spmem:s1] =	stream.indirect.scatter.add.f32 [tilespmem:s25], [sflag:$0x1], $0x80, s30, s28, $0xb8;
	[tilespmem:$0x1D400] =	vst v63  }
0x3a: {  	s30 =	simm.s32 $0x200;
	_ =	swait.ge [sflag:s24], $0x4000  }
.LBB2_2:
0x3b: {  	s31 =	sshra.s32 s30, $0x2;
	[sflag:s24] =	ssyncset.done $0x0;
	p0 =	sne.s32 s30, $0x4E00  }
.Ltmp0:
0x3c: {  	s31 =	sadd.s32 $0x14000, s31;
	[sflag:s24] =	ssyncadd.s32 $0xFFFFC000;
	(pc) =	sbr.rel @p0 .LBB2_2-.Ltmp0, $3  }
0x3d: {  	[spmem:s1] =	stream.indirect.scatter.add.f32 [tilespmem:s25], [sflag:$0x1], $0x80, s31, s28, $0xb8;
	[tilespmem:$0x1D400] =	vst v63  }
0x3e: {  	s30 =	sadd.s32 $0x200, s30;
	_ =	sdelay $0x1  }
0x3f: {  	_ =	swait.ge [sflag:s24], $0x4000  }
0x40: {  	[sflag:s24] =	ssyncset.done $0x0  }
0x41: {  	s30 =	simm.s32 $0x0;
	[sflag:s24] =	ssyncadd.s32 $0xFFFFC000  }
0x42: {  	[tilespmem:s26], [sflag:$0x1] =	stream.linear.gather [hbm4b:s8+s30], $0x1400, $0x38;
	[tilespmem:$0x1D400] =	vst v63  }
0x43: {  	_ =	swait.ge [sflag:s24], $0x1400  }
0x44: {  	[sflag:s24] =	ssyncset.done $0x0  }
0x45: {  	s30 =	simm.s32 $0x14000;
	[sflag:s24] =	ssyncadd.s32 $0xFFFFEC00  }
0x46: {  	[spmem:s1] =	stream.indirect.scatter.add.f32 [tilespmem:s25], [sflag:$0x1], $0x80, s30, s28, $0xb8;
	[tilespmem:$0x1D400] =	vst v63  }
0x47: {  	s30 =	simm.s32 $0x200;
	_ =	swait.ge [sflag:s24], $0x4000  }
.LBB2_4:
0x48: {  	s31 =	sshra.s32 s30, $0x2;
	[sflag:s24] =	ssyncset.done $0x0;
	p0 =	sne.s32 s30, $0x4E00  }
.Ltmp1:
0x49: {  	s31 =	sadd.s32 $0x14000, s31;
	[sflag:s24] =	ssyncadd.s32 $0xFFFFC000;
	(pc) =	sbr.rel @p0 .LBB2_4-.Ltmp1, $3  }
0x4a: {  	[spmem:s1] =	stream.indirect.scatter.add.f32 [tilespmem:s25], [sflag:$0x1], $0x80, s31, s28, $0xb8;
	[tilespmem:$0x1D400] =	vst v63  }
0x4b: {  	s30 =	sadd.s32 $0x200, s30;
	_ =	sdelay $0x1  }
0x4c: {  	_ =	swait.ge [sflag:s24], $0x4000  }
0x4d: {  	[sflag:s24] =	ssyncset.done $0x0  }
0x4e: {  	[sflag:s24] =	ssyncadd.s32 $0xFFFFC000  }
0x4f: {  	[bflag:$0x0] =	sbarrier.arrive $0xFFFF  }
0x50: {  	[tilespmem:s23], [sflag:$0x1] =	stream.linear.gather [spmem:s6], $0x4000, $0x38;
	[tilespmem:$0x1D400] =	vst v63  }
0x51: {  	_ =	swait.ge [sflag:s24], $0x4000  }
0x52: {  	[sflag:s24] =	ssyncset.done $0x0  }
0x53: {  	[sflag:s24] =	ssyncadd.s32 $0xFFFFC000  }
0x54: {  	[hbm4b:s14+s2] =	stream.linear.scatter [tilespmem:s23], [sflag:$0x1], $0x4000, $0x38;
	[tilespmem:$0x1D400] =	vst v63  }
0x55: {  	_ =	swait.ge [sflag:s24], $0x4000  }
0x56: {  	[sflag:s24] =	ssyncset.done $0x0  }
0x57: {  	[sflag:s24] =	ssyncadd.s32 $0xFFFFC000  }
0x58: {  	[tilespmem:s23], [sflag:$0x1] =	stream.linear.gather [spmem:s15], $0x4000, $0x38;
	[tilespmem:$0x1D400] =	vst v63  }
0x59: {  	_ =	swait.ge [sflag:s24], $0x4000  }
0x5a: {  	[sflag:s24] =	ssyncset.done $0x0  }
0x5b: {  	[sflag:s24] =	ssyncadd.s32 $0xFFFFC000  }
0x5c: {  	[hbm4b:s16+s2] =	stream.linear.scatter [tilespmem:s23], [sflag:$0x1], $0x4000, $0x38;
	[tilespmem:$0x1D400] =	vst v63  }
0x5d: {  	_ =	swait.ge [sflag:s24], $0x4000  }
0x5e: {  	[sflag:s24] =	ssyncset.done $0x0  }
0x5f: {  	[sflag:s24] =	ssyncadd.s32 $0xFFFFC000  }
0x60: {  	[tilespmem:s23], [sflag:$0x1] =	stream.linear.gather [spmem:s17], $0x4000, $0x38;
	[tilespmem:$0x1D400] =	vst v63  }
0x61: {  	_ =	swait.ge [sflag:s24], $0x4000  }
0x62: {  	[sflag:s24] =	ssyncset.done $0x0  }
0x63: {  	[sflag:s24] =	ssyncadd.s32 $0xFFFFC000  }
0x64: {  	[hbm4b:s18+s2] =	stream.linear.scatter [tilespmem:s23], [sflag:$0x1], $0x4000, $0x38;
	[tilespmem:$0x1D400] =	vst v63  }
0x65: {  	_ =	swait.ge [sflag:s24], $0x4000  }
0x66: {  	[sflag:s24] =	ssyncset.done $0x0  }
0x67: {  	[sflag:s24] =	ssyncadd.s32 $0xFFFFC000  }
0x68: {  	[tilespmem:s23], [sflag:$0x1] =	stream.linear.gather [spmem:s19], $0x4000, $0x38;
	[tilespmem:$0x1D400] =	vst v63  }
0x69: {  	_ =	swait.ge [sflag:s24], $0x4000  }
0x6a: {  	[sflag:s24] =	ssyncset.done $0x0  }
0x6b: {  	[sflag:s24] =	ssyncadd.s32 $0xFFFFC000  }
0x6c: {  	[hbm4b:s20+s2] =	stream.linear.scatter [tilespmem:s23], [sflag:$0x1], $0x4000, $0x38;
	[tilespmem:$0x1D400] =	vst v63  }
0x6d: {  	_ =	swait.ge [sflag:s24], $0x4000  }
0x6e: {  	[sflag:s24] =	ssyncset.done $0x0  }
0x6f: {  	[sflag:s24] =	ssyncadd.s32 $0xFFFFC000  }
0x70: {  	[tilespmem:s23], [sflag:$0x1] =	stream.linear.gather [spmem:s21], $0x4000, $0x38;
	[tilespmem:$0x1D400] =	vst v63  }
0x71: {  	s29 =	sadd.s32 $0x1, s29;
	_ =	swait.ge [sflag:s24], $0x4000  }
0x72: {  	p0 =	sne.s32 s29, s9;
	[sflag:s24] =	ssyncset.done $0x0  }
.Ltmp2:
0x73: {  	[sflag:s24] =	ssyncadd.s32 $0xFFFFC000;
	(pc) =	sbr.rel @p0 .LBB2_1-.Ltmp2, $4  }
0x74: {  	[hbm4b:s22+s2] =	stream.linear.scatter [tilespmem:s23], [sflag:$0x1], $0x4000, $0x38;
	[tilespmem:$0x1D400] =	vst v63  }
0x75: {  	_ =	swait.ge [sflag:s24], $0x4000  }
0x76: {  	[sflag:s24] =	ssyncset.done $0x0  }
0x77: {  	[sflag:s24] =	ssyncadd.s32 $0xFFFFC000  }
0x78: {  	_ =	sfence.sel $0x180000  }
0x79: {  	[bflag:$0x0] =	sbarrier.arrive $0xFFFF  }
0x7a: {  	p0 =	sne.s32 s3, $0x0;
	_ =	strace $0x90000047  }
0x7b: {  	s0 =	sadd.s32 @!p0 $0x100000, s0;
	[bflag:$0x2] =	sbarrier.arrive $0xFFFF  }
0x7c: {  	[sflag:s0] =	ssyncadd.tile.s32 @!p0 $0x1;
	_ =	shalt  }
.Lfunc_end2:
_tile_overlayer_lowered:
.L_overlay_start_2:
0x7d: {  	(tag) =	ssettag $0x2  }
0x7e: {  	s0 =	rddreg [dreg:$0x0];
	s2 =	stileid.u32  }
0x7f: {  	s1 =	rddreg [dreg:$0x1];
	p0 =	sne.s32 s2, $0x0  }
0x80: {  	s3 =	rddreg [dreg:$0x2];
	[bflag:$0x3] =	sbarrier.arrive $0xFFFF;
	s2 =	simm.s32 @!p0 $0x1C01  }
0x81: {  	[timem:s3], [sflag:s2] =	dma.local @!p0 [hbm:s0], s1  }
0x82: {  	s0 =	simm.s32 @!p0 $0x1  }
0x83: {  	_ =	swait.ge @!p0 [sflag:s0], s1  }
0x84: {  	s1 =	ssub.s32 @!p0 $0x0, s1;
	[sflag:s0] =	ssyncset.done @!p0 $0x0  }
0x85: {  	[sflag:s0] =	ssyncadd.s32 @!p0 s1  }
0x86: {  	[bflag:$0x3] =	sbarrier.arrive $0xFFFF  }
0x87: {  	_ =	shalt  }

// kernel: kernel.13.cloned.1.call-start
scs
__scs_entry_jumppad:
0x0: {  	(pc) =	sbr.rel $0x88, $3  }
0x1: {  	(tag) =	ssettag $0x0;
	lr =	simm.s32 $0x1  }
0x2: {  	[smem:$0x3F97] =	sst lr;
	_ =	strace $0xD0000000  }
0x3: {  	_ = 	snop  }
0x4: {  	_ = 	snop  }
0x5: {  	_ = 	snop  }
0x6: {  	_ = 	snop  }
0x7: {  	_ = 	snop  }
__scs_overlays_trampoline_lowered:
0x8: {  	[smem:$0x3FA6] =	sst s0  }
0x9: {  	[smem:$0x3FA7] =	sst s1  }
0xa: {  	[smem:$0x3FA8] =	sst s2  }
0xb: {  	[smem:$0x3FA9] =	sst s3  }
0xc: {  	[smem:$0x3FAA] =	sst s4  }
0xd: {  	[smem:$0x3FAB] =	sst s5  }
0xe: {  	[smem:$0x3FAC] =	sst s6  }
0xf: {  	[smem:$0x3FAD] =	sst s7  }
0x10: {  	[smem:$0x3FAE] =	sst s8  }
0x11: {  	[smem:$0x3FAF] =	sst s9;
	s0 =	simm.s32 @!p0 $0x0  }
0x12: {  	s1 =	sld [smem:$0x3F95];
	s0 =	simm.s32 @p0 $0x1  }
0x13: {  	[smem:$0x3FB0] =	sst s0;
	s0 =	simm.s32 @!p1 $0x0  }
0x14: {  	s2 =	sld [smem:$0x3F94];
	s0 =	simm.s32 @p1 $0x1  }
0x15: {  	[smem:$0x3FB1] =	sst s0;
	s0 =	simm.s32 @!p2 $0x0  }
0x16: {  	s3 =	sld [smem:$0x3FDB];
	s0 =	simm.s32 @p2 $0x1  }
0x17: {  	s4 =	simm.s32 $0x1BF5;
	[smem:$0x3FB3] =	sst s0  }
0x18: {  	s0 =	sld [smem:$0x3F96];
	_ =	swait.ge [sflag:s4], $0x0  }
0x19: {  	s7 =	sld [smem:$0x3F97]  }
0x1a: {  	s8 =	sadd.s32 $0xFFFFE003, lr  }
0x1b: {  	s9 =	sadd.s32 $0xFFFFFEF7, lr;
	s5 =	simm.s32 $0xFFFFFFFF;
	p2 =	slt.u32 s8, $0xFFFFF086  }
0x1c: {  	p1 =	slt.u32 s9, $0xF7A;
	s5 =	simm.s32 @!p2 $0x0  }
0x1d: {  	s5 =	simm.s32 @p1 $0x1;
	p0 =	seq.s32 s7, s2  }
0x1e: {  	s7 =	smul.u32 @!p0 $0xF7A, s2;
	p2 =	seq.s32 @!p0 s5, $0x0  }
0x1f: {  	s9 =	smul.u32 $0xF7A, s1;
	s8 =	simm.s32 @!p0 $0x1BF5;
	p2 =	por !p2, p0  }
0x20: {  	[sflag:s8] =	ssyncset.s32 @!p0 $0xFFFFF086;
	s6 =	sadd.s32 @!p0 s3, s7;
	s7 =	simm.s32 @!p0 $0x108  }
0x21: {  	s3 =	sadd.s32 s3, s9;
	s6 =	sadd.s32 @!p0 $0x88, s6;
	s7 =	simm.s32 @p2 $0x1082  }
0x22: {  	[simem:s7], [sflag:s8] =	dma.local @!p0 [hbm:s6], $0xF7A  }
0x23: {  	s9 =	sor.u32 $0xD0000000, s2;
	s6 =	simm.s32 $0x108;
	_ =	swait.ge @!p0 [sflag:s8], $0x0  }
0x24: {  	s3 =	sadd.s32 $0x88, s3;
	s6 =	simm.s32 @!p1 $0x1082;
	[sflag:s4] =	ssyncset.s32 $0xFFFFF086  }
0x25: {  	[simem:s6], [sflag:s4] =	dma.local [hbm:s3], $0xF7A  }
0x26: {  	[smem:$0x3F97] =	sst s1;
	(tag) =	ssettag s2;
	_ =	strace s9  }
0x27: {  	s1 =	sld [smem:$0x3FA7]  }
0x28: {  	s2 =	sld [smem:$0x3FA8]  }
0x29: {  	s4 =	sld [smem:$0x3FAA]  }
0x2a: {  	p0 =	seq.s32 s5, $0x0;
	s5 =	sld [smem:$0x3FAB]  }
0x2b: {  	s6 =	sld [smem:$0x3FAC]  }
0x2c: {  	s7 =	sld [smem:$0x3FAD]  }
0x2d: {  	s3 =	simm.s32 $0x108;
	s8 =	sld [smem:$0x3FAE]  }
0x2e: {  	s3 =	simm.s32 @!p0 $0x1082;
	s9 =	sld [smem:$0x3FAF]  }
0x2f: {  	lr =	sadd.s32 s0, s3;
	s0 =	sld [smem:$0x3FA6]  }
0x30: {  	s3 =	sld [smem:$0x3FA9]  }
0x31: {  	[smem:$0x3FB2] =	sst s10  }
0x32: {  	s10 =	sld [smem:$0x3FB0];
	_ =	sdelay $0x3  }
0x33: {  	p0 =	seq.s32 s10, $0x1;
	s10 =	sld [smem:$0x3FB2];
	_ =	sdelay $0x3  }
0x34: {  	[smem:$0x3FB2] =	sst s10  }
0x35: {  	s10 =	sld [smem:$0x3FB1];
	_ =	sdelay $0x3  }
0x36: {  	p1 =	seq.s32 s10, $0x1;
	s10 =	sld [smem:$0x3FB2];
	_ =	sdelay $0x3  }
0x37: {  	[smem:$0x3FB2] =	sst s10  }
0x38: {  	s10 =	sld [smem:$0x3FB3]  }
0x39: {  	_ = 	snop;
	(pc) =	sbr.ind lr, $3  }
0x3a: {  	_ = 	snop  }
0x3b: {  	_ = 	snop  }
0x3c: {  	p2 =	seq.s32 s10, $0x1;
	s10 =	sld [smem:$0x3FB2]  }
0x3d: {  	_ =	shalt  }
0x3e: {  	_ =	shalt  }
0x3f: {  	_ =	shalt  }
0x40: {  	_ =	shalt  }
0x41: {  	_ =	shalt  }
0x42: {  	_ =	shalt  }
0x43: {  	_ =	shalt  }
0x44: {  	_ =	shalt  }
0x45: {  	_ =	shalt  }
0x46: {  	_ =	shalt  }
0x47: {  	_ =	shalt  }
0x48: {  	_ =	shalt  }
0x49: {  	_ =	shalt  }
0x4a: {  	_ =	shalt  }
0x4b: {  	_ =	shalt  }
0x4c: {  	_ =	shalt  }
0x4d: {  	_ =	shalt  }
0x4e: {  	_ =	shalt  }
0x4f: {  	_ =	shalt  }
0x50: {  	_ =	shalt  }
0x51: {  	_ =	shalt  }
0x52: {  	_ =	shalt  }
0x53: {  	_ =	shalt  }
0x54: {  	_ =	shalt  }
0x55: {  	_ =	shalt  }
0x56: {  	_ =	shalt  }
0x57: {  	_ =	shalt  }
0x58: {  	_ =	shalt  }
0x59: {  	_ =	shalt  }
0x5a: {  	_ =	shalt  }
0x5b: {  	_ =	shalt  }
0x5c: {  	_ =	shalt  }
0x5d: {  	_ =	shalt  }
0x5e: {  	_ =	shalt  }
0x5f: {  	_ =	shalt  }
0x60: {  	_ =	shalt  }
0x61: {  	_ =	shalt  }
0x62: {  	_ =	shalt  }
0x63: {  	_ =	shalt  }
0x64: {  	_ =	shalt  }
0x65: {  	_ =	shalt  }
0x66: {  	_ =	shalt  }
0x67: {  	_ =	shalt  }
0x68: {  	_ =	shalt  }
0x69: {  	_ =	shalt  }
0x6a: {  	_ =	shalt  }
0x6b: {  	_ =	shalt  }
0x6c: {  	_ =	shalt  }
0x6d: {  	_ =	shalt  }
0x6e: {  	_ =	shalt  }
0x6f: {  	_ =	shalt  }
0x70: {  	_ =	shalt  }
0x71: {  	_ =	shalt  }
0x72: {  	_ =	shalt  }
0x73: {  	_ =	shalt  }
0x74: {  	_ =	shalt  }
0x75: {  	_ =	shalt  }
0x76: {  	_ =	shalt  }
0x77: {  	_ =	shalt  }
0x78: {  	_ =	shalt  }
0x79: {  	_ =	shalt  }
0x7a: {  	_ =	shalt  }
0x7b: {  	_ =	shalt  }
0x7c: {  	_ =	shalt  }
0x7d: {  	_ =	shalt  }
0x7e: {  	_ =	shalt  }
0x7f: {  	_ =	shalt  }
0x80: {  	_ =	shalt  }
0x81: {  	_ =	shalt  }
0x82: {  	_ =	shalt  }
0x83: {  	_ =	shalt  }
0x84: {  	_ =	shalt  }
0x85: {  	_ =	shalt  }
0x86: {  	_ =	shalt  }
0x87: {  	_ =	shalt  }
.Lfunc_end0:
.L_simem_size_0:
called_computation.1_lowered:
.L_overlay_start_0:
0x88: {  	s2 =	sld [smem:$0x3FD9]  }
0x89: {  	s3 =	sld [smem:$0x3FFE];
	_ =	sdelay $0x1  }
0x8a: {  	s1 =	srdreg.scid  }
0x8b: {  	s0 =	sand.u32 $0x1, s1  }
0x8c: {  	s16 =	sshll.u32 s0, $0xA;
	s2 =	sadd.s32 s3, s2  }
0x8d: {  	s2 =	sadd.s32 s2, s16  }
0x8e: {  	[smem:$0x3FBE] =	sst s2  }
0x8f: {  	_ = 	snop  }
0x90: {  	(tm) =	ssettm $0x1  }
0x91: {  	s17 =	sld [smem:$0x3FFB];
	_ =	sdelay $0x3  }
0x92: {  	_ =	strace s17  }
0x93: {  	s2 =	sld [smem:$0x3FFC];
	_ =	sdelay $0x3  }
0x94: {  	_ =	strace s2  }
0x95: {  	s2 =	sld [smem:$0x3FFD];
	_ =	sdelay $0x3  }
0x96: {  	_ =	strace s2  }
0x97: {  	_ =	strace $0x8FFFFFFF  }
0x98: {  	s18 =	sld [smem:$0x3FDB];
	_ =	sdelay $0x1  }
0x99: {  	s19 =	simm.s32 $_scs_section_size  }
0x9a: {  	s4 =	simm.s32 $_size__tile_overlayer_lowered;
	s5 =	simm.s32 $_tile_overlayer_lowered  }
0x9b: {  	s22 =	simm.s32 $0x1BFF;
	s21 =	sshll.u32 s5, $0x1;
	s2 =	sadd.s32 s19, s18  }
0x9c: {  	s6 =	simm.s32 $0x0;
	s20 =	sshll.u32 s4, $0x1;
	s4 =	sadd.s32 s21, s2  }
0x9d: {  	[timem:s6], [sflag:s22] =	dma.local [hbm:s4], s20  }
0x9e: {  	_ =	swait.ge [sflag:s22], s20  }
0x9f: {  	s3 =	ssub.s32 $0x0, s20;
	[sflag:s22] =	ssyncset.done $0x0  }
0xa0: {  	[sflag:s22] =	ssyncadd.s32 s3;
	_ =	sdelay $0x1  }
0xa1: {  	s23 =	simm.s32 $0x1B8B  }
0xa2: {  	_ =	swait.ge [sflag:s23], $0x1  }
0xa3: {  	[sflag:s23] =	ssyncset.done $0x0  }
0xa4: {  	s25 =	simm.s32 $0x1B8E;
	s24 =	sld [smem:$0x3FFE];
	[sflag:s23] =	ssyncadd.s32 $0xFFFFFFFF  }
0xa5: {  	s26 =	simm.s32 $execute0_lowered;
	[smem:$0x3FD2] =	sst s25  }
0xa6: {  	s4 =	sshll.u32 s26, $0x1;
	_ =	strace $0x80000049;
	[dreg:$0x1] =	wrdreg $0xFFFFFFFF  }
0xa7: {  	s28 =	simm.s32 $_size_execute0_lowered;
	s2 =	sadd.s32 s2, s4;
	[dreg:$0x0] =	wrdreg $0x0  }
0xa8: {  	s4 =	sshll.u32 s28, $0x1;
	[dreg:$0x2] =	wrdreg s2  }
0xa9: {  	[dreg:$0x3] =	wrdreg s4  }
0xaa: {  	[dreg:$0x4] =	wrdreg $0xC0  }
0xab: {  	_ =	task [dreg:s6], $0x5FFFF  }
0xac: {  	[dreg:$0x1] =	wrdreg $0xFFFFFFFF  }
0xad: {  	[dreg:$0x0] =	wrdreg $0x60  }
0xae: {  	[dreg:$0x2] =	wrdreg s24  }
0xaf: {  	[dreg:$0x3] =	wrdreg $0x0  }
0xb0: {  	[dreg:$0x4] =	wrdreg $0x9  }
0xb1: {  	_ =	task.clear_ibuf [dreg:s6], $0x5FFFF;
	_ =	strace $0x90000049  }
0xb2: {  	s29 =	simm.s32 $0x9;
	_ =	strace $0x8000004B  }
0xb3: {  	_ =	swait.ge [sflag:s29], $0x1  }
0xb4: {  	[sflag:s29] =	ssyncadd.s32 $0xFFFFFFFF  }
0xb5: {  	_ =	strace $0x9000004B  }
0xb6: {  	_ =	sfence  }
0xb7: {  	s30 =	sld [smem:$0x0];
	_ =	sdelay $0x2  }
0xb8: {  	s31 =	sshll.u32 s1, $0xD;
	s1 =	sshrl.u32 s1, $0x2  }
0xb9: {  	s3 =	sand.u32 $0x4000, s31;
	s1 =	sadd.s32 s1, s30  }
0xba: {  	s0 =	sor.u32 s3, s0;
	s1 =	sshll.u32 s1, $0x11  }
0xbb: {  	s0 =	sor.u32 s1, s0  }
0xbc: {  	s0 =	sadd.s32 $0x8F2B, s0  }
0xbd: {  	[sflag:s0] =	ssyncadd.remote.s32 $0x1  }
0xbe: {  	_ =	sfence.sel $0xFFFF  }
0xbf: {  	[dreg:$0x0] =	wrdreg $0xFFFFFFFF;
	(pc) =	sbr.abs _section_cstart, $3  }
0xc0: {  	[dreg:$0x1] =	wrdreg $0xFFFFFFFF  }
0xc1: {  	_ =	task.clear_ibuf [dreg:s6], $0x2FFFF;
	_ =	strace $0x9FFFFFFF  }
0xc2: {  	(tm) =	ssettm $0x7FFFFFFF  }
0xc3: {  	_ =	shalt  }
tec
execute0_lowered:
.L_overlay_start_1:
0x0: {  	(tag) =	ssettag $0x1  }
0x1: {  	s0 =	rddreg [dreg:$0x0]  }
0x2: {  	s1 =	rddreg [dreg:$0x1];
	s2 =	simm.s32 $0x0  }
0x3: {  	s5 =	srdreg.scid;
	s13 =	stileid.u32;
	s28 =	simm.s32 $0x16800  }
0x4: {  	s29 =	simm.s32 $0x3;
	s30 =	simm.s32 $0x14000;
	s6 =	smul.u32 $0x28, s13  }
0x5: {  	s31 =	simm.s32 $0x15400;
	[smem:$0x7FF] =	sst s2;
	s9 =	smul.u32 $0x78, s13  }
0x6: {  	s4 =	sadd.s32 $0x17800, s0;
	s3 =	sadd.s32 $0x3000, s0;
	s10 =	smul.u32 $0x50000, s13  }
0x7: {  	s7 =	sadd.s32 $0xD000, s0;
	s5 =	sand.u32 $0x1, s5;
	s12 =	smul.u32 $0x3C00, s13  }
0x8: {  	s8 =	sadd.s32 $0x17000, s0;
	s0 =	sadd.s32 $0x3EA00, s0;
	s19 =	smul.u32 $0x14000, s13  }
0x9: {  	_ =	strace $0x8000004A;
	[dreg:$0x3] =	wrdreg s8;
	s24 =	ssub.s32 $0x2, s5  }
0xa: {  	p0 =	seq.s32 s5, $0x0;
	s17 =	smul.u32 $0x140000, s5;
	s6 =	sadd.s32 $0x780, s6  }
0xb: {  	s11 =	sshrl.u32 s24, $0x1;
	s25 =	sshrl.u32 s10, $0x2;
	s16 =	sshrl.u32 s12, $0x3  }
0xc: {  	s23 =	sadd.s32 $0x4000, s19;
	s12 =	sadd.s32 $0x10000, s19;
	s6 =	smov.u32 @p0 s9  }
0xd: {  	s8 =	ssub.s32 s24, s11;
	s18 =	sadd.s32 $0x280, s16;
	s9 =	sadd.s32 $0x500, s16  }
0xe: {  	s22 =	sadd.s32 s17, s19;
	s16 =	sadd.s32 $0xC000, s19;
	s10 =	sadd.s32 s17, s12  }
0xf: {  	p0 =	sne.s32 s5, $0x0;
	s5 =	simm.s32 $0x16780;
	s26 =	sshll.u32 s6, $0x4  }
0x10: {  	s6 =	sadd.s32 s25, s1;
	s20 =	sadd.s32 s3, s18;
	s11 =	sadd.s32 s7, s18  }
0x11: {  	s21 =	sadd.s32 s7, s9;
	s8 =	smax.u32 s8, $0x1;
	[dreg:$0x6] =	wrdreg s20  }
0x12: {  	s25 =	sadd.s32 s17, s16;
	s14 =	sadd.s32 s3, s26;
	[dreg:$0x7] =	wrdreg s11  }
0x13: {  	s15 =	sadd.s32 s7, s26;
	s3 =	sadd.s32 s3, s9;
	[dreg:$0x9] =	wrdreg s21  }
0x14: {  	[dreg:$0xa] =	wrdreg s8;
	s11 =	sadd.s32 s17, s23;
	s13 =	sadd.s32 $0x4000, s6  }
0x15: {  	s26 =	sshrl.u32 s10, $0x3;
	s20 =	sadd.s32 $0x8000, s6;
	[dreg:$0x4] =	wrdreg s14  }
0x16: {  	s21 =	sadd.s32 $0xC000, s6;
	s10 =	simm.s32 $0x2;
	[dreg:$0x5] =	wrdreg s15  }
0x17: {  	s7 =	simm.s32 $0x0;
	[dreg:$0x8] =	wrdreg s3;
	s3 =	sshrl.u32 s22, $0x3  }
0x18: {  	[dreg:$0xb] =	wrdreg s13;
	s14 =	sshrl.u32 s11, $0x3;
	s15 =	sadd.s32 $0x8000, s19  }
0x19: {  	s11 =	sshrl.u32 s25, $0x3;
	s19 =	sadd.s32 s0, s26;
	s22 =	sadd.s32 s23, s1  }
0x1a: {  	s25 =	sadd.s32 s12, s1;
	s26 =	sadd.s32 $0x10000, s6;
	s12 =	simm.s32 $0x16700  }
.Ltmp0:
0x1b: {  	s3 =	sadd.s32 s0, s3;
	s24 =	sadd.s32 s17, s15;
	(pc) =	sbr.rel .LBB2_1-.Ltmp0, $4  }
0x1c: {  	s18 =	sadd.s32 s0, s11;
	s23 =	sadd.s32 s15, s1;
	s11 =	simm.s32 $0x15380  }
0x1d: {  	[dreg:$0xc] =	wrdreg s3;
	s3 =	sadd.s32 s0, s14;
	s9 =	sshrl.u32 s24, $0x3  }
0x1e: {  	s24 =	sadd.s32 s16, s1;
	[dreg:$0xd] =	wrdreg s3;
	s17 =	sadd.s32 s0, s9  }
0x1f: {  	s0 =	simm.s32 $0x80;
	s3 =	simm.s32 $0x1A800;
	s9 =	simm.s32 $0x1  }
.LBB2_8:
0x20: {  	s13 =	sadd.s32 $0x14080, s8;
	[sflag:s29] =	ssyncadd.s32 $0xFFFFC000  }
0x21: {  	[tilespmem:s3], [sflag:$0x2] =	stream.indirect.gather [hbm4b:s4+s0], $0x80, s13, s0, $0xb8;
	[tilespmem:$0x1E800] =	vst v63  }
0x22: {  	_ =	swait.ge [sflag:s9], $0x4000  }
0x23: {  	[sflag:s9] =	ssyncset.done $0x0  }
0x24: {  	s14 =	sadd.s32 $0x15400, s8;
	[sflag:s9] =	ssyncadd.s32 $0xFFFFC000  }
0x25: {  	[spmem:s1] =	stream.indirect.scatter.add.f32 [tilespmem:s28], [sflag:$0x3], $0x80, s14, s0, $0xb8;
	[tilespmem:$0x1E800] =	vst v63  }
0x26: {  	_ =	swait.ge [sflag:s29], $0x4000  }
0x27: {  	[sflag:s29] =	ssyncset.done $0x0  }
0x28: {  	s15 =	sadd.s32 $0x14100, s8;
	[sflag:s29] =	ssyncadd.s32 $0xFFFFC000  }
0x29: {  	[tilespmem:s28], [sflag:$0x1] =	stream.indirect.gather [hbm4b:s4+s0], $0x80, s15, s0, $0xb8;
	[tilespmem:$0x1E800] =	vst v63  }
0x2a: {  	_ =	swait.ge [sflag:s10], $0x4000  }
0x2b: {  	[sflag:s10] =	ssyncset.done $0x0  }
0x2c: {  	s16 =	sadd.s32 $0x15480, s8;
	[sflag:s10] =	ssyncadd.s32 $0xFFFFC000  }
0x2d: {  	[spmem:s1] =	stream.indirect.scatter.add.f32 [tilespmem:s3], [sflag:$0x3], $0x80, s16, s0, $0xb8;
	[tilespmem:$0x1E800] =	vst v63  }
0x2e: {  	_ =	swait.ge [sflag:s29], $0x4000  }
0x2f: {  	[sflag:s29] =	ssyncset.done $0x0  }
0x30: {  	[sflag:s29] =	ssyncadd.s32 $0xFFFFC000  }
0x31: {  	[tilespmem:s3], [sflag:$0x2] =	stream.indirect.gather [hbm4b:s4+s0], $0x80, s11, s0, $0xb8;
	[tilespmem:$0x1E800] =	vst v63  }
0x32: {  	_ =	swait.ge [sflag:s9], $0x4000  }
0x33: {  	[sflag:s9] =	ssyncset.done $0x0  }
0x34: {  	[sflag:s9] =	ssyncadd.s32 $0xFFFFC000  }
0x35: {  	[spmem:s1] =	stream.indirect.scatter.add.f32 [tilespmem:s28], [sflag:$0x3], $0x80, s12, s0, $0xb8;
	[tilespmem:$0x1E800] =	vst v63  }
0x36: {  	_ =	swait.ge [sflag:s29], $0x4000  }
0x37: {  	[sflag:s29] =	ssyncset.done $0x0  }
0x38: {  	[sflag:s29] =	ssyncadd.s32 $0xFFFFC000  }
0x39: {  	_ =	swait.ge [sflag:s10], $0x4000  }
0x3a: {  	[sflag:s10] =	ssyncset.done $0x0  }
0x3b: {  	[sflag:s10] =	ssyncadd.s32 $0xFFFFC000  }
0x3c: {  	[spmem:s1] =	stream.indirect.scatter.add.f32 [tilespmem:s3], [sflag:$0x3], $0x80, s5, s0, $0xb8;
	[tilespmem:$0x1E800] =	vst v63  }
0x3d: {  	_ =	swait.ge [sflag:s29], $0x4000  }
0x3e: {  	[sflag:s29] =	ssyncset.done $0x0  }
0x3f: {  	[sflag:s29] =	ssyncadd.s32 $0xFFFFC000  }
.LBB2_9:
0x40: {  	[bflag:$0x0] =	sbarrier.arrive $0xFFFF  }
0x41: {  	[tilespmem:s28], [sflag:$0x3] =	stream.linear.gather [spmem:s6], $0x4000, $0x38;
	[tilespmem:$0x1E800] =	vst v63  }
0x42: {  	_ =	swait.ge [sflag:s29], $0x4000  }
0x43: {  	[sflag:s29] =	ssyncset.done $0x0  }
0x44: {  	s8 =	rddreg [dreg:$0xc];
	[sflag:s29] =	ssyncadd.s32 $0xFFFFC000  }
0x45: {  	[hbm4b:s8+s2] =	stream.linear.scatter [tilespmem:s28], [sflag:$0x3], $0x4000, $0x38;
	[tilespmem:$0x1E800] =	vst v63  }
0x46: {  	_ =	swait.ge [sflag:s29], $0x4000  }
0x47: {  	[sflag:s29] =	ssyncset.done $0x0  }
0x48: {  	[sflag:s29] =	ssyncadd.s32 $0xFFFFC000  }
0x49: {  	[tilespmem:s28], [sflag:$0x3] =	stream.linear.gather [spmem:s22], $0x4000, $0x38;
	[tilespmem:$0x1E800] =	vst v63  }
0x4a: {  	_ =	swait.ge [sflag:s29], $0x4000  }
0x4b: {  	[sflag:s29] =	ssyncset.done $0x0  }
0x4c: {  	s15 =	rddreg [dreg:$0xd];
	[sflag:s29] =	ssyncadd.s32 $0xFFFFC000  }
0x4d: {  	[hbm4b:s15+s2] =	stream.linear.scatter [tilespmem:s28], [sflag:$0x3], $0x4000, $0x38;
	[tilespmem:$0x1E800] =	vst v63  }
0x4e: {  	_ =	swait.ge [sflag:s29], $0x4000  }
0x4f: {  	[sflag:s29] =	ssyncset.done $0x0  }
0x50: {  	[sflag:s29] =	ssyncadd.s32 $0xFFFFC000  }
0x51: {  	[tilespmem:s28], [sflag:$0x3] =	stream.linear.gather [spmem:s23], $0x4000, $0x38;
	[tilespmem:$0x1E800] =	vst v63  }
0x52: {  	_ =	swait.ge [sflag:s29], $0x4000  }
0x53: {  	[sflag:s29] =	ssyncset.done $0x0  }
0x54: {  	[sflag:s29] =	ssyncadd.s32 $0xFFFFC000  }
0x55: {  	[hbm4b:s17+s2] =	stream.linear.scatter [tilespmem:s28], [sflag:$0x3], $0x4000, $0x38;
	[tilespmem:$0x1E800] =	vst v63  }
0x56: {  	_ =	swait.ge [sflag:s29], $0x4000  }
0x57: {  	[sflag:s29] =	ssyncset.done $0x0  }
0x58: {  	[sflag:s29] =	ssyncadd.s32 $0xFFFFC000  }
0x59: {  	[tilespmem:s28], [sflag:$0x3] =	stream.linear.gather [spmem:s24], $0x4000, $0x38;
	[tilespmem:$0x1E800] =	vst v63  }
0x5a: {  	_ =	swait.ge [sflag:s29], $0x4000  }
0x5b: {  	[sflag:s29] =	ssyncset.done $0x0  }
0x5c: {  	[sflag:s29] =	ssyncadd.s32 $0xFFFFC000  }
0x5d: {  	[hbm4b:s18+s2] =	stream.linear.scatter [tilespmem:s28], [sflag:$0x3], $0x4000, $0x38;
	[tilespmem:$0x1E800] =	vst v63  }
0x5e: {  	_ =	swait.ge [sflag:s29], $0x4000  }
0x5f: {  	[sflag:s29] =	ssyncset.done $0x0  }
0x60: {  	[sflag:s29] =	ssyncadd.s32 $0xFFFFC000  }
0x61: {  	[tilespmem:s28], [sflag:$0x3] =	stream.linear.gather [spmem:s25], $0x4000, $0x38;
	[tilespmem:$0x1E800] =	vst v63  }
0x62: {  	_ =	swait.ge [sflag:s29], $0x4000  }
0x63: {  	[sflag:s29] =	ssyncset.done $0x0  }
0x64: {  	[sflag:s29] =	ssyncadd.s32 $0xFFFFC000  }
0x65: {  	[hbm4b:s19+s2] =	stream.linear.scatter [tilespmem:s28], [sflag:$0x3], $0x4000, $0x38;
	[tilespmem:$0x1E800] =	vst v63  }
0x66: {  	_ =	swait.ge [sflag:s29], $0x4000  }
0x67: {  	s7 =	sadd.s32 $0x1, s7;
	s16 =	rddreg [dreg:$0xa]  }
0x68: {  	p1 =	sne.s32 s7, s16  }
.Ltmp1:
0x69: {  	_ = 	snop;
	(pc) =	sbr.rel @!p1 .LBB2_10-.Ltmp1, $3  }
0x6a: {  	_ =	sdelay $0x1  }
0x6b: {  	[sflag:s29] =	ssyncset.done $0x0  }
0x6c: {  	[sflag:s29] =	ssyncadd.s32 $0xFFFFC000  }
.LBB2_1:
0x6d: {  	s8 =	rddreg [dreg:$0x3]  }
0x6e: {  	[tilespmem:s28], [sflag:$0x3] =	stream.linear.gather [hbm4b:s8+s2], $0x4000, $0x38;
	[tilespmem:$0x1E800] =	vst v63  }
0x6f: {  	_ =	swait.ge [sflag:s29], $0x4000  }
0x70: {  	[sflag:s29] =	ssyncset.done $0x0  }
0x71: {  	[sflag:s29] =	ssyncadd.s32 $0xFFFFC000  }
0x72: {  	[spmem:s6] =	stream.linear.scatter [tilespmem:s28], [sflag:$0x3], $0x4000, $0x38;
	[tilespmem:$0x1E800] =	vst v63  }
0x73: {  	_ =	swait.ge [sflag:s29], $0x4000  }
0x74: {  	[sflag:s29] =	ssyncset.done $0x0  }
0x75: {  	s14 =	rddreg [dreg:$0xb];
	[sflag:s29] =	ssyncadd.s32 $0xFFFFC000  }
0x76: {  	[spmem:s14] =	stream.linear.scatter [tilespmem:s28], [sflag:$0x3], $0x4000, $0x38;
	[tilespmem:$0x1E800] =	vst v63  }
0x77: {  	_ =	swait.ge [sflag:s29], $0x4000  }
0x78: {  	[sflag:s29] =	ssyncset.done $0x0  }
0x79: {  	[sflag:s29] =	ssyncadd.s32 $0xFFFFC000  }
0x7a: {  	[spmem:s20] =	stream.linear.scatter [tilespmem:s28], [sflag:$0x3], $0x4000, $0x38;
	[tilespmem:$0x1E800] =	vst v63  }
0x7b: {  	_ =	swait.ge [sflag:s29], $0x4000  }
0x7c: {  	[sflag:s29] =	ssyncset.done $0x0  }
0x7d: {  	[sflag:s29] =	ssyncadd.s32 $0xFFFFC000  }
0x7e: {  	[spmem:s21] =	stream.linear.scatter [tilespmem:s28], [sflag:$0x3], $0x4000, $0x38;
	[tilespmem:$0x1E800] =	vst v63  }
0x7f: {  	_ =	swait.ge [sflag:s29], $0x4000  }
0x80: {  	[sflag:s29] =	ssyncset.done $0x0  }
0x81: {  	[sflag:s29] =	ssyncadd.s32 $0xFFFFC000  }
0x82: {  	[spmem:s26] =	stream.linear.scatter [tilespmem:s28], [sflag:$0x3], $0x4000, $0x38;
	[tilespmem:$0x1E800] =	vst v63  }
0x83: {  	_ =	swait.ge [sflag:s29], $0x4000  }
0x84: {  	[sflag:s29] =	ssyncset.done $0x0  }
0x85: {  	[sflag:s29] =	ssyncadd.s32 $0xFFFFC000  }
0x86: {  	[bflag:$0x0] =	sbarrier.arrive $0xFFFF  }
0x87: {  	s15 =	rddreg [dreg:$0x4]  }
0x88: {  	[tilespmem:s30], [sflag:$0x3] =	stream.linear.gather [hbm4b:s15+s2], $0x1400, $0x38;
	[tilespmem:$0x1E800] =	vst v63  }
0x89: {  	_ =	swait.ge [sflag:s29], $0x1400  }
0x8a: {  	[sflag:s29] =	ssyncset.done $0x0  }
0x8b: {  	s16 =	rddreg [dreg:$0x5];
	[sflag:s29] =	ssyncadd.s32 $0xFFFFEC00  }
0x8c: {  	[tilespmem:s31], [sflag:$0x3] =	stream.linear.gather [hbm4b:s16+s2], $0x1400, $0x38;
	[tilespmem:$0x1E800] =	vst v63  }
0x8d: {  	_ =	swait.ge [sflag:s29], $0x1400  }
0x8e: {  	[sflag:s29] =	ssyncset.done $0x0  }
0x8f: {  	[sflag:s29] =	ssyncadd.s32 $0xFFFFEC00  }
0x90: {  	[tilespmem:s28], [sflag:$0x1] =	stream.indirect.gather [hbm4b:s4+s0], $0x80, s30, s0, $0xb8;
	[tilespmem:$0x1E800] =	vst v63  }
0x91: {  	s13 =	simm.s32 $0x14080  }
0x92: {  	[tilespmem:s3], [sflag:$0x2] =	stream.indirect.gather [hbm4b:s4+s0], $0x80, s13, s0, $0xb8;
	[tilespmem:$0x1E800] =	vst v63  }
0x93: {  	_ =	swait.ge [sflag:s9], $0x4000  }
0x94: {  	[sflag:s9] =	ssyncset.done $0x0  }
0x95: {  	s14 =	simm.s32 $0x15400;
	[sflag:s9] =	ssyncadd.s32 $0xFFFFC000  }
0x96: {  	[spmem:s1] =	stream.indirect.scatter.add.f32 [tilespmem:s28], [sflag:$0x3], $0x80, s14, s0, $0xb8;
	[tilespmem:$0x1E800] =	vst v63  }
0x97: {  	_ =	swait.ge [sflag:s29], $0x4000  }
0x98: {  	[sflag:s29] =	ssyncset.done $0x0  }
0x99: {  	s15 =	simm.s32 $0x14100;
	[sflag:s29] =	ssyncadd.s32 $0xFFFFC000  }
0x9a: {  	[tilespmem:s28], [sflag:$0x1] =	stream.indirect.gather [hbm4b:s4+s0], $0x80, s15, s0, $0xb8;
	[tilespmem:$0x1E800] =	vst v63  }
0x9b: {  	_ =	swait.ge [sflag:s10], $0x4000  }
0x9c: {  	[sflag:s10] =	ssyncset.done $0x0  }
0x9d: {  	s16 =	simm.s32 $0x15480;
	[sflag:s10] =	ssyncadd.s32 $0xFFFFC000  }
0x9e: {  	[spmem:s1] =	stream.indirect.scatter.add.f32 [tilespmem:s3], [sflag:$0x3], $0x80, s16, s0, $0xb8;
	[tilespmem:$0x1E800] =	vst v63  }
0x9f: {  	_ =	swait.ge [sflag:s29], $0x4000  }
0xa0: {  	s8 =	simm.s32 $0x100;
	s13 =	simm.s32 $0x800;
	[sflag:s29] =	ssyncset.done $0x0  }
.LBB2_2:
0xa1: {  	s14 =	sadd.s32 $0x14080, s8  }
0xa2: {  	[sflag:s29] =	ssyncadd.s32 $0xFFFFC000;
	s15 =	smov.u32 s13;
	s16 =	sadd.s32 $0x400, s13  }
0xa3: {  	[tilespmem:s3], [sflag:$0x2] =	stream.indirect.gather [hbm4b:s4+s0], $0x80, s14, s0, $0xb8;
	[tilespmem:$0x1E800] =	vst v63  }
0xa4: {  	p1 =	sne.s32 s13, $0x4800;
	_ =	swait.ge [sflag:s9], $0x4000  }
0xa5: {  	[sflag:s9] =	ssyncset.done $0x0  }
0xa6: {  	s13 =	sadd.s32 $0x15400, s8;
	[sflag:s9] =	ssyncadd.s32 $0xFFFFC000  }
0xa7: {  	[spmem:s1] =	stream.indirect.scatter.add.f32 [tilespmem:s28], [sflag:$0x3], $0x80, s13, s0, $0xb8;
	[tilespmem:$0x1E800] =	vst v63  }
0xa8: {  	_ =	swait.ge [sflag:s29], $0x4000  }
0xa9: {  	[sflag:s29] =	ssyncset.done $0x0  }
0xaa: {  	s13 =	sadd.s32 $0x14100, s8;
	[sflag:s29] =	ssyncadd.s32 $0xFFFFC000  }
0xab: {  	[tilespmem:s28], [sflag:$0x1] =	stream.indirect.gather [hbm4b:s4+s0], $0x80, s13, s0, $0xb8;
	[tilespmem:$0x1E800] =	vst v63  }
0xac: {  	_ =	swait.ge [sflag:s10], $0x4000  }
.Ltmp2:
0xad: {  	[sflag:s10] =	ssyncset.done $0x0;
	(pc) =	sbr.rel @p1 .LBB2_2-.Ltmp2, $4  }
0xae: {  	s8 =	sadd.s32 $0x15480, s8;
	[sflag:s10] =	ssyncadd.s32 $0xFFFFC000  }
0xaf: {  	[spmem:s1] =	stream.indirect.scatter.add.f32 [tilespmem:s3], [sflag:$0x3], $0x80, s8, s0, $0xb8;
	[tilespmem:$0x1E800] =	vst v63  }
0xb0: {  	_ =	swait.ge [sflag:s29], $0x4000  }
0xb1: {  	s13 =	smov.u32 s16;
	s8 =	sshra.s32 s15, $0x2;
	[sflag:s29] =	ssyncset.done $0x0  }
0xb2: {  	s13 =	sadd.s32 $0x14080, s8;
	[sflag:s29] =	ssyncadd.s32 $0xFFFFC000  }
0xb3: {  	[tilespmem:s3], [sflag:$0x2] =	stream.indirect.gather [hbm4b:s4+s0], $0x80, s13, s0, $0xb8;
	[tilespmem:$0x1E800] =	vst v63  }
0xb4: {  	_ =	swait.ge [sflag:s9], $0x4000  }
0xb5: {  	[sflag:s9] =	ssyncset.done $0x0  }
0xb6: {  	s14 =	sadd.s32 $0x15400, s8;
	[sflag:s9] =	ssyncadd.s32 $0xFFFFC000  }
0xb7: {  	[spmem:s1] =	stream.indirect.scatter.add.f32 [tilespmem:s28], [sflag:$0x3], $0x80, s14, s0, $0xb8;
	[tilespmem:$0x1E800] =	vst v63  }
0xb8: {  	_ =	swait.ge [sflag:s29], $0x4000  }
0xb9: {  	[sflag:s29] =	ssyncset.done $0x0  }
0xba: {  	s15 =	sadd.s32 $0x14100, s8;
	[sflag:s29] =	ssyncadd.s32 $0xFFFFC000  }
0xbb: {  	[tilespmem:s28], [sflag:$0x1] =	stream.indirect.gather [hbm4b:s4+s0], $0x80, s15, s0, $0xb8;
	[tilespmem:$0x1E800] =	vst v63  }
0xbc: {  	_ =	swait.ge [sflag:s10], $0x4000  }
0xbd: {  	[sflag:s10] =	ssyncset.done $0x0  }
0xbe: {  	s16 =	sadd.s32 $0x15480, s8;
	[sflag:s10] =	ssyncadd.s32 $0xFFFFC000  }
0xbf: {  	[spmem:s1] =	stream.indirect.scatter.add.f32 [tilespmem:s3], [sflag:$0x3], $0x80, s16, s0, $0xb8;
	[tilespmem:$0x1E800] =	vst v63  }
0xc0: {  	_ =	swait.ge [sflag:s29], $0x4000  }
0xc1: {  	[sflag:s29] =	ssyncset.done $0x0  }
0xc2: {  	[sflag:s29] =	ssyncadd.s32 $0xFFFFC000  }
0xc3: {  	[tilespmem:s3], [sflag:$0x2] =	stream.indirect.gather [hbm4b:s4+s0], $0x80, s11, s0, $0xb8;
	[tilespmem:$0x1E800] =	vst v63  }
0xc4: {  	_ =	swait.ge [sflag:s9], $0x4000  }
0xc5: {  	[sflag:s9] =	ssyncset.done $0x0  }
0xc6: {  	[sflag:s9] =	ssyncadd.s32 $0xFFFFC000  }
0xc7: {  	[spmem:s1] =	stream.indirect.scatter.add.f32 [tilespmem:s28], [sflag:$0x3], $0x80, s12, s0, $0xb8;
	[tilespmem:$0x1E800] =	vst v63  }
0xc8: {  	_ =	swait.ge [sflag:s29], $0x4000  }
0xc9: {  	[sflag:s29] =	ssyncset.done $0x0  }
0xca: {  	[sflag:s29] =	ssyncadd.s32 $0xFFFFC000  }
0xcb: {  	_ =	swait.ge [sflag:s10], $0x4000  }
0xcc: {  	[sflag:s10] =	ssyncset.done $0x0  }
.Ltmp3:
0xcd: {  	[sflag:s10] =	ssyncadd.s32 $0xFFFFC000;
	(pc) =	sbr.rel @p0 .LBB2_9-.Ltmp3, $4  }
0xce: {  	[spmem:s1] =	stream.indirect.scatter.add.f32 [tilespmem:s3], [sflag:$0x3], $0x80, s5, s0, $0xb8;
	[tilespmem:$0x1E800] =	vst v63  }
0xcf: {  	_ =	swait.ge [sflag:s29], $0x4000  }
0xd0: {  	[sflag:s29] =	ssyncset.done $0x0  }
0xd1: {  	[sflag:s29] =	ssyncadd.s32 $0xFFFFC000  }
0xd2: {  	s8 =	simm.s32 $0x0;
	s13 =	rddreg [dreg:$0x6]  }
0xd3: {  	[tilespmem:s30], [sflag:$0x3] =	stream.linear.gather [hbm4b:s13+s8], $0x1400, $0x38;
	[tilespmem:$0x1E800] =	vst v63  }
0xd4: {  	_ =	swait.ge [sflag:s29], $0x1400  }
0xd5: {  	[sflag:s29] =	ssyncset.done $0x0  }
0xd6: {  	s16 =	rddreg [dreg:$0x7];
	[sflag:s29] =	ssyncadd.s32 $0xFFFFEC00  }
0xd7: {  	[tilespmem:s31], [sflag:$0x3] =	stream.linear.gather [hbm4b:s16+s8], $0x1400, $0x38;
	[tilespmem:$0x1E800] =	vst v63  }
0xd8: {  	_ =	swait.ge [sflag:s29], $0x1400  }
0xd9: {  	[sflag:s29] =	ssyncset.done $0x0  }
0xda: {  	[sflag:s29] =	ssyncadd.s32 $0xFFFFEC00  }
0xdb: {  	[tilespmem:s28], [sflag:$0x1] =	stream.indirect.gather [hbm4b:s4+s0], $0x80, s30, s0, $0xb8;
	[tilespmem:$0x1E800] =	vst v63  }
0xdc: {  	s13 =	simm.s32 $0x14080  }
0xdd: {  	[tilespmem:s3], [sflag:$0x2] =	stream.indirect.gather [hbm4b:s4+s0], $0x80, s13, s0, $0xb8;
	[tilespmem:$0x1E800] =	vst v63  }
0xde: {  	_ =	swait.ge [sflag:s9], $0x4000  }
0xdf: {  	[sflag:s9] =	ssyncset.done $0x0  }
0xe0: {  	s14 =	simm.s32 $0x15400;
	[sflag:s9] =	ssyncadd.s32 $0xFFFFC000  }
0xe1: {  	[spmem:s1] =	stream.indirect.scatter.add.f32 [tilespmem:s28], [sflag:$0x3], $0x80, s14, s0, $0xb8;
	[tilespmem:$0x1E800] =	vst v63  }
0xe2: {  	_ =	swait.ge [sflag:s29], $0x4000  }
0xe3: {  	[sflag:s29] =	ssyncset.done $0x0  }
0xe4: {  	s15 =	simm.s32 $0x14100;
	[sflag:s29] =	ssyncadd.s32 $0xFFFFC000  }
0xe5: {  	[tilespmem:s28], [sflag:$0x1] =	stream.indirect.gather [hbm4b:s4+s0], $0x80, s15, s0, $0xb8;
	[tilespmem:$0x1E800] =	vst v63  }
0xe6: {  	_ =	swait.ge [sflag:s10], $0x4000  }
0xe7: {  	[sflag:s10] =	ssyncset.done $0x0  }
0xe8: {  	s16 =	simm.s32 $0x15480;
	[sflag:s10] =	ssyncadd.s32 $0xFFFFC000  }
0xe9: {  	[spmem:s1] =	stream.indirect.scatter.add.f32 [tilespmem:s3], [sflag:$0x3], $0x80, s16, s0, $0xb8;
	[tilespmem:$0x1E800] =	vst v63  }
0xea: {  	_ =	swait.ge [sflag:s29], $0x4000  }
0xeb: {  	s8 =	simm.s32 $0x100;
	s13 =	simm.s32 $0x800;
	[sflag:s29] =	ssyncset.done $0x0  }
.LBB2_5:
0xec: {  	s14 =	sadd.s32 $0x14080, s8  }
0xed: {  	[sflag:s29] =	ssyncadd.s32 $0xFFFFC000;
	s15 =	smov.u32 s13;
	s16 =	sadd.s32 $0x400, s13  }
0xee: {  	[tilespmem:s3], [sflag:$0x2] =	stream.indirect.gather [hbm4b:s4+s0], $0x80, s14, s0, $0xb8;
	[tilespmem:$0x1E800] =	vst v63  }
0xef: {  	p1 =	sne.s32 s13, $0x4800;
	_ =	swait.ge [sflag:s9], $0x4000  }
0xf0: {  	[sflag:s9] =	ssyncset.done $0x0  }
0xf1: {  	s13 =	sadd.s32 $0x15400, s8;
	[sflag:s9] =	ssyncadd.s32 $0xFFFFC000  }
0xf2: {  	[spmem:s1] =	stream.indirect.scatter.add.f32 [tilespmem:s28], [sflag:$0x3], $0x80, s13, s0, $0xb8;
	[tilespmem:$0x1E800] =	vst v63  }
0xf3: {  	_ =	swait.ge [sflag:s29], $0x4000  }
0xf4: {  	[sflag:s29] =	ssyncset.done $0x0  }
0xf5: {  	s13 =	sadd.s32 $0x14100, s8;
	[sflag:s29] =	ssyncadd.s32 $0xFFFFC000  }
0xf6: {  	[tilespmem:s28], [sflag:$0x1] =	stream.indirect.gather [hbm4b:s4+s0], $0x80, s13, s0, $0xb8;
	[tilespmem:$0x1E800] =	vst v63  }
0xf7: {  	_ =	swait.ge [sflag:s10], $0x4000  }
.Ltmp4:
0xf8: {  	[sflag:s10] =	ssyncset.done $0x0;
	(pc) =	sbr.rel @p1 .LBB2_5-.Ltmp4, $4  }
0xf9: {  	s8 =	sadd.s32 $0x15480, s8;
	[sflag:s10] =	ssyncadd.s32 $0xFFFFC000  }
0xfa: {  	[spmem:s1] =	stream.indirect.scatter.add.f32 [tilespmem:s3], [sflag:$0x3], $0x80, s8, s0, $0xb8;
	[tilespmem:$0x1E800] =	vst v63  }
0xfb: {  	_ =	swait.ge [sflag:s29], $0x4000  }
0xfc: {  	s13 =	smov.u32 s16;
	s8 =	sshra.s32 s15, $0x2;
	[sflag:s29] =	ssyncset.done $0x0  }
0xfd: {  	s13 =	sadd.s32 $0x14080, s8;
	[sflag:s29] =	ssyncadd.s32 $0xFFFFC000  }
0xfe: {  	[tilespmem:s3], [sflag:$0x2] =	stream.indirect.gather [hbm4b:s4+s0], $0x80, s13, s0, $0xb8;
	[tilespmem:$0x1E800] =	vst v63  }
0xff: {  	_ =	swait.ge [sflag:s9], $0x4000  }
0x100: {  	[sflag:s9] =	ssyncset.done $0x0  }
0x101: {  	s15 =	sadd.s32 $0x15400, s8;
	[sflag:s9] =	ssyncadd.s32 $0xFFFFC000  }
0x102: {  	[spmem:s1] =	stream.indirect.scatter.add.f32 [tilespmem:s28], [sflag:$0x3], $0x80, s15, s0, $0xb8;
	[tilespmem:$0x1E800] =	vst v63  }
0x103: {  	_ =	swait.ge [sflag:s29], $0x4000  }
0x104: {  	[sflag:s29] =	ssyncset.done $0x0  }
0x105: {  	s16 =	sadd.s32 $0x14100, s8;
	[sflag:s29] =	ssyncadd.s32 $0xFFFFC000  }
0x106: {  	[tilespmem:s28], [sflag:$0x1] =	stream.indirect.gather [hbm4b:s4+s0], $0x80, s16, s0, $0xb8;
	[tilespmem:$0x1E800] =	vst v63  }
0x107: {  	_ =	swait.ge [sflag:s10], $0x4000  }
0x108: {  	[sflag:s10] =	ssyncset.done $0x0  }
0x109: {  	s13 =	sadd.s32 $0x15480, s8;
	[sflag:s10] =	ssyncadd.s32 $0xFFFFC000  }
0x10a: {  	[spmem:s1] =	stream.indirect.scatter.add.f32 [tilespmem:s3], [sflag:$0x3], $0x80, s13, s0, $0xb8;
	[tilespmem:$0x1E800] =	vst v63  }
0x10b: {  	_ =	swait.ge [sflag:s29], $0x4000  }
0x10c: {  	[sflag:s29] =	ssyncset.done $0x0  }
0x10d: {  	[sflag:s29] =	ssyncadd.s32 $0xFFFFC000  }
0x10e: {  	[tilespmem:s3], [sflag:$0x2] =	stream.indirect.gather [hbm4b:s4+s0], $0x80, s11, s0, $0xb8;
	[tilespmem:$0x1E800] =	vst v63  }
0x10f: {  	_ =	swait.ge [sflag:s9], $0x4000  }
0x110: {  	[sflag:s9] =	ssyncset.done $0x0  }
0x111: {  	[sflag:s9] =	ssyncadd.s32 $0xFFFFC000  }
0x112: {  	[spmem:s1] =	stream.indirect.scatter.add.f32 [tilespmem:s28], [sflag:$0x3], $0x80, s12, s0, $0xb8;
	[tilespmem:$0x1E800] =	vst v63  }
0x113: {  	_ =	swait.ge [sflag:s29], $0x4000  }
0x114: {  	[sflag:s29] =	ssyncset.done $0x0  }
0x115: {  	[sflag:s29] =	ssyncadd.s32 $0xFFFFC000  }
0x116: {  	_ =	swait.ge [sflag:s10], $0x4000  }
0x117: {  	[sflag:s10] =	ssyncset.done $0x0  }
0x118: {  	[sflag:s10] =	ssyncadd.s32 $0xFFFFC000  }
0x119: {  	[spmem:s1] =	stream.indirect.scatter.add.f32 [tilespmem:s3], [sflag:$0x3], $0x80, s5, s0, $0xb8;
	[tilespmem:$0x1E800] =	vst v63  }
0x11a: {  	_ =	swait.ge [sflag:s29], $0x4000  }
0x11b: {  	[sflag:s29] =	ssyncset.done $0x0  }
0x11c: {  	s14 =	simm.s32 $0x0;
	s15 =	rddreg [dreg:$0x8];
	[sflag:s29] =	ssyncadd.s32 $0xFFFFC000  }
0x11d: {  	[tilespmem:s30], [sflag:$0x3] =	stream.linear.gather [hbm4b:s15+s14], $0x1400, $0x38;
	[tilespmem:$0x1E800] =	vst v63  }
0x11e: {  	_ =	swait.ge [sflag:s29], $0x1400  }
0x11f: {  	[sflag:s29] =	ssyncset.done $0x0  }
0x120: {  	s16 =	rddreg [dreg:$0x9];
	[sflag:s29] =	ssyncadd.s32 $0xFFFFEC00  }
0x121: {  	[tilespmem:s31], [sflag:$0x3] =	stream.linear.gather [hbm4b:s16+s14], $0x1400, $0x38;
	[tilespmem:$0x1E800] =	vst v63  }
0x122: {  	_ =	swait.ge [sflag:s29], $0x1400  }
0x123: {  	[sflag:s29] =	ssyncset.done $0x0  }
0x124: {  	[sflag:s29] =	ssyncadd.s32 $0xFFFFEC00  }
0x125: {  	[tilespmem:s28], [sflag:$0x1] =	stream.indirect.gather [hbm4b:s4+s0], $0x80, s30, s0, $0xb8;
	[tilespmem:$0x1E800] =	vst v63  }
0x126: {  	s13 =	simm.s32 $0x14080  }
0x127: {  	[tilespmem:s3], [sflag:$0x2] =	stream.indirect.gather [hbm4b:s4+s0], $0x80, s13, s0, $0xb8;
	[tilespmem:$0x1E800] =	vst v63  }
0x128: {  	_ =	swait.ge [sflag:s9], $0x4000  }
0x129: {  	[sflag:s9] =	ssyncset.done $0x0  }
0x12a: {  	s14 =	simm.s32 $0x15400;
	[sflag:s9] =	ssyncadd.s32 $0xFFFFC000  }
0x12b: {  	[spmem:s1] =	stream.indirect.scatter.add.f32 [tilespmem:s28], [sflag:$0x3], $0x80, s14, s0, $0xb8;
	[tilespmem:$0x1E800] =	vst v63  }
0x12c: {  	_ =	swait.ge [sflag:s29], $0x4000  }
0x12d: {  	[sflag:s29] =	ssyncset.done $0x0  }
0x12e: {  	s15 =	simm.s32 $0x14100;
	[sflag:s29] =	ssyncadd.s32 $0xFFFFC000  }
0x12f: {  	[tilespmem:s28], [sflag:$0x1] =	stream.indirect.gather [hbm4b:s4+s0], $0x80, s15, s0, $0xb8;
	[tilespmem:$0x1E800] =	vst v63  }
0x130: {  	_ =	swait.ge [sflag:s10], $0x4000  }
0x131: {  	[sflag:s10] =	ssyncset.done $0x0  }
0x132: {  	s16 =	simm.s32 $0x15480;
	[sflag:s10] =	ssyncadd.s32 $0xFFFFC000  }
0x133: {  	[spmem:s1] =	stream.indirect.scatter.add.f32 [tilespmem:s3], [sflag:$0x3], $0x80, s16, s0, $0xb8;
	[tilespmem:$0x1E800] =	vst v63  }
0x134: {  	_ =	swait.ge [sflag:s29], $0x4000  }
0x135: {  	s8 =	simm.s32 $0x100;
	s13 =	simm.s32 $0x800;
	[sflag:s29] =	ssyncset.done $0x0  }
.LBB2_7:
0x136: {  	s14 =	sadd.s32 $0x14080, s8  }
0x137: {  	[sflag:s29] =	ssyncadd.s32 $0xFFFFC000;
	s15 =	smov.u32 s13;
	s16 =	sadd.s32 $0x400, s13  }
0x138: {  	[tilespmem:s3], [sflag:$0x2] =	stream.indirect.gather [hbm4b:s4+s0], $0x80, s14, s0, $0xb8;
	[tilespmem:$0x1E800] =	vst v63  }
0x139: {  	p1 =	sne.s32 s13, $0x4800;
	_ =	swait.ge [sflag:s9], $0x4000  }
0x13a: {  	[sflag:s9] =	ssyncset.done $0x0  }
0x13b: {  	s13 =	sadd.s32 $0x15400, s8;
	[sflag:s9] =	ssyncadd.s32 $0xFFFFC000  }
0x13c: {  	[spmem:s1] =	stream.indirect.scatter.add.f32 [tilespmem:s28], [sflag:$0x3], $0x80, s13, s0, $0xb8;
	[tilespmem:$0x1E800] =	vst v63  }
0x13d: {  	_ =	swait.ge [sflag:s29], $0x4000  }
0x13e: {  	[sflag:s29] =	ssyncset.done $0x0  }
0x13f: {  	s13 =	sadd.s32 $0x14100, s8;
	[sflag:s29] =	ssyncadd.s32 $0xFFFFC000  }
0x140: {  	[tilespmem:s28], [sflag:$0x1] =	stream.indirect.gather [hbm4b:s4+s0], $0x80, s13, s0, $0xb8;
	[tilespmem:$0x1E800] =	vst v63  }
0x141: {  	_ =	swait.ge [sflag:s10], $0x4000  }
.Ltmp5:
0x142: {  	[sflag:s10] =	ssyncset.done $0x0;
	(pc) =	sbr.rel @p1 .LBB2_7-.Ltmp5, $4  }
0x143: {  	s8 =	sadd.s32 $0x15480, s8;
	[sflag:s10] =	ssyncadd.s32 $0xFFFFC000  }
0x144: {  	[spmem:s1] =	stream.indirect.scatter.add.f32 [tilespmem:s3], [sflag:$0x3], $0x80, s8, s0, $0xb8;
	[tilespmem:$0x1E800] =	vst v63  }
0x145: {  	_ =	swait.ge [sflag:s29], $0x4000  }
0x146: {  	s13 =	smov.u32 s16;
	s8 =	sshra.s32 s15, $0x2;
	[sflag:s29] =	ssyncset.done $0x0  }
.Ltmp6:
0x147: {  	_ = 	snop;
	(pc) =	sbr.rel .LBB2_8-.Ltmp6, $1  }
0x148: {  	_ =	sdelay $0x3  }
.LBB2_10:
0x149: {  	_ =	sfence.sel $0x180000  }
0x14a: {  	[bflag:$0x0] =	sbarrier.arrive $0xFFFF  }
0x14b: {  	_ =	strace $0x9000004A  }
0x14c: {  	s0 =	stileid.u32;
	[bflag:$0x2] =	sbarrier.arrive $0xFFFF  }
0x14d: {  	p0 =	sne.s32 s0, $0x0;
	s0 =	rddreg [dreg:$0x2]  }
0x14e: {  	s0 =	sadd.s32 @!p0 $0x100000, s0  }
0x14f: {  	[sflag:s0] =	ssyncadd.tile.s32 @!p0 $0x1;
	_ =	shalt  }
.Lfunc_end2:
_tile_overlayer_lowered:
.L_overlay_start_2:
0x150: {  	(tag) =	ssettag $0x2  }
0x151: {  	s0 =	rddreg [dreg:$0x0];
	s2 =	stileid.u32  }
0x152: {  	s1 =	rddreg [dreg:$0x1];
	p0 =	sne.s32 s2, $0x0  }
0x153: {  	s3 =	rddreg [dreg:$0x2];
	[bflag:$0x3] =	sbarrier.arrive $0xFFFF;
	s2 =	simm.s32 @!p0 $0x1C03  }
0x154: {  	[timem:s3], [sflag:s2] =	dma.local @!p0 [hbm:s0], s1  }
0x155: {  	s0 =	simm.s32 @!p0 $0x3  }
0x156: {  	_ =	swait.ge @!p0 [sflag:s0], s1  }
0x157: {  	s1 =	ssub.s32 @!p0 $0x0, s1;
	[sflag:s0] =	ssyncset.done @!p0 $0x0  }
0x158: {  	[sflag:s0] =	ssyncadd.s32 @!p0 s1  }
0x159: {  	[bflag:$0x3] =	sbarrier.arrive $0xFFFF  }
0x15a: {  	_ =	shalt  }

// kernel: kernel.16.cloned.1.call-start
scs
__scs_entry_jumppad:
0x0: {  	(pc) =	sbr.rel $0x88, $3  }
0x1: {  	(tag) =	ssettag $0x0;
	lr =	simm.s32 $0x1  }
0x2: {  	[smem:$0x3F97] =	sst lr;
	_ =	strace $0xD0000000  }
0x3: {  	_ = 	snop  }
0x4: {  	_ = 	snop  }
0x5: {  	_ = 	snop  }
0x6: {  	_ = 	snop  }
0x7: {  	_ = 	snop  }
__scs_overlays_trampoline_lowered:
0x8: {  	[smem:$0x3FA6] =	sst s0  }
0x9: {  	[smem:$0x3FA7] =	sst s1  }
0xa: {  	[smem:$0x3FA8] =	sst s2  }
0xb: {  	[smem:$0x3FA9] =	sst s3  }
0xc: {  	[smem:$0x3FAA] =	sst s4  }
0xd: {  	[smem:$0x3FAB] =	sst s5  }
0xe: {  	[smem:$0x3FAC] =	sst s6  }
0xf: {  	[smem:$0x3FAD] =	sst s7  }
0x10: {  	[smem:$0x3FAE] =	sst s8  }
0x11: {  	[smem:$0x3FAF] =	sst s9;
	s0 =	simm.s32 @!p0 $0x0  }
0x12: {  	s1 =	sld [smem:$0x3F95];
	s0 =	simm.s32 @p0 $0x1  }
0x13: {  	[smem:$0x3FB0] =	sst s0;
	s0 =	simm.s32 @!p1 $0x0  }
0x14: {  	s2 =	sld [smem:$0x3F94];
	s0 =	simm.s32 @p1 $0x1  }
0x15: {  	[smem:$0x3FB1] =	sst s0;
	s0 =	simm.s32 @!p2 $0x0  }
0x16: {  	s3 =	sld [smem:$0x3FDB];
	s0 =	simm.s32 @p2 $0x1  }
0x17: {  	s4 =	simm.s32 $0x1BF5;
	[smem:$0x3FB3] =	sst s0  }
0x18: {  	s0 =	sld [smem:$0x3F96];
	_ =	swait.ge [sflag:s4], $0x0  }
0x19: {  	s7 =	sld [smem:$0x3F97]  }
0x1a: {  	s8 =	sadd.s32 $0xFFFFE003, lr  }
0x1b: {  	s9 =	sadd.s32 $0xFFFFFEF7, lr;
	s5 =	simm.s32 $0xFFFFFFFF;
	p2 =	slt.u32 s8, $0xFFFFF086  }
0x1c: {  	p1 =	slt.u32 s9, $0xF7A;
	s5 =	simm.s32 @!p2 $0x0  }
0x1d: {  	s5 =	simm.s32 @p1 $0x1;
	p0 =	seq.s32 s7, s2  }
0x1e: {  	s7 =	smul.u32 @!p0 $0xF7A, s2;
	p2 =	seq.s32 @!p0 s5, $0x0  }
0x1f: {  	s9 =	smul.u32 $0xF7A, s1;
	s8 =	simm.s32 @!p0 $0x1BF5;
	p2 =	por !p2, p0  }
0x20: {  	[sflag:s8] =	ssyncset.s32 @!p0 $0xFFFFF086;
	s6 =	sadd.s32 @!p0 s3, s7;
	s7 =	simm.s32 @!p0 $0x108  }
0x21: {  	s3 =	sadd.s32 s3, s9;
	s6 =	sadd.s32 @!p0 $0x88, s6;
	s7 =	simm.s32 @p2 $0x1082  }
0x22: {  	[simem:s7], [sflag:s8] =	dma.local @!p0 [hbm:s6], $0xF7A  }
0x23: {  	s9 =	sor.u32 $0xD0000000, s2;
	s6 =	simm.s32 $0x108;
	_ =	swait.ge @!p0 [sflag:s8], $0x0  }
0x24: {  	s3 =	sadd.s32 $0x88, s3;
	s6 =	simm.s32 @!p1 $0x1082;
	[sflag:s4] =	ssyncset.s32 $0xFFFFF086  }
0x25: {  	[simem:s6], [sflag:s4] =	dma.local [hbm:s3], $0xF7A  }
0x26: {  	[smem:$0x3F97] =	sst s1;
	(tag) =	ssettag s2;
	_ =	strace s9  }
0x27: {  	s1 =	sld [smem:$0x3FA7]  }
0x28: {  	s2 =	sld [smem:$0x3FA8]  }
0x29: {  	s4 =	sld [smem:$0x3FAA]  }
0x2a: {  	p0 =	seq.s32 s5, $0x0;
	s5 =	sld [smem:$0x3FAB]  }
0x2b: {  	s6 =	sld [smem:$0x3FAC]  }
0x2c: {  	s7 =	sld [smem:$0x3FAD]  }
0x2d: {  	s3 =	simm.s32 $0x108;
	s8 =	sld [smem:$0x3FAE]  }
0x2e: {  	s3 =	simm.s32 @!p0 $0x1082;
	s9 =	sld [smem:$0x3FAF]  }
0x2f: {  	lr =	sadd.s32 s0, s3;
	s0 =	sld [smem:$0x3FA6]  }
0x30: {  	s3 =	sld [smem:$0x3FA9]  }
0x31: {  	[smem:$0x3FB2] =	sst s10  }
0x32: {  	s10 =	sld [smem:$0x3FB0];
	_ =	sdelay $0x3  }
0x33: {  	p0 =	seq.s32 s10, $0x1;
	s10 =	sld [smem:$0x3FB2];
	_ =	sdelay $0x3  }
0x34: {  	[smem:$0x3FB2] =	sst s10  }
0x35: {  	s10 =	sld [smem:$0x3FB1];
	_ =	sdelay $0x3  }
0x36: {  	p1 =	seq.s32 s10, $0x1;
	s10 =	sld [smem:$0x3FB2];
	_ =	sdelay $0x3  }
0x37: {  	[smem:$0x3FB2] =	sst s10  }
0x38: {  	s10 =	sld [smem:$0x3FB3]  }
0x39: {  	_ = 	snop;
	(pc) =	sbr.ind lr, $3  }
0x3a: {  	_ = 	snop  }
0x3b: {  	_ = 	snop  }
0x3c: {  	p2 =	seq.s32 s10, $0x1;
	s10 =	sld [smem:$0x3FB2]  }
0x3d: {  	_ =	shalt  }
0x3e: {  	_ =	shalt  }
0x3f: {  	_ =	shalt  }
0x40: {  	_ =	shalt  }
0x41: {  	_ =	shalt  }
0x42: {  	_ =	shalt  }
0x43: {  	_ =	shalt  }
0x44: {  	_ =	shalt  }
0x45: {  	_ =	shalt  }
0x46: {  	_ =	shalt  }
0x47: {  	_ =	shalt  }
0x48: {  	_ =	shalt  }
0x49: {  	_ =	shalt  }
0x4a: {  	_ =	shalt  }
0x4b: {  	_ =	shalt  }
0x4c: {  	_ =	shalt  }
0x4d: {  	_ =	shalt  }
0x4e: {  	_ =	shalt  }
0x4f: {  	_ =	shalt  }
0x50: {  	_ =	shalt  }
0x51: {  	_ =	shalt  }
0x52: {  	_ =	shalt  }
0x53: {  	_ =	shalt  }
0x54: {  	_ =	shalt  }
0x55: {  	_ =	shalt  }
0x56: {  	_ =	shalt  }
0x57: {  	_ =	shalt  }
0x58: {  	_ =	shalt  }
0x59: {  	_ =	shalt  }
0x5a: {  	_ =	shalt  }
0x5b: {  	_ =	shalt  }
0x5c: {  	_ =	shalt  }
0x5d: {  	_ =	shalt  }
0x5e: {  	_ =	shalt  }
0x5f: {  	_ =	shalt  }
0x60: {  	_ =	shalt  }
0x61: {  	_ =	shalt  }
0x62: {  	_ =	shalt  }
0x63: {  	_ =	shalt  }
0x64: {  	_ =	shalt  }
0x65: {  	_ =	shalt  }
0x66: {  	_ =	shalt  }
0x67: {  	_ =	shalt  }
0x68: {  	_ =	shalt  }
0x69: {  	_ =	shalt  }
0x6a: {  	_ =	shalt  }
0x6b: {  	_ =	shalt  }
0x6c: {  	_ =	shalt  }
0x6d: {  	_ =	shalt  }
0x6e: {  	_ =	shalt  }
0x6f: {  	_ =	shalt  }
0x70: {  	_ =	shalt  }
0x71: {  	_ =	shalt  }
0x72: {  	_ =	shalt  }
0x73: {  	_ =	shalt  }
0x74: {  	_ =	shalt  }
0x75: {  	_ =	shalt  }
0x76: {  	_ =	shalt  }
0x77: {  	_ =	shalt  }
0x78: {  	_ =	shalt  }
0x79: {  	_ =	shalt  }
0x7a: {  	_ =	shalt  }
0x7b: {  	_ =	shalt  }
0x7c: {  	_ =	shalt  }
0x7d: {  	_ =	shalt  }
0x7e: {  	_ =	shalt  }
0x7f: {  	_ =	shalt  }
0x80: {  	_ =	shalt  }
0x81: {  	_ =	shalt  }
0x82: {  	_ =	shalt  }
0x83: {  	_ =	shalt  }
0x84: {  	_ =	shalt  }
0x85: {  	_ =	shalt  }
0x86: {  	_ =	shalt  }
0x87: {  	_ =	shalt  }
.Lfunc_end0:
.L_simem_size_0:
called_computation.2_lowered:
.L_overlay_start_0:
0x88: {  	s2 =	sld [smem:$0x3FD9]  }
0x89: {  	s3 =	sld [smem:$0x3FFE];
	_ =	sdelay $0x1  }
0x8a: {  	s1 =	srdreg.scid  }
0x8b: {  	s0 =	sand.u32 $0x1, s1  }
0x8c: {  	s16 =	sshll.u32 s0, $0xA;
	s2 =	sadd.s32 s3, s2  }
0x8d: {  	s2 =	sadd.s32 s2, s16  }
0x8e: {  	[smem:$0x3FBE] =	sst s2  }
0x8f: {  	_ = 	snop  }
0x90: {  	(tm) =	ssettm $0x1  }
0x91: {  	s17 =	sld [smem:$0x3FFB];
	_ =	sdelay $0x3  }
0x92: {  	_ =	strace s17  }
0x93: {  	s2 =	sld [smem:$0x3FFC];
	_ =	sdelay $0x3  }
0x94: {  	_ =	strace s2  }
0x95: {  	s2 =	sld [smem:$0x3FFD];
	_ =	sdelay $0x3  }
0x96: {  	_ =	strace s2  }
0x97: {  	_ =	strace $0x8FFFFFFF  }
0x98: {  	s18 =	sld [smem:$0x3FDB];
	_ =	sdelay $0x1  }
0x99: {  	s19 =	simm.s32 $_scs_section_size  }
0x9a: {  	s4 =	simm.s32 $_size__tile_overlayer_lowered;
	s5 =	simm.s32 $_tile_overlayer_lowered  }
0x9b: {  	s22 =	simm.s32 $0x1BFF;
	s21 =	sshll.u32 s5, $0x1;
	s2 =	sadd.s32 s19, s18  }
0x9c: {  	s6 =	simm.s32 $0x0;
	s20 =	sshll.u32 s4, $0x1;
	s4 =	sadd.s32 s21, s2  }
0x9d: {  	[timem:s6], [sflag:s22] =	dma.local [hbm:s4], s20  }
0x9e: {  	_ =	swait.ge [sflag:s22], s20  }
0x9f: {  	s3 =	ssub.s32 $0x0, s20;
	[sflag:s22] =	ssyncset.done $0x0  }
0xa0: {  	[sflag:s22] =	ssyncadd.s32 s3;
	_ =	sdelay $0x1  }
0xa1: {  	s23 =	simm.s32 $0x1B8B  }
0xa2: {  	_ =	swait.ge [sflag:s23], $0x1  }
0xa3: {  	[sflag:s23] =	ssyncset.done $0x0  }
0xa4: {  	s25 =	simm.s32 $0x1B8E;
	s24 =	sld [smem:$0x3FFE];
	[sflag:s23] =	ssyncadd.s32 $0xFFFFFFFF  }
0xa5: {  	s26 =	simm.s32 $execute0_lowered;
	[smem:$0x3FD2] =	sst s25  }
0xa6: {  	s4 =	sshll.u32 s26, $0x1;
	_ =	strace $0x8000004C;
	[dreg:$0x1] =	wrdreg $0xFFFFFFFF  }
0xa7: {  	s28 =	simm.s32 $_size_execute0_lowered;
	s2 =	sadd.s32 s2, s4;
	[dreg:$0x0] =	wrdreg $0x0  }
0xa8: {  	s4 =	sshll.u32 s28, $0x1;
	[dreg:$0x2] =	wrdreg s2  }
0xa9: {  	[dreg:$0x3] =	wrdreg s4  }
0xaa: {  	[dreg:$0x4] =	wrdreg $0xC0  }
0xab: {  	_ =	task [dreg:s6], $0x5FFFF  }
0xac: {  	[dreg:$0x1] =	wrdreg $0xFFFFFFFF  }
0xad: {  	[dreg:$0x0] =	wrdreg $0x60  }
0xae: {  	[dreg:$0x2] =	wrdreg s24  }
0xaf: {  	[dreg:$0x3] =	wrdreg $0x0  }
0xb0: {  	[dreg:$0x4] =	wrdreg $0x9  }
0xb1: {  	_ =	task.clear_ibuf [dreg:s6], $0x5FFFF;
	_ =	strace $0x9000004C  }
0xb2: {  	s29 =	simm.s32 $0x9;
	_ =	strace $0x8000004E  }
0xb3: {  	_ =	swait.ge [sflag:s29], $0x1  }
0xb4: {  	[sflag:s29] =	ssyncadd.s32 $0xFFFFFFFF  }
0xb5: {  	_ =	strace $0x9000004E  }
0xb6: {  	_ =	sfence  }
0xb7: {  	s30 =	sld [smem:$0x0];
	_ =	sdelay $0x2  }
0xb8: {  	s31 =	sshll.u32 s1, $0xD;
	s1 =	sshrl.u32 s1, $0x2  }
0xb9: {  	s3 =	sand.u32 $0x4000, s31;
	s1 =	sadd.s32 s1, s30  }
0xba: {  	s0 =	sor.u32 s3, s0;
	s1 =	sshll.u32 s1, $0x11  }
0xbb: {  	s0 =	sor.u32 s1, s0  }
0xbc: {  	s0 =	sadd.s32 $0x8F2B, s0  }
0xbd: {  	[sflag:s0] =	ssyncadd.remote.s32 $0x1  }
0xbe: {  	_ =	sfence.sel $0xFFFF  }
0xbf: {  	[dreg:$0x0] =	wrdreg $0xFFFFFFFF;
	(pc) =	sbr.abs _section_cstart, $3  }
0xc0: {  	[dreg:$0x1] =	wrdreg $0xFFFFFFFF  }
0xc1: {  	_ =	task.clear_ibuf [dreg:s6], $0x2FFFF;
	_ =	strace $0x9FFFFFFF  }
0xc2: {  	(tm) =	ssettm $0x7FFFFFFF  }
0xc3: {  	_ =	shalt  }
tec
execute0_lowered:
.L_overlay_start_1:
0x0: {  	(tag) =	ssettag $0x1  }
0x1: {  	s0 =	rddreg [dreg:$0x0]  }
0x2: {  	s1 =	rddreg [dreg:$0x1];
	s2 =	simm.s32 $0x0  }
0x3: {  	s5 =	srdreg.scid;
	s13 =	stileid.u32;
	s28 =	simm.s32 $0x16800  }
0x4: {  	s29 =	simm.s32 $0x3;
	s30 =	simm.s32 $0x14000;
	s6 =	smul.u32 $0x28, s13  }
0x5: {  	s31 =	simm.s32 $0x15400;
	[smem:$0x7FF] =	sst s2;
	s9 =	smul.u32 $0x78, s13  }
0x6: {  	s4 =	sadd.s32 $0x17800, s0;
	s3 =	sadd.s32 $0x3000, s0;
	s10 =	smul.u32 $0x50000, s13  }
0x7: {  	s7 =	sadd.s32 $0xD000, s0;
	s5 =	sand.u32 $0x1, s5;
	s12 =	smul.u32 $0x3C00, s13  }
0x8: {  	s8 =	sadd.s32 $0x17000, s0;
	s0 =	sadd.s32 $0x3EA00, s0;
	s19 =	smul.u32 $0x14000, s13  }
0x9: {  	_ =	strace $0x8000004D;
	[dreg:$0x3] =	wrdreg s8;
	s24 =	ssub.s32 $0x2, s5  }
0xa: {  	p0 =	seq.s32 s5, $0x0;
	s17 =	smul.u32 $0x140000, s5;
	s6 =	sadd.s32 $0x780, s6  }
0xb: {  	s11 =	sshrl.u32 s24, $0x1;
	s25 =	sshrl.u32 s10, $0x2;
	s16 =	sshrl.u32 s12, $0x3  }
0xc: {  	s23 =	sadd.s32 $0x4000, s19;
	s12 =	sadd.s32 $0x10000, s19;
	s6 =	smov.u32 @p0 s9  }
0xd: {  	s8 =	ssub.s32 s24, s11;
	s18 =	sadd.s32 $0x280, s16;
	s9 =	sadd.s32 $0x500, s16  }
0xe: {  	s22 =	sadd.s32 s17, s19;
	s16 =	sadd.s32 $0xC000, s19;
	s10 =	sadd.s32 s17, s12  }
0xf: {  	p0 =	sne.s32 s5, $0x0;
	s5 =	simm.s32 $0x16780;
	s26 =	sshll.u32 s6, $0x4  }
0x10: {  	s6 =	sadd.s32 s25, s1;
	s20 =	sadd.s32 s3, s18;
	s11 =	sadd.s32 s7, s18  }
0x11: {  	s21 =	sadd.s32 s7, s9;
	s8 =	smax.u32 s8, $0x1;
	[dreg:$0x6] =	wrdreg s20  }
0x12: {  	s25 =	sadd.s32 s17, s16;
	s14 =	sadd.s32 s3, s26;
	[dreg:$0x7] =	wrdreg s11  }
0x13: {  	s15 =	sadd.s32 s7, s26;
	s3 =	sadd.s32 s3, s9;
	[dreg:$0x9] =	wrdreg s21  }
0x14: {  	[dreg:$0xa] =	wrdreg s8;
	s11 =	sadd.s32 s17, s23;
	s13 =	sadd.s32 $0x4000, s6  }
0x15: {  	s26 =	sshrl.u32 s10, $0x3;
	s20 =	sadd.s32 $0x8000, s6;
	[dreg:$0x4] =	wrdreg s14  }
0x16: {  	s21 =	sadd.s32 $0xC000, s6;
	s10 =	simm.s32 $0x2;
	[dreg:$0x5] =	wrdreg s15  }
0x17: {  	s7 =	simm.s32 $0x0;
	[dreg:$0x8] =	wrdreg s3;
	s3 =	sshrl.u32 s22, $0x3  }
0x18: {  	[dreg:$0xb] =	wrdreg s13;
	s14 =	sshrl.u32 s11, $0x3;
	s15 =	sadd.s32 $0x8000, s19  }
0x19: {  	s11 =	sshrl.u32 s25, $0x3;
	s19 =	sadd.s32 s0, s26;
	s22 =	sadd.s32 s23, s1  }
0x1a: {  	s25 =	sadd.s32 s12, s1;
	s26 =	sadd.s32 $0x10000, s6;
	s12 =	simm.s32 $0x16700  }
.Ltmp0:
0x1b: {  	s3 =	sadd.s32 s0, s3;
	s24 =	sadd.s32 s17, s15;
	(pc) =	sbr.rel .LBB2_1-.Ltmp0, $4  }
0x1c: {  	s18 =	sadd.s32 s0, s11;
	s23 =	sadd.s32 s15, s1;
	s11 =	simm.s32 $0x15380  }
0x1d: {  	[dreg:$0xc] =	wrdreg s3;
	s3 =	sadd.s32 s0, s14;
	s9 =	sshrl.u32 s24, $0x3  }
0x1e: {  	s24 =	sadd.s32 s16, s1;
	[dreg:$0xd] =	wrdreg s3;
	s17 =	sadd.s32 s0, s9  }
0x1f: {  	s0 =	simm.s32 $0x80;
	s3 =	simm.s32 $0x1A800;
	s9 =	simm.s32 $0x1  }
.LBB2_8:
0x20: {  	s13 =	sadd.s32 $0x14080, s8;
	[sflag:s29] =	ssyncadd.s32 $0xFFFFC000  }
0x21: {  	[tilespmem:s3], [sflag:$0x2] =	stream.indirect.gather [hbm4b:s4+s0], $0x80, s13, s0, $0xb8;
	[tilespmem:$0x1E800] =	vst v63  }
0x22: {  	_ =	swait.ge [sflag:s9], $0x4000  }
0x23: {  	[sflag:s9] =	ssyncset.done $0x0  }
0x24: {  	s14 =	sadd.s32 $0x15400, s8;
	[sflag:s9] =	ssyncadd.s32 $0xFFFFC000  }
0x25: {  	[spmem:s1] =	stream.indirect.scatter.add.f32 [tilespmem:s28], [sflag:$0x3], $0x80, s14, s0, $0xb8;
	[tilespmem:$0x1E800] =	vst v63  }
0x26: {  	_ =	swait.ge [sflag:s29], $0x4000  }
0x27: {  	[sflag:s29] =	ssyncset.done $0x0  }
0x28: {  	s15 =	sadd.s32 $0x14100, s8;
	[sflag:s29] =	ssyncadd.s32 $0xFFFFC000  }
0x29: {  	[tilespmem:s28], [sflag:$0x1] =	stream.indirect.gather [hbm4b:s4+s0], $0x80, s15, s0, $0xb8;
	[tilespmem:$0x1E800] =	vst v63  }
0x2a: {  	_ =	swait.ge [sflag:s10], $0x4000  }
0x2b: {  	[sflag:s10] =	ssyncset.done $0x0  }
0x2c: {  	s16 =	sadd.s32 $0x15480, s8;
	[sflag:s10] =	ssyncadd.s32 $0xFFFFC000  }
0x2d: {  	[spmem:s1] =	stream.indirect.scatter.add.f32 [tilespmem:s3], [sflag:$0x3], $0x80, s16, s0, $0xb8;
	[tilespmem:$0x1E800] =	vst v63  }
0x2e: {  	_ =	swait.ge [sflag:s29], $0x4000  }
0x2f: {  	[sflag:s29] =	ssyncset.done $0x0  }
0x30: {  	[sflag:s29] =	ssyncadd.s32 $0xFFFFC000  }
0x31: {  	[tilespmem:s3], [sflag:$0x2] =	stream.indirect.gather [hbm4b:s4+s0], $0x80, s11, s0, $0xb8;
	[tilespmem:$0x1E800] =	vst v63  }
0x32: {  	_ =	swait.ge [sflag:s9], $0x4000  }
0x33: {  	[sflag:s9] =	ssyncset.done $0x0  }
0x34: {  	[sflag:s9] =	ssyncadd.s32 $0xFFFFC000  }
0x35: {  	[spmem:s1] =	stream.indirect.scatter.add.f32 [tilespmem:s28], [sflag:$0x3], $0x80, s12, s0, $0xb8;
	[tilespmem:$0x1E800] =	vst v63  }
0x36: {  	_ =	swait.ge [sflag:s29], $0x4000  }
0x37: {  	[sflag:s29] =	ssyncset.done $0x0  }
0x38: {  	[sflag:s29] =	ssyncadd.s32 $0xFFFFC000  }
0x39: {  	_ =	swait.ge [sflag:s10], $0x4000  }
0x3a: {  	[sflag:s10] =	ssyncset.done $0x0  }
0x3b: {  	[sflag:s10] =	ssyncadd.s32 $0xFFFFC000  }
0x3c: {  	[spmem:s1] =	stream.indirect.scatter.add.f32 [tilespmem:s3], [sflag:$0x3], $0x80, s5, s0, $0xb8;
	[tilespmem:$0x1E800] =	vst v63  }
0x3d: {  	_ =	swait.ge [sflag:s29], $0x4000  }
0x3e: {  	[sflag:s29] =	ssyncset.done $0x0  }
0x3f: {  	[sflag:s29] =	ssyncadd.s32 $0xFFFFC000  }
.LBB2_9:
0x40: {  	[bflag:$0x0] =	sbarrier.arrive $0xFFFF  }
0x41: {  	[tilespmem:s28], [sflag:$0x3] =	stream.linear.gather [spmem:s6], $0x4000, $0x38;
	[tilespmem:$0x1E800] =	vst v63  }
0x42: {  	_ =	swait.ge [sflag:s29], $0x4000  }
0x43: {  	[sflag:s29] =	ssyncset.done $0x0  }
0x44: {  	s8 =	rddreg [dreg:$0xc];
	[sflag:s29] =	ssyncadd.s32 $0xFFFFC000  }
0x45: {  	[hbm4b:s8+s2] =	stream.linear.scatter [tilespmem:s28], [sflag:$0x3], $0x4000, $0x38;
	[tilespmem:$0x1E800] =	vst v63  }
0x46: {  	_ =	swait.ge [sflag:s29], $0x4000  }
0x47: {  	[sflag:s29] =	ssyncset.done $0x0  }
0x48: {  	[sflag:s29] =	ssyncadd.s32 $0xFFFFC000  }
0x49: {  	[tilespmem:s28], [sflag:$0x3] =	stream.linear.gather [spmem:s22], $0x4000, $0x38;
	[tilespmem:$0x1E800] =	vst v63  }
0x4a: {  	_ =	swait.ge [sflag:s29], $0x4000  }
0x4b: {  	[sflag:s29] =	ssyncset.done $0x0  }
0x4c: {  	s15 =	rddreg [dreg:$0xd];
	[sflag:s29] =	ssyncadd.s32 $0xFFFFC000  }
0x4d: {  	[hbm4b:s15+s2] =	stream.linear.scatter [tilespmem:s28], [sflag:$0x3], $0x4000, $0x38;
	[tilespmem:$0x1E800] =	vst v63  }
0x4e: {  	_ =	swait.ge [sflag:s29], $0x4000  }
0x4f: {  	[sflag:s29] =	ssyncset.done $0x0  }
0x50: {  	[sflag:s29] =	ssyncadd.s32 $0xFFFFC000  }
0x51: {  	[tilespmem:s28], [sflag:$0x3] =	stream.linear.gather [spmem:s23], $0x4000, $0x38;
	[tilespmem:$0x1E800] =	vst v63  }
0x52: {  	_ =	swait.ge [sflag:s29], $0x4000  }
0x53: {  	[sflag:s29] =	ssyncset.done $0x0  }
0x54: {  	[sflag:s29] =	ssyncadd.s32 $0xFFFFC000  }
0x55: {  	[hbm4b:s17+s2] =	stream.linear.scatter [tilespmem:s28], [sflag:$0x3], $0x4000, $0x38;
	[tilespmem:$0x1E800] =	vst v63  }
0x56: {  	_ =	swait.ge [sflag:s29], $0x4000  }
0x57: {  	[sflag:s29] =	ssyncset.done $0x0  }
0x58: {  	[sflag:s29] =	ssyncadd.s32 $0xFFFFC000  }
0x59: {  	[tilespmem:s28], [sflag:$0x3] =	stream.linear.gather [spmem:s24], $0x4000, $0x38;
	[tilespmem:$0x1E800] =	vst v63  }
0x5a: {  	_ =	swait.ge [sflag:s29], $0x4000  }
0x5b: {  	[sflag:s29] =	ssyncset.done $0x0  }
0x5c: {  	[sflag:s29] =	ssyncadd.s32 $0xFFFFC000  }
0x5d: {  	[hbm4b:s18+s2] =	stream.linear.scatter [tilespmem:s28], [sflag:$0x3], $0x4000, $0x38;
	[tilespmem:$0x1E800] =	vst v63  }
0x5e: {  	_ =	swait.ge [sflag:s29], $0x4000  }
0x5f: {  	[sflag:s29] =	ssyncset.done $0x0  }
0x60: {  	[sflag:s29] =	ssyncadd.s32 $0xFFFFC000  }
0x61: {  	[tilespmem:s28], [sflag:$0x3] =	stream.linear.gather [spmem:s25], $0x4000, $0x38;
	[tilespmem:$0x1E800] =	vst v63  }
0x62: {  	_ =	swait.ge [sflag:s29], $0x4000  }
0x63: {  	[sflag:s29] =	ssyncset.done $0x0  }
0x64: {  	[sflag:s29] =	ssyncadd.s32 $0xFFFFC000  }
0x65: {  	[hbm4b:s19+s2] =	stream.linear.scatter [tilespmem:s28], [sflag:$0x3], $0x4000, $0x38;
	[tilespmem:$0x1E800] =	vst v63  }
0x66: {  	_ =	swait.ge [sflag:s29], $0x4000  }
0x67: {  	s7 =	sadd.s32 $0x1, s7;
	s16 =	rddreg [dreg:$0xa]  }
0x68: {  	p1 =	sne.s32 s7, s16  }
.Ltmp1:
0x69: {  	_ = 	snop;
	(pc) =	sbr.rel @!p1 .LBB2_10-.Ltmp1, $3  }
0x6a: {  	_ =	sdelay $0x1  }
0x6b: {  	[sflag:s29] =	ssyncset.done $0x0  }
0x6c: {  	[sflag:s29] =	ssyncadd.s32 $0xFFFFC000  }
.LBB2_1:
0x6d: {  	s8 =	rddreg [dreg:$0x3]  }
0x6e: {  	[tilespmem:s28], [sflag:$0x3] =	stream.linear.gather [hbm4b:s8+s2], $0x4000, $0x38;
	[tilespmem:$0x1E800] =	vst v63  }
0x6f: {  	_ =	swait.ge [sflag:s29], $0x4000  }
0x70: {  	[sflag:s29] =	ssyncset.done $0x0  }
0x71: {  	[sflag:s29] =	ssyncadd.s32 $0xFFFFC000  }
0x72: {  	[spmem:s6] =	stream.linear.scatter [tilespmem:s28], [sflag:$0x3], $0x4000, $0x38;
	[tilespmem:$0x1E800] =	vst v63  }
0x73: {  	_ =	swait.ge [sflag:s29], $0x4000  }
0x74: {  	[sflag:s29] =	ssyncset.done $0x0  }
0x75: {  	s14 =	rddreg [dreg:$0xb];
	[sflag:s29] =	ssyncadd.s32 $0xFFFFC000  }
0x76: {  	[spmem:s14] =	stream.linear.scatter [tilespmem:s28], [sflag:$0x3], $0x4000, $0x38;
	[tilespmem:$0x1E800] =	vst v63  }
0x77: {  	_ =	swait.ge [sflag:s29], $0x4000  }
0x78: {  	[sflag:s29] =	ssyncset.done $0x0  }
0x79: {  	[sflag:s29] =	ssyncadd.s32 $0xFFFFC000  }
0x7a: {  	[spmem:s20] =	stream.linear.scatter [tilespmem:s28], [sflag:$0x3], $0x4000, $0x38;
	[tilespmem:$0x1E800] =	vst v63  }
0x7b: {  	_ =	swait.ge [sflag:s29], $0x4000  }
0x7c: {  	[sflag:s29] =	ssyncset.done $0x0  }
0x7d: {  	[sflag:s29] =	ssyncadd.s32 $0xFFFFC000  }
0x7e: {  	[spmem:s21] =	stream.linear.scatter [tilespmem:s28], [sflag:$0x3], $0x4000, $0x38;
	[tilespmem:$0x1E800] =	vst v63  }
0x7f: {  	_ =	swait.ge [sflag:s29], $0x4000  }
0x80: {  	[sflag:s29] =	ssyncset.done $0x0  }
0x81: {  	[sflag:s29] =	ssyncadd.s32 $0xFFFFC000  }
0x82: {  	[spmem:s26] =	stream.linear.scatter [tilespmem:s28], [sflag:$0x3], $0x4000, $0x38;
	[tilespmem:$0x1E800] =	vst v63  }
0x83: {  	_ =	swait.ge [sflag:s29], $0x4000  }
0x84: {  	[sflag:s29] =	ssyncset.done $0x0  }
0x85: {  	[sflag:s29] =	ssyncadd.s32 $0xFFFFC000  }
0x86: {  	[bflag:$0x0] =	sbarrier.arrive $0xFFFF  }
0x87: {  	s15 =	rddreg [dreg:$0x4]  }
0x88: {  	[tilespmem:s30], [sflag:$0x3] =	stream.linear.gather [hbm4b:s15+s2], $0x1400, $0x38;
	[tilespmem:$0x1E800] =	vst v63  }
0x89: {  	_ =	swait.ge [sflag:s29], $0x1400  }
0x8a: {  	[sflag:s29] =	ssyncset.done $0x0  }
0x8b: {  	s16 =	rddreg [dreg:$0x5];
	[sflag:s29] =	ssyncadd.s32 $0xFFFFEC00  }
0x8c: {  	[tilespmem:s31], [sflag:$0x3] =	stream.linear.gather [hbm4b:s16+s2], $0x1400, $0x38;
	[tilespmem:$0x1E800] =	vst v63  }
0x8d: {  	_ =	swait.ge [sflag:s29], $0x1400  }
0x8e: {  	[sflag:s29] =	ssyncset.done $0x0  }
0x8f: {  	[sflag:s29] =	ssyncadd.s32 $0xFFFFEC00  }
0x90: {  	[tilespmem:s28], [sflag:$0x1] =	stream.indirect.gather [hbm4b:s4+s0], $0x80, s30, s0, $0xb8;
	[tilespmem:$0x1E800] =	vst v63  }
0x91: {  	s13 =	simm.s32 $0x14080  }
0x92: {  	[tilespmem:s3], [sflag:$0x2] =	stream.indirect.gather [hbm4b:s4+s0], $0x80, s13, s0, $0xb8;
	[tilespmem:$0x1E800] =	vst v63  }
0x93: {  	_ =	swait.ge [sflag:s9], $0x4000  }
0x94: {  	[sflag:s9] =	ssyncset.done $0x0  }
0x95: {  	s14 =	simm.s32 $0x15400;
	[sflag:s9] =	ssyncadd.s32 $0xFFFFC000  }
0x96: {  	[spmem:s1] =	stream.indirect.scatter.add.f32 [tilespmem:s28], [sflag:$0x3], $0x80, s14, s0, $0xb8;
	[tilespmem:$0x1E800] =	vst v63  }
0x97: {  	_ =	swait.ge [sflag:s29], $0x4000  }
0x98: {  	[sflag:s29] =	ssyncset.done $0x0  }
0x99: {  	s15 =	simm.s32 $0x14100;
	[sflag:s29] =	ssyncadd.s32 $0xFFFFC000  }
0x9a: {  	[tilespmem:s28], [sflag:$0x1] =	stream.indirect.gather [hbm4b:s4+s0], $0x80, s15, s0, $0xb8;
	[tilespmem:$0x1E800] =	vst v63  }
0x9b: {  	_ =	swait.ge [sflag:s10], $0x4000  }
0x9c: {  	[sflag:s10] =	ssyncset.done $0x0  }
0x9d: {  	s16 =	simm.s32 $0x15480;
	[sflag:s10] =	ssyncadd.s32 $0xFFFFC000  }
0x9e: {  	[spmem:s1] =	stream.indirect.scatter.add.f32 [tilespmem:s3], [sflag:$0x3], $0x80, s16, s0, $0xb8;
	[tilespmem:$0x1E800] =	vst v63  }
0x9f: {  	_ =	swait.ge [sflag:s29], $0x4000  }
0xa0: {  	s8 =	simm.s32 $0x100;
	s13 =	simm.s32 $0x800;
	[sflag:s29] =	ssyncset.done $0x0  }
.LBB2_2:
0xa1: {  	s14 =	sadd.s32 $0x14080, s8  }
0xa2: {  	[sflag:s29] =	ssyncadd.s32 $0xFFFFC000;
	s15 =	smov.u32 s13;
	s16 =	sadd.s32 $0x400, s13  }
0xa3: {  	[tilespmem:s3], [sflag:$0x2] =	stream.indirect.gather [hbm4b:s4+s0], $0x80, s14, s0, $0xb8;
	[tilespmem:$0x1E800] =	vst v63  }
0xa4: {  	p1 =	sne.s32 s13, $0x4800;
	_ =	swait.ge [sflag:s9], $0x4000  }
0xa5: {  	[sflag:s9] =	ssyncset.done $0x0  }
0xa6: {  	s13 =	sadd.s32 $0x15400, s8;
	[sflag:s9] =	ssyncadd.s32 $0xFFFFC000  }
0xa7: {  	[spmem:s1] =	stream.indirect.scatter.add.f32 [tilespmem:s28], [sflag:$0x3], $0x80, s13, s0, $0xb8;
	[tilespmem:$0x1E800] =	vst v63  }
0xa8: {  	_ =	swait.ge [sflag:s29], $0x4000  }
0xa9: {  	[sflag:s29] =	ssyncset.done $0x0  }
0xaa: {  	s13 =	sadd.s32 $0x14100, s8;
	[sflag:s29] =	ssyncadd.s32 $0xFFFFC000  }
0xab: {  	[tilespmem:s28], [sflag:$0x1] =	stream.indirect.gather [hbm4b:s4+s0], $0x80, s13, s0, $0xb8;
	[tilespmem:$0x1E800] =	vst v63  }
0xac: {  	_ =	swait.ge [sflag:s10], $0x4000  }
.Ltmp2:
0xad: {  	[sflag:s10] =	ssyncset.done $0x0;
	(pc) =	sbr.rel @p1 .LBB2_2-.Ltmp2, $4  }
0xae: {  	s8 =	sadd.s32 $0x15480, s8;
	[sflag:s10] =	ssyncadd.s32 $0xFFFFC000  }
0xaf: {  	[spmem:s1] =	stream.indirect.scatter.add.f32 [tilespmem:s3], [sflag:$0x3], $0x80, s8, s0, $0xb8;
	[tilespmem:$0x1E800] =	vst v63  }
0xb0: {  	_ =	swait.ge [sflag:s29], $0x4000  }
0xb1: {  	s13 =	smov.u32 s16;
	s8 =	sshra.s32 s15, $0x2;
	[sflag:s29] =	ssyncset.done $0x0  }
0xb2: {  	s13 =	sadd.s32 $0x14080, s8;
	[sflag:s29] =	ssyncadd.s32 $0xFFFFC000  }
0xb3: {  	[tilespmem:s3], [sflag:$0x2] =	stream.indirect.gather [hbm4b:s4+s0], $0x80, s13, s0, $0xb8;
	[tilespmem:$0x1E800] =	vst v63  }
0xb4: {  	_ =	swait.ge [sflag:s9], $0x4000  }
0xb5: {  	[sflag:s9] =	ssyncset.done $0x0  }
0xb6: {  	s14 =	sadd.s32 $0x15400, s8;
	[sflag:s9] =	ssyncadd.s32 $0xFFFFC000  }
0xb7: {  	[spmem:s1] =	stream.indirect.scatter.add.f32 [tilespmem:s28], [sflag:$0x3], $0x80, s14, s0, $0xb8;
	[tilespmem:$0x1E800] =	vst v63  }
0xb8: {  	_ =	swait.ge [sflag:s29], $0x4000  }
0xb9: {  	[sflag:s29] =	ssyncset.done $0x0  }
0xba: {  	s15 =	sadd.s32 $0x14100, s8;
	[sflag:s29] =	ssyncadd.s32 $0xFFFFC000  }
0xbb: {  	[tilespmem:s28], [sflag:$0x1] =	stream.indirect.gather [hbm4b:s4+s0], $0x80, s15, s0, $0xb8;
	[tilespmem:$0x1E800] =	vst v63  }
0xbc: {  	_ =	swait.ge [sflag:s10], $0x4000  }
0xbd: {  	[sflag:s10] =	ssyncset.done $0x0  }
0xbe: {  	s16 =	sadd.s32 $0x15480, s8;
	[sflag:s10] =	ssyncadd.s32 $0xFFFFC000  }
0xbf: {  	[spmem:s1] =	stream.indirect.scatter.add.f32 [tilespmem:s3], [sflag:$0x3], $0x80, s16, s0, $0xb8;
	[tilespmem:$0x1E800] =	vst v63  }
0xc0: {  	_ =	swait.ge [sflag:s29], $0x4000  }
0xc1: {  	[sflag:s29] =	ssyncset.done $0x0  }
0xc2: {  	[sflag:s29] =	ssyncadd.s32 $0xFFFFC000  }
0xc3: {  	[tilespmem:s3], [sflag:$0x2] =	stream.indirect.gather [hbm4b:s4+s0], $0x80, s11, s0, $0xb8;
	[tilespmem:$0x1E800] =	vst v63  }
0xc4: {  	_ =	swait.ge [sflag:s9], $0x4000  }
0xc5: {  	[sflag:s9] =	ssyncset.done $0x0  }
0xc6: {  	[sflag:s9] =	ssyncadd.s32 $0xFFFFC000  }
0xc7: {  	[spmem:s1] =	stream.indirect.scatter.add.f32 [tilespmem:s28], [sflag:$0x3], $0x80, s12, s0, $0xb8;
	[tilespmem:$0x1E800] =	vst v63  }
0xc8: {  	_ =	swait.ge [sflag:s29], $0x4000  }
0xc9: {  	[sflag:s29] =	ssyncset.done $0x0  }
0xca: {  	[sflag:s29] =	ssyncadd.s32 $0xFFFFC000  }
0xcb: {  	_ =	swait.ge [sflag:s10], $0x4000  }
0xcc: {  	[sflag:s10] =	ssyncset.done $0x0  }
.Ltmp3:
0xcd: {  	[sflag:s10] =	ssyncadd.s32 $0xFFFFC000;
	(pc) =	sbr.rel @p0 .LBB2_9-.Ltmp3, $4  }
0xce: {  	[spmem:s1] =	stream.indirect.scatter.add.f32 [tilespmem:s3], [sflag:$0x3], $0x80, s5, s0, $0xb8;
	[tilespmem:$0x1E800] =	vst v63  }
0xcf: {  	_ =	swait.ge [sflag:s29], $0x4000  }
0xd0: {  	[sflag:s29] =	ssyncset.done $0x0  }
0xd1: {  	[sflag:s29] =	ssyncadd.s32 $0xFFFFC000  }
0xd2: {  	s8 =	simm.s32 $0x0;
	s13 =	rddreg [dreg:$0x6]  }
0xd3: {  	[tilespmem:s30], [sflag:$0x3] =	stream.linear.gather [hbm4b:s13+s8], $0x1400, $0x38;
	[tilespmem:$0x1E800] =	vst v63  }
0xd4: {  	_ =	swait.ge [sflag:s29], $0x1400  }
0xd5: {  	[sflag:s29] =	ssyncset.done $0x0  }
0xd6: {  	s16 =	rddreg [dreg:$0x7];
	[sflag:s29] =	ssyncadd.s32 $0xFFFFEC00  }
0xd7: {  	[tilespmem:s31], [sflag:$0x3] =	stream.linear.gather [hbm4b:s16+s8], $0x1400, $0x38;
	[tilespmem:$0x1E800] =	vst v63  }
0xd8: {  	_ =	swait.ge [sflag:s29], $0x1400  }
0xd9: {  	[sflag:s29] =	ssyncset.done $0x0  }
0xda: {  	[sflag:s29] =	ssyncadd.s32 $0xFFFFEC00  }
0xdb: {  	[tilespmem:s28], [sflag:$0x1] =	stream.indirect.gather [hbm4b:s4+s0], $0x80, s30, s0, $0xb8;
	[tilespmem:$0x1E800] =	vst v63  }
0xdc: {  	s13 =	simm.s32 $0x14080  }
0xdd: {  	[tilespmem:s3], [sflag:$0x2] =	stream.indirect.gather [hbm4b:s4+s0], $0x80, s13, s0, $0xb8;
	[tilespmem:$0x1E800] =	vst v63  }
0xde: {  	_ =	swait.ge [sflag:s9], $0x4000  }
0xdf: {  	[sflag:s9] =	ssyncset.done $0x0  }
0xe0: {  	s14 =	simm.s32 $0x15400;
	[sflag:s9] =	ssyncadd.s32 $0xFFFFC000  }
0xe1: {  	[spmem:s1] =	stream.indirect.scatter.add.f32 [tilespmem:s28], [sflag:$0x3], $0x80, s14, s0, $0xb8;
	[tilespmem:$0x1E800] =	vst v63  }
0xe2: {  	_ =	swait.ge [sflag:s29], $0x4000  }
0xe3: {  	[sflag:s29] =	ssyncset.done $0x0  }
0xe4: {  	s15 =	simm.s32 $0x14100;
	[sflag:s29] =	ssyncadd.s32 $0xFFFFC000  }
0xe5: {  	[tilespmem:s28], [sflag:$0x1] =	stream.indirect.gather [hbm4b:s4+s0], $0x80, s15, s0, $0xb8;
	[tilespmem:$0x1E800] =	vst v63  }
0xe6: {  	_ =	swait.ge [sflag:s10], $0x4000  }
0xe7: {  	[sflag:s10] =	ssyncset.done $0x0  }
0xe8: {  	s16 =	simm.s32 $0x15480;
	[sflag:s10] =	ssyncadd.s32 $0xFFFFC000  }
0xe9: {  	[spmem:s1] =	stream.indirect.scatter.add.f32 [tilespmem:s3], [sflag:$0x3], $0x80, s16, s0, $0xb8;
	[tilespmem:$0x1E800] =	vst v63  }
0xea: {  	_ =	swait.ge [sflag:s29], $0x4000  }
0xeb: {  	s8 =	simm.s32 $0x100;
	s13 =	simm.s32 $0x800;
	[sflag:s29] =	ssyncset.done $0x0  }
.LBB2_5:
0xec: {  	s14 =	sadd.s32 $0x14080, s8  }
0xed: {  	[sflag:s29] =	ssyncadd.s32 $0xFFFFC000;
	s15 =	smov.u32 s13;
	s16 =	sadd.s32 $0x400, s13  }
0xee: {  	[tilespmem:s3], [sflag:$0x2] =	stream.indirect.gather [hbm4b:s4+s0], $0x80, s14, s0, $0xb8;
	[tilespmem:$0x1E800] =	vst v63  }
0xef: {  	p1 =	sne.s32 s13, $0x4800;
	_ =	swait.ge [sflag:s9], $0x4000  }
0xf0: {  	[sflag:s9] =	ssyncset.done $0x0  }
0xf1: {  	s13 =	sadd.s32 $0x15400, s8;
	[sflag:s9] =	ssyncadd.s32 $0xFFFFC000  }
0xf2: {  	[spmem:s1] =	stream.indirect.scatter.add.f32 [tilespmem:s28], [sflag:$0x3], $0x80, s13, s0, $0xb8;
	[tilespmem:$0x1E800] =	vst v63  }
0xf3: {  	_ =	swait.ge [sflag:s29], $0x4000  }
0xf4: {  	[sflag:s29] =	ssyncset.done $0x0  }
0xf5: {  	s13 =	sadd.s32 $0x14100, s8;
	[sflag:s29] =	ssyncadd.s32 $0xFFFFC000  }
0xf6: {  	[tilespmem:s28], [sflag:$0x1] =	stream.indirect.gather [hbm4b:s4+s0], $0x80, s13, s0, $0xb8;
	[tilespmem:$0x1E800] =	vst v63  }
0xf7: {  	_ =	swait.ge [sflag:s10], $0x4000  }
.Ltmp4:
0xf8: {  	[sflag:s10] =	ssyncset.done $0x0;
	(pc) =	sbr.rel @p1 .LBB2_5-.Ltmp4, $4  }
0xf9: {  	s8 =	sadd.s32 $0x15480, s8;
	[sflag:s10] =	ssyncadd.s32 $0xFFFFC000  }
0xfa: {  	[spmem:s1] =	stream.indirect.scatter.add.f32 [tilespmem:s3], [sflag:$0x3], $0x80, s8, s0, $0xb8;
	[tilespmem:$0x1E800] =	vst v63  }
0xfb: {  	_ =	swait.ge [sflag:s29], $0x4000  }
0xfc: {  	s13 =	smov.u32 s16;
	s8 =	sshra.s32 s15, $0x2;
	[sflag:s29] =	ssyncset.done $0x0  }
0xfd: {  	s13 =	sadd.s32 $0x14080, s8;
	[sflag:s29] =	ssyncadd.s32 $0xFFFFC000  }
0xfe: {  	[tilespmem:s3], [sflag:$0x2] =	stream.indirect.gather [hbm4b:s4+s0], $0x80, s13, s0, $0xb8;
	[tilespmem:$0x1E800] =	vst v63  }
0xff: {  	_ =	swait.ge [sflag:s9], $0x4000  }
0x100: {  	[sflag:s9] =	ssyncset.done $0x0  }
0x101: {  	s15 =	sadd.s32 $0x15400, s8;
	[sflag:s9] =	ssyncadd.s32 $0xFFFFC000  }
0x102: {  	[spmem:s1] =	stream.indirect.scatter.add.f32 [tilespmem:s28], [sflag:$0x3], $0x80, s15, s0, $0xb8;
	[tilespmem:$0x1E800] =	vst v63  }
0x103: {  	_ =	swait.ge [sflag:s29], $0x4000  }
0x104: {  	[sflag:s29] =	ssyncset.done $0x0  }
0x105: {  	s16 =	sadd.s32 $0x14100, s8;
	[sflag:s29] =	ssyncadd.s32 $0xFFFFC000  }
0x106: {  	[tilespmem:s28], [sflag:$0x1] =	stream.indirect.gather [hbm4b:s4+s0], $0x80, s16, s0, $0xb8;
	[tilespmem:$0x1E800] =	vst v63  }
0x107: {  	_ =	swait.ge [sflag:s10], $0x4000  }
0x108: {  	[sflag:s10] =	ssyncset.done $0x0  }
0x109: {  	s13 =	sadd.s32 $0x15480, s8;
	[sflag:s10] =	ssyncadd.s32 $0xFFFFC000  }
0x10a: {  	[spmem:s1] =	stream.indirect.scatter.add.f32 [tilespmem:s3], [sflag:$0x3], $0x80, s13, s0, $0xb8;
	[tilespmem:$0x1E800] =	vst v63  }
0x10b: {  	_ =	swait.ge [sflag:s29], $0x4000  }
0x10c: {  	[sflag:s29] =	ssyncset.done $0x0  }
0x10d: {  	[sflag:s29] =	ssyncadd.s32 $0xFFFFC000  }
0x10e: {  	[tilespmem:s3], [sflag:$0x2] =	stream.indirect.gather [hbm4b:s4+s0], $0x80, s11, s0, $0xb8;
	[tilespmem:$0x1E800] =	vst v63  }
0x10f: {  	_ =	swait.ge [sflag:s9], $0x4000  }
0x110: {  	[sflag:s9] =	ssyncset.done $0x0  }
0x111: {  	[sflag:s9] =	ssyncadd.s32 $0xFFFFC000  }
0x112: {  	[spmem:s1] =	stream.indirect.scatter.add.f32 [tilespmem:s28], [sflag:$0x3], $0x80, s12, s0, $0xb8;
	[tilespmem:$0x1E800] =	vst v63  }
0x113: {  	_ =	swait.ge [sflag:s29], $0x4000  }
0x114: {  	[sflag:s29] =	ssyncset.done $0x0  }
0x115: {  	[sflag:s29] =	ssyncadd.s32 $0xFFFFC000  }
0x116: {  	_ =	swait.ge [sflag:s10], $0x4000  }
0x117: {  	[sflag:s10] =	ssyncset.done $0x0  }
0x118: {  	[sflag:s10] =	ssyncadd.s32 $0xFFFFC000  }
0x119: {  	[spmem:s1] =	stream.indirect.scatter.add.f32 [tilespmem:s3], [sflag:$0x3], $0x80, s5, s0, $0xb8;
	[tilespmem:$0x1E800] =	vst v63  }
0x11a: {  	_ =	swait.ge [sflag:s29], $0x4000  }
0x11b: {  	[sflag:s29] =	ssyncset.done $0x0  }
0x11c: {  	s14 =	simm.s32 $0x0;
	s15 =	rddreg [dreg:$0x8];
	[sflag:s29] =	ssyncadd.s32 $0xFFFFC000  }
0x11d: {  	[tilespmem:s30], [sflag:$0x3] =	stream.linear.gather [hbm4b:s15+s14], $0x1400, $0x38;
	[tilespmem:$0x1E800] =	vst v63  }
0x11e: {  	_ =	swait.ge [sflag:s29], $0x1400  }
0x11f: {  	[sflag:s29] =	ssyncset.done $0x0  }
0x120: {  	s16 =	rddreg [dreg:$0x9];
	[sflag:s29] =	ssyncadd.s32 $0xFFFFEC00  }
0x121: {  	[tilespmem:s31], [sflag:$0x3] =	stream.linear.gather [hbm4b:s16+s14], $0x1400, $0x38;
	[tilespmem:$0x1E800] =	vst v63  }
0x122: {  	_ =	swait.ge [sflag:s29], $0x1400  }
0x123: {  	[sflag:s29] =	ssyncset.done $0x0  }
0x124: {  	[sflag:s29] =	ssyncadd.s32 $0xFFFFEC00  }
0x125: {  	[tilespmem:s28], [sflag:$0x1] =	stream.indirect.gather [hbm4b:s4+s0], $0x80, s30, s0, $0xb8;
	[tilespmem:$0x1E800] =	vst v63  }
0x126: {  	s13 =	simm.s32 $0x14080  }
0x127: {  	[tilespmem:s3], [sflag:$0x2] =	stream.indirect.gather [hbm4b:s4+s0], $0x80, s13, s0, $0xb8;
	[tilespmem:$0x1E800] =	vst v63  }
0x128: {  	_ =	swait.ge [sflag:s9], $0x4000  }
0x129: {  	[sflag:s9] =	ssyncset.done $0x0  }
0x12a: {  	s14 =	simm.s32 $0x15400;
	[sflag:s9] =	ssyncadd.s32 $0xFFFFC000  }
0x12b: {  	[spmem:s1] =	stream.indirect.scatter.add.f32 [tilespmem:s28], [sflag:$0x3], $0x80, s14, s0, $0xb8;
	[tilespmem:$0x1E800] =	vst v63  }
0x12c: {  	_ =	swait.ge [sflag:s29], $0x4000  }
0x12d: {  	[sflag:s29] =	ssyncset.done $0x0  }
0x12e: {  	s15 =	simm.s32 $0x14100;
	[sflag:s29] =	ssyncadd.s32 $0xFFFFC000  }
0x12f: {  	[tilespmem:s28], [sflag:$0x1] =	stream.indirect.gather [hbm4b:s4+s0], $0x80, s15, s0, $0xb8;
	[tilespmem:$0x1E800] =	vst v63  }
0x130: {  	_ =	swait.ge [sflag:s10], $0x4000  }
0x131: {  	[sflag:s10] =	ssyncset.done $0x0  }
0x132: {  	s16 =	simm.s32 $0x15480;
	[sflag:s10] =	ssyncadd.s32 $0xFFFFC000  }
0x133: {  	[spmem:s1] =	stream.indirect.scatter.add.f32 [tilespmem:s3], [sflag:$0x3], $0x80, s16, s0, $0xb8;
	[tilespmem:$0x1E800] =	vst v63  }
0x134: {  	_ =	swait.ge [sflag:s29], $0x4000  }
0x135: {  	s8 =	simm.s32 $0x100;
	s13 =	simm.s32 $0x800;
	[sflag:s29] =	ssyncset.done $0x0  }
.LBB2_7:
0x136: {  	s14 =	sadd.s32 $0x14080, s8  }
0x137: {  	[sflag:s29] =	ssyncadd.s32 $0xFFFFC000;
	s15 =	smov.u32 s13;
	s16 =	sadd.s32 $0x400, s13  }
0x138: {  	[tilespmem:s3], [sflag:$0x2] =	stream.indirect.gather [hbm4b:s4+s0], $0x80, s14, s0, $0xb8;
	[tilespmem:$0x1E800] =	vst v63  }
0x139: {  	p1 =	sne.s32 s13, $0x4800;
	_ =	swait.ge [sflag:s9], $0x4000  }
0x13a: {  	[sflag:s9] =	ssyncset.done $0x0  }
0x13b: {  	s13 =	sadd.s32 $0x15400, s8;
	[sflag:s9] =	ssyncadd.s32 $0xFFFFC000  }
0x13c: {  	[spmem:s1] =	stream.indirect.scatter.add.f32 [tilespmem:s28], [sflag:$0x3], $0x80, s13, s0, $0xb8;
	[tilespmem:$0x1E800] =	vst v63  }
0x13d: {  	_ =	swait.ge [sflag:s29], $0x4000  }
0x13e: {  	[sflag:s29] =	ssyncset.done $0x0  }
0x13f: {  	s13 =	sadd.s32 $0x14100, s8;
	[sflag:s29] =	ssyncadd.s32 $0xFFFFC000  }
0x140: {  	[tilespmem:s28], [sflag:$0x1] =	stream.indirect.gather [hbm4b:s4+s0], $0x80, s13, s0, $0xb8;
	[tilespmem:$0x1E800] =	vst v63  }
0x141: {  	_ =	swait.ge [sflag:s10], $0x4000  }
.Ltmp5:
0x142: {  	[sflag:s10] =	ssyncset.done $0x0;
	(pc) =	sbr.rel @p1 .LBB2_7-.Ltmp5, $4  }
0x143: {  	s8 =	sadd.s32 $0x15480, s8;
	[sflag:s10] =	ssyncadd.s32 $0xFFFFC000  }
0x144: {  	[spmem:s1] =	stream.indirect.scatter.add.f32 [tilespmem:s3], [sflag:$0x3], $0x80, s8, s0, $0xb8;
	[tilespmem:$0x1E800] =	vst v63  }
0x145: {  	_ =	swait.ge [sflag:s29], $0x4000  }
0x146: {  	s13 =	smov.u32 s16;
	s8 =	sshra.s32 s15, $0x2;
	[sflag:s29] =	ssyncset.done $0x0  }
.Ltmp6:
0x147: {  	_ = 	snop;
	(pc) =	sbr.rel .LBB2_8-.Ltmp6, $1  }
0x148: {  	_ =	sdelay $0x3  }
.LBB2_10:
0x149: {  	_ =	sfence.sel $0x180000  }
0x14a: {  	[bflag:$0x0] =	sbarrier.arrive $0xFFFF  }
0x14b: {  	_ =	strace $0x9000004D  }
0x14c: {  	s0 =	stileid.u32;
	[bflag:$0x2] =	sbarrier.arrive $0xFFFF  }
0x14d: {  	p0 =	sne.s32 s0, $0x0;
	s0 =	rddreg [dreg:$0x2]  }
0x14e: {  	s0 =	sadd.s32 @!p0 $0x100000, s0  }
0x14f: {  	[sflag:s0] =	ssyncadd.tile.s32 @!p0 $0x1;
	_ =	shalt  }
.Lfunc_end2:
_tile_overlayer_lowered:
.L_overlay_start_2:
0x150: {  	(tag) =	ssettag $0x2  }
0x151: {  	s0 =	rddreg [dreg:$0x0];
	s2 =	stileid.u32  }
0x152: {  	s1 =	rddreg [dreg:$0x1];
	p0 =	sne.s32 s2, $0x0  }
0x153: {  	s3 =	rddreg [dreg:$0x2];
	[bflag:$0x3] =	sbarrier.arrive $0xFFFF;
	s2 =	simm.s32 @!p0 $0x1C03  }
0x154: {  	[timem:s3], [sflag:s2] =	dma.local @!p0 [hbm:s0], s1  }
0x155: {  	s0 =	simm.s32 @!p0 $0x3  }
0x156: {  	_ =	swait.ge @!p0 [sflag:s0], s1  }
0x157: {  	s1 =	ssub.s32 @!p0 $0x0, s1;
	[sflag:s0] =	ssyncset.done @!p0 $0x0  }
0x158: {  	[sflag:s0] =	ssyncadd.s32 @!p0 s1  }
0x159: {  	[bflag:$0x3] =	sbarrier.arrive $0xFFFF  }
0x15a: {  	_ =	shalt  }

// kernel: kernel.19.cloned.1.call-start
scs
__scs_entry_jumppad:
0x0: {  	(pc) =	sbr.rel $0x88, $3  }
0x1: {  	(tag) =	ssettag $0x0;
	lr =	simm.s32 $0x1  }
0x2: {  	[smem:$0x3F97] =	sst lr;
	_ =	strace $0xD0000000  }
0x3: {  	_ = 	snop  }
0x4: {  	_ = 	snop  }
0x5: {  	_ = 	snop  }
0x6: {  	_ = 	snop  }
0x7: {  	_ = 	snop  }
__scs_overlays_trampoline_lowered:
0x8: {  	[smem:$0x3FA6] =	sst s0  }
0x9: {  	[smem:$0x3FA7] =	sst s1  }
0xa: {  	[smem:$0x3FA8] =	sst s2  }
0xb: {  	[smem:$0x3FA9] =	sst s3  }
0xc: {  	[smem:$0x3FAA] =	sst s4  }
0xd: {  	[smem:$0x3FAB] =	sst s5  }
0xe: {  	[smem:$0x3FAC] =	sst s6  }
0xf: {  	[smem:$0x3FAD] =	sst s7  }
0x10: {  	[smem:$0x3FAE] =	sst s8  }
0x11: {  	[smem:$0x3FAF] =	sst s9;
	s0 =	simm.s32 @!p0 $0x0  }
0x12: {  	s1 =	sld [smem:$0x3F95];
	s0 =	simm.s32 @p0 $0x1  }
0x13: {  	[smem:$0x3FB0] =	sst s0;
	s0 =	simm.s32 @!p1 $0x0  }
0x14: {  	s2 =	sld [smem:$0x3F94];
	s0 =	simm.s32 @p1 $0x1  }
0x15: {  	[smem:$0x3FB1] =	sst s0;
	s0 =	simm.s32 @!p2 $0x0  }
0x16: {  	s3 =	sld [smem:$0x3FDB];
	s0 =	simm.s32 @p2 $0x1  }
0x17: {  	s4 =	simm.s32 $0x1BF5;
	[smem:$0x3FB3] =	sst s0  }
0x18: {  	s0 =	sld [smem:$0x3F96];
	_ =	swait.ge [sflag:s4], $0x0  }
0x19: {  	s7 =	sld [smem:$0x3F97]  }
0x1a: {  	s8 =	sadd.s32 $0xFFFFE003, lr  }
0x1b: {  	s9 =	sadd.s32 $0xFFFFFEF7, lr;
	s5 =	simm.s32 $0xFFFFFFFF;
	p2 =	slt.u32 s8, $0xFFFFF086  }
0x1c: {  	p1 =	slt.u32 s9, $0xF7A;
	s5 =	simm.s32 @!p2 $0x0  }
0x1d: {  	s5 =	simm.s32 @p1 $0x1;
	p0 =	seq.s32 s7, s2  }
0x1e: {  	s7 =	smul.u32 @!p0 $0xF7A, s2;
	p2 =	seq.s32 @!p0 s5, $0x0  }
0x1f: {  	s9 =	smul.u32 $0xF7A, s1;
	s8 =	simm.s32 @!p0 $0x1BF5;
	p2 =	por !p2, p0  }
0x20: {  	[sflag:s8] =	ssyncset.s32 @!p0 $0xFFFFF086;
	s6 =	sadd.s32 @!p0 s3, s7;
	s7 =	simm.s32 @!p0 $0x108  }
0x21: {  	s3 =	sadd.s32 s3, s9;
	s6 =	sadd.s32 @!p0 $0x88, s6;
	s7 =	simm.s32 @p2 $0x1082  }
0x22: {  	[simem:s7], [sflag:s8] =	dma.local @!p0 [hbm:s6], $0xF7A  }
0x23: {  	s9 =	sor.u32 $0xD0000000, s2;
	s6 =	simm.s32 $0x108;
	_ =	swait.ge @!p0 [sflag:s8], $0x0  }
0x24: {  	s3 =	sadd.s32 $0x88, s3;
	s6 =	simm.s32 @!p1 $0x1082;
	[sflag:s4] =	ssyncset.s32 $0xFFFFF086  }
0x25: {  	[simem:s6], [sflag:s4] =	dma.local [hbm:s3], $0xF7A  }
0x26: {  	[smem:$0x3F97] =	sst s1;
	(tag) =	ssettag s2;
	_ =	strace s9  }
0x27: {  	s1 =	sld [smem:$0x3FA7]  }
0x28: {  	s2 =	sld [smem:$0x3FA8]  }
0x29: {  	s4 =	sld [smem:$0x3FAA]  }
0x2a: {  	p0 =	seq.s32 s5, $0x0;
	s5 =	sld [smem:$0x3FAB]  }
0x2b: {  	s6 =	sld [smem:$0x3FAC]  }
0x2c: {  	s7 =	sld [smem:$0x3FAD]  }
0x2d: {  	s3 =	simm.s32 $0x108;
	s8 =	sld [smem:$0x3FAE]  }
0x2e: {  	s3 =	simm.s32 @!p0 $0x1082;
	s9 =	sld [smem:$0x3FAF]  }
0x2f: {  	lr =	sadd.s32 s0, s3;
	s0 =	sld [smem:$0x3FA6]  }
0x30: {  	s3 =	sld [smem:$0x3FA9]  }
0x31: {  	[smem:$0x3FB2] =	sst s10  }
0x32: {  	s10 =	sld [smem:$0x3FB0];
	_ =	sdelay $0x3  }
0x33: {  	p0 =	seq.s32 s10, $0x1;
	s10 =	sld [smem:$0x3FB2];
	_ =	sdelay $0x3  }
0x34: {  	[smem:$0x3FB2] =	sst s10  }
0x35: {  	s10 =	sld [smem:$0x3FB1];
	_ =	sdelay $0x3  }
0x36: {  	p1 =	seq.s32 s10, $0x1;
	s10 =	sld [smem:$0x3FB2];
	_ =	sdelay $0x3  }
0x37: {  	[smem:$0x3FB2] =	sst s10  }
0x38: {  	s10 =	sld [smem:$0x3FB3]  }
0x39: {  	_ = 	snop;
	(pc) =	sbr.ind lr, $3  }
0x3a: {  	_ = 	snop  }
0x3b: {  	_ = 	snop  }
0x3c: {  	p2 =	seq.s32 s10, $0x1;
	s10 =	sld [smem:$0x3FB2]  }
0x3d: {  	_ =	shalt  }
0x3e: {  	_ =	shalt  }
0x3f: {  	_ =	shalt  }
0x40: {  	_ =	shalt  }
0x41: {  	_ =	shalt  }
0x42: {  	_ =	shalt  }
0x43: {  	_ =	shalt  }
0x44: {  	_ =	shalt  }
0x45: {  	_ =	shalt  }
0x46: {  	_ =	shalt  }
0x47: {  	_ =	shalt  }
0x48: {  	_ =	shalt  }
0x49: {  	_ =	shalt  }
0x4a: {  	_ =	shalt  }
0x4b: {  	_ =	shalt  }
0x4c: {  	_ =	shalt  }
0x4d: {  	_ =	shalt  }
0x4e: {  	_ =	shalt  }
0x4f: {  	_ =	shalt  }
0x50: {  	_ =	shalt  }
0x51: {  	_ =	shalt  }
0x52: {  	_ =	shalt  }
0x53: {  	_ =	shalt  }
0x54: {  	_ =	shalt  }
0x55: {  	_ =	shalt  }
0x56: {  	_ =	shalt  }
0x57: {  	_ =	shalt  }
0x58: {  	_ =	shalt  }
0x59: {  	_ =	shalt  }
0x5a: {  	_ =	shalt  }
0x5b: {  	_ =	shalt  }
0x5c: {  	_ =	shalt  }
0x5d: {  	_ =	shalt  }
0x5e: {  	_ =	shalt  }
0x5f: {  	_ =	shalt  }
0x60: {  	_ =	shalt  }
0x61: {  	_ =	shalt  }
0x62: {  	_ =	shalt  }
0x63: {  	_ =	shalt  }
0x64: {  	_ =	shalt  }
0x65: {  	_ =	shalt  }
0x66: {  	_ =	shalt  }
0x67: {  	_ =	shalt  }
0x68: {  	_ =	shalt  }
0x69: {  	_ =	shalt  }
0x6a: {  	_ =	shalt  }
0x6b: {  	_ =	shalt  }
0x6c: {  	_ =	shalt  }
0x6d: {  	_ =	shalt  }
0x6e: {  	_ =	shalt  }
0x6f: {  	_ =	shalt  }
0x70: {  	_ =	shalt  }
0x71: {  	_ =	shalt  }
0x72: {  	_ =	shalt  }
0x73: {  	_ =	shalt  }
0x74: {  	_ =	shalt  }
0x75: {  	_ =	shalt  }
0x76: {  	_ =	shalt  }
0x77: {  	_ =	shalt  }
0x78: {  	_ =	shalt  }
0x79: {  	_ =	shalt  }
0x7a: {  	_ =	shalt  }
0x7b: {  	_ =	shalt  }
0x7c: {  	_ =	shalt  }
0x7d: {  	_ =	shalt  }
0x7e: {  	_ =	shalt  }
0x7f: {  	_ =	shalt  }
0x80: {  	_ =	shalt  }
0x81: {  	_ =	shalt  }
0x82: {  	_ =	shalt  }
0x83: {  	_ =	shalt  }
0x84: {  	_ =	shalt  }
0x85: {  	_ =	shalt  }
0x86: {  	_ =	shalt  }
0x87: {  	_ =	shalt  }
.Lfunc_end0:
.L_simem_size_0:
called_computation.3_lowered:
.L_overlay_start_0:
0x88: {  	s2 =	sld [smem:$0x3FD9]  }
0x89: {  	s3 =	sld [smem:$0x3FFE];
	_ =	sdelay $0x1  }
0x8a: {  	s1 =	srdreg.scid  }
0x8b: {  	s0 =	sand.u32 $0x1, s1  }
0x8c: {  	s16 =	sshll.u32 s0, $0xA;
	s2 =	sadd.s32 s3, s2  }
0x8d: {  	s2 =	sadd.s32 s2, s16  }
0x8e: {  	[smem:$0x3FBE] =	sst s2  }
0x8f: {  	_ = 	snop  }
0x90: {  	(tm) =	ssettm $0x1  }
0x91: {  	s17 =	sld [smem:$0x3FFB];
	_ =	sdelay $0x3  }
0x92: {  	_ =	strace s17  }
0x93: {  	s2 =	sld [smem:$0x3FFC];
	_ =	sdelay $0x3  }
0x94: {  	_ =	strace s2  }
0x95: {  	s2 =	sld [smem:$0x3FFD];
	_ =	sdelay $0x3  }
0x96: {  	_ =	strace s2  }
0x97: {  	_ =	strace $0x8FFFFFFF  }
0x98: {  	s18 =	sld [smem:$0x3FDB];
	_ =	sdelay $0x1  }
0x99: {  	s19 =	simm.s32 $_scs_section_size  }
0x9a: {  	s4 =	simm.s32 $_size__tile_overlayer_lowered;
	s5 =	simm.s32 $_tile_overlayer_lowered  }
0x9b: {  	s22 =	simm.s32 $0x1BFF;
	s21 =	sshll.u32 s5, $0x1;
	s2 =	sadd.s32 s19, s18  }
0x9c: {  	s6 =	simm.s32 $0x0;
	s20 =	sshll.u32 s4, $0x1;
	s4 =	sadd.s32 s21, s2  }
0x9d: {  	[timem:s6], [sflag:s22] =	dma.local [hbm:s4], s20  }
0x9e: {  	_ =	swait.ge [sflag:s22], s20  }
0x9f: {  	s3 =	ssub.s32 $0x0, s20;
	[sflag:s22] =	ssyncset.done $0x0  }
0xa0: {  	[sflag:s22] =	ssyncadd.s32 s3;
	_ =	sdelay $0x1  }
0xa1: {  	s23 =	simm.s32 $0x1B8B  }
0xa2: {  	_ =	swait.ge [sflag:s23], $0x1  }
0xa3: {  	[sflag:s23] =	ssyncset.done $0x0  }
0xa4: {  	s25 =	simm.s32 $0x1B8E;
	s24 =	sld [smem:$0x3FFE];
	[sflag:s23] =	ssyncadd.s32 $0xFFFFFFFF  }
0xa5: {  	s26 =	simm.s32 $execute0_lowered;
	[smem:$0x3FD2] =	sst s25  }
0xa6: {  	s4 =	sshll.u32 s26, $0x1;
	_ =	strace $0x8000004F;
	[dreg:$0x1] =	wrdreg $0xFFFFFFFF  }
0xa7: {  	s28 =	simm.s32 $_size_execute0_lowered;
	s2 =	sadd.s32 s2, s4;
	[dreg:$0x0] =	wrdreg $0x0  }
0xa8: {  	s4 =	sshll.u32 s28, $0x1;
	[dreg:$0x2] =	wrdreg s2  }
0xa9: {  	[dreg:$0x3] =	wrdreg s4  }
0xaa: {  	[dreg:$0x4] =	wrdreg $0xC0  }
0xab: {  	_ =	task [dreg:s6], $0x5FFFF  }
0xac: {  	[dreg:$0x1] =	wrdreg $0xFFFFFFFF  }
0xad: {  	[dreg:$0x0] =	wrdreg $0x60  }
0xae: {  	[dreg:$0x2] =	wrdreg s24  }
0xaf: {  	[dreg:$0x3] =	wrdreg $0x0  }
0xb0: {  	[dreg:$0x4] =	wrdreg $0x9  }
0xb1: {  	_ =	task.clear_ibuf [dreg:s6], $0x5FFFF;
	_ =	strace $0x9000004F  }
0xb2: {  	s29 =	simm.s32 $0x9;
	_ =	strace $0x80000051  }
0xb3: {  	_ =	swait.ge [sflag:s29], $0x1  }
0xb4: {  	[sflag:s29] =	ssyncadd.s32 $0xFFFFFFFF  }
0xb5: {  	_ =	strace $0x90000051  }
0xb6: {  	_ =	sfence  }
0xb7: {  	s30 =	sld [smem:$0x0];
	_ =	sdelay $0x2  }
0xb8: {  	s31 =	sshll.u32 s1, $0xD;
	s1 =	sshrl.u32 s1, $0x2  }
0xb9: {  	s3 =	sand.u32 $0x4000, s31;
	s1 =	sadd.s32 s1, s30  }
0xba: {  	s0 =	sor.u32 s3, s0;
	s1 =	sshll.u32 s1, $0x11  }
0xbb: {  	s0 =	sor.u32 s1, s0  }
0xbc: {  	s0 =	sadd.s32 $0x8F2B, s0  }
0xbd: {  	[sflag:s0] =	ssyncadd.remote.s32 $0x1  }
0xbe: {  	_ =	sfence.sel $0xFFFF  }
0xbf: {  	[dreg:$0x0] =	wrdreg $0xFFFFFFFF;
	(pc) =	sbr.abs _section_cstart, $3  }
0xc0: {  	[dreg:$0x1] =	wrdreg $0xFFFFFFFF  }
0xc1: {  	_ =	task.clear_ibuf [dreg:s6], $0x2FFFF;
	_ =	strace $0x9FFFFFFF  }
0xc2: {  	(tm) =	ssettm $0x7FFFFFFF  }
0xc3: {  	_ =	shalt  }
tec
execute0_lowered:
.L_overlay_start_1:
0x0: {  	(tag) =	ssettag $0x1  }
0x1: {  	s0 =	rddreg [dreg:$0x0]  }
0x2: {  	s1 =	rddreg [dreg:$0x1];
	s2 =	simm.s32 $0x0  }
0x3: {  	s5 =	srdreg.scid;
	s13 =	stileid.u32;
	s28 =	simm.s32 $0x16800  }
0x4: {  	s29 =	simm.s32 $0x3;
	s30 =	simm.s32 $0x14000;
	s6 =	smul.u32 $0x28, s13  }
0x5: {  	s31 =	simm.s32 $0x15400;
	[smem:$0x7FF] =	sst s2;
	s9 =	smul.u32 $0x78, s13  }
0x6: {  	s4 =	sadd.s32 $0x17800, s0;
	s3 =	sadd.s32 $0x3000, s0;
	s10 =	smul.u32 $0x50000, s13  }
0x7: {  	s7 =	sadd.s32 $0xD000, s0;
	s5 =	sand.u32 $0x1, s5;
	s12 =	smul.u32 $0x3C00, s13  }
0x8: {  	s8 =	sadd.s32 $0x17000, s0;
	s0 =	sadd.s32 $0x3EA00, s0;
	s19 =	smul.u32 $0x14000, s13  }
0x9: {  	_ =	strace $0x80000050;
	[dreg:$0x3] =	wrdreg s8;
	s24 =	ssub.s32 $0x2, s5  }
0xa: {  	p0 =	seq.s32 s5, $0x0;
	s17 =	smul.u32 $0x140000, s5;
	s6 =	sadd.s32 $0x780, s6  }
0xb: {  	s11 =	sshrl.u32 s24, $0x1;
	s25 =	sshrl.u32 s10, $0x2;
	s16 =	sshrl.u32 s12, $0x3  }
0xc: {  	s23 =	sadd.s32 $0x4000, s19;
	s12 =	sadd.s32 $0x10000, s19;
	s6 =	smov.u32 @p0 s9  }
0xd: {  	s8 =	ssub.s32 s24, s11;
	s18 =	sadd.s32 $0x280, s16;
	s9 =	sadd.s32 $0x500, s16  }
0xe: {  	s22 =	sadd.s32 s17, s19;
	s16 =	sadd.s32 $0xC000, s19;
	s10 =	sadd.s32 s17, s12  }
0xf: {  	p0 =	sne.s32 s5, $0x0;
	s5 =	simm.s32 $0x16780;
	s26 =	sshll.u32 s6, $0x4  }
0x10: {  	s6 =	sadd.s32 s25, s1;
	s20 =	sadd.s32 s3, s18;
	s11 =	sadd.s32 s7, s18  }
0x11: {  	s21 =	sadd.s32 s7, s9;
	s8 =	smax.u32 s8, $0x1;
	[dreg:$0x6] =	wrdreg s20  }
0x12: {  	s25 =	sadd.s32 s17, s16;
	s14 =	sadd.s32 s3, s26;
	[dreg:$0x7] =	wrdreg s11  }
0x13: {  	s15 =	sadd.s32 s7, s26;
	s3 =	sadd.s32 s3, s9;
	[dreg:$0x9] =	wrdreg s21  }
0x14: {  	[dreg:$0xa] =	wrdreg s8;
	s11 =	sadd.s32 s17, s23;
	s13 =	sadd.s32 $0x4000, s6  }
0x15: {  	s26 =	sshrl.u32 s10, $0x3;
	s20 =	sadd.s32 $0x8000, s6;
	[dreg:$0x4] =	wrdreg s14  }
0x16: {  	s21 =	sadd.s32 $0xC000, s6;
	s10 =	simm.s32 $0x2;
	[dreg:$0x5] =	wrdreg s15  }
0x17: {  	s7 =	simm.s32 $0x0;
	[dreg:$0x8] =	wrdreg s3;
	s3 =	sshrl.u32 s22, $0x3  }
0x18: {  	[dreg:$0xb] =	wrdreg s13;
	s14 =	sshrl.u32 s11, $0x3;
	s15 =	sadd.s32 $0x8000, s19  }
0x19: {  	s11 =	sshrl.u32 s25, $0x3;
	s19 =	sadd.s32 s0, s26;
	s22 =	sadd.s32 s23, s1  }
0x1a: {  	s25 =	sadd.s32 s12, s1;
	s26 =	sadd.s32 $0x10000, s6;
	s12 =	simm.s32 $0x16700  }
.Ltmp0:
0x1b: {  	s3 =	sadd.s32 s0, s3;
	s24 =	sadd.s32 s17, s15;
	(pc) =	sbr.rel .LBB2_1-.Ltmp0, $4  }
0x1c: {  	s18 =	sadd.s32 s0, s11;
	s23 =	sadd.s32 s15, s1;
	s11 =	simm.s32 $0x15380  }
0x1d: {  	[dreg:$0xc] =	wrdreg s3;
	s3 =	sadd.s32 s0, s14;
	s9 =	sshrl.u32 s24, $0x3  }
0x1e: {  	s24 =	sadd.s32 s16, s1;
	[dreg:$0xd] =	wrdreg s3;
	s17 =	sadd.s32 s0, s9  }
0x1f: {  	s0 =	simm.s32 $0x80;
	s3 =	simm.s32 $0x1A800;
	s9 =	simm.s32 $0x1  }
.LBB2_8:
0x20: {  	s13 =	sadd.s32 $0x14080, s8;
	[sflag:s29] =	ssyncadd.s32 $0xFFFFC000  }
0x21: {  	[tilespmem:s3], [sflag:$0x2] =	stream.indirect.gather [hbm4b:s4+s0], $0x80, s13, s0, $0xb8;
	[tilespmem:$0x1E800] =	vst v63  }
0x22: {  	_ =	swait.ge [sflag:s9], $0x4000  }
0x23: {  	[sflag:s9] =	ssyncset.done $0x0  }
0x24: {  	s14 =	sadd.s32 $0x15400, s8;
	[sflag:s9] =	ssyncadd.s32 $0xFFFFC000  }
0x25: {  	[spmem:s1] =	stream.indirect.scatter.add.f32 [tilespmem:s28], [sflag:$0x3], $0x80, s14, s0, $0xb8;
	[tilespmem:$0x1E800] =	vst v63  }
0x26: {  	_ =	swait.ge [sflag:s29], $0x4000  }
0x27: {  	[sflag:s29] =	ssyncset.done $0x0  }
0x28: {  	s15 =	sadd.s32 $0x14100, s8;
	[sflag:s29] =	ssyncadd.s32 $0xFFFFC000  }
0x29: {  	[tilespmem:s28], [sflag:$0x1] =	stream.indirect.gather [hbm4b:s4+s0], $0x80, s15, s0, $0xb8;
	[tilespmem:$0x1E800] =	vst v63  }
0x2a: {  	_ =	swait.ge [sflag:s10], $0x4000  }
0x2b: {  	[sflag:s10] =	ssyncset.done $0x0  }
0x2c: {  	s16 =	sadd.s32 $0x15480, s8;
	[sflag:s10] =	ssyncadd.s32 $0xFFFFC000  }
0x2d: {  	[spmem:s1] =	stream.indirect.scatter.add.f32 [tilespmem:s3], [sflag:$0x3], $0x80, s16, s0, $0xb8;
	[tilespmem:$0x1E800] =	vst v63  }
0x2e: {  	_ =	swait.ge [sflag:s29], $0x4000  }
0x2f: {  	[sflag:s29] =	ssyncset.done $0x0  }
0x30: {  	[sflag:s29] =	ssyncadd.s32 $0xFFFFC000  }
0x31: {  	[tilespmem:s3], [sflag:$0x2] =	stream.indirect.gather [hbm4b:s4+s0], $0x80, s11, s0, $0xb8;
	[tilespmem:$0x1E800] =	vst v63  }
0x32: {  	_ =	swait.ge [sflag:s9], $0x4000  }
0x33: {  	[sflag:s9] =	ssyncset.done $0x0  }
0x34: {  	[sflag:s9] =	ssyncadd.s32 $0xFFFFC000  }
0x35: {  	[spmem:s1] =	stream.indirect.scatter.add.f32 [tilespmem:s28], [sflag:$0x3], $0x80, s12, s0, $0xb8;
	[tilespmem:$0x1E800] =	vst v63  }
0x36: {  	_ =	swait.ge [sflag:s29], $0x4000  }
0x37: {  	[sflag:s29] =	ssyncset.done $0x0  }
0x38: {  	[sflag:s29] =	ssyncadd.s32 $0xFFFFC000  }
0x39: {  	_ =	swait.ge [sflag:s10], $0x4000  }
0x3a: {  	[sflag:s10] =	ssyncset.done $0x0  }
0x3b: {  	[sflag:s10] =	ssyncadd.s32 $0xFFFFC000  }
0x3c: {  	[spmem:s1] =	stream.indirect.scatter.add.f32 [tilespmem:s3], [sflag:$0x3], $0x80, s5, s0, $0xb8;
	[tilespmem:$0x1E800] =	vst v63  }
0x3d: {  	_ =	swait.ge [sflag:s29], $0x4000  }
0x3e: {  	[sflag:s29] =	ssyncset.done $0x0  }
0x3f: {  	[sflag:s29] =	ssyncadd.s32 $0xFFFFC000  }
.LBB2_9:
0x40: {  	[bflag:$0x0] =	sbarrier.arrive $0xFFFF  }
0x41: {  	[tilespmem:s28], [sflag:$0x3] =	stream.linear.gather [spmem:s6], $0x4000, $0x38;
	[tilespmem:$0x1E800] =	vst v63  }
0x42: {  	_ =	swait.ge [sflag:s29], $0x4000  }
0x43: {  	[sflag:s29] =	ssyncset.done $0x0  }
0x44: {  	s8 =	rddreg [dreg:$0xc];
	[sflag:s29] =	ssyncadd.s32 $0xFFFFC000  }
0x45: {  	[hbm4b:s8+s2] =	stream.linear.scatter [tilespmem:s28], [sflag:$0x3], $0x4000, $0x38;
	[tilespmem:$0x1E800] =	vst v63  }
0x46: {  	_ =	swait.ge [sflag:s29], $0x4000  }
0x47: {  	[sflag:s29] =	ssyncset.done $0x0  }
0x48: {  	[sflag:s29] =	ssyncadd.s32 $0xFFFFC000  }
0x49: {  	[tilespmem:s28], [sflag:$0x3] =	stream.linear.gather [spmem:s22], $0x4000, $0x38;
	[tilespmem:$0x1E800] =	vst v63  }
0x4a: {  	_ =	swait.ge [sflag:s29], $0x4000  }
0x4b: {  	[sflag:s29] =	ssyncset.done $0x0  }
0x4c: {  	s15 =	rddreg [dreg:$0xd];
	[sflag:s29] =	ssyncadd.s32 $0xFFFFC000  }
0x4d: {  	[hbm4b:s15+s2] =	stream.linear.scatter [tilespmem:s28], [sflag:$0x3], $0x4000, $0x38;
	[tilespmem:$0x1E800] =	vst v63  }
0x4e: {  	_ =	swait.ge [sflag:s29], $0x4000  }
0x4f: {  	[sflag:s29] =	ssyncset.done $0x0  }
0x50: {  	[sflag:s29] =	ssyncadd.s32 $0xFFFFC000  }
0x51: {  	[tilespmem:s28], [sflag:$0x3] =	stream.linear.gather [spmem:s23], $0x4000, $0x38;
	[tilespmem:$0x1E800] =	vst v63  }
0x52: {  	_ =	swait.ge [sflag:s29], $0x4000  }
0x53: {  	[sflag:s29] =	ssyncset.done $0x0  }
0x54: {  	[sflag:s29] =	ssyncadd.s32 $0xFFFFC000  }
0x55: {  	[hbm4b:s17+s2] =	stream.linear.scatter [tilespmem:s28], [sflag:$0x3], $0x4000, $0x38;
	[tilespmem:$0x1E800] =	vst v63  }
0x56: {  	_ =	swait.ge [sflag:s29], $0x4000  }
0x57: {  	[sflag:s29] =	ssyncset.done $0x0  }
0x58: {  	[sflag:s29] =	ssyncadd.s32 $0xFFFFC000  }
0x59: {  	[tilespmem:s28], [sflag:$0x3] =	stream.linear.gather [spmem:s24], $0x4000, $0x38;
	[tilespmem:$0x1E800] =	vst v63  }
0x5a: {  	_ =	swait.ge [sflag:s29], $0x4000  }
0x5b: {  	[sflag:s29] =	ssyncset.done $0x0  }
0x5c: {  	[sflag:s29] =	ssyncadd.s32 $0xFFFFC000  }
0x5d: {  	[hbm4b:s18+s2] =	stream.linear.scatter [tilespmem:s28], [sflag:$0x3], $0x4000, $0x38;
	[tilespmem:$0x1E800] =	vst v63  }
0x5e: {  	_ =	swait.ge [sflag:s29], $0x4000  }
0x5f: {  	[sflag:s29] =	ssyncset.done $0x0  }
0x60: {  	[sflag:s29] =	ssyncadd.s32 $0xFFFFC000  }
0x61: {  	[tilespmem:s28], [sflag:$0x3] =	stream.linear.gather [spmem:s25], $0x4000, $0x38;
	[tilespmem:$0x1E800] =	vst v63  }
0x62: {  	_ =	swait.ge [sflag:s29], $0x4000  }
0x63: {  	[sflag:s29] =	ssyncset.done $0x0  }
0x64: {  	[sflag:s29] =	ssyncadd.s32 $0xFFFFC000  }
0x65: {  	[hbm4b:s19+s2] =	stream.linear.scatter [tilespmem:s28], [sflag:$0x3], $0x4000, $0x38;
	[tilespmem:$0x1E800] =	vst v63  }
0x66: {  	_ =	swait.ge [sflag:s29], $0x4000  }
0x67: {  	s7 =	sadd.s32 $0x1, s7;
	s16 =	rddreg [dreg:$0xa]  }
0x68: {  	p1 =	sne.s32 s7, s16  }
.Ltmp1:
0x69: {  	_ = 	snop;
	(pc) =	sbr.rel @!p1 .LBB2_10-.Ltmp1, $3  }
0x6a: {  	_ =	sdelay $0x1  }
0x6b: {  	[sflag:s29] =	ssyncset.done $0x0  }
0x6c: {  	[sflag:s29] =	ssyncadd.s32 $0xFFFFC000  }
.LBB2_1:
0x6d: {  	s8 =	rddreg [dreg:$0x3]  }
0x6e: {  	[tilespmem:s28], [sflag:$0x3] =	stream.linear.gather [hbm4b:s8+s2], $0x4000, $0x38;
	[tilespmem:$0x1E800] =	vst v63  }
0x6f: {  	_ =	swait.ge [sflag:s29], $0x4000  }
0x70: {  	[sflag:s29] =	ssyncset.done $0x0  }
0x71: {  	[sflag:s29] =	ssyncadd.s32 $0xFFFFC000  }
0x72: {  	[spmem:s6] =	stream.linear.scatter [tilespmem:s28], [sflag:$0x3], $0x4000, $0x38;
	[tilespmem:$0x1E800] =	vst v63  }
0x73: {  	_ =	swait.ge [sflag:s29], $0x4000  }
0x74: {  	[sflag:s29] =	ssyncset.done $0x0  }
0x75: {  	s14 =	rddreg [dreg:$0xb];
	[sflag:s29] =	ssyncadd.s32 $0xFFFFC000  }
0x76: {  	[spmem:s14] =	stream.linear.scatter [tilespmem:s28], [sflag:$0x3], $0x4000, $0x38;
	[tilespmem:$0x1E800] =	vst v63  }
0x77: {  	_ =	swait.ge [sflag:s29], $0x4000  }
0x78: {  	[sflag:s29] =	ssyncset.done $0x0  }
0x79: {  	[sflag:s29] =	ssyncadd.s32 $0xFFFFC000  }
0x7a: {  	[spmem:s20] =	stream.linear.scatter [tilespmem:s28], [sflag:$0x3], $0x4000, $0x38;
	[tilespmem:$0x1E800] =	vst v63  }
0x7b: {  	_ =	swait.ge [sflag:s29], $0x4000  }
0x7c: {  	[sflag:s29] =	ssyncset.done $0x0  }
0x7d: {  	[sflag:s29] =	ssyncadd.s32 $0xFFFFC000  }
0x7e: {  	[spmem:s21] =	stream.linear.scatter [tilespmem:s28], [sflag:$0x3], $0x4000, $0x38;
	[tilespmem:$0x1E800] =	vst v63  }
0x7f: {  	_ =	swait.ge [sflag:s29], $0x4000  }
0x80: {  	[sflag:s29] =	ssyncset.done $0x0  }
0x81: {  	[sflag:s29] =	ssyncadd.s32 $0xFFFFC000  }
0x82: {  	[spmem:s26] =	stream.linear.scatter [tilespmem:s28], [sflag:$0x3], $0x4000, $0x38;
	[tilespmem:$0x1E800] =	vst v63  }
0x83: {  	_ =	swait.ge [sflag:s29], $0x4000  }
0x84: {  	[sflag:s29] =	ssyncset.done $0x0  }
0x85: {  	[sflag:s29] =	ssyncadd.s32 $0xFFFFC000  }
0x86: {  	[bflag:$0x0] =	sbarrier.arrive $0xFFFF  }
0x87: {  	s15 =	rddreg [dreg:$0x4]  }
0x88: {  	[tilespmem:s30], [sflag:$0x3] =	stream.linear.gather [hbm4b:s15+s2], $0x1400, $0x38;
	[tilespmem:$0x1E800] =	vst v63  }
0x89: {  	_ =	swait.ge [sflag:s29], $0x1400  }
0x8a: {  	[sflag:s29] =	ssyncset.done $0x0  }
0x8b: {  	s16 =	rddreg [dreg:$0x5];
	[sflag:s29] =	ssyncadd.s32 $0xFFFFEC00  }
0x8c: {  	[tilespmem:s31], [sflag:$0x3] =	stream.linear.gather [hbm4b:s16+s2], $0x1400, $0x38;
	[tilespmem:$0x1E800] =	vst v63  }
0x8d: {  	_ =	swait.ge [sflag:s29], $0x1400  }
0x8e: {  	[sflag:s29] =	ssyncset.done $0x0  }
0x8f: {  	[sflag:s29] =	ssyncadd.s32 $0xFFFFEC00  }
0x90: {  	[tilespmem:s28], [sflag:$0x1] =	stream.indirect.gather [hbm4b:s4+s0], $0x80, s30, s0, $0xb8;
	[tilespmem:$0x1E800] =	vst v63  }
0x91: {  	s13 =	simm.s32 $0x14080  }
0x92: {  	[tilespmem:s3], [sflag:$0x2] =	stream.indirect.gather [hbm4b:s4+s0], $0x80, s13, s0, $0xb8;
	[tilespmem:$0x1E800] =	vst v63  }
0x93: {  	_ =	swait.ge [sflag:s9], $0x4000  }
0x94: {  	[sflag:s9] =	ssyncset.done $0x0  }
0x95: {  	s14 =	simm.s32 $0x15400;
	[sflag:s9] =	ssyncadd.s32 $0xFFFFC000  }
0x96: {  	[spmem:s1] =	stream.indirect.scatter.add.f32 [tilespmem:s28], [sflag:$0x3], $0x80, s14, s0, $0xb8;
	[tilespmem:$0x1E800] =	vst v63  }
0x97: {  	_ =	swait.ge [sflag:s29], $0x4000  }
0x98: {  	[sflag:s29] =	ssyncset.done $0x0  }
0x99: {  	s15 =	simm.s32 $0x14100;
	[sflag:s29] =	ssyncadd.s32 $0xFFFFC000  }
0x9a: {  	[tilespmem:s28], [sflag:$0x1] =	stream.indirect.gather [hbm4b:s4+s0], $0x80, s15, s0, $0xb8;
	[tilespmem:$0x1E800] =	vst v63  }
0x9b: {  	_ =	swait.ge [sflag:s10], $0x4000  }
0x9c: {  	[sflag:s10] =	ssyncset.done $0x0  }
0x9d: {  	s16 =	simm.s32 $0x15480;
	[sflag:s10] =	ssyncadd.s32 $0xFFFFC000  }
0x9e: {  	[spmem:s1] =	stream.indirect.scatter.add.f32 [tilespmem:s3], [sflag:$0x3], $0x80, s16, s0, $0xb8;
	[tilespmem:$0x1E800] =	vst v63  }
0x9f: {  	_ =	swait.ge [sflag:s29], $0x4000  }
0xa0: {  	s8 =	simm.s32 $0x100;
	s13 =	simm.s32 $0x800;
	[sflag:s29] =	ssyncset.done $0x0  }
.LBB2_2:
0xa1: {  	s14 =	sadd.s32 $0x14080, s8  }
0xa2: {  	[sflag:s29] =	ssyncadd.s32 $0xFFFFC000;
	s15 =	smov.u32 s13;
	s16 =	sadd.s32 $0x400, s13  }
0xa3: {  	[tilespmem:s3], [sflag:$0x2] =	stream.indirect.gather [hbm4b:s4+s0], $0x80, s14, s0, $0xb8;
	[tilespmem:$0x1E800] =	vst v63  }
0xa4: {  	p1 =	sne.s32 s13, $0x4800;
	_ =	swait.ge [sflag:s9], $0x4000  }
0xa5: {  	[sflag:s9] =	ssyncset.done $0x0  }
0xa6: {  	s13 =	sadd.s32 $0x15400, s8;
	[sflag:s9] =	ssyncadd.s32 $0xFFFFC000  }
0xa7: {  	[spmem:s1] =	stream.indirect.scatter.add.f32 [tilespmem:s28], [sflag:$0x3], $0x80, s13, s0, $0xb8;
	[tilespmem:$0x1E800] =	vst v63  }
0xa8: {  	_ =	swait.ge [sflag:s29], $0x4000  }
0xa9: {  	[sflag:s29] =	ssyncset.done $0x0  }
0xaa: {  	s13 =	sadd.s32 $0x14100, s8;
	[sflag:s29] =	ssyncadd.s32 $0xFFFFC000  }
0xab: {  	[tilespmem:s28], [sflag:$0x1] =	stream.indirect.gather [hbm4b:s4+s0], $0x80, s13, s0, $0xb8;
	[tilespmem:$0x1E800] =	vst v63  }
0xac: {  	_ =	swait.ge [sflag:s10], $0x4000  }
.Ltmp2:
0xad: {  	[sflag:s10] =	ssyncset.done $0x0;
	(pc) =	sbr.rel @p1 .LBB2_2-.Ltmp2, $4  }
0xae: {  	s8 =	sadd.s32 $0x15480, s8;
	[sflag:s10] =	ssyncadd.s32 $0xFFFFC000  }
0xaf: {  	[spmem:s1] =	stream.indirect.scatter.add.f32 [tilespmem:s3], [sflag:$0x3], $0x80, s8, s0, $0xb8;
	[tilespmem:$0x1E800] =	vst v63  }
0xb0: {  	_ =	swait.ge [sflag:s29], $0x4000  }
0xb1: {  	s13 =	smov.u32 s16;
	s8 =	sshra.s32 s15, $0x2;
	[sflag:s29] =	ssyncset.done $0x0  }
0xb2: {  	s13 =	sadd.s32 $0x14080, s8;
	[sflag:s29] =	ssyncadd.s32 $0xFFFFC000  }
0xb3: {  	[tilespmem:s3], [sflag:$0x2] =	stream.indirect.gather [hbm4b:s4+s0], $0x80, s13, s0, $0xb8;
	[tilespmem:$0x1E800] =	vst v63  }
0xb4: {  	_ =	swait.ge [sflag:s9], $0x4000  }
0xb5: {  	[sflag:s9] =	ssyncset.done $0x0  }
0xb6: {  	s14 =	sadd.s32 $0x15400, s8;
	[sflag:s9] =	ssyncadd.s32 $0xFFFFC000  }
0xb7: {  	[spmem:s1] =	stream.indirect.scatter.add.f32 [tilespmem:s28], [sflag:$0x3], $0x80, s14, s0, $0xb8;
	[tilespmem:$0x1E800] =	vst v63  }
0xb8: {  	_ =	swait.ge [sflag:s29], $0x4000  }
0xb9: {  	[sflag:s29] =	ssyncset.done $0x0  }
0xba: {  	s15 =	sadd.s32 $0x14100, s8;
	[sflag:s29] =	ssyncadd.s32 $0xFFFFC000  }
0xbb: {  	[tilespmem:s28], [sflag:$0x1] =	stream.indirect.gather [hbm4b:s4+s0], $0x80, s15, s0, $0xb8;
	[tilespmem:$0x1E800] =	vst v63  }
0xbc: {  	_ =	swait.ge [sflag:s10], $0x4000  }
0xbd: {  	[sflag:s10] =	ssyncset.done $0x0  }
0xbe: {  	s16 =	sadd.s32 $0x15480, s8;
	[sflag:s10] =	ssyncadd.s32 $0xFFFFC000  }
0xbf: {  	[spmem:s1] =	stream.indirect.scatter.add.f32 [tilespmem:s3], [sflag:$0x3], $0x80, s16, s0, $0xb8;
	[tilespmem:$0x1E800] =	vst v63  }
0xc0: {  	_ =	swait.ge [sflag:s29], $0x4000  }
0xc1: {  	[sflag:s29] =	ssyncset.done $0x0  }
0xc2: {  	[sflag:s29] =	ssyncadd.s32 $0xFFFFC000  }
0xc3: {  	[tilespmem:s3], [sflag:$0x2] =	stream.indirect.gather [hbm4b:s4+s0], $0x80, s11, s0, $0xb8;
	[tilespmem:$0x1E800] =	vst v63  }
0xc4: {  	_ =	swait.ge [sflag:s9], $0x4000  }
0xc5: {  	[sflag:s9] =	ssyncset.done $0x0  }
0xc6: {  	[sflag:s9] =	ssyncadd.s32 $0xFFFFC000  }
0xc7: {  	[spmem:s1] =	stream.indirect.scatter.add.f32 [tilespmem:s28], [sflag:$0x3], $0x80, s12, s0, $0xb8;
	[tilespmem:$0x1E800] =	vst v63  }
0xc8: {  	_ =	swait.ge [sflag:s29], $0x4000  }
0xc9: {  	[sflag:s29] =	ssyncset.done $0x0  }
0xca: {  	[sflag:s29] =	ssyncadd.s32 $0xFFFFC000  }
0xcb: {  	_ =	swait.ge [sflag:s10], $0x4000  }
0xcc: {  	[sflag:s10] =	ssyncset.done $0x0  }
.Ltmp3:
0xcd: {  	[sflag:s10] =	ssyncadd.s32 $0xFFFFC000;
	(pc) =	sbr.rel @p0 .LBB2_9-.Ltmp3, $4  }
0xce: {  	[spmem:s1] =	stream.indirect.scatter.add.f32 [tilespmem:s3], [sflag:$0x3], $0x80, s5, s0, $0xb8;
	[tilespmem:$0x1E800] =	vst v63  }
0xcf: {  	_ =	swait.ge [sflag:s29], $0x4000  }
0xd0: {  	[sflag:s29] =	ssyncset.done $0x0  }
0xd1: {  	[sflag:s29] =	ssyncadd.s32 $0xFFFFC000  }
0xd2: {  	s8 =	simm.s32 $0x0;
	s13 =	rddreg [dreg:$0x6]  }
0xd3: {  	[tilespmem:s30], [sflag:$0x3] =	stream.linear.gather [hbm4b:s13+s8], $0x1400, $0x38;
	[tilespmem:$0x1E800] =	vst v63  }
0xd4: {  	_ =	swait.ge [sflag:s29], $0x1400  }
0xd5: {  	[sflag:s29] =	ssyncset.done $0x0  }
0xd6: {  	s16 =	rddreg [dreg:$0x7];
	[sflag:s29] =	ssyncadd.s32 $0xFFFFEC00  }
0xd7: {  	[tilespmem:s31], [sflag:$0x3] =	stream.linear.gather [hbm4b:s16+s8], $0x1400, $0x38;
	[tilespmem:$0x1E800] =	vst v63  }
0xd8: {  	_ =	swait.ge [sflag:s29], $0x1400  }
0xd9: {  	[sflag:s29] =	ssyncset.done $0x0  }
0xda: {  	[sflag:s29] =	ssyncadd.s32 $0xFFFFEC00  }
0xdb: {  	[tilespmem:s28], [sflag:$0x1] =	stream.indirect.gather [hbm4b:s4+s0], $0x80, s30, s0, $0xb8;
	[tilespmem:$0x1E800] =	vst v63  }
0xdc: {  	s13 =	simm.s32 $0x14080  }
0xdd: {  	[tilespmem:s3], [sflag:$0x2] =	stream.indirect.gather [hbm4b:s4+s0], $0x80, s13, s0, $0xb8;
	[tilespmem:$0x1E800] =	vst v63  }
0xde: {  	_ =	swait.ge [sflag:s9], $0x4000  }
0xdf: {  	[sflag:s9] =	ssyncset.done $0x0  }
0xe0: {  	s14 =	simm.s32 $0x15400;
	[sflag:s9] =	ssyncadd.s32 $0xFFFFC000  }
0xe1: {  	[spmem:s1] =	stream.indirect.scatter.add.f32 [tilespmem:s28], [sflag:$0x3], $0x80, s14, s0, $0xb8;
	[tilespmem:$0x1E800] =	vst v63  }
0xe2: {  	_ =	swait.ge [sflag:s29], $0x4000  }
0xe3: {  	[sflag:s29] =	ssyncset.done $0x0  }
0xe4: {  	s15 =	simm.s32 $0x14100;
	[sflag:s29] =	ssyncadd.s32 $0xFFFFC000  }
0xe5: {  	[tilespmem:s28], [sflag:$0x1] =	stream.indirect.gather [hbm4b:s4+s0], $0x80, s15, s0, $0xb8;
	[tilespmem:$0x1E800] =	vst v63  }
0xe6: {  	_ =	swait.ge [sflag:s10], $0x4000  }
0xe7: {  	[sflag:s10] =	ssyncset.done $0x0  }
0xe8: {  	s16 =	simm.s32 $0x15480;
	[sflag:s10] =	ssyncadd.s32 $0xFFFFC000  }
0xe9: {  	[spmem:s1] =	stream.indirect.scatter.add.f32 [tilespmem:s3], [sflag:$0x3], $0x80, s16, s0, $0xb8;
	[tilespmem:$0x1E800] =	vst v63  }
0xea: {  	_ =	swait.ge [sflag:s29], $0x4000  }
0xeb: {  	s8 =	simm.s32 $0x100;
	s13 =	simm.s32 $0x800;
	[sflag:s29] =	ssyncset.done $0x0  }
.LBB2_5:
0xec: {  	s14 =	sadd.s32 $0x14080, s8  }
0xed: {  	[sflag:s29] =	ssyncadd.s32 $0xFFFFC000;
	s15 =	smov.u32 s13;
	s16 =	sadd.s32 $0x400, s13  }
0xee: {  	[tilespmem:s3], [sflag:$0x2] =	stream.indirect.gather [hbm4b:s4+s0], $0x80, s14, s0, $0xb8;
	[tilespmem:$0x1E800] =	vst v63  }
0xef: {  	p1 =	sne.s32 s13, $0x4800;
	_ =	swait.ge [sflag:s9], $0x4000  }
0xf0: {  	[sflag:s9] =	ssyncset.done $0x0  }
0xf1: {  	s13 =	sadd.s32 $0x15400, s8;
	[sflag:s9] =	ssyncadd.s32 $0xFFFFC000  }
0xf2: {  	[spmem:s1] =	stream.indirect.scatter.add.f32 [tilespmem:s28], [sflag:$0x3], $0x80, s13, s0, $0xb8;
	[tilespmem:$0x1E800] =	vst v63  }
0xf3: {  	_ =	swait.ge [sflag:s29], $0x4000  }
0xf4: {  	[sflag:s29] =	ssyncset.done $0x0  }
0xf5: {  	s13 =	sadd.s32 $0x14100, s8;
	[sflag:s29] =	ssyncadd.s32 $0xFFFFC000  }
0xf6: {  	[tilespmem:s28], [sflag:$0x1] =	stream.indirect.gather [hbm4b:s4+s0], $0x80, s13, s0, $0xb8;
	[tilespmem:$0x1E800] =	vst v63  }
0xf7: {  	_ =	swait.ge [sflag:s10], $0x4000  }
.Ltmp4:
0xf8: {  	[sflag:s10] =	ssyncset.done $0x0;
	(pc) =	sbr.rel @p1 .LBB2_5-.Ltmp4, $4  }
0xf9: {  	s8 =	sadd.s32 $0x15480, s8;
	[sflag:s10] =	ssyncadd.s32 $0xFFFFC000  }
0xfa: {  	[spmem:s1] =	stream.indirect.scatter.add.f32 [tilespmem:s3], [sflag:$0x3], $0x80, s8, s0, $0xb8;
	[tilespmem:$0x1E800] =	vst v63  }
0xfb: {  	_ =	swait.ge [sflag:s29], $0x4000  }
0xfc: {  	s13 =	smov.u32 s16;
	s8 =	sshra.s32 s15, $0x2;
	[sflag:s29] =	ssyncset.done $0x0  }
0xfd: {  	s13 =	sadd.s32 $0x14080, s8;
	[sflag:s29] =	ssyncadd.s32 $0xFFFFC000  }
0xfe: {  	[tilespmem:s3], [sflag:$0x2] =	stream.indirect.gather [hbm4b:s4+s0], $0x80, s13, s0, $0xb8;
	[tilespmem:$0x1E800] =	vst v63  }
0xff: {  	_ =	swait.ge [sflag:s9], $0x4000  }
0x100: {  	[sflag:s9] =	ssyncset.done $0x0  }
0x101: {  	s15 =	sadd.s32 $0x15400, s8;
	[sflag:s9] =	ssyncadd.s32 $0xFFFFC000  }
0x102: {  	[spmem:s1] =	stream.indirect.scatter.add.f32 [tilespmem:s28], [sflag:$0x3], $0x80, s15, s0, $0xb8;
	[tilespmem:$0x1E800] =	vst v63  }
0x103: {  	_ =	swait.ge [sflag:s29], $0x4000  }
0x104: {  	[sflag:s29] =	ssyncset.done $0x0  }
0x105: {  	s16 =	sadd.s32 $0x14100, s8;
	[sflag:s29] =	ssyncadd.s32 $0xFFFFC000  }
0x106: {  	[tilespmem:s28], [sflag:$0x1] =	stream.indirect.gather [hbm4b:s4+s0], $0x80, s16, s0, $0xb8;
	[tilespmem:$0x1E800] =	vst v63  }
0x107: {  	_ =	swait.ge [sflag:s10], $0x4000  }
0x108: {  	[sflag:s10] =	ssyncset.done $0x0  }
0x109: {  	s13 =	sadd.s32 $0x15480, s8;
	[sflag:s10] =	ssyncadd.s32 $0xFFFFC000  }
0x10a: {  	[spmem:s1] =	stream.indirect.scatter.add.f32 [tilespmem:s3], [sflag:$0x3], $0x80, s13, s0, $0xb8;
	[tilespmem:$0x1E800] =	vst v63  }
0x10b: {  	_ =	swait.ge [sflag:s29], $0x4000  }
0x10c: {  	[sflag:s29] =	ssyncset.done $0x0  }
0x10d: {  	[sflag:s29] =	ssyncadd.s32 $0xFFFFC000  }
0x10e: {  	[tilespmem:s3], [sflag:$0x2] =	stream.indirect.gather [hbm4b:s4+s0], $0x80, s11, s0, $0xb8;
	[tilespmem:$0x1E800] =	vst v63  }
0x10f: {  	_ =	swait.ge [sflag:s9], $0x4000  }
0x110: {  	[sflag:s9] =	ssyncset.done $0x0  }
0x111: {  	[sflag:s9] =	ssyncadd.s32 $0xFFFFC000  }
0x112: {  	[spmem:s1] =	stream.indirect.scatter.add.f32 [tilespmem:s28], [sflag:$0x3], $0x80, s12, s0, $0xb8;
	[tilespmem:$0x1E800] =	vst v63  }
0x113: {  	_ =	swait.ge [sflag:s29], $0x4000  }
0x114: {  	[sflag:s29] =	ssyncset.done $0x0  }
0x115: {  	[sflag:s29] =	ssyncadd.s32 $0xFFFFC000  }
0x116: {  	_ =	swait.ge [sflag:s10], $0x4000  }
0x117: {  	[sflag:s10] =	ssyncset.done $0x0  }
0x118: {  	[sflag:s10] =	ssyncadd.s32 $0xFFFFC000  }
0x119: {  	[spmem:s1] =	stream.indirect.scatter.add.f32 [tilespmem:s3], [sflag:$0x3], $0x80, s5, s0, $0xb8;
	[tilespmem:$0x1E800] =	vst v63  }
0x11a: {  	_ =	swait.ge [sflag:s29], $0x4000  }
0x11b: {  	[sflag:s29] =	ssyncset.done $0x0  }
0x11c: {  	s14 =	simm.s32 $0x0;
	s15 =	rddreg [dreg:$0x8];
	[sflag:s29] =	ssyncadd.s32 $0xFFFFC000  }
0x11d: {  	[tilespmem:s30], [sflag:$0x3] =	stream.linear.gather [hbm4b:s15+s14], $0x1400, $0x38;
	[tilespmem:$0x1E800] =	vst v63  }
0x11e: {  	_ =	swait.ge [sflag:s29], $0x1400  }
0x11f: {  	[sflag:s29] =	ssyncset.done $0x0  }
0x120: {  	s16 =	rddreg [dreg:$0x9];
	[sflag:s29] =	ssyncadd.s32 $0xFFFFEC00  }
0x121: {  	[tilespmem:s31], [sflag:$0x3] =	stream.linear.gather [hbm4b:s16+s14], $0x1400, $0x38;
	[tilespmem:$0x1E800] =	vst v63  }
0x122: {  	_ =	swait.ge [sflag:s29], $0x1400  }
0x123: {  	[sflag:s29] =	ssyncset.done $0x0  }
0x124: {  	[sflag:s29] =	ssyncadd.s32 $0xFFFFEC00  }
0x125: {  	[tilespmem:s28], [sflag:$0x1] =	stream.indirect.gather [hbm4b:s4+s0], $0x80, s30, s0, $0xb8;
	[tilespmem:$0x1E800] =	vst v63  }
0x126: {  	s13 =	simm.s32 $0x14080  }
0x127: {  	[tilespmem:s3], [sflag:$0x2] =	stream.indirect.gather [hbm4b:s4+s0], $0x80, s13, s0, $0xb8;
	[tilespmem:$0x1E800] =	vst v63  }
0x128: {  	_ =	swait.ge [sflag:s9], $0x4000  }
0x129: {  	[sflag:s9] =	ssyncset.done $0x0  }
0x12a: {  	s14 =	simm.s32 $0x15400;
	[sflag:s9] =	ssyncadd.s32 $0xFFFFC000  }
0x12b: {  	[spmem:s1] =	stream.indirect.scatter.add.f32 [tilespmem:s28], [sflag:$0x3], $0x80, s14, s0, $0xb8;
	[tilespmem:$0x1E800] =	vst v63  }
0x12c: {  	_ =	swait.ge [sflag:s29], $0x4000  }
0x12d: {  	[sflag:s29] =	ssyncset.done $0x0  }
0x12e: {  	s15 =	simm.s32 $0x14100;
	[sflag:s29] =	ssyncadd.s32 $0xFFFFC000  }
0x12f: {  	[tilespmem:s28], [sflag:$0x1] =	stream.indirect.gather [hbm4b:s4+s0], $0x80, s15, s0, $0xb8;
	[tilespmem:$0x1E800] =	vst v63  }
0x130: {  	_ =	swait.ge [sflag:s10], $0x4000  }
0x131: {  	[sflag:s10] =	ssyncset.done $0x0  }
0x132: {  	s16 =	simm.s32 $0x15480;
	[sflag:s10] =	ssyncadd.s32 $0xFFFFC000  }
0x133: {  	[spmem:s1] =	stream.indirect.scatter.add.f32 [tilespmem:s3], [sflag:$0x3], $0x80, s16, s0, $0xb8;
	[tilespmem:$0x1E800] =	vst v63  }
0x134: {  	_ =	swait.ge [sflag:s29], $0x4000  }
0x135: {  	s8 =	simm.s32 $0x100;
	s13 =	simm.s32 $0x800;
	[sflag:s29] =	ssyncset.done $0x0  }
.LBB2_7:
0x136: {  	s14 =	sadd.s32 $0x14080, s8  }
0x137: {  	[sflag:s29] =	ssyncadd.s32 $0xFFFFC000;
	s15 =	smov.u32 s13;
	s16 =	sadd.s32 $0x400, s13  }
0x138: {  	[tilespmem:s3], [sflag:$0x2] =	stream.indirect.gather [hbm4b:s4+s0], $0x80, s14, s0, $0xb8;
	[tilespmem:$0x1E800] =	vst v63  }
0x139: {  	p1 =	sne.s32 s13, $0x4800;
	_ =	swait.ge [sflag:s9], $0x4000  }
0x13a: {  	[sflag:s9] =	ssyncset.done $0x0  }
0x13b: {  	s13 =	sadd.s32 $0x15400, s8;
	[sflag:s9] =	ssyncadd.s32 $0xFFFFC000  }
0x13c: {  	[spmem:s1] =	stream.indirect.scatter.add.f32 [tilespmem:s28], [sflag:$0x3], $0x80, s13, s0, $0xb8;
	[tilespmem:$0x1E800] =	vst v63  }
0x13d: {  	_ =	swait.ge [sflag:s29], $0x4000  }
0x13e: {  	[sflag:s29] =	ssyncset.done $0x0  }
0x13f: {  	s13 =	sadd.s32 $0x14100, s8;
	[sflag:s29] =	ssyncadd.s32 $0xFFFFC000  }
0x140: {  	[tilespmem:s28], [sflag:$0x1] =	stream.indirect.gather [hbm4b:s4+s0], $0x80, s13, s0, $0xb8;
	[tilespmem:$0x1E800] =	vst v63  }
0x141: {  	_ =	swait.ge [sflag:s10], $0x4000  }
.Ltmp5:
0x142: {  	[sflag:s10] =	ssyncset.done $0x0;
	(pc) =	sbr.rel @p1 .LBB2_7-.Ltmp5, $4  }
0x143: {  	s8 =	sadd.s32 $0x15480, s8;
	[sflag:s10] =	ssyncadd.s32 $0xFFFFC000  }
0x144: {  	[spmem:s1] =	stream.indirect.scatter.add.f32 [tilespmem:s3], [sflag:$0x3], $0x80, s8, s0, $0xb8;
	[tilespmem:$0x1E800] =	vst v63  }
0x145: {  	_ =	swait.ge [sflag:s29], $0x4000  }
0x146: {  	s13 =	smov.u32 s16;
	s8 =	sshra.s32 s15, $0x2;
	[sflag:s29] =	ssyncset.done $0x0  }
.Ltmp6:
0x147: {  	_ = 	snop;
	(pc) =	sbr.rel .LBB2_8-.Ltmp6, $1  }
0x148: {  	_ =	sdelay $0x3  }
.LBB2_10:
0x149: {  	_ =	sfence.sel $0x180000  }
0x14a: {  	[bflag:$0x0] =	sbarrier.arrive $0xFFFF  }
0x14b: {  	_ =	strace $0x90000050  }
0x14c: {  	s0 =	stileid.u32;
	[bflag:$0x2] =	sbarrier.arrive $0xFFFF  }
0x14d: {  	p0 =	sne.s32 s0, $0x0;
	s0 =	rddreg [dreg:$0x2]  }
0x14e: {  	s0 =	sadd.s32 @!p0 $0x100000, s0  }
0x14f: {  	[sflag:s0] =	ssyncadd.tile.s32 @!p0 $0x1;
	_ =	shalt  }
.Lfunc_end2:
_tile_overlayer_lowered:
.L_overlay_start_2:
0x150: {  	(tag) =	ssettag $0x2  }
0x151: {  	s0 =	rddreg [dreg:$0x0];
	s2 =	stileid.u32  }
0x152: {  	s1 =	rddreg [dreg:$0x1];
	p0 =	sne.s32 s2, $0x0  }
0x153: {  	s3 =	rddreg [dreg:$0x2];
	[bflag:$0x3] =	sbarrier.arrive $0xFFFF;
	s2 =	simm.s32 @!p0 $0x1C03  }
0x154: {  	[timem:s3], [sflag:s2] =	dma.local @!p0 [hbm:s0], s1  }
0x155: {  	s0 =	simm.s32 @!p0 $0x3  }
0x156: {  	_ =	swait.ge @!p0 [sflag:s0], s1  }
0x157: {  	s1 =	ssub.s32 @!p0 $0x0, s1;
	[sflag:s0] =	ssyncset.done @!p0 $0x0  }
0x158: {  	[sflag:s0] =	ssyncadd.s32 @!p0 s1  }
0x159: {  	[bflag:$0x3] =	sbarrier.arrive $0xFFFF  }
0x15a: {  	_ =	shalt  }

</sc_bundles>
